<compile_context>
chip_gen: v7x
topology: tpu7x:2x2x1
jax: 0.10.2.dev20260603
libtpu: 0.0.44.dev20260713+nightly
codegen_flags: <defaults>
</compile_context>

<pallas_src>
import functools

import jax
import jax.numpy as jnp
from jax import lax
from jax.experimental import pallas as pl
from jax.experimental.pallas import tpu as pltpu
from jax.experimental.pallas import tpu_sc as plsc

L = 16
VB = 528
DB = 640
FB = 2096
NC = 2
NS = 16
NW = NC * NS


def _sc_interp(v_t, f_t, face_ids, bary_t, nbatch):
    nplanes, n_src = v_t.shape
    ncomp = nplanes // nbatch
    n_dst = face_ids.shape[0]
    nvb = (n_src + VB - 1) // VB
    nfb = (n_dst + DB - 1) // DB
    n_faces = f_t.shape[1]
    nsb = (n_faces + FB - 1) // FB
    mesh = plsc.VectorSubcoreMesh(core_axis_name="c", subcore_axis_name="s")

    @functools.partial(
        pl.kernel,
        mesh=mesh,
        compiler_params=pltpu.CompilerParams(
            needs_layout_passes=False, use_tc_tiling_on_sc=False),
        out_type=jax.ShapeDtypeStruct((nplanes, n_dst), jnp.float32),
        scratch_types=[
            pltpu.VMEM_SHARED((n_src, 16), jnp.float32),
            pltpu.VMEM_SHARED((n_faces,), jnp.int32),
            pltpu.VMEM_SHARED((n_faces,), jnp.int32),
            pltpu.VMEM_SHARED((n_faces,), jnp.int32),
            pltpu.VMEM((12, VB), jnp.float32),
            pltpu.VMEM((VB, 16), jnp.float32),
            pltpu.VMEM((DB,), jnp.int32),
            pltpu.VMEM((DB,), jnp.int32),
            pltpu.VMEM((DB,), jnp.int32),
            pltpu.VMEM((DB,), jnp.int32),
            pltpu.VMEM((DB, 16), jnp.float32),
            pltpu.VMEM((DB, 16), jnp.float32),
            pltpu.VMEM((DB, 16), jnp.float32),
            pltpu.VMEM((4, DB), jnp.float32),
            pltpu.VMEM((12, DB), jnp.float32),
            pltpu.SemaphoreType.DMA,
        ],
    )
    def k(v_hbm, f_hbm, fid_hbm, bary_hbm, out_hbm,
          vt_sp, f0_sp, f1_sp, f2_sp,
          vin_v, pack_v, fid_v, i0_v, i1_v, i2_v,
          v0_v, v1_v, v2_v, wb_v, out_v, sem):
        cid = lax.axis_index("c")
        sid = lax.axis_index("s")
        wid = sid * NC + cid
        iota = lax.iota(jnp.int32, L)

        def vbuild(i, carry):
            blkid = sid + i * NS
            base = jnp.minimum(blkid * VB, n_src - VB)
            cps = [pltpu.async_copy(v_hbm.at[j, pl.ds(base, VB)],
                                    vin_v.at[j], sem)
                   for j in range(12)]
            for cp in cps:
                cp.wait()

            def g_body(g, c2):
                row = g * L + iota
                for c in range(ncomp):
                    for r in range(nbatch):
                        x = vin_v[c * nbatch + r, pl.ds(g * L, L)]
                        plsc.store_scatter(
                            pack_v,
                            [row, jnp.full((L,), r * 3 + c, jnp.int32)], x)
                return c2
            lax.fori_loop(0, VB // L, g_body, 0)
            pltpu.sync_copy(pack_v, vt_sp.at[pl.ds(base, VB)])
            return carry
        lax.fori_loop(0, (nvb - 1 - sid) // NS + 1, vbuild, 0)

        def fbuild(i, carry):
            blkid = sid + i * NS
            base = jnp.minimum(blkid * FB, n_faces - FB)
            cps = [pltpu.async_copy(f_hbm.at[c, pl.ds(base, FB)],
                                    dst.at[pl.ds(base, FB)], sem)
                   for c, dst in ((0, f0_sp), (1, f1_sp), (2, f2_sp))]
            for cp in cps:
                cp.wait()
            return carry
        lax.fori_loop(0, (nsb - 1 - sid) // NS + 1, fbuild, 0)

        plsc.subcore_barrier()

        def block_body(i, carry):
            blkid = wid + i * NW
            base = jnp.minimum(blkid * DB, n_dst - DB)
            cps = [pltpu.async_copy(fid_hbm.at[pl.ds(base, DB)], fid_v, sem)]
            cps += [pltpu.async_copy(bary_hbm.at[kk, pl.ds(base, DB)],
                                     wb_v.at[kk], sem)
                    for kk in range(4)]
            for cp in cps:
                cp.wait()
            cps = [pltpu.async_copy(f0_sp.at[fid_v], i0_v, sem),
                   pltpu.async_copy(f1_sp.at[fid_v], i1_v, sem),
                   pltpu.async_copy(f2_sp.at[fid_v], i2_v, sem)]
            for cp in cps:
                cp.wait()
            cps = [pltpu.async_copy(vt_sp.at[i0_v], v0_v, sem),
                   pltpu.async_copy(vt_sp.at[i1_v], v1_v, sem),
                   pltpu.async_copy(vt_sp.at[i2_v], v2_v, sem)]
            for cp in cps:
                cp.wait()

            def compute_body(g, c2):
                row = g * L + iota

                def ld(ref, c):
                    return plsc.load_gather(
                        ref, [row, jnp.full((L,), c, jnp.int32)])

                sl = pl.ds(g * L, L)
                w0, w1, w2, w3 = (wb_v[kk, sl] for kk in range(4))
                w03 = w0 + w3
                for r in range(nbatch):
                    c0 = r * 3
                    v0x, v0y, v0z = ld(v0_v, c0), ld(v0_v, c0 + 1), ld(v0_v, c0 + 2)
                    v1x, v1y, v1z = ld(v1_v, c0), ld(v1_v, c0 + 1), ld(v1_v, c0 + 2)
                    v2x, v2y, v2z = ld(v2_v, c0), ld(v2_v, c0 + 1), ld(v2_v, c0 + 2)
                    e1x, e1y, e1z = v1x - v0x, v1y - v0y, v1z - v0z
                    e2x, e2y, e2z = v2x - v0x, v2y - v0y, v2z - v0z
                    cx = e1y * e2z - e1z * e2y
                    cy = e1z * e2x - e1x * e2z
                    cz = e1x * e2y - e1y * e2x
                    rx = w03 * v0x + w1 * v1x + w2 * v2x + w3 * cx
                    ry = w03 * v0y + w1 * v1y + w2 * v2y + w3 * cy
                    rz = w03 * v0z + w1 * v1z + w2 * v2z + w3 * cz
                    for c, rr in ((0, rx), (1, ry), (2, rz)):
                        plsc.store_scatter(
                            out_v,
                            [jnp.full((L,), c * nbatch + r, jnp.int32), row],
                            rr)
                return c2
            lax.fori_loop(0, DB // L, compute_body, 0)

            cps = [pltpu.async_copy(out_v.at[j],
                                    out_hbm.at[j, pl.ds(base, DB)], sem)
                   for j in range(12)]
            for cp in cps:
                cp.wait()
            return carry

        lax.fori_loop(0, (nfb - 1 - wid) // NW + 1, block_body, 0)

    return k(v_t, f_t, face_ids, bary_t)


def kernel(V_src_deformed, F_src, face_ids, bary_coords):
    nbatch, n_src, ncomp = V_src_deformed.shape
    n_dst = face_ids.shape[0]
    v_t = jnp.transpose(V_src_deformed, (2, 0, 1)).reshape(
        ncomp * nbatch, n_src)
    f_t = jnp.transpose(F_src, (1, 0))
    bary_t = jnp.transpose(bary_coords, (1, 0))
    out = _sc_interp(v_t, f_t, face_ids, bary_t, nbatch)
    out = out.reshape(ncomp, nbatch, n_dst)
    return jnp.transpose(out, (1, 2, 0))

# --- scband reference (transcript-rebuilt; emitter-appended) ---
"""Pipeline reference for scband-barycentric-interpolator-46136538694003 (READ-ONLY COPY).

The authoritative reference and input builder live on the scoring server;
editing this copy changes nothing except your own understanding.
"""

import jax, jax.numpy as jnp
import numpy as np

BATCH = 4
N_SRC = 50000
N_FACES = 100000
N_DST = 100000


def setup_inputs(seed: int = 0) -> dict:
    key = jax.random.key(seed)
    k1, k2, k3, k4 = jax.random.split(key, 4)
    V_src_deformed = jax.random.normal(k1, (BATCH, N_SRC, 3), dtype=jnp.float32)
    # Precomputed correspondence buffers (normally built from trimesh closest-point
    # queries in __init__; here synthesized with in-range indices).
    F_src = jax.random.randint(k2, (N_FACES, 3), 0, N_SRC, dtype=jnp.int32)
    face_ids = jax.random.randint(k3, (N_DST,), 0, N_FACES, dtype=jnp.int32)
    bc = jax.random.uniform(k4, (N_DST, 4), dtype=jnp.float32, minval=0.05, maxval=1.0)
    bary_coords = bc / bc.sum(axis=-1, keepdims=True)
    return {
        "V_src_deformed": V_src_deformed,
        "F_src": F_src,
        "face_ids": face_ids,
        "bary_coords": bary_coords,
    }


def reference(V_src_deformed, F_src, face_ids, bary_coords):
    # Fabricate 4th tetrahedron vertex per face from the deformed source mesh
    f0 = V_src_deformed[:, F_src[:, 0], :]
    f1 = V_src_deformed[:, F_src[:, 1], :]
    f2 = V_src_deformed[:, F_src[:, 2], :]
    V_src_P3 = f0 + jnp.cross(f1 - f0, f2 - f0)
    V_src_tet = jnp.concatenate([V_src_deformed, V_src_P3], axis=1)
    # Tet face indices: original triangle verts + fabricated vertex index
    new_vert_indices = jnp.arange(F_src.shape[0], dtype=F_src.dtype)[:, None] + V_src_deformed.shape[1]
    F_src_tet = jnp.concatenate([F_src, new_vert_indices], axis=1)
    # Barycentric interpolation: gather tet verts per target point and blend
    tet_indices = F_src_tet[face_ids]
    v0 = V_src_tet[:, tet_indices[:, 0], :]
    v1 = V_src_tet[:, tet_indices[:, 1], :]
    v2 = V_src_tet[:, tet_indices[:, 2], :]
    v3 = V_src_tet[:, tet_indices[:, 3], :]
    bc = bary_coords[None, :, :]
    result = (v0 * bc[..., 0:1] + v1 * bc[..., 1:2]
              + v2 * bc[..., 2:3] + v3 * bc[..., 3:4])
    return result

if __name__ == "__main__":
    import jax
    _d = setup_inputs()
    print(jax.jit(kernel)(*tuple(_d.values())))

</pallas_src>

<mosaic_0001>
#map = affine_map<(d0, d1) -> (0, 0)>
#map1 = affine_map<(d0, d1) -> (0)>
module attributes {stable_mosaic.version = 14 : i64} {
  func.func @k(%arg0: i32, %arg1: i32, %arg2: memref<12x50000xf32, #tpu.memory_space<hbm>>, %arg3: memref<3x100000xi32, #tpu.memory_space<hbm>>, %arg4: memref<100000xi32, #tpu.memory_space<hbm>>, %arg5: memref<4x100000xf32, #tpu.memory_space<hbm>>, %arg6: memref<12x100000xf32, #tpu.memory_space<hbm>>, %arg7: memref<50000x16xf32, #tpu.memory_space<vmem_shared>>, %arg8: memref<100000xi32, #tpu.memory_space<vmem_shared>>, %arg9: memref<100000xi32, #tpu.memory_space<vmem_shared>>, %arg10: memref<100000xi32, #tpu.memory_space<vmem_shared>>, %arg11: memref<12x528xf32, #tpu.memory_space<vmem>>, %arg12: memref<528x16xf32, #tpu.memory_space<vmem>>, %arg13: memref<640xi32, #tpu.memory_space<vmem>>, %arg14: memref<640xi32, #tpu.memory_space<vmem>>, %arg15: memref<640xi32, #tpu.memory_space<vmem>>, %arg16: memref<640xi32, #tpu.memory_space<vmem>>, %arg17: memref<640x16xf32, #tpu.memory_space<vmem>>, %arg18: memref<640x16xf32, #tpu.memory_space<vmem>>, %arg19: memref<640x16xf32, #tpu.memory_space<vmem>>, %arg20: memref<4x640xf32, #tpu.memory_space<vmem>>, %arg21: memref<12x640xf32, #tpu.memory_space<vmem>>, %arg22: memref<!tpu.dma_semaphore, #tpu.memory_space<semaphore_mem>>) attributes {dimension_semantics = [#tpu.dimension_semantics<core_parallel>, #tpu.dimension_semantics<subcore_parallel>], iteration_bounds = array<i64: 2, 16>, scalar_prefetch = 0 : i64, scratch_operands = 16 : i64, tpu.core_type = #tpu.core_type<sc_vector_subcore>, window_params = [{transform_indices = #map}, {transform_indices = #map}, {transform_indices = #map1}, {transform_indices = #map}, {transform_indices = #map}]} {
    %mul3A = arith.constant 2 : i32
    %mul3A_0 = arith.muli %arg1, %mul3A : i32
    %add3A = arith.addi %mul3A_0, %arg0 : i32
    %iota3A = tpu.iota {dimensions = array<i32: 0>} : vector<16xi32>
    %sub3A = arith.constant 94 : i32
    %sub3A_1 = arith.subi %sub3A, %arg1 : i32
    %jit3A = arith.constant 16 : i32
    %div3A = arith.divsi %sub3A_1, %jit3A : i32
    %sign3A = arith.constant 0 : i32
    %sign3A_2 = arith.cmpi sgt, %sub3A_1, %sign3A : i32
    %sign3A_3 = arith.extui %sign3A_2 : i1 to i32
    %sign3A_4 = arith.constant 0 : i32
    %sign3A_5 = arith.cmpi slt, %sub3A_1, %sign3A_4 : i32
    %sign3A_6 = arith.extui %sign3A_5 : i1 to i32
    %sign3A_7 = arith.subi %sign3A_3, %sign3A_6 : i32
    %sign3A_8 = arith.constant 0 : i32
    %sign3A_9 = arith.cmpi sgt, %jit3A, %sign3A_8 : i32
    %sign3A_10 = arith.extui %sign3A_9 : i1 to i32
    %sign3A_11 = arith.constant 0 : i32
    %sign3A_12 = arith.cmpi slt, %jit3A, %sign3A_11 : i32
    %sign3A_13 = arith.extui %sign3A_12 : i1 to i32
    %sign3A_14 = arith.subi %sign3A_10, %sign3A_13 : i32
    %ne3A = arith.cmpi ne, %sign3A_7, %sign3A_14 : i32
    %rem3A = arith.remsi %sub3A_1, %jit3A : i32
    %ne3A_15 = arith.constant 0 : i32
    %ne3A_16 = arith.cmpi ne, %rem3A, %ne3A_15 : i32
    %and3A = arith.andi %ne3A, %ne3A_16 : i1
    %sub3A_17 = arith.constant 1 : i32
    %sub3A_18 = arith.subi %div3A, %sub3A_17 : i32
    %select_n3A = arith.select %and3A, %sub3A_18, %div3A : i32
    %add3A_19 = arith.constant 1 : i32
    %add3A_20 = arith.addi %select_n3A, %add3A_19 : i32
    %while3A = arith.constant 0 : i32
    %while3A_21 = arith.constant 0 : i32
    %while3A_22 = arith.subi %add3A_20, %while3A_21 : i32
    %while3A_23 = arith.addi %while3A_21, %while3A_22 : i32
    %while3A_24 = arith.constant 1 : i32
    %while3A_25 = arith.divsi %while3A_22, %while3A_24 : i32
    %while3A_26 = arith.muli %while3A_25, %while3A_24 : i32
    %while3A_27 = arith.addi %while3A_21, %while3A_26 : i32
    %while3A_28 = arith.constant 1 : i32
    scf.for %while3A_106 = %while3A_21 to %while3A_27 step %while3A_28  : i32 {
      %mul3A_107 = arith.constant 16 : i32
      %mul3A_108 = arith.muli %while3A_106, %mul3A_107 : i32
      %add3A_109 = arith.addi %arg1, %mul3A_108 : i32
      %mul3A_110 = arith.constant 528 : i32
      %mul3A_111 = arith.muli %add3A_109, %mul3A_110 : i32
      %min3A = arith.constant 49472 : i32
      %min3A_112 = arith.minsi %mul3A_111, %min3A : i32
      %dma_start3A = arith.constant 0 : i32
      %dma_start3A_113 = arith.constant 0 : i32
      %dma_start3A_114 = arith.constant 0 : i32
      %dma_start3A_115 = tpu.memref_slice %arg11[%dma_start3A_113, %dma_start3A_114] : memref<12x528xf32, #tpu.memory_space<vmem>> -> memref<1x528xf32, #tpu.memory_space<vmem>>
      %dma_start3A_116 = tpu.memref_squeeze %dma_start3A_115 : memref<1x528xf32, #tpu.memory_space<vmem>> -> memref<528xf32, #tpu.memory_space<vmem>>
      %dma_start3A_117 = tpu.memref_slice %arg2[%dma_start3A, %min3A_112] : memref<12x50000xf32, #tpu.memory_space<hbm>> -> memref<1x528xf32, #tpu.memory_space<hbm>>
      %dma_start3A_118 = tpu.memref_squeeze %dma_start3A_117 : memref<1x528xf32, #tpu.memory_space<hbm>> -> memref<528xf32, #tpu.memory_space<hbm>>
      %dma_start3A_119 = arith.constant 0 : i32
      %dma_start3A_120 = tpu.memref_slice %arg11[%dma_start3A_113, %dma_start3A_119] : memref<12x528xf32, #tpu.memory_space<vmem>> -> memref<1x528xf32, #tpu.memory_space<vmem>>
      %dma_start3A_121 = tpu.memref_squeeze %dma_start3A_120 : memref<1x528xf32, #tpu.memory_space<vmem>> -> memref<528xf32, #tpu.memory_space<vmem>>
      %dma_start3A_122 = tpu.memref_slice %arg2[%dma_start3A, %min3A_112] : memref<12x50000xf32, #tpu.memory_space<hbm>> -> memref<1x528xf32, #tpu.memory_space<hbm>>
      %dma_start3A_123 = tpu.memref_squeeze %dma_start3A_122 : memref<1x528xf32, #tpu.memory_space<hbm>> -> memref<528xf32, #tpu.memory_space<hbm>>
      tpu.enqueue_dma source(%dma_start3A_123 : memref<528xf32, #tpu.memory_space<hbm>>) target(%dma_start3A_121 : memref<528xf32, #tpu.memory_space<vmem>>) target_semaphore(%arg22 : memref<!tpu.dma_semaphore, #tpu.memory_space<semaphore_mem>>)
      %dma_start3A_124 = arith.constant 1 : i32
      %dma_start3A_125 = arith.constant 1 : i32
      %dma_start3A_126 = arith.constant 0 : i32
      %dma_start3A_127 = tpu.memref_slice %arg11[%dma_start3A_125, %dma_start3A_126] : memref<12x528xf32, #tpu.memory_space<vmem>> -> memref<1x528xf32, #tpu.memory_space<vmem>>
      %dma_start3A_128 = tpu.memref_squeeze %dma_start3A_127 : memref<1x528xf32, #tpu.memory_space<vmem>> -> memref<528xf32, #tpu.memory_space<vmem>>
      %dma_start3A_129 = tpu.memref_slice %arg2[%dma_start3A_124, %min3A_112] : memref<12x50000xf32, #tpu.memory_space<hbm>> -> memref<1x528xf32, #tpu.memory_space<hbm>>
      %dma_start3A_130 = tpu.memref_squeeze %dma_start3A_129 : memref<1x528xf32, #tpu.memory_space<hbm>> -> memref<528xf32, #tpu.memory_space<hbm>>
      %dma_start3A_131 = arith.constant 0 : i32
      %dma_start3A_132 = tpu.memref_slice %arg11[%dma_start3A_125, %dma_start3A_131] : memref<12x528xf32, #tpu.memory_space<vmem>> -> memref<1x528xf32, #tpu.memory_space<vmem>>
      %dma_start3A_133 = tpu.memref_squeeze %dma_start3A_132 : memref<1x528xf32, #tpu.memory_space<vmem>> -> memref<528xf32, #tpu.memory_space<vmem>>
      %dma_start3A_134 = tpu.memref_slice %arg2[%dma_start3A_124, %min3A_112] : memref<12x50000xf32, #tpu.memory_space<hbm>> -> memref<1x528xf32, #tpu.memory_space<hbm>>
      %dma_start3A_135 = tpu.memref_squeeze %dma_start3A_134 : memref<1x528xf32, #tpu.memory_space<hbm>> -> memref<528xf32, #tpu.memory_space<hbm>>
      tpu.enqueue_dma source(%dma_start3A_135 : memref<528xf32, #tpu.memory_space<hbm>>) target(%dma_start3A_133 : memref<528xf32, #tpu.memory_space<vmem>>) target_semaphore(%arg22 : memref<!tpu.dma_semaphore, #tpu.memory_space<semaphore_mem>>)
      %dma_start3A_136 = arith.constant 2 : i32
      %dma_start3A_137 = arith.constant 2 : i32
      %dma_start3A_138 = arith.constant 0 : i32
      %dma_start3A_139 = tpu.memref_slice %arg11[%dma_start3A_137, %dma_start3A_138] : memref<12x528xf32, #tpu.memory_space<vmem>> -> memref<1x528xf32, #tpu.memory_space<vmem>>
      %dma_start3A_140 = tpu.memref_squeeze %dma_start3A_139 : memref<1x528xf32, #tpu.memory_space<vmem>> -> memref<528xf32, #tpu.memory_space<vmem>>
      %dma_start3A_141 = tpu.memref_slice %arg2[%dma_start3A_136, %min3A_112] : memref<12x50000xf32, #tpu.memory_space<hbm>> -> memref<1x528xf32, #tpu.memory_space<hbm>>
      %dma_start3A_142 = tpu.memref_squeeze %dma_start3A_141 : memref<1x528xf32, #tpu.memory_space<hbm>> -> memref<528xf32, #tpu.memory_space<hbm>>
      %dma_start3A_143 = arith.constant 0 : i32
      %dma_start3A_144 = tpu.memref_slice %arg11[%dma_start3A_137, %dma_start3A_143] : memref<12x528xf32, #tpu.memory_space<vmem>> -> memref<1x528xf32, #tpu.memory_space<vmem>>
      %dma_start3A_145 = tpu.memref_squeeze %dma_start3A_144 : memref<1x528xf32, #tpu.memory_space<vmem>> -> memref<528xf32, #tpu.memory_space<vmem>>
      %dma_start3A_146 = tpu.memref_slice %arg2[%dma_start3A_136, %min3A_112] : memref<12x50000xf32, #tpu.memory_space<hbm>> -> memref<1x528xf32, #tpu.memory_space<hbm>>
      %dma_start3A_147 = tpu.memref_squeeze %dma_start3A_146 : memref<1x528xf32, #tpu.memory_space<hbm>> -> memref<528xf32, #tpu.memory_space<hbm>>
      tpu.enqueue_dma source(%dma_start3A_147 : memref<528xf32, #tpu.memory_space<hbm>>) target(%dma_start3A_145 : memref<528xf32, #tpu.memory_space<vmem>>) target_semaphore(%arg22 : memref<!tpu.dma_semaphore, #tpu.memory_space<semaphore_mem>>)
      %dma_start3A_148 = arith.constant 3 : i32
      %dma_start3A_149 = arith.constant 3 : i32
      %dma_start3A_150 = arith.constant 0 : i32
      %dma_start3A_151 = tpu.memref_slice %arg11[%dma_start3A_149, %dma_start3A_150] : memref<12x528xf32, #tpu.memory_space<vmem>> -> memref<1x528xf32, #tpu.memory_space<vmem>>
      %dma_start3A_152 = tpu.memref_squeeze %dma_start3A_151 : memref<1x528xf32, #tpu.memory_space<vmem>> -> memref<528xf32, #tpu.memory_space<vmem>>
      %dma_start3A_153 = tpu.memref_slice %arg2[%dma_start3A_148, %min3A_112] : memref<12x50000xf32, #tpu.memory_space<hbm>> -> memref<1x528xf32, #tpu.memory_space<hbm>>
      %dma_start3A_154 = tpu.memref_squeeze %dma_start3A_153 : memref<1x528xf32, #tpu.memory_space<hbm>> -> memref<528xf32, #tpu.memory_space<hbm>>
      %dma_start3A_155 = arith.constant 0 : i32
      %dma_start3A_156 = tpu.memref_slice %arg11[%dma_start3A_149, %dma_start3A_155] : memref<12x528xf32, #tpu.memory_space<vmem>> -> memref<1x528xf32, #tpu.memory_space<vmem>>
      %dma_start3A_157 = tpu.memref_squeeze %dma_start3A_156 : memref<1x528xf32, #tpu.memory_space<vmem>> -> memref<528xf32, #tpu.memory_space<vmem>>
      %dma_start3A_158 = tpu.memref_slice %arg2[%dma_start3A_148, %min3A_112] : memref<12x50000xf32, #tpu.memory_space<hbm>> -> memref<1x528xf32, #tpu.memory_space<hbm>>
      %dma_start3A_159 = tpu.memref_squeeze %dma_start3A_158 : memref<1x528xf32, #tpu.memory_space<hbm>> -> memref<528xf32, #tpu.memory_space<hbm>>
      tpu.enqueue_dma source(%dma_start3A_159 : memref<528xf32, #tpu.memory_space<hbm>>) target(%dma_start3A_157 : memref<528xf32, #tpu.memory_space<vmem>>) target_semaphore(%arg22 : memref<!tpu.dma_semaphore, #tpu.memory_space<semaphore_mem>>)
      %dma_start3A_160 = arith.constant 4 : i32
      %dma_start3A_161 = arith.constant 4 : i32
      %dma_start3A_162 = arith.constant 0 : i32
      %dma_start3A_163 = tpu.memref_slice %arg11[%dma_start3A_161, %dma_start3A_162] : memref<12x528xf32, #tpu.memory_space<vmem>> -> memref<1x528xf32, #tpu.memory_space<vmem>>
      %dma_start3A_164 = tpu.memref_squeeze %dma_start3A_163 : memref<1x528xf32, #tpu.memory_space<vmem>> -> memref<528xf32, #tpu.memory_space<vmem>>
      %dma_start3A_165 = tpu.memref_slice %arg2[%dma_start3A_160, %min3A_112] : memref<12x50000xf32, #tpu.memory_space<hbm>> -> memref<1x528xf32, #tpu.memory_space<hbm>>
      %dma_start3A_166 = tpu.memref_squeeze %dma_start3A_165 : memref<1x528xf32, #tpu.memory_space<hbm>> -> memref<528xf32, #tpu.memory_space<hbm>>
      %dma_start3A_167 = arith.constant 0 : i32
      %dma_start3A_168 = tpu.memref_slice %arg11[%dma_start3A_161, %dma_start3A_167] : memref<12x528xf32, #tpu.memory_space<vmem>> -> memref<1x528xf32, #tpu.memory_space<vmem>>
      %dma_start3A_169 = tpu.memref_squeeze %dma_start3A_168 : memref<1x528xf32, #tpu.memory_space<vmem>> -> memref<528xf32, #tpu.memory_space<vmem>>
      %dma_start3A_170 = tpu.memref_slice %arg2[%dma_start3A_160, %min3A_112] : memref<12x50000xf32, #tpu.memory_space<hbm>> -> memref<1x528xf32, #tpu.memory_space<hbm>>
      %dma_start3A_171 = tpu.memref_squeeze %dma_start3A_170 : memref<1x528xf32, #tpu.memory_space<hbm>> -> memref<528xf32, #tpu.memory_space<hbm>>
      tpu.enqueue_dma source(%dma_start3A_171 : memref<528xf32, #tpu.memory_space<hbm>>) target(%dma_start3A_169 : memref<528xf32, #tpu.memory_space<vmem>>) target_semaphore(%arg22 : memref<!tpu.dma_semaphore, #tpu.memory_space<semaphore_mem>>)
      %dma_start3A_172 = arith.constant 5 : i32
      %dma_start3A_173 = arith.constant 5 : i32
      %dma_start3A_174 = arith.constant 0 : i32
      %dma_start3A_175 = tpu.memref_slice %arg11[%dma_start3A_173, %dma_start3A_174] : memref<12x528xf32, #tpu.memory_space<vmem>> -> memref<1x528xf32, #tpu.memory_space<vmem>>
      %dma_start3A_176 = tpu.memref_squeeze %dma_start3A_175 : memref<1x528xf32, #tpu.memory_space<vmem>> -> memref<528xf32, #tpu.memory_space<vmem>>
      %dma_start3A_177 = tpu.memref_slice %arg2[%dma_start3A_172, %min3A_112] : memref<12x50000xf32, #tpu.memory_space<hbm>> -> memref<1x528xf32, #tpu.memory_space<hbm>>
      %dma_start3A_178 = tpu.memref_squeeze %dma_start3A_177 : memref<1x528xf32, #tpu.memory_space<hbm>> -> memref<528xf32, #tpu.memory_space<hbm>>
      %dma_start3A_179 = arith.constant 0 : i32
      %dma_start3A_180 = tpu.memref_slice %arg11[%dma_start3A_173, %dma_start3A_179] : memref<12x528xf32, #tpu.memory_space<vmem>> -> memref<1x528xf32, #tpu.memory_space<vmem>>
      %dma_start3A_181 = tpu.memref_squeeze %dma_start3A_180 : memref<1x528xf32, #tpu.memory_space<vmem>> -> memref<528xf32, #tpu.memory_space<vmem>>
      %dma_start3A_182 = tpu.memref_slice %arg2[%dma_start3A_172, %min3A_112] : memref<12x50000xf32, #tpu.memory_space<hbm>> -> memref<1x528xf32, #tpu.memory_space<hbm>>
      %dma_start3A_183 = tpu.memref_squeeze %dma_start3A_182 : memref<1x528xf32, #tpu.memory_space<hbm>> -> memref<528xf32, #tpu.memory_space<hbm>>
      tpu.enqueue_dma source(%dma_start3A_183 : memref<528xf32, #tpu.memory_space<hbm>>) target(%dma_start3A_181 : memref<528xf32, #tpu.memory_space<vmem>>) target_semaphore(%arg22 : memref<!tpu.dma_semaphore, #tpu.memory_space<semaphore_mem>>)
      %dma_start3A_184 = arith.constant 6 : i32
      %dma_start3A_185 = arith.constant 6 : i32
      %dma_start3A_186 = arith.constant 0 : i32
      %dma_start3A_187 = tpu.memref_slice %arg11[%dma_start3A_185, %dma_start3A_186] : memref<12x528xf32, #tpu.memory_space<vmem>> -> memref<1x528xf32, #tpu.memory_space<vmem>>
      %dma_start3A_188 = tpu.memref_squeeze %dma_start3A_187 : memref<1x528xf32, #tpu.memory_space<vmem>> -> memref<528xf32, #tpu.memory_space<vmem>>
      %dma_start3A_189 = tpu.memref_slice %arg2[%dma_start3A_184, %min3A_112] : memref<12x50000xf32, #tpu.memory_space<hbm>> -> memref<1x528xf32, #tpu.memory_space<hbm>>
      %dma_start3A_190 = tpu.memref_squeeze %dma_start3A_189 : memref<1x528xf32, #tpu.memory_space<hbm>> -> memref<528xf32, #tpu.memory_space<hbm>>
      %dma_start3A_191 = arith.constant 0 : i32
      %dma_start3A_192 = tpu.memref_slice %arg11[%dma_start3A_185, %dma_start3A_191] : memref<12x528xf32, #tpu.memory_space<vmem>> -> memref<1x528xf32, #tpu.memory_space<vmem>>
      %dma_start3A_193 = tpu.memref_squeeze %dma_start3A_192 : memref<1x528xf32, #tpu.memory_space<vmem>> -> memref<528xf32, #tpu.memory_space<vmem>>
      %dma_start3A_194 = tpu.memref_slice %arg2[%dma_start3A_184, %min3A_112] : memref<12x50000xf32, #tpu.memory_space<hbm>> -> memref<1x528xf32, #tpu.memory_space<hbm>>
      %dma_start3A_195 = tpu.memref_squeeze %dma_start3A_194 : memref<1x528xf32, #tpu.memory_space<hbm>> -> memref<528xf32, #tpu.memory_space<hbm>>
      tpu.enqueue_dma source(%dma_start3A_195 : memref<528xf32, #tpu.memory_space<hbm>>) target(%dma_start3A_193 : memref<528xf32, #tpu.memory_space<vmem>>) target_semaphore(%arg22 : memref<!tpu.dma_semaphore, #tpu.memory_space<semaphore_mem>>)
      %dma_start3A_196 = arith.constant 7 : i32
      %dma_start3A_197 = arith.constant 7 : i32
      %dma_start3A_198 = arith.constant 0 : i32
      %dma_start3A_199 = tpu.memref_slice %arg11[%dma_start3A_197, %dma_start3A_198] : memref<12x528xf32, #tpu.memory_space<vmem>> -> memref<1x528xf32, #tpu.memory_space<vmem>>
      %dma_start3A_200 = tpu.memref_squeeze %dma_start3A_199 : memref<1x528xf32, #tpu.memory_space<vmem>> -> memref<528xf32, #tpu.memory_space<vmem>>
      %dma_start3A_201 = tpu.memref_slice %arg2[%dma_start3A_196, %min3A_112] : memref<12x50000xf32, #tpu.memory_space<hbm>> -> memref<1x528xf32, #tpu.memory_space<hbm>>
      %dma_start3A_202 = tpu.memref_squeeze %dma_start3A_201 : memref<1x528xf32, #tpu.memory_space<hbm>> -> memref<528xf32, #tpu.memory_space<hbm>>
      %dma_start3A_203 = arith.constant 0 : i32
      %dma_start3A_204 = tpu.memref_slice %arg11[%dma_start3A_197, %dma_start3A_203] : memref<12x528xf32, #tpu.memory_space<vmem>> -> memref<1x528xf32, #tpu.memory_space<vmem>>
      %dma_start3A_205 = tpu.memref_squeeze %dma_start3A_204 : memref<1x528xf32, #tpu.memory_space<vmem>> -> memref<528xf32, #tpu.memory_space<vmem>>
      %dma_start3A_206 = tpu.memref_slice %arg2[%dma_start3A_196, %min3A_112] : memref<12x50000xf32, #tpu.memory_space<hbm>> -> memref<1x528xf32, #tpu.memory_space<hbm>>
      %dma_start3A_207 = tpu.memref_squeeze %dma_start3A_206 : memref<1x528xf32, #tpu.memory_space<hbm>> -> memref<528xf32, #tpu.memory_space<hbm>>
      tpu.enqueue_dma source(%dma_start3A_207 : memref<528xf32, #tpu.memory_space<hbm>>) target(%dma_start3A_205 : memref<528xf32, #tpu.memory_space<vmem>>) target_semaphore(%arg22 : memref<!tpu.dma_semaphore, #tpu.memory_space<semaphore_mem>>)
      %dma_start3A_208 = arith.constant 8 : i32
      %dma_start3A_209 = arith.constant 8 : i32
      %dma_start3A_210 = arith.constant 0 : i32
      %dma_start3A_211 = tpu.memref_slice %arg11[%dma_start3A_209, %dma_start3A_210] : memref<12x528xf32, #tpu.memory_space<vmem>> -> memref<1x528xf32, #tpu.memory_space<vmem>>
      %dma_start3A_212 = tpu.memref_squeeze %dma_start3A_211 : memref<1x528xf32, #tpu.memory_space<vmem>> -> memref<528xf32, #tpu.memory_space<vmem>>
      %dma_start3A_213 = tpu.memref_slice %arg2[%dma_start3A_208, %min3A_112] : memref<12x50000xf32, #tpu.memory_space<hbm>> -> memref<1x528xf32, #tpu.memory_space<hbm>>
      %dma_start3A_214 = tpu.memref_squeeze %dma_start3A_213 : memref<1x528xf32, #tpu.memory_space<hbm>> -> memref<528xf32, #tpu.memory_space<hbm>>
      %dma_start3A_215 = arith.constant 0 : i32
      %dma_start3A_216 = tpu.memref_slice %arg11[%dma_start3A_209, %dma_start3A_215] : memref<12x528xf32, #tpu.memory_space<vmem>> -> memref<1x528xf32, #tpu.memory_space<vmem>>
      %dma_start3A_217 = tpu.memref_squeeze %dma_start3A_216 : memref<1x528xf32, #tpu.memory_space<vmem>> -> memref<528xf32, #tpu.memory_space<vmem>>
      %dma_start3A_218 = tpu.memref_slice %arg2[%dma_start3A_208, %min3A_112] : memref<12x50000xf32, #tpu.memory_space<hbm>> -> memref<1x528xf32, #tpu.memory_space<hbm>>
      %dma_start3A_219 = tpu.memref_squeeze %dma_start3A_218 : memref<1x528xf32, #tpu.memory_space<hbm>> -> memref<528xf32, #tpu.memory_space<hbm>>
      tpu.enqueue_dma source(%dma_start3A_219 : memref<528xf32, #tpu.memory_space<hbm>>) target(%dma_start3A_217 : memref<528xf32, #tpu.memory_space<vmem>>) target_semaphore(%arg22 : memref<!tpu.dma_semaphore, #tpu.memory_space<semaphore_mem>>)
      %dma_start3A_220 = arith.constant 9 : i32
      %dma_start3A_221 = arith.constant 9 : i32
      %dma_start3A_222 = arith.constant 0 : i32
      %dma_start3A_223 = tpu.memref_slice %arg11[%dma_start3A_221, %dma_start3A_222] : memref<12x528xf32, #tpu.memory_space<vmem>> -> memref<1x528xf32, #tpu.memory_space<vmem>>
      %dma_start3A_224 = tpu.memref_squeeze %dma_start3A_223 : memref<1x528xf32, #tpu.memory_space<vmem>> -> memref<528xf32, #tpu.memory_space<vmem>>
      %dma_start3A_225 = tpu.memref_slice %arg2[%dma_start3A_220, %min3A_112] : memref<12x50000xf32, #tpu.memory_space<hbm>> -> memref<1x528xf32, #tpu.memory_space<hbm>>
      %dma_start3A_226 = tpu.memref_squeeze %dma_start3A_225 : memref<1x528xf32, #tpu.memory_space<hbm>> -> memref<528xf32, #tpu.memory_space<hbm>>
      %dma_start3A_227 = arith.constant 0 : i32
      %dma_start3A_228 = tpu.memref_slice %arg11[%dma_start3A_221, %dma_start3A_227] : memref<12x528xf32, #tpu.memory_space<vmem>> -> memref<1x528xf32, #tpu.memory_space<vmem>>
      %dma_start3A_229 = tpu.memref_squeeze %dma_start3A_228 : memref<1x528xf32, #tpu.memory_space<vmem>> -> memref<528xf32, #tpu.memory_space<vmem>>
      %dma_start3A_230 = tpu.memref_slice %arg2[%dma_start3A_220, %min3A_112] : memref<12x50000xf32, #tpu.memory_space<hbm>> -> memref<1x528xf32, #tpu.memory_space<hbm>>
      %dma_start3A_231 = tpu.memref_squeeze %dma_start3A_230 : memref<1x528xf32, #tpu.memory_space<hbm>> -> memref<528xf32, #tpu.memory_space<hbm>>
      tpu.enqueue_dma source(%dma_start3A_231 : memref<528xf32, #tpu.memory_space<hbm>>) target(%dma_start3A_229 : memref<528xf32, #tpu.memory_space<vmem>>) target_semaphore(%arg22 : memref<!tpu.dma_semaphore, #tpu.memory_space<semaphore_mem>>)
      %dma_start3A_232 = arith.constant 10 : i32
      %dma_start3A_233 = arith.constant 10 : i32
      %dma_start3A_234 = arith.constant 0 : i32
      %dma_start3A_235 = tpu.memref_slice %arg11[%dma_start3A_233, %dma_start3A_234] : memref<12x528xf32, #tpu.memory_space<vmem>> -> memref<1x528xf32, #tpu.memory_space<vmem>>
      %dma_start3A_236 = tpu.memref_squeeze %dma_start3A_235 : memref<1x528xf32, #tpu.memory_space<vmem>> -> memref<528xf32, #tpu.memory_space<vmem>>
      %dma_start3A_237 = tpu.memref_slice %arg2[%dma_start3A_232, %min3A_112] : memref<12x50000xf32, #tpu.memory_space<hbm>> -> memref<1x528xf32, #tpu.memory_space<hbm>>
      %dma_start3A_238 = tpu.memref_squeeze %dma_start3A_237 : memref<1x528xf32, #tpu.memory_space<hbm>> -> memref<528xf32, #tpu.memory_space<hbm>>
      %dma_start3A_239 = arith.constant 0 : i32
      %dma_start3A_240 = tpu.memref_slice %arg11[%dma_start3A_233, %dma_start3A_239] : memref<12x528xf32, #tpu.memory_space<vmem>> -> memref<1x528xf32, #tpu.memory_space<vmem>>
      %dma_start3A_241 = tpu.memref_squeeze %dma_start3A_240 : memref<1x528xf32, #tpu.memory_space<vmem>> -> memref<528xf32, #tpu.memory_space<vmem>>
      %dma_start3A_242 = tpu.memref_slice %arg2[%dma_start3A_232, %min3A_112] : memref<12x50000xf32, #tpu.memory_space<hbm>> -> memref<1x528xf32, #tpu.memory_space<hbm>>
      %dma_start3A_243 = tpu.memref_squeeze %dma_start3A_242 : memref<1x528xf32, #tpu.memory_space<hbm>> -> memref<528xf32, #tpu.memory_space<hbm>>
      tpu.enqueue_dma source(%dma_start3A_243 : memref<528xf32, #tpu.memory_space<hbm>>) target(%dma_start3A_241 : memref<528xf32, #tpu.memory_space<vmem>>) target_semaphore(%arg22 : memref<!tpu.dma_semaphore, #tpu.memory_space<semaphore_mem>>)
      %dma_start3A_244 = arith.constant 11 : i32
      %dma_start3A_245 = arith.constant 11 : i32
      %dma_start3A_246 = arith.constant 0 : i32
      %dma_start3A_247 = tpu.memref_slice %arg11[%dma_start3A_245, %dma_start3A_246] : memref<12x528xf32, #tpu.memory_space<vmem>> -> memref<1x528xf32, #tpu.memory_space<vmem>>
      %dma_start3A_248 = tpu.memref_squeeze %dma_start3A_247 : memref<1x528xf32, #tpu.memory_space<vmem>> -> memref<528xf32, #tpu.memory_space<vmem>>
      %dma_start3A_249 = tpu.memref_slice %arg2[%dma_start3A_244, %min3A_112] : memref<12x50000xf32, #tpu.memory_space<hbm>> -> memref<1x528xf32, #tpu.memory_space<hbm>>
      %dma_start3A_250 = tpu.memref_squeeze %dma_start3A_249 : memref<1x528xf32, #tpu.memory_space<hbm>> -> memref<528xf32, #tpu.memory_space<hbm>>
      %dma_start3A_251 = arith.constant 0 : i32
      %dma_start3A_252 = tpu.memref_slice %arg11[%dma_start3A_245, %dma_start3A_251] : memref<12x528xf32, #tpu.memory_space<vmem>> -> memref<1x528xf32, #tpu.memory_space<vmem>>
      %dma_start3A_253 = tpu.memref_squeeze %dma_start3A_252 : memref<1x528xf32, #tpu.memory_space<vmem>> -> memref<528xf32, #tpu.memory_space<vmem>>
      %dma_start3A_254 = tpu.memref_slice %arg2[%dma_start3A_244, %min3A_112] : memref<12x50000xf32, #tpu.memory_space<hbm>> -> memref<1x528xf32, #tpu.memory_space<hbm>>
      %dma_start3A_255 = tpu.memref_squeeze %dma_start3A_254 : memref<1x528xf32, #tpu.memory_space<hbm>> -> memref<528xf32, #tpu.memory_space<hbm>>
      tpu.enqueue_dma source(%dma_start3A_255 : memref<528xf32, #tpu.memory_space<hbm>>) target(%dma_start3A_253 : memref<528xf32, #tpu.memory_space<vmem>>) target_semaphore(%arg22 : memref<!tpu.dma_semaphore, #tpu.memory_space<semaphore_mem>>)
      %dma_wait3A = arith.constant 0 : i32
      %dma_wait3A_256 = arith.constant 0 : i32
      %dma_wait3A_257 = arith.constant 0 : i32
      %dma_wait3A_258 = tpu.memref_slice %arg11[%dma_wait3A_256, %dma_wait3A_257] : memref<12x528xf32, #tpu.memory_space<vmem>> -> memref<1x528xf32, #tpu.memory_space<vmem>>
      %dma_wait3A_259 = tpu.memref_squeeze %dma_wait3A_258 : memref<1x528xf32, #tpu.memory_space<vmem>> -> memref<528xf32, #tpu.memory_space<vmem>>
      %dma_wait3A_260 = tpu.memref_slice %arg2[%dma_wait3A, %min3A_112] : memref<12x50000xf32, #tpu.memory_space<hbm>> -> memref<1x528xf32, #tpu.memory_space<hbm>>
      %dma_wait3A_261 = tpu.memref_squeeze %dma_wait3A_260 : memref<1x528xf32, #tpu.memory_space<hbm>> -> memref<528xf32, #tpu.memory_space<hbm>>
      %dma_wait3A_262 = arith.constant 0 : i32
      %dma_wait3A_263 = tpu.memref_slice %arg11[%dma_wait3A_256, %dma_wait3A_262] : memref<12x528xf32, #tpu.memory_space<vmem>> -> memref<1x528xf32, #tpu.memory_space<vmem>>
      %dma_wait3A_264 = tpu.memref_squeeze %dma_wait3A_263 : memref<1x528xf32, #tpu.memory_space<vmem>> -> memref<528xf32, #tpu.memory_space<vmem>>
      %dma_wait3A_265 = tpu.memref_slice %arg2[%dma_wait3A, %min3A_112] : memref<12x50000xf32, #tpu.memory_space<hbm>> -> memref<1x528xf32, #tpu.memory_space<hbm>>
      %dma_wait3A_266 = tpu.memref_squeeze %dma_wait3A_265 : memref<1x528xf32, #tpu.memory_space<hbm>> -> memref<528xf32, #tpu.memory_space<hbm>>
      tpu.wait_dma2 semaphore(%arg22 : memref<!tpu.dma_semaphore, #tpu.memory_space<semaphore_mem>>) src(%dma_wait3A_266 : memref<528xf32, #tpu.memory_space<hbm>>) dst(%dma_wait3A_264 : memref<528xf32, #tpu.memory_space<vmem>>)
      %dma_wait3A_267 = arith.constant 1 : i32
      %dma_wait3A_268 = arith.constant 1 : i32
      %dma_wait3A_269 = arith.constant 0 : i32
      %dma_wait3A_270 = tpu.memref_slice %arg11[%dma_wait3A_268, %dma_wait3A_269] : memref<12x528xf32, #tpu.memory_space<vmem>> -> memref<1x528xf32, #tpu.memory_space<vmem>>
      %dma_wait3A_271 = tpu.memref_squeeze %dma_wait3A_270 : memref<1x528xf32, #tpu.memory_space<vmem>> -> memref<528xf32, #tpu.memory_space<vmem>>
      %dma_wait3A_272 = tpu.memref_slice %arg2[%dma_wait3A_267, %min3A_112] : memref<12x50000xf32, #tpu.memory_space<hbm>> -> memref<1x528xf32, #tpu.memory_space<hbm>>
      %dma_wait3A_273 = tpu.memref_squeeze %dma_wait3A_272 : memref<1x528xf32, #tpu.memory_space<hbm>> -> memref<528xf32, #tpu.memory_space<hbm>>
      %dma_wait3A_274 = arith.constant 0 : i32
      %dma_wait3A_275 = tpu.memref_slice %arg11[%dma_wait3A_268, %dma_wait3A_274] : memref<12x528xf32, #tpu.memory_space<vmem>> -> memref<1x528xf32, #tpu.memory_space<vmem>>
      %dma_wait3A_276 = tpu.memref_squeeze %dma_wait3A_275 : memref<1x528xf32, #tpu.memory_space<vmem>> -> memref<528xf32, #tpu.memory_space<vmem>>
      %dma_wait3A_277 = tpu.memref_slice %arg2[%dma_wait3A_267, %min3A_112] : memref<12x50000xf32, #tpu.memory_space<hbm>> -> memref<1x528xf32, #tpu.memory_space<hbm>>
      %dma_wait3A_278 = tpu.memref_squeeze %dma_wait3A_277 : memref<1x528xf32, #tpu.memory_space<hbm>> -> memref<528xf32, #tpu.memory_space<hbm>>
      tpu.wait_dma2 semaphore(%arg22 : memref<!tpu.dma_semaphore, #tpu.memory_space<semaphore_mem>>) src(%dma_wait3A_278 : memref<528xf32, #tpu.memory_space<hbm>>) dst(%dma_wait3A_276 : memref<528xf32, #tpu.memory_space<vmem>>)
      %dma_wait3A_279 = arith.constant 2 : i32
      %dma_wait3A_280 = arith.constant 2 : i32
      %dma_wait3A_281 = arith.constant 0 : i32
      %dma_wait3A_282 = tpu.memref_slice %arg11[%dma_wait3A_280, %dma_wait3A_281] : memref<12x528xf32, #tpu.memory_space<vmem>> -> memref<1x528xf32, #tpu.memory_space<vmem>>
      %dma_wait3A_283 = tpu.memref_squeeze %dma_wait3A_282 : memref<1x528xf32, #tpu.memory_space<vmem>> -> memref<528xf32, #tpu.memory_space<vmem>>
      %dma_wait3A_284 = tpu.memref_slice %arg2[%dma_wait3A_279, %min3A_112] : memref<12x50000xf32, #tpu.memory_space<hbm>> -> memref<1x528xf32, #tpu.memory_space<hbm>>
      %dma_wait3A_285 = tpu.memref_squeeze %dma_wait3A_284 : memref<1x528xf32, #tpu.memory_space<hbm>> -> memref<528xf32, #tpu.memory_space<hbm>>
      %dma_wait3A_286 = arith.constant 0 : i32
      %dma_wait3A_287 = tpu.memref_slice %arg11[%dma_wait3A_280, %dma_wait3A_286] : memref<12x528xf32, #tpu.memory_space<vmem>> -> memref<1x528xf32, #tpu.memory_space<vmem>>
      %dma_wait3A_288 = tpu.memref_squeeze %dma_wait3A_287 : memref<1x528xf32, #tpu.memory_space<vmem>> -> memref<528xf32, #tpu.memory_space<vmem>>
      %dma_wait3A_289 = tpu.memref_slice %arg2[%dma_wait3A_279, %min3A_112] : memref<12x50000xf32, #tpu.memory_space<hbm>> -> memref<1x528xf32, #tpu.memory_space<hbm>>
      %dma_wait3A_290 = tpu.memref_squeeze %dma_wait3A_289 : memref<1x528xf32, #tpu.memory_space<hbm>> -> memref<528xf32, #tpu.memory_space<hbm>>
      tpu.wait_dma2 semaphore(%arg22 : memref<!tpu.dma_semaphore, #tpu.memory_space<semaphore_mem>>) src(%dma_wait3A_290 : memref<528xf32, #tpu.memory_space<hbm>>) dst(%dma_wait3A_288 : memref<528xf32, #tpu.memory_space<vmem>>)
      %dma_wait3A_291 = arith.constant 3 : i32
      %dma_wait3A_292 = arith.constant 3 : i32
      %dma_wait3A_293 = arith.constant 0 : i32
      %dma_wait3A_294 = tpu.memref_slice %arg11[%dma_wait3A_292, %dma_wait3A_293] : memref<12x528xf32, #tpu.memory_space<vmem>> -> memref<1x528xf32, #tpu.memory_space<vmem>>
      %dma_wait3A_295 = tpu.memref_squeeze %dma_wait3A_294 : memref<1x528xf32, #tpu.memory_space<vmem>> -> memref<528xf32, #tpu.memory_space<vmem>>
      %dma_wait3A_296 = tpu.memref_slice %arg2[%dma_wait3A_291, %min3A_112] : memref<12x50000xf32, #tpu.memory_space<hbm>> -> memref<1x528xf32, #tpu.memory_space<hbm>>
      %dma_wait3A_297 = tpu.memref_squeeze %dma_wait3A_296 : memref<1x528xf32, #tpu.memory_space<hbm>> -> memref<528xf32, #tpu.memory_space<hbm>>
      %dma_wait3A_298 = arith.constant 0 : i32
      %dma_wait3A_299 = tpu.memref_slice %arg11[%dma_wait3A_292, %dma_wait3A_298] : memref<12x528xf32, #tpu.memory_space<vmem>> -> memref<1x528xf32, #tpu.memory_space<vmem>>
      %dma_wait3A_300 = tpu.memref_squeeze %dma_wait3A_299 : memref<1x528xf32, #tpu.memory_space<vmem>> -> memref<528xf32, #tpu.memory_space<vmem>>
      %dma_wait3A_301 = tpu.memref_slice %arg2[%dma_wait3A_291, %min3A_112] : memref<12x50000xf32, #tpu.memory_space<hbm>> -> memref<1x528xf32, #tpu.memory_space<hbm>>
      %dma_wait3A_302 = tpu.memref_squeeze %dma_wait3A_301 : memref<1x528xf32, #tpu.memory_space<hbm>> -> memref<528xf32, #tpu.memory_space<hbm>>
      tpu.wait_dma2 semaphore(%arg22 : memref<!tpu.dma_semaphore, #tpu.memory_space<semaphore_mem>>) src(%dma_wait3A_302 : memref<528xf32, #tpu.memory_space<hbm>>) dst(%dma_wait3A_300 : memref<528xf32, #tpu.memory_space<vmem>>)
      %dma_wait3A_303 = arith.constant 4 : i32
      %dma_wait3A_304 = arith.constant 4 : i32
      %dma_wait3A_305 = arith.constant 0 : i32
      %dma_wait3A_306 = tpu.memref_slice %arg11[%dma_wait3A_304, %dma_wait3A_305] : memref<12x528xf32, #tpu.memory_space<vmem>> -> memref<1x528xf32, #tpu.memory_space<vmem>>
      %dma_wait3A_307 = tpu.memref_squeeze %dma_wait3A_306 : memref<1x528xf32, #tpu.memory_space<vmem>> -> memref<528xf32, #tpu.memory_space<vmem>>
      %dma_wait3A_308 = tpu.memref_slice %arg2[%dma_wait3A_303, %min3A_112] : memref<12x50000xf32, #tpu.memory_space<hbm>> -> memref<1x528xf32, #tpu.memory_space<hbm>>
      %dma_wait3A_309 = tpu.memref_squeeze %dma_wait3A_308 : memref<1x528xf32, #tpu.memory_space<hbm>> -> memref<528xf32, #tpu.memory_space<hbm>>
      %dma_wait3A_310 = arith.constant 0 : i32
      %dma_wait3A_311 = tpu.memref_slice %arg11[%dma_wait3A_304, %dma_wait3A_310] : memref<12x528xf32, #tpu.memory_space<vmem>> -> memref<1x528xf32, #tpu.memory_space<vmem>>
      %dma_wait3A_312 = tpu.memref_squeeze %dma_wait3A_311 : memref<1x528xf32, #tpu.memory_space<vmem>> -> memref<528xf32, #tpu.memory_space<vmem>>
      %dma_wait3A_313 = tpu.memref_slice %arg2[%dma_wait3A_303, %min3A_112] : memref<12x50000xf32, #tpu.memory_space<hbm>> -> memref<1x528xf32, #tpu.memory_space<hbm>>
      %dma_wait3A_314 = tpu.memref_squeeze %dma_wait3A_313 : memref<1x528xf32, #tpu.memory_space<hbm>> -> memref<528xf32, #tpu.memory_space<hbm>>
      tpu.wait_dma2 semaphore(%arg22 : memref<!tpu.dma_semaphore, #tpu.memory_space<semaphore_mem>>) src(%dma_wait3A_314 : memref<528xf32, #tpu.memory_space<hbm>>) dst(%dma_wait3A_312 : memref<528xf32, #tpu.memory_space<vmem>>)
      %dma_wait3A_315 = arith.constant 5 : i32
      %dma_wait3A_316 = arith.constant 5 : i32
      %dma_wait3A_317 = arith.constant 0 : i32
      %dma_wait3A_318 = tpu.memref_slice %arg11[%dma_wait3A_316, %dma_wait3A_317] : memref<12x528xf32, #tpu.memory_space<vmem>> -> memref<1x528xf32, #tpu.memory_space<vmem>>
      %dma_wait3A_319 = tpu.memref_squeeze %dma_wait3A_318 : memref<1x528xf32, #tpu.memory_space<vmem>> -> memref<528xf32, #tpu.memory_space<vmem>>
      %dma_wait3A_320 = tpu.memref_slice %arg2[%dma_wait3A_315, %min3A_112] : memref<12x50000xf32, #tpu.memory_space<hbm>> -> memref<1x528xf32, #tpu.memory_space<hbm>>
      %dma_wait3A_321 = tpu.memref_squeeze %dma_wait3A_320 : memref<1x528xf32, #tpu.memory_space<hbm>> -> memref<528xf32, #tpu.memory_space<hbm>>
      %dma_wait3A_322 = arith.constant 0 : i32
      %dma_wait3A_323 = tpu.memref_slice %arg11[%dma_wait3A_316, %dma_wait3A_322] : memref<12x528xf32, #tpu.memory_space<vmem>> -> memref<1x528xf32, #tpu.memory_space<vmem>>
      %dma_wait3A_324 = tpu.memref_squeeze %dma_wait3A_323 : memref<1x528xf32, #tpu.memory_space<vmem>> -> memref<528xf32, #tpu.memory_space<vmem>>
      %dma_wait3A_325 = tpu.memref_slice %arg2[%dma_wait3A_315, %min3A_112] : memref<12x50000xf32, #tpu.memory_space<hbm>> -> memref<1x528xf32, #tpu.memory_space<hbm>>
      %dma_wait3A_326 = tpu.memref_squeeze %dma_wait3A_325 : memref<1x528xf32, #tpu.memory_space<hbm>> -> memref<528xf32, #tpu.memory_space<hbm>>
      tpu.wait_dma2 semaphore(%arg22 : memref<!tpu.dma_semaphore, #tpu.memory_space<semaphore_mem>>) src(%dma_wait3A_326 : memref<528xf32, #tpu.memory_space<hbm>>) dst(%dma_wait3A_324 : memref<528xf32, #tpu.memory_space<vmem>>)
      %dma_wait3A_327 = arith.constant 6 : i32
      %dma_wait3A_328 = arith.constant 6 : i32
      %dma_wait3A_329 = arith.constant 0 : i32
      %dma_wait3A_330 = tpu.memref_slice %arg11[%dma_wait3A_328, %dma_wait3A_329] : memref<12x528xf32, #tpu.memory_space<vmem>> -> memref<1x528xf32, #tpu.memory_space<vmem>>
      %dma_wait3A_331 = tpu.memref_squeeze %dma_wait3A_330 : memref<1x528xf32, #tpu.memory_space<vmem>> -> memref<528xf32, #tpu.memory_space<vmem>>
      %dma_wait3A_332 = tpu.memref_slice %arg2[%dma_wait3A_327, %min3A_112] : memref<12x50000xf32, #tpu.memory_space<hbm>> -> memref<1x528xf32, #tpu.memory_space<hbm>>
      %dma_wait3A_333 = tpu.memref_squeeze %dma_wait3A_332 : memref<1x528xf32, #tpu.memory_space<hbm>> -> memref<528xf32, #tpu.memory_space<hbm>>
      %dma_wait3A_334 = arith.constant 0 : i32
      %dma_wait3A_335 = tpu.memref_slice %arg11[%dma_wait3A_328, %dma_wait3A_334] : memref<12x528xf32, #tpu.memory_space<vmem>> -> memref<1x528xf32, #tpu.memory_space<vmem>>
      %dma_wait3A_336 = tpu.memref_squeeze %dma_wait3A_335 : memref<1x528xf32, #tpu.memory_space<vmem>> -> memref<528xf32, #tpu.memory_space<vmem>>
      %dma_wait3A_337 = tpu.memref_slice %arg2[%dma_wait3A_327, %min3A_112] : memref<12x50000xf32, #tpu.memory_space<hbm>> -> memref<1x528xf32, #tpu.memory_space<hbm>>
      %dma_wait3A_338 = tpu.memref_squeeze %dma_wait3A_337 : memref<1x528xf32, #tpu.memory_space<hbm>> -> memref<528xf32, #tpu.memory_space<hbm>>
      tpu.wait_dma2 semaphore(%arg22 : memref<!tpu.dma_semaphore, #tpu.memory_space<semaphore_mem>>) src(%dma_wait3A_338 : memref<528xf32, #tpu.memory_space<hbm>>) dst(%dma_wait3A_336 : memref<528xf32, #tpu.memory_space<vmem>>)
      %dma_wait3A_339 = arith.constant 7 : i32
      %dma_wait3A_340 = arith.constant 7 : i32
      %dma_wait3A_341 = arith.constant 0 : i32
      %dma_wait3A_342 = tpu.memref_slice %arg11[%dma_wait3A_340, %dma_wait3A_341] : memref<12x528xf32, #tpu.memory_space<vmem>> -> memref<1x528xf32, #tpu.memory_space<vmem>>
      %dma_wait3A_343 = tpu.memref_squeeze %dma_wait3A_342 : memref<1x528xf32, #tpu.memory_space<vmem>> -> memref<528xf32, #tpu.memory_space<vmem>>
      %dma_wait3A_344 = tpu.memref_slice %arg2[%dma_wait3A_339, %min3A_112] : memref<12x50000xf32, #tpu.memory_space<hbm>> -> memref<1x528xf32, #tpu.memory_space<hbm>>
      %dma_wait3A_345 = tpu.memref_squeeze %dma_wait3A_344 : memref<1x528xf32, #tpu.memory_space<hbm>> -> memref<528xf32, #tpu.memory_space<hbm>>
      %dma_wait3A_346 = arith.constant 0 : i32
      %dma_wait3A_347 = tpu.memref_slice %arg11[%dma_wait3A_340, %dma_wait3A_346] : memref<12x528xf32, #tpu.memory_space<vmem>> -> memref<1x528xf32, #tpu.memory_space<vmem>>
      %dma_wait3A_348 = tpu.memref_squeeze %dma_wait3A_347 : memref<1x528xf32, #tpu.memory_space<vmem>> -> memref<528xf32, #tpu.memory_space<vmem>>
      %dma_wait3A_349 = tpu.memref_slice %arg2[%dma_wait3A_339, %min3A_112] : memref<12x50000xf32, #tpu.memory_space<hbm>> -> memref<1x528xf32, #tpu.memory_space<hbm>>
      %dma_wait3A_350 = tpu.memref_squeeze %dma_wait3A_349 : memref<1x528xf32, #tpu.memory_space<hbm>> -> memref<528xf32, #tpu.memory_space<hbm>>
      tpu.wait_dma2 semaphore(%arg22 : memref<!tpu.dma_semaphore, #tpu.memory_space<semaphore_mem>>) src(%dma_wait3A_350 : memref<528xf32, #tpu.memory_space<hbm>>) dst(%dma_wait3A_348 : memref<528xf32, #tpu.memory_space<vmem>>)
      %dma_wait3A_351 = arith.constant 8 : i32
      %dma_wait3A_352 = arith.constant 8 : i32
      %dma_wait3A_353 = arith.constant 0 : i32
      %dma_wait3A_354 = tpu.memref_slice %arg11[%dma_wait3A_352, %dma_wait3A_353] : memref<12x528xf32, #tpu.memory_space<vmem>> -> memref<1x528xf32, #tpu.memory_space<vmem>>
      %dma_wait3A_355 = tpu.memref_squeeze %dma_wait3A_354 : memref<1x528xf32, #tpu.memory_space<vmem>> -> memref<528xf32, #tpu.memory_space<vmem>>
      %dma_wait3A_356 = tpu.memref_slice %arg2[%dma_wait3A_351, %min3A_112] : memref<12x50000xf32, #tpu.memory_space<hbm>> -> memref<1x528xf32, #tpu.memory_space<hbm>>
      %dma_wait3A_357 = tpu.memref_squeeze %dma_wait3A_356 : memref<1x528xf32, #tpu.memory_space<hbm>> -> memref<528xf32, #tpu.memory_space<hbm>>
      %dma_wait3A_358 = arith.constant 0 : i32
      %dma_wait3A_359 = tpu.memref_slice %arg11[%dma_wait3A_352, %dma_wait3A_358] : memref<12x528xf32, #tpu.memory_space<vmem>> -> memref<1x528xf32, #tpu.memory_space<vmem>>
      %dma_wait3A_360 = tpu.memref_squeeze %dma_wait3A_359 : memref<1x528xf32, #tpu.memory_space<vmem>> -> memref<528xf32, #tpu.memory_space<vmem>>
      %dma_wait3A_361 = tpu.memref_slice %arg2[%dma_wait3A_351, %min3A_112] : memref<12x50000xf32, #tpu.memory_space<hbm>> -> memref<1x528xf32, #tpu.memory_space<hbm>>
      %dma_wait3A_362 = tpu.memref_squeeze %dma_wait3A_361 : memref<1x528xf32, #tpu.memory_space<hbm>> -> memref<528xf32, #tpu.memory_space<hbm>>
      tpu.wait_dma2 semaphore(%arg22 : memref<!tpu.dma_semaphore, #tpu.memory_space<semaphore_mem>>) src(%dma_wait3A_362 : memref<528xf32, #tpu.memory_space<hbm>>) dst(%dma_wait3A_360 : memref<528xf32, #tpu.memory_space<vmem>>)
      %dma_wait3A_363 = arith.constant 9 : i32
      %dma_wait3A_364 = arith.constant 9 : i32
      %dma_wait3A_365 = arith.constant 0 : i32
      %dma_wait3A_366 = tpu.memref_slice %arg11[%dma_wait3A_364, %dma_wait3A_365] : memref<12x528xf32, #tpu.memory_space<vmem>> -> memref<1x528xf32, #tpu.memory_space<vmem>>
      %dma_wait3A_367 = tpu.memref_squeeze %dma_wait3A_366 : memref<1x528xf32, #tpu.memory_space<vmem>> -> memref<528xf32, #tpu.memory_space<vmem>>
      %dma_wait3A_368 = tpu.memref_slice %arg2[%dma_wait3A_363, %min3A_112] : memref<12x50000xf32, #tpu.memory_space<hbm>> -> memref<1x528xf32, #tpu.memory_space<hbm>>
      %dma_wait3A_369 = tpu.memref_squeeze %dma_wait3A_368 : memref<1x528xf32, #tpu.memory_space<hbm>> -> memref<528xf32, #tpu.memory_space<hbm>>
      %dma_wait3A_370 = arith.constant 0 : i32
      %dma_wait3A_371 = tpu.memref_slice %arg11[%dma_wait3A_364, %dma_wait3A_370] : memref<12x528xf32, #tpu.memory_space<vmem>> -> memref<1x528xf32, #tpu.memory_space<vmem>>
      %dma_wait3A_372 = tpu.memref_squeeze %dma_wait3A_371 : memref<1x528xf32, #tpu.memory_space<vmem>> -> memref<528xf32, #tpu.memory_space<vmem>>
      %dma_wait3A_373 = tpu.memref_slice %arg2[%dma_wait3A_363, %min3A_112] : memref<12x50000xf32, #tpu.memory_space<hbm>> -> memref<1x528xf32, #tpu.memory_space<hbm>>
      %dma_wait3A_374 = tpu.memref_squeeze %dma_wait3A_373 : memref<1x528xf32, #tpu.memory_space<hbm>> -> memref<528xf32, #tpu.memory_space<hbm>>
      tpu.wait_dma2 semaphore(%arg22 : memref<!tpu.dma_semaphore, #tpu.memory_space<semaphore_mem>>) src(%dma_wait3A_374 : memref<528xf32, #tpu.memory_space<hbm>>) dst(%dma_wait3A_372 : memref<528xf32, #tpu.memory_space<vmem>>)
      %dma_wait3A_375 = arith.constant 10 : i32
      %dma_wait3A_376 = arith.constant 10 : i32
      %dma_wait3A_377 = arith.constant 0 : i32
      %dma_wait3A_378 = tpu.memref_slice %arg11[%dma_wait3A_376, %dma_wait3A_377] : memref<12x528xf32, #tpu.memory_space<vmem>> -> memref<1x528xf32, #tpu.memory_space<vmem>>
      %dma_wait3A_379 = tpu.memref_squeeze %dma_wait3A_378 : memref<1x528xf32, #tpu.memory_space<vmem>> -> memref<528xf32, #tpu.memory_space<vmem>>
      %dma_wait3A_380 = tpu.memref_slice %arg2[%dma_wait3A_375, %min3A_112] : memref<12x50000xf32, #tpu.memory_space<hbm>> -> memref<1x528xf32, #tpu.memory_space<hbm>>
      %dma_wait3A_381 = tpu.memref_squeeze %dma_wait3A_380 : memref<1x528xf32, #tpu.memory_space<hbm>> -> memref<528xf32, #tpu.memory_space<hbm>>
      %dma_wait3A_382 = arith.constant 0 : i32
      %dma_wait3A_383 = tpu.memref_slice %arg11[%dma_wait3A_376, %dma_wait3A_382] : memref<12x528xf32, #tpu.memory_space<vmem>> -> memref<1x528xf32, #tpu.memory_space<vmem>>
      %dma_wait3A_384 = tpu.memref_squeeze %dma_wait3A_383 : memref<1x528xf32, #tpu.memory_space<vmem>> -> memref<528xf32, #tpu.memory_space<vmem>>
      %dma_wait3A_385 = tpu.memref_slice %arg2[%dma_wait3A_375, %min3A_112] : memref<12x50000xf32, #tpu.memory_space<hbm>> -> memref<1x528xf32, #tpu.memory_space<hbm>>
      %dma_wait3A_386 = tpu.memref_squeeze %dma_wait3A_385 : memref<1x528xf32, #tpu.memory_space<hbm>> -> memref<528xf32, #tpu.memory_space<hbm>>
      tpu.wait_dma2 semaphore(%arg22 : memref<!tpu.dma_semaphore, #tpu.memory_space<semaphore_mem>>) src(%dma_wait3A_386 : memref<528xf32, #tpu.memory_space<hbm>>) dst(%dma_wait3A_384 : memref<528xf32, #tpu.memory_space<vmem>>)
      %dma_wait3A_387 = arith.constant 11 : i32
      %dma_wait3A_388 = arith.constant 11 : i32
      %dma_wait3A_389 = arith.constant 0 : i32
      %dma_wait3A_390 = tpu.memref_slice %arg11[%dma_wait3A_388, %dma_wait3A_389] : memref<12x528xf32, #tpu.memory_space<vmem>> -> memref<1x528xf32, #tpu.memory_space<vmem>>
      %dma_wait3A_391 = tpu.memref_squeeze %dma_wait3A_390 : memref<1x528xf32, #tpu.memory_space<vmem>> -> memref<528xf32, #tpu.memory_space<vmem>>
      %dma_wait3A_392 = tpu.memref_slice %arg2[%dma_wait3A_387, %min3A_112] : memref<12x50000xf32, #tpu.memory_space<hbm>> -> memref<1x528xf32, #tpu.memory_space<hbm>>
      %dma_wait3A_393 = tpu.memref_squeeze %dma_wait3A_392 : memref<1x528xf32, #tpu.memory_space<hbm>> -> memref<528xf32, #tpu.memory_space<hbm>>
      %dma_wait3A_394 = arith.constant 0 : i32
      %dma_wait3A_395 = tpu.memref_slice %arg11[%dma_wait3A_388, %dma_wait3A_394] : memref<12x528xf32, #tpu.memory_space<vmem>> -> memref<1x528xf32, #tpu.memory_space<vmem>>
      %dma_wait3A_396 = tpu.memref_squeeze %dma_wait3A_395 : memref<1x528xf32, #tpu.memory_space<vmem>> -> memref<528xf32, #tpu.memory_space<vmem>>
      %dma_wait3A_397 = tpu.memref_slice %arg2[%dma_wait3A_387, %min3A_112] : memref<12x50000xf32, #tpu.memory_space<hbm>> -> memref<1x528xf32, #tpu.memory_space<hbm>>
      %dma_wait3A_398 = tpu.memref_squeeze %dma_wait3A_397 : memref<1x528xf32, #tpu.memory_space<hbm>> -> memref<528xf32, #tpu.memory_space<hbm>>
      tpu.wait_dma2 semaphore(%arg22 : memref<!tpu.dma_semaphore, #tpu.memory_space<semaphore_mem>>) src(%dma_wait3A_398 : memref<528xf32, #tpu.memory_space<hbm>>) dst(%dma_wait3A_396 : memref<528xf32, #tpu.memory_space<vmem>>)
      %scan3A = arith.constant 0 : i32
      %scan3A_399 = arith.constant 0 : i32
      %scan3A_400 = arith.constant 33 : i32
      %scan3A_401 = arith.addi %scan3A_399, %scan3A_400 : i32
      %scan3A_402 = arith.constant 1 : i32
      scf.for %scan3A_404 = %scan3A_399 to %scan3A_401 step %scan3A_402  : i32 {
        %mul3A_405 = arith.constant 16 : i32
        %mul3A_406 = arith.muli %scan3A_404, %mul3A_405 : i32
        %add3A_407 = vector.broadcast %mul3A_406 : i32 to vector<16xi32>
        %add3A_408 = arith.addi %add3A_407, %iota3A : vector<16xi32>
        %mul3A_409 = arith.constant 16 : i32
        %mul3A_410 = arith.muli %scan3A_404, %mul3A_409 : i32
        %get3A = arith.constant 0 : i32
        %get3A_411 = arith.index_cast %get3A : i32 to index
        %get3A_412 = arith.index_cast %mul3A_410 : i32 to index
        %get3A_413 = tpu.vector_load %arg11[%get3A_411, %get3A_412] {strides = array<i32>} : memref<12x528xf32, #tpu.memory_space<vmem>>, vector<16xf32>,
        %broadcast_in_dim3A = arith.constant 0 : i32
        %broadcast_in_dim3A_414 = vector.broadcast %broadcast_in_dim3A : i32 to vector<16xi32>
        tpu.vector_store_idx %arg12[%add3A_408, %broadcast_in_dim3A_414], %get3A_413 : memref<528x16xf32, #tpu.memory_space<vmem>>[vector<16xi32>, vector<16xi32>], vector<16xf32>,
        %mul3A_415 = arith.constant 16 : i32
        %mul3A_416 = arith.muli %scan3A_404, %mul3A_415 : i32
        %get3A_417 = arith.constant 1 : i32
        %get3A_418 = arith.index_cast %get3A_417 : i32 to index
        %get3A_419 = arith.index_cast %mul3A_416 : i32 to index
        %get3A_420 = tpu.vector_load %arg11[%get3A_418, %get3A_419] {strides = array<i32>} : memref<12x528xf32, #tpu.memory_space<vmem>>, vector<16xf32>,
        %broadcast_in_dim3A_421 = arith.constant 3 : i32
        %broadcast_in_dim3A_422 = vector.broadcast %broadcast_in_dim3A_421 : i32 to vector<16xi32>
        tpu.vector_store_idx %arg12[%add3A_408, %broadcast_in_dim3A_422], %get3A_420 : memref<528x16xf32, #tpu.memory_space<vmem>>[vector<16xi32>, vector<16xi32>], vector<16xf32>,
        %mul3A_423 = arith.constant 16 : i32
        %mul3A_424 = arith.muli %scan3A_404, %mul3A_423 : i32
        %get3A_425 = arith.constant 2 : i32
        %get3A_426 = arith.index_cast %get3A_425 : i32 to index
        %get3A_427 = arith.index_cast %mul3A_424 : i32 to index
        %get3A_428 = tpu.vector_load %arg11[%get3A_426, %get3A_427] {strides = array<i32>} : memref<12x528xf32, #tpu.memory_space<vmem>>, vector<16xf32>,
        %broadcast_in_dim3A_429 = arith.constant 6 : i32
        %broadcast_in_dim3A_430 = vector.broadcast %broadcast_in_dim3A_429 : i32 to vector<16xi32>
        tpu.vector_store_idx %arg12[%add3A_408, %broadcast_in_dim3A_430], %get3A_428 : memref<528x16xf32, #tpu.memory_space<vmem>>[vector<16xi32>, vector<16xi32>], vector<16xf32>,
        %mul3A_431 = arith.constant 16 : i32
        %mul3A_432 = arith.muli %scan3A_404, %mul3A_431 : i32
        %get3A_433 = arith.constant 3 : i32
        %get3A_434 = arith.index_cast %get3A_433 : i32 to index
        %get3A_435 = arith.index_cast %mul3A_432 : i32 to index
        %get3A_436 = tpu.vector_load %arg11[%get3A_434, %get3A_435] {strides = array<i32>} : memref<12x528xf32, #tpu.memory_space<vmem>>, vector<16xf32>,
        %broadcast_in_dim3A_437 = arith.constant 9 : i32
        %broadcast_in_dim3A_438 = vector.broadcast %broadcast_in_dim3A_437 : i32 to vector<16xi32>
        tpu.vector_store_idx %arg12[%add3A_408, %broadcast_in_dim3A_438], %get3A_436 : memref<528x16xf32, #tpu.memory_space<vmem>>[vector<16xi32>, vector<16xi32>], vector<16xf32>,
        %mul3A_439 = arith.constant 16 : i32
        %mul3A_440 = arith.muli %scan3A_404, %mul3A_439 : i32
        %get3A_441 = arith.constant 4 : i32
        %get3A_442 = arith.index_cast %get3A_441 : i32 to index
        %get3A_443 = arith.index_cast %mul3A_440 : i32 to index
        %get3A_444 = tpu.vector_load %arg11[%get3A_442, %get3A_443] {strides = array<i32>} : memref<12x528xf32, #tpu.memory_space<vmem>>, vector<16xf32>,
        %broadcast_in_dim3A_445 = arith.constant 1 : i32
        %broadcast_in_dim3A_446 = vector.broadcast %broadcast_in_dim3A_445 : i32 to vector<16xi32>
        tpu.vector_store_idx %arg12[%add3A_408, %broadcast_in_dim3A_446], %get3A_444 : memref<528x16xf32, #tpu.memory_space<vmem>>[vector<16xi32>, vector<16xi32>], vector<16xf32>,
        %mul3A_447 = arith.constant 16 : i32
        %mul3A_448 = arith.muli %scan3A_404, %mul3A_447 : i32
        %get3A_449 = arith.constant 5 : i32
        %get3A_450 = arith.index_cast %get3A_449 : i32 to index
        %get3A_451 = arith.index_cast %mul3A_448 : i32 to index
        %get3A_452 = tpu.vector_load %arg11[%get3A_450, %get3A_451] {strides = array<i32>} : memref<12x528xf32, #tpu.memory_space<vmem>>, vector<16xf32>,
        %broadcast_in_dim3A_453 = arith.constant 4 : i32
        %broadcast_in_dim3A_454 = vector.broadcast %broadcast_in_dim3A_453 : i32 to vector<16xi32>
        tpu.vector_store_idx %arg12[%add3A_408, %broadcast_in_dim3A_454], %get3A_452 : memref<528x16xf32, #tpu.memory_space<vmem>>[vector<16xi32>, vector<16xi32>], vector<16xf32>,
        %mul3A_455 = arith.constant 16 : i32
        %mul3A_456 = arith.muli %scan3A_404, %mul3A_455 : i32
        %get3A_457 = arith.constant 6 : i32
        %get3A_458 = arith.index_cast %get3A_457 : i32 to index
        %get3A_459 = arith.index_cast %mul3A_456 : i32 to index
        %get3A_460 = tpu.vector_load %arg11[%get3A_458, %get3A_459] {strides = array<i32>} : memref<12x528xf32, #tpu.memory_space<vmem>>, vector<16xf32>,
        %broadcast_in_dim3A_461 = arith.constant 7 : i32
        %broadcast_in_dim3A_462 = vector.broadcast %broadcast_in_dim3A_461 : i32 to vector<16xi32>
        tpu.vector_store_idx %arg12[%add3A_408, %broadcast_in_dim3A_462], %get3A_460 : memref<528x16xf32, #tpu.memory_space<vmem>>[vector<16xi32>, vector<16xi32>], vector<16xf32>,
        %mul3A_463 = arith.constant 16 : i32
        %mul3A_464 = arith.muli %scan3A_404, %mul3A_463 : i32
        %get3A_465 = arith.constant 7 : i32
        %get3A_466 = arith.index_cast %get3A_465 : i32 to index
        %get3A_467 = arith.index_cast %mul3A_464 : i32 to index
        %get3A_468 = tpu.vector_load %arg11[%get3A_466, %get3A_467] {strides = array<i32>} : memref<12x528xf32, #tpu.memory_space<vmem>>, vector<16xf32>,
        %broadcast_in_dim3A_469 = arith.constant 10 : i32
        %broadcast_in_dim3A_470 = vector.broadcast %broadcast_in_dim3A_469 : i32 to vector<16xi32>
        tpu.vector_store_idx %arg12[%add3A_408, %broadcast_in_dim3A_470], %get3A_468 : memref<528x16xf32, #tpu.memory_space<vmem>>[vector<16xi32>, vector<16xi32>], vector<16xf32>,
        %mul3A_471 = arith.constant 16 : i32
        %mul3A_472 = arith.muli %scan3A_404, %mul3A_471 : i32
        %get3A_473 = arith.constant 8 : i32
        %get3A_474 = arith.index_cast %get3A_473 : i32 to index
        %get3A_475 = arith.index_cast %mul3A_472 : i32 to index
        %get3A_476 = tpu.vector_load %arg11[%get3A_474, %get3A_475] {strides = array<i32>} : memref<12x528xf32, #tpu.memory_space<vmem>>, vector<16xf32>,
        %broadcast_in_dim3A_477 = arith.constant 2 : i32
        %broadcast_in_dim3A_478 = vector.broadcast %broadcast_in_dim3A_477 : i32 to vector<16xi32>
        tpu.vector_store_idx %arg12[%add3A_408, %broadcast_in_dim3A_478], %get3A_476 : memref<528x16xf32, #tpu.memory_space<vmem>>[vector<16xi32>, vector<16xi32>], vector<16xf32>,
        %mul3A_479 = arith.constant 16 : i32
        %mul3A_480 = arith.muli %scan3A_404, %mul3A_479 : i32
        %get3A_481 = arith.constant 9 : i32
        %get3A_482 = arith.index_cast %get3A_481 : i32 to index
        %get3A_483 = arith.index_cast %mul3A_480 : i32 to index
        %get3A_484 = tpu.vector_load %arg11[%get3A_482, %get3A_483] {strides = array<i32>} : memref<12x528xf32, #tpu.memory_space<vmem>>, vector<16xf32>,
        %broadcast_in_dim3A_485 = arith.constant 5 : i32
        %broadcast_in_dim3A_486 = vector.broadcast %broadcast_in_dim3A_485 : i32 to vector<16xi32>
        tpu.vector_store_idx %arg12[%add3A_408, %broadcast_in_dim3A_486], %get3A_484 : memref<528x16xf32, #tpu.memory_space<vmem>>[vector<16xi32>, vector<16xi32>], vector<16xf32>,
        %mul3A_487 = arith.constant 16 : i32
        %mul3A_488 = arith.muli %scan3A_404, %mul3A_487 : i32
        %get3A_489 = arith.constant 10 : i32
        %get3A_490 = arith.index_cast %get3A_489 : i32 to index
        %get3A_491 = arith.index_cast %mul3A_488 : i32 to index
        %get3A_492 = tpu.vector_load %arg11[%get3A_490, %get3A_491] {strides = array<i32>} : memref<12x528xf32, #tpu.memory_space<vmem>>, vector<16xf32>,
        %broadcast_in_dim3A_493 = arith.constant 8 : i32
        %broadcast_in_dim3A_494 = vector.broadcast %broadcast_in_dim3A_493 : i32 to vector<16xi32>
        tpu.vector_store_idx %arg12[%add3A_408, %broadcast_in_dim3A_494], %get3A_492 : memref<528x16xf32, #tpu.memory_space<vmem>>[vector<16xi32>, vector<16xi32>], vector<16xf32>,
        %mul3A_495 = arith.constant 16 : i32
        %mul3A_496 = arith.muli %scan3A_404, %mul3A_495 : i32
        %get3A_497 = arith.constant 11 : i32
        %get3A_498 = arith.index_cast %get3A_497 : i32 to index
        %get3A_499 = arith.index_cast %mul3A_496 : i32 to index
        %get3A_500 = tpu.vector_load %arg11[%get3A_498, %get3A_499] {strides = array<i32>} : memref<12x528xf32, #tpu.memory_space<vmem>>, vector<16xf32>,
        %broadcast_in_dim3A_501 = arith.constant 11 : i32
        %broadcast_in_dim3A_502 = vector.broadcast %broadcast_in_dim3A_501 : i32 to vector<16xi32>
        tpu.vector_store_idx %arg12[%add3A_408, %broadcast_in_dim3A_502], %get3A_500 : memref<528x16xf32, #tpu.memory_space<vmem>>[vector<16xi32>, vector<16xi32>], vector<16xf32>,
      }
      %scan3A_403 = arith.constant 33 : i32
      "tpu.region"() ({
        %run_scoped3A = tpu.sem_alloc : memref<!tpu.dma_semaphore, #tpu.memory_space<semaphore_mem>>
        %dma_start3A_404 = arith.constant 0 : i32
        %dma_start3A_405 = tpu.memref_slice %arg7[%min3A_112, %dma_start3A_404] : memref<50000x16xf32, #tpu.memory_space<vmem_shared>> -> memref<528x16xf32, #tpu.memory_space<vmem_shared>>
        %dma_start3A_406 = arith.constant 0 : i32
        %dma_start3A_407 = tpu.memref_slice %arg7[%min3A_112, %dma_start3A_406] : memref<50000x16xf32, #tpu.memory_space<vmem_shared>> -> memref<528x16xf32, #tpu.memory_space<vmem_shared>>
        tpu.enqueue_dma source(%arg12 : memref<528x16xf32, #tpu.memory_space<vmem>>) target(%dma_start3A_407 : memref<528x16xf32, #tpu.memory_space<vmem_shared>>) target_semaphore(%run_scoped3A : memref<!tpu.dma_semaphore, #tpu.memory_space<semaphore_mem>>)
        %dma_wait3A_408 = arith.constant 0 : i32
        %dma_wait3A_409 = tpu.memref_slice %arg7[%min3A_112, %dma_wait3A_408] : memref<50000x16xf32, #tpu.memory_space<vmem_shared>> -> memref<528x16xf32, #tpu.memory_space<vmem_shared>>
        %dma_wait3A_410 = arith.constant 0 : i32
        %dma_wait3A_411 = tpu.memref_slice %arg7[%min3A_112, %dma_wait3A_410] : memref<50000x16xf32, #tpu.memory_space<vmem_shared>> -> memref<528x16xf32, #tpu.memory_space<vmem_shared>>
        tpu.wait_dma2 semaphore(%run_scoped3A : memref<!tpu.dma_semaphore, #tpu.memory_space<semaphore_mem>>) src(%arg12 : memref<528x16xf32, #tpu.memory_space<vmem>>) dst(%dma_wait3A_411 : memref<528x16xf32, #tpu.memory_space<vmem_shared>>)
        tpu.yield
      }) : () -> ()
    }
    %while3A_29 = arith.constant 1 : i32
    scf.for %while3A_106 = %while3A_27 to %while3A_23 step %while3A_29  : i32 {
      %mul3A_107 = arith.constant 16 : i32
      %mul3A_108 = arith.muli %while3A_106, %mul3A_107 : i32
      %add3A_109 = arith.addi %arg1, %mul3A_108 : i32
      %mul3A_110 = arith.constant 528 : i32
      %mul3A_111 = arith.muli %add3A_109, %mul3A_110 : i32
      %min3A = arith.constant 49472 : i32
      %min3A_112 = arith.minsi %mul3A_111, %min3A : i32
      %dma_start3A = arith.constant 0 : i32
      %dma_start3A_113 = arith.constant 0 : i32
      %dma_start3A_114 = arith.constant 0 : i32
      %dma_start3A_115 = tpu.memref_slice %arg11[%dma_start3A_113, %dma_start3A_114] : memref<12x528xf32, #tpu.memory_space<vmem>> -> memref<1x528xf32, #tpu.memory_space<vmem>>
      %dma_start3A_116 = tpu.memref_squeeze %dma_start3A_115 : memref<1x528xf32, #tpu.memory_space<vmem>> -> memref<528xf32, #tpu.memory_space<vmem>>
      %dma_start3A_117 = tpu.memref_slice %arg2[%dma_start3A, %min3A_112] : memref<12x50000xf32, #tpu.memory_space<hbm>> -> memref<1x528xf32, #tpu.memory_space<hbm>>
      %dma_start3A_118 = tpu.memref_squeeze %dma_start3A_117 : memref<1x528xf32, #tpu.memory_space<hbm>> -> memref<528xf32, #tpu.memory_space<hbm>>
      %dma_start3A_119 = arith.constant 0 : i32
      %dma_start3A_120 = tpu.memref_slice %arg11[%dma_start3A_113, %dma_start3A_119] : memref<12x528xf32, #tpu.memory_space<vmem>> -> memref<1x528xf32, #tpu.memory_space<vmem>>
      %dma_start3A_121 = tpu.memref_squeeze %dma_start3A_120 : memref<1x528xf32, #tpu.memory_space<vmem>> -> memref<528xf32, #tpu.memory_space<vmem>>
      %dma_start3A_122 = tpu.memref_slice %arg2[%dma_start3A, %min3A_112] : memref<12x50000xf32, #tpu.memory_space<hbm>> -> memref<1x528xf32, #tpu.memory_space<hbm>>
      %dma_start3A_123 = tpu.memref_squeeze %dma_start3A_122 : memref<1x528xf32, #tpu.memory_space<hbm>> -> memref<528xf32, #tpu.memory_space<hbm>>
      tpu.enqueue_dma source(%dma_start3A_123 : memref<528xf32, #tpu.memory_space<hbm>>) target(%dma_start3A_121 : memref<528xf32, #tpu.memory_space<vmem>>) target_semaphore(%arg22 : memref<!tpu.dma_semaphore, #tpu.memory_space<semaphore_mem>>)
      %dma_start3A_124 = arith.constant 1 : i32
      %dma_start3A_125 = arith.constant 1 : i32
      %dma_start3A_126 = arith.constant 0 : i32
      %dma_start3A_127 = tpu.memref_slice %arg11[%dma_start3A_125, %dma_start3A_126] : memref<12x528xf32, #tpu.memory_space<vmem>> -> memref<1x528xf32, #tpu.memory_space<vmem>>
      %dma_start3A_128 = tpu.memref_squeeze %dma_start3A_127 : memref<1x528xf32, #tpu.memory_space<vmem>> -> memref<528xf32, #tpu.memory_space<vmem>>
      %dma_start3A_129 = tpu.memref_slice %arg2[%dma_start3A_124, %min3A_112] : memref<12x50000xf32, #tpu.memory_space<hbm>> -> memref<1x528xf32, #tpu.memory_space<hbm>>
      %dma_start3A_130 = tpu.memref_squeeze %dma_start3A_129 : memref<1x528xf32, #tpu.memory_space<hbm>> -> memref<528xf32, #tpu.memory_space<hbm>>
      %dma_start3A_131 = arith.constant 0 : i32
      %dma_start3A_132 = tpu.memref_slice %arg11[%dma_start3A_125, %dma_start3A_131] : memref<12x528xf32, #tpu.memory_space<vmem>> -> memref<1x528xf32, #tpu.memory_space<vmem>>
      %dma_start3A_133 = tpu.memref_squeeze %dma_start3A_132 : memref<1x528xf32, #tpu.memory_space<vmem>> -> memref<528xf32, #tpu.memory_space<vmem>>
      %dma_start3A_134 = tpu.memref_slice %arg2[%dma_start3A_124, %min3A_112] : memref<12x50000xf32, #tpu.memory_space<hbm>> -> memref<1x528xf32, #tpu.memory_space<hbm>>
      %dma_start3A_135 = tpu.memref_squeeze %dma_start3A_134 : memref<1x528xf32, #tpu.memory_space<hbm>> -> memref<528xf32, #tpu.memory_space<hbm>>
      tpu.enqueue_dma source(%dma_start3A_135 : memref<528xf32, #tpu.memory_space<hbm>>) target(%dma_start3A_133 : memref<528xf32, #tpu.memory_space<vmem>>) target_semaphore(%arg22 : memref<!tpu.dma_semaphore, #tpu.memory_space<semaphore_mem>>)
      %dma_start3A_136 = arith.constant 2 : i32
      %dma_start3A_137 = arith.constant 2 : i32
      %dma_start3A_138 = arith.constant 0 : i32
      %dma_start3A_139 = tpu.memref_slice %arg11[%dma_start3A_137, %dma_start3A_138] : memref<12x528xf32, #tpu.memory_space<vmem>> -> memref<1x528xf32, #tpu.memory_space<vmem>>
      %dma_start3A_140 = tpu.memref_squeeze %dma_start3A_139 : memref<1x528xf32, #tpu.memory_space<vmem>> -> memref<528xf32, #tpu.memory_space<vmem>>
      %dma_start3A_141 = tpu.memref_slice %arg2[%dma_start3A_136, %min3A_112] : memref<12x50000xf32, #tpu.memory_space<hbm>> -> memref<1x528xf32, #tpu.memory_space<hbm>>
      %dma_start3A_142 = tpu.memref_squeeze %dma_start3A_141 : memref<1x528xf32, #tpu.memory_space<hbm>> -> memref<528xf32, #tpu.memory_space<hbm>>
      %dma_start3A_143 = arith.constant 0 : i32
      %dma_start3A_144 = tpu.memref_slice %arg11[%dma_start3A_137, %dma_start3A_143] : memref<12x528xf32, #tpu.memory_space<vmem>> -> memref<1x528xf32, #tpu.memory_space<vmem>>
      %dma_start3A_145 = tpu.memref_squeeze %dma_start3A_144 : memref<1x528xf32, #tpu.memory_space<vmem>> -> memref<528xf32, #tpu.memory_space<vmem>>
      %dma_start3A_146 = tpu.memref_slice %arg2[%dma_start3A_136, %min3A_112] : memref<12x50000xf32, #tpu.memory_space<hbm>> -> memref<1x528xf32, #tpu.memory_space<hbm>>
      %dma_start3A_147 = tpu.memref_squeeze %dma_start3A_146 : memref<1x528xf32, #tpu.memory_space<hbm>> -> memref<528xf32, #tpu.memory_space<hbm>>
      tpu.enqueue_dma source(%dma_start3A_147 : memref<528xf32, #tpu.memory_space<hbm>>) target(%dma_start3A_145 : memref<528xf32, #tpu.memory_space<vmem>>) target_semaphore(%arg22 : memref<!tpu.dma_semaphore, #tpu.memory_space<semaphore_mem>>)
      %dma_start3A_148 = arith.constant 3 : i32
      %dma_start3A_149 = arith.constant 3 : i32
      %dma_start3A_150 = arith.constant 0 : i32
      %dma_start3A_151 = tpu.memref_slice %arg11[%dma_start3A_149, %dma_start3A_150] : memref<12x528xf32, #tpu.memory_space<vmem>> -> memref<1x528xf32, #tpu.memory_space<vmem>>
      %dma_start3A_152 = tpu.memref_squeeze %dma_start3A_151 : memref<1x528xf32, #tpu.memory_space<vmem>> -> memref<528xf32, #tpu.memory_space<vmem>>
      %dma_start3A_153 = tpu.memref_slice %arg2[%dma_start3A_148, %min3A_112] : memref<12x50000xf32, #tpu.memory_space<hbm>> -> memref<1x528xf32, #tpu.memory_space<hbm>>
      %dma_start3A_154 = tpu.memref_squeeze %dma_start3A_153 : memref<1x528xf32, #tpu.memory_space<hbm>> -> memref<528xf32, #tpu.memory_space<hbm>>
      %dma_start3A_155 = arith.constant 0 : i32
      %dma_start3A_156 = tpu.memref_slice %arg11[%dma_start3A_149, %dma_start3A_155] : memref<12x528xf32, #tpu.memory_space<vmem>> -> memref<1x528xf32, #tpu.memory_space<vmem>>
      %dma_start3A_157 = tpu.memref_squeeze %dma_start3A_156 : memref<1x528xf32, #tpu.memory_space<vmem>> -> memref<528xf32, #tpu.memory_space<vmem>>
      %dma_start3A_158 = tpu.memref_slice %arg2[%dma_start3A_148, %min3A_112] : memref<12x50000xf32, #tpu.memory_space<hbm>> -> memref<1x528xf32, #tpu.memory_space<hbm>>
      %dma_start3A_159 = tpu.memref_squeeze %dma_start3A_158 : memref<1x528xf32, #tpu.memory_space<hbm>> -> memref<528xf32, #tpu.memory_space<hbm>>
      tpu.enqueue_dma source(%dma_start3A_159 : memref<528xf32, #tpu.memory_space<hbm>>) target(%dma_start3A_157 : memref<528xf32, #tpu.memory_space<vmem>>) target_semaphore(%arg22 : memref<!tpu.dma_semaphore, #tpu.memory_space<semaphore_mem>>)
      %dma_start3A_160 = arith.constant 4 : i32
      %dma_start3A_161 = arith.constant 4 : i32
      %dma_start3A_162 = arith.constant 0 : i32
      %dma_start3A_163 = tpu.memref_slice %arg11[%dma_start3A_161, %dma_start3A_162] : memref<12x528xf32, #tpu.memory_space<vmem>> -> memref<1x528xf32, #tpu.memory_space<vmem>>
      %dma_start3A_164 = tpu.memref_squeeze %dma_start3A_163 : memref<1x528xf32, #tpu.memory_space<vmem>> -> memref<528xf32, #tpu.memory_space<vmem>>
      %dma_start3A_165 = tpu.memref_slice %arg2[%dma_start3A_160, %min3A_112] : memref<12x50000xf32, #tpu.memory_space<hbm>> -> memref<1x528xf32, #tpu.memory_space<hbm>>
      %dma_start3A_166 = tpu.memref_squeeze %dma_start3A_165 : memref<1x528xf32, #tpu.memory_space<hbm>> -> memref<528xf32, #tpu.memory_space<hbm>>
      %dma_start3A_167 = arith.constant 0 : i32
      %dma_start3A_168 = tpu.memref_slice %arg11[%dma_start3A_161, %dma_start3A_167] : memref<12x528xf32, #tpu.memory_space<vmem>> -> memref<1x528xf32, #tpu.memory_space<vmem>>
      %dma_start3A_169 = tpu.memref_squeeze %dma_start3A_168 : memref<1x528xf32, #tpu.memory_space<vmem>> -> memref<528xf32, #tpu.memory_space<vmem>>
      %dma_start3A_170 = tpu.memref_slice %arg2[%dma_start3A_160, %min3A_112] : memref<12x50000xf32, #tpu.memory_space<hbm>> -> memref<1x528xf32, #tpu.memory_space<hbm>>
      %dma_start3A_171 = tpu.memref_squeeze %dma_start3A_170 : memref<1x528xf32, #tpu.memory_space<hbm>> -> memref<528xf32, #tpu.memory_space<hbm>>
      tpu.enqueue_dma source(%dma_start3A_171 : memref<528xf32, #tpu.memory_space<hbm>>) target(%dma_start3A_169 : memref<528xf32, #tpu.memory_space<vmem>>) target_semaphore(%arg22 : memref<!tpu.dma_semaphore, #tpu.memory_space<semaphore_mem>>)
      %dma_start3A_172 = arith.constant 5 : i32
      %dma_start3A_173 = arith.constant 5 : i32
      %dma_start3A_174 = arith.constant 0 : i32
      %dma_start3A_175 = tpu.memref_slice %arg11[%dma_start3A_173, %dma_start3A_174] : memref<12x528xf32, #tpu.memory_space<vmem>> -> memref<1x528xf32, #tpu.memory_space<vmem>>
      %dma_start3A_176 = tpu.memref_squeeze %dma_start3A_175 : memref<1x528xf32, #tpu.memory_space<vmem>> -> memref<528xf32, #tpu.memory_space<vmem>>
      %dma_start3A_177 = tpu.memref_slice %arg2[%dma_start3A_172, %min3A_112] : memref<12x50000xf32, #tpu.memory_space<hbm>> -> memref<1x528xf32, #tpu.memory_space<hbm>>
      %dma_start3A_178 = tpu.memref_squeeze %dma_start3A_177 : memref<1x528xf32, #tpu.memory_space<hbm>> -> memref<528xf32, #tpu.memory_space<hbm>>
      %dma_start3A_179 = arith.constant 0 : i32
      %dma_start3A_180 = tpu.memref_slice %arg11[%dma_start3A_173, %dma_start3A_179] : memref<12x528xf32, #tpu.memory_space<vmem>> -> memref<1x528xf32, #tpu.memory_space<vmem>>
      %dma_start3A_181 = tpu.memref_squeeze %dma_start3A_180 : memref<1x528xf32, #tpu.memory_space<vmem>> -> memref<528xf32, #tpu.memory_space<vmem>>
      %dma_start3A_182 = tpu.memref_slice %arg2[%dma_start3A_172, %min3A_112] : memref<12x50000xf32, #tpu.memory_space<hbm>> -> memref<1x528xf32, #tpu.memory_space<hbm>>
      %dma_start3A_183 = tpu.memref_squeeze %dma_start3A_182 : memref<1x528xf32, #tpu.memory_space<hbm>> -> memref<528xf32, #tpu.memory_space<hbm>>
      tpu.enqueue_dma source(%dma_start3A_183 : memref<528xf32, #tpu.memory_space<hbm>>) target(%dma_start3A_181 : memref<528xf32, #tpu.memory_space<vmem>>) target_semaphore(%arg22 : memref<!tpu.dma_semaphore, #tpu.memory_space<semaphore_mem>>)
      %dma_start3A_184 = arith.constant 6 : i32
      %dma_start3A_185 = arith.constant 6 : i32
      %dma_start3A_186 = arith.constant 0 : i32
      %dma_start3A_187 = tpu.memref_slice %arg11[%dma_start3A_185, %dma_start3A_186] : memref<12x528xf32, #tpu.memory_space<vmem>> -> memref<1x528xf32, #tpu.memory_space<vmem>>
      %dma_start3A_188 = tpu.memref_squeeze %dma_start3A_187 : memref<1x528xf32, #tpu.memory_space<vmem>> -> memref<528xf32, #tpu.memory_space<vmem>>
      %dma_start3A_189 = tpu.memref_slice %arg2[%dma_start3A_184, %min3A_112] : memref<12x50000xf32, #tpu.memory_space<hbm>> -> memref<1x528xf32, #tpu.memory_space<hbm>>
      %dma_start3A_190 = tpu.memref_squeeze %dma_start3A_189 : memref<1x528xf32, #tpu.memory_space<hbm>> -> memref<528xf32, #tpu.memory_space<hbm>>
      %dma_start3A_191 = arith.constant 0 : i32
      %dma_start3A_192 = tpu.memref_slice %arg11[%dma_start3A_185, %dma_start3A_191] : memref<12x528xf32, #tpu.memory_space<vmem>> -> memref<1x528xf32, #tpu.memory_space<vmem>>
      %dma_start3A_193 = tpu.memref_squeeze %dma_start3A_192 : memref<1x528xf32, #tpu.memory_space<vmem>> -> memref<528xf32, #tpu.memory_space<vmem>>
      %dma_start3A_194 = tpu.memref_slice %arg2[%dma_start3A_184, %min3A_112] : memref<12x50000xf32, #tpu.memory_space<hbm>> -> memref<1x528xf32, #tpu.memory_space<hbm>>
      %dma_start3A_195 = tpu.memref_squeeze %dma_start3A_194 : memref<1x528xf32, #tpu.memory_space<hbm>> -> memref<528xf32, #tpu.memory_space<hbm>>
      tpu.enqueue_dma source(%dma_start3A_195 : memref<528xf32, #tpu.memory_space<hbm>>) target(%dma_start3A_193 : memref<528xf32, #tpu.memory_space<vmem>>) target_semaphore(%arg22 : memref<!tpu.dma_semaphore, #tpu.memory_space<semaphore_mem>>)
      %dma_start3A_196 = arith.constant 7 : i32
      %dma_start3A_197 = arith.constant 7 : i32
      %dma_start3A_198 = arith.constant 0 : i32
      %dma_start3A_199 = tpu.memref_slice %arg11[%dma_start3A_197, %dma_start3A_198] : memref<12x528xf32, #tpu.memory_space<vmem>> -> memref<1x528xf32, #tpu.memory_space<vmem>>
      %dma_start3A_200 = tpu.memref_squeeze %dma_start3A_199 : memref<1x528xf32, #tpu.memory_space<vmem>> -> memref<528xf32, #tpu.memory_space<vmem>>
      %dma_start3A_201 = tpu.memref_slice %arg2[%dma_start3A_196, %min3A_112] : memref<12x50000xf32, #tpu.memory_space<hbm>> -> memref<1x528xf32, #tpu.memory_space<hbm>>
      %dma_start3A_202 = tpu.memref_squeeze %dma_start3A_201 : memref<1x528xf32, #tpu.memory_space<hbm>> -> memref<528xf32, #tpu.memory_space<hbm>>
      %dma_start3A_203 = arith.constant 0 : i32
      %dma_start3A_204 = tpu.memref_slice %arg11[%dma_start3A_197, %dma_start3A_203] : memref<12x528xf32, #tpu.memory_space<vmem>> -> memref<1x528xf32, #tpu.memory_space<vmem>>
      %dma_start3A_205 = tpu.memref_squeeze %dma_start3A_204 : memref<1x528xf32, #tpu.memory_space<vmem>> -> memref<528xf32, #tpu.memory_space<vmem>>
      %dma_start3A_206 = tpu.memref_slice %arg2[%dma_start3A_196, %min3A_112] : memref<12x50000xf32, #tpu.memory_space<hbm>> -> memref<1x528xf32, #tpu.memory_space<hbm>>
      %dma_start3A_207 = tpu.memref_squeeze %dma_start3A_206 : memref<1x528xf32, #tpu.memory_space<hbm>> -> memref<528xf32, #tpu.memory_space<hbm>>
      tpu.enqueue_dma source(%dma_start3A_207 : memref<528xf32, #tpu.memory_space<hbm>>) target(%dma_start3A_205 : memref<528xf32, #tpu.memory_space<vmem>>) target_semaphore(%arg22 : memref<!tpu.dma_semaphore, #tpu.memory_space<semaphore_mem>>)
      %dma_start3A_208 = arith.constant 8 : i32
      %dma_start3A_209 = arith.constant 8 : i32
      %dma_start3A_210 = arith.constant 0 : i32
      %dma_start3A_211 = tpu.memref_slice %arg11[%dma_start3A_209, %dma_start3A_210] : memref<12x528xf32, #tpu.memory_space<vmem>> -> memref<1x528xf32, #tpu.memory_space<vmem>>
      %dma_start3A_212 = tpu.memref_squeeze %dma_start3A_211 : memref<1x528xf32, #tpu.memory_space<vmem>> -> memref<528xf32, #tpu.memory_space<vmem>>
      %dma_start3A_213 = tpu.memref_slice %arg2[%dma_start3A_208, %min3A_112] : memref<12x50000xf32, #tpu.memory_space<hbm>> -> memref<1x528xf32, #tpu.memory_space<hbm>>
      %dma_start3A_214 = tpu.memref_squeeze %dma_start3A_213 : memref<1x528xf32, #tpu.memory_space<hbm>> -> memref<528xf32, #tpu.memory_space<hbm>>
      %dma_start3A_215 = arith.constant 0 : i32
      %dma_start3A_216 = tpu.memref_slice %arg11[%dma_start3A_209, %dma_start3A_215] : memref<12x528xf32, #tpu.memory_space<vmem>> -> memref<1x528xf32, #tpu.memory_space<vmem>>
      %dma_start3A_217 = tpu.memref_squeeze %dma_start3A_216 : memref<1x528xf32, #tpu.memory_space<vmem>> -> memref<528xf32, #tpu.memory_space<vmem>>
      %dma_start3A_218 = tpu.memref_slice %arg2[%dma_start3A_208, %min3A_112] : memref<12x50000xf32, #tpu.memory_space<hbm>> -> memref<1x528xf32, #tpu.memory_space<hbm>>
      %dma_start3A_219 = tpu.memref_squeeze %dma_start3A_218 : memref<1x528xf32, #tpu.memory_space<hbm>> -> memref<528xf32, #tpu.memory_space<hbm>>
      tpu.enqueue_dma source(%dma_start3A_219 : memref<528xf32, #tpu.memory_space<hbm>>) target(%dma_start3A_217 : memref<528xf32, #tpu.memory_space<vmem>>) target_semaphore(%arg22 : memref<!tpu.dma_semaphore, #tpu.memory_space<semaphore_mem>>)
      %dma_start3A_220 = arith.constant 9 : i32
      %dma_start3A_221 = arith.constant 9 : i32
      %dma_start3A_222 = arith.constant 0 : i32
      %dma_start3A_223 = tpu.memref_slice %arg11[%dma_start3A_221, %dma_start3A_222] : memref<12x528xf32, #tpu.memory_space<vmem>> -> memref<1x528xf32, #tpu.memory_space<vmem>>
      %dma_start3A_224 = tpu.memref_squeeze %dma_start3A_223 : memref<1x528xf32, #tpu.memory_space<vmem>> -> memref<528xf32, #tpu.memory_space<vmem>>
      %dma_start3A_225 = tpu.memref_slice %arg2[%dma_start3A_220, %min3A_112] : memref<12x50000xf32, #tpu.memory_space<hbm>> -> memref<1x528xf32, #tpu.memory_space<hbm>>
      %dma_start3A_226 = tpu.memref_squeeze %dma_start3A_225 : memref<1x528xf32, #tpu.memory_space<hbm>> -> memref<528xf32, #tpu.memory_space<hbm>>
      %dma_start3A_227 = arith.constant 0 : i32
      %dma_start3A_228 = tpu.memref_slice %arg11[%dma_start3A_221, %dma_start3A_227] : memref<12x528xf32, #tpu.memory_space<vmem>> -> memref<1x528xf32, #tpu.memory_space<vmem>>
      %dma_start3A_229 = tpu.memref_squeeze %dma_start3A_228 : memref<1x528xf32, #tpu.memory_space<vmem>> -> memref<528xf32, #tpu.memory_space<vmem>>
      %dma_start3A_230 = tpu.memref_slice %arg2[%dma_start3A_220, %min3A_112] : memref<12x50000xf32, #tpu.memory_space<hbm>> -> memref<1x528xf32, #tpu.memory_space<hbm>>
      %dma_start3A_231 = tpu.memref_squeeze %dma_start3A_230 : memref<1x528xf32, #tpu.memory_space<hbm>> -> memref<528xf32, #tpu.memory_space<hbm>>
      tpu.enqueue_dma source(%dma_start3A_231 : memref<528xf32, #tpu.memory_space<hbm>>) target(%dma_start3A_229 : memref<528xf32, #tpu.memory_space<vmem>>) target_semaphore(%arg22 : memref<!tpu.dma_semaphore, #tpu.memory_space<semaphore_mem>>)
      %dma_start3A_232 = arith.constant 10 : i32
      %dma_start3A_233 = arith.constant 10 : i32
      %dma_start3A_234 = arith.constant 0 : i32
      %dma_start3A_235 = tpu.memref_slice %arg11[%dma_start3A_233, %dma_start3A_234] : memref<12x528xf32, #tpu.memory_space<vmem>> -> memref<1x528xf32, #tpu.memory_space<vmem>>
      %dma_start3A_236 = tpu.memref_squeeze %dma_start3A_235 : memref<1x528xf32, #tpu.memory_space<vmem>> -> memref<528xf32, #tpu.memory_space<vmem>>
      %dma_start3A_237 = tpu.memref_slice %arg2[%dma_start3A_232, %min3A_112] : memref<12x50000xf32, #tpu.memory_space<hbm>> -> memref<1x528xf32, #tpu.memory_space<hbm>>
      %dma_start3A_238 = tpu.memref_squeeze %dma_start3A_237 : memref<1x528xf32, #tpu.memory_space<hbm>> -> memref<528xf32, #tpu.memory_space<hbm>>
      %dma_start3A_239 = arith.constant 0 : i32
      %dma_start3A_240 = tpu.memref_slice %arg11[%dma_start3A_233, %dma_start3A_239] : memref<12x528xf32, #tpu.memory_space<vmem>> -> memref<1x528xf32, #tpu.memory_space<vmem>>
      %dma_start3A_241 = tpu.memref_squeeze %dma_start3A_240 : memref<1x528xf32, #tpu.memory_space<vmem>> -> memref<528xf32, #tpu.memory_space<vmem>>
      %dma_start3A_242 = tpu.memref_slice %arg2[%dma_start3A_232, %min3A_112] : memref<12x50000xf32, #tpu.memory_space<hbm>> -> memref<1x528xf32, #tpu.memory_space<hbm>>
      %dma_start3A_243 = tpu.memref_squeeze %dma_start3A_242 : memref<1x528xf32, #tpu.memory_space<hbm>> -> memref<528xf32, #tpu.memory_space<hbm>>
      tpu.enqueue_dma source(%dma_start3A_243 : memref<528xf32, #tpu.memory_space<hbm>>) target(%dma_start3A_241 : memref<528xf32, #tpu.memory_space<vmem>>) target_semaphore(%arg22 : memref<!tpu.dma_semaphore, #tpu.memory_space<semaphore_mem>>)
      %dma_start3A_244 = arith.constant 11 : i32
      %dma_start3A_245 = arith.constant 11 : i32
      %dma_start3A_246 = arith.constant 0 : i32
      %dma_start3A_247 = tpu.memref_slice %arg11[%dma_start3A_245, %dma_start3A_246] : memref<12x528xf32, #tpu.memory_space<vmem>> -> memref<1x528xf32, #tpu.memory_space<vmem>>
      %dma_start3A_248 = tpu.memref_squeeze %dma_start3A_247 : memref<1x528xf32, #tpu.memory_space<vmem>> -> memref<528xf32, #tpu.memory_space<vmem>>
      %dma_start3A_249 = tpu.memref_slice %arg2[%dma_start3A_244, %min3A_112] : memref<12x50000xf32, #tpu.memory_space<hbm>> -> memref<1x528xf32, #tpu.memory_space<hbm>>
      %dma_start3A_250 = tpu.memref_squeeze %dma_start3A_249 : memref<1x528xf32, #tpu.memory_space<hbm>> -> memref<528xf32, #tpu.memory_space<hbm>>
      %dma_start3A_251 = arith.constant 0 : i32
      %dma_start3A_252 = tpu.memref_slice %arg11[%dma_start3A_245, %dma_start3A_251] : memref<12x528xf32, #tpu.memory_space<vmem>> -> memref<1x528xf32, #tpu.memory_space<vmem>>
      %dma_start3A_253 = tpu.memref_squeeze %dma_start3A_252 : memref<1x528xf32, #tpu.memory_space<vmem>> -> memref<528xf32, #tpu.memory_space<vmem>>
      %dma_start3A_254 = tpu.memref_slice %arg2[%dma_start3A_244, %min3A_112] : memref<12x50000xf32, #tpu.memory_space<hbm>> -> memref<1x528xf32, #tpu.memory_space<hbm>>
      %dma_start3A_255 = tpu.memref_squeeze %dma_start3A_254 : memref<1x528xf32, #tpu.memory_space<hbm>> -> memref<528xf32, #tpu.memory_space<hbm>>
      tpu.enqueue_dma source(%dma_start3A_255 : memref<528xf32, #tpu.memory_space<hbm>>) target(%dma_start3A_253 : memref<528xf32, #tpu.memory_space<vmem>>) target_semaphore(%arg22 : memref<!tpu.dma_semaphore, #tpu.memory_space<semaphore_mem>>)
      %dma_wait3A = arith.constant 0 : i32
      %dma_wait3A_256 = arith.constant 0 : i32
      %dma_wait3A_257 = arith.constant 0 : i32
      %dma_wait3A_258 = tpu.memref_slice %arg11[%dma_wait3A_256, %dma_wait3A_257] : memref<12x528xf32, #tpu.memory_space<vmem>> -> memref<1x528xf32, #tpu.memory_space<vmem>>
      %dma_wait3A_259 = tpu.memref_squeeze %dma_wait3A_258 : memref<1x528xf32, #tpu.memory_space<vmem>> -> memref<528xf32, #tpu.memory_space<vmem>>
      %dma_wait3A_260 = tpu.memref_slice %arg2[%dma_wait3A, %min3A_112] : memref<12x50000xf32, #tpu.memory_space<hbm>> -> memref<1x528xf32, #tpu.memory_space<hbm>>
      %dma_wait3A_261 = tpu.memref_squeeze %dma_wait3A_260 : memref<1x528xf32, #tpu.memory_space<hbm>> -> memref<528xf32, #tpu.memory_space<hbm>>
      %dma_wait3A_262 = arith.constant 0 : i32
      %dma_wait3A_263 = tpu.memref_slice %arg11[%dma_wait3A_256, %dma_wait3A_262] : memref<12x528xf32, #tpu.memory_space<vmem>> -> memref<1x528xf32, #tpu.memory_space<vmem>>
      %dma_wait3A_264 = tpu.memref_squeeze %dma_wait3A_263 : memref<1x528xf32, #tpu.memory_space<vmem>> -> memref<528xf32, #tpu.memory_space<vmem>>
      %dma_wait3A_265 = tpu.memref_slice %arg2[%dma_wait3A, %min3A_112] : memref<12x50000xf32, #tpu.memory_space<hbm>> -> memref<1x528xf32, #tpu.memory_space<hbm>>
      %dma_wait3A_266 = tpu.memref_squeeze %dma_wait3A_265 : memref<1x528xf32, #tpu.memory_space<hbm>> -> memref<528xf32, #tpu.memory_space<hbm>>
      tpu.wait_dma2 semaphore(%arg22 : memref<!tpu.dma_semaphore, #tpu.memory_space<semaphore_mem>>) src(%dma_wait3A_266 : memref<528xf32, #tpu.memory_space<hbm>>) dst(%dma_wait3A_264 : memref<528xf32, #tpu.memory_space<vmem>>)
      %dma_wait3A_267 = arith.constant 1 : i32
      %dma_wait3A_268 = arith.constant 1 : i32
      %dma_wait3A_269 = arith.constant 0 : i32
      %dma_wait3A_270 = tpu.memref_slice %arg11[%dma_wait3A_268, %dma_wait3A_269] : memref<12x528xf32, #tpu.memory_space<vmem>> -> memref<1x528xf32, #tpu.memory_space<vmem>>
      %dma_wait3A_271 = tpu.memref_squeeze %dma_wait3A_270 : memref<1x528xf32, #tpu.memory_space<vmem>> -> memref<528xf32, #tpu.memory_space<vmem>>
      %dma_wait3A_272 = tpu.memref_slice %arg2[%dma_wait3A_267, %min3A_112] : memref<12x50000xf32, #tpu.memory_space<hbm>> -> memref<1x528xf32, #tpu.memory_space<hbm>>
      %dma_wait3A_273 = tpu.memref_squeeze %dma_wait3A_272 : memref<1x528xf32, #tpu.memory_space<hbm>> -> memref<528xf32, #tpu.memory_space<hbm>>
      %dma_wait3A_274 = arith.constant 0 : i32
      %dma_wait3A_275 = tpu.memref_slice %arg11[%dma_wait3A_268, %dma_wait3A_274] : memref<12x528xf32, #tpu.memory_space<vmem>> -> memref<1x528xf32, #tpu.memory_space<vmem>>
      %dma_wait3A_276 = tpu.memref_squeeze %dma_wait3A_275 : memref<1x528xf32, #tpu.memory_space<vmem>> -> memref<528xf32, #tpu.memory_space<vmem>>
      %dma_wait3A_277 = tpu.memref_slice %arg2[%dma_wait3A_267, %min3A_112] : memref<12x50000xf32, #tpu.memory_space<hbm>> -> memref<1x528xf32, #tpu.memory_space<hbm>>
      %dma_wait3A_278 = tpu.memref_squeeze %dma_wait3A_277 : memref<1x528xf32, #tpu.memory_space<hbm>> -> memref<528xf32, #tpu.memory_space<hbm>>
      tpu.wait_dma2 semaphore(%arg22 : memref<!tpu.dma_semaphore, #tpu.memory_space<semaphore_mem>>) src(%dma_wait3A_278 : memref<528xf32, #tpu.memory_space<hbm>>) dst(%dma_wait3A_276 : memref<528xf32, #tpu.memory_space<vmem>>)
      %dma_wait3A_279 = arith.constant 2 : i32
      %dma_wait3A_280 = arith.constant 2 : i32
      %dma_wait3A_281 = arith.constant 0 : i32
      %dma_wait3A_282 = tpu.memref_slice %arg11[%dma_wait3A_280, %dma_wait3A_281] : memref<12x528xf32, #tpu.memory_space<vmem>> -> memref<1x528xf32, #tpu.memory_space<vmem>>
      %dma_wait3A_283 = tpu.memref_squeeze %dma_wait3A_282 : memref<1x528xf32, #tpu.memory_space<vmem>> -> memref<528xf32, #tpu.memory_space<vmem>>
      %dma_wait3A_284 = tpu.memref_slice %arg2[%dma_wait3A_279, %min3A_112] : memref<12x50000xf32, #tpu.memory_space<hbm>> -> memref<1x528xf32, #tpu.memory_space<hbm>>
      %dma_wait3A_285 = tpu.memref_squeeze %dma_wait3A_284 : memref<1x528xf32, #tpu.memory_space<hbm>> -> memref<528xf32, #tpu.memory_space<hbm>>
      %dma_wait3A_286 = arith.constant 0 : i32
      %dma_wait3A_287 = tpu.memref_slice %arg11[%dma_wait3A_280, %dma_wait3A_286] : memref<12x528xf32, #tpu.memory_space<vmem>> -> memref<1x528xf32, #tpu.memory_space<vmem>>
      %dma_wait3A_288 = tpu.memref_squeeze %dma_wait3A_287 : memref<1x528xf32, #tpu.memory_space<vmem>> -> memref<528xf32, #tpu.memory_space<vmem>>
      %dma_wait3A_289 = tpu.memref_slice %arg2[%dma_wait3A_279, %min3A_112] : memref<12x50000xf32, #tpu.memory_space<hbm>> -> memref<1x528xf32, #tpu.memory_space<hbm>>
      %dma_wait3A_290 = tpu.memref_squeeze %dma_wait3A_289 : memref<1x528xf32, #tpu.memory_space<hbm>> -> memref<528xf32, #tpu.memory_space<hbm>>
      tpu.wait_dma2 semaphore(%arg22 : memref<!tpu.dma_semaphore, #tpu.memory_space<semaphore_mem>>) src(%dma_wait3A_290 : memref<528xf32, #tpu.memory_space<hbm>>) dst(%dma_wait3A_288 : memref<528xf32, #tpu.memory_space<vmem>>)
      %dma_wait3A_291 = arith.constant 3 : i32
      %dma_wait3A_292 = arith.constant 3 : i32
      %dma_wait3A_293 = arith.constant 0 : i32
      %dma_wait3A_294 = tpu.memref_slice %arg11[%dma_wait3A_292, %dma_wait3A_293] : memref<12x528xf32, #tpu.memory_space<vmem>> -> memref<1x528xf32, #tpu.memory_space<vmem>>
      %dma_wait3A_295 = tpu.memref_squeeze %dma_wait3A_294 : memref<1x528xf32, #tpu.memory_space<vmem>> -> memref<528xf32, #tpu.memory_space<vmem>>
      %dma_wait3A_296 = tpu.memref_slice %arg2[%dma_wait3A_291, %min3A_112] : memref<12x50000xf32, #tpu.memory_space<hbm>> -> memref<1x528xf32, #tpu.memory_space<hbm>>
      %dma_wait3A_297 = tpu.memref_squeeze %dma_wait3A_296 : memref<1x528xf32, #tpu.memory_space<hbm>> -> memref<528xf32, #tpu.memory_space<hbm>>
      %dma_wait3A_298 = arith.constant 0 : i32
      %dma_wait3A_299 = tpu.memref_slice %arg11[%dma_wait3A_292, %dma_wait3A_298] : memref<12x528xf32, #tpu.memory_space<vmem>> -> memref<1x528xf32, #tpu.memory_space<vmem>>
      %dma_wait3A_300 = tpu.memref_squeeze %dma_wait3A_299 : memref<1x528xf32, #tpu.memory_space<vmem>> -> memref<528xf32, #tpu.memory_space<vmem>>
      %dma_wait3A_301 = tpu.memref_slice %arg2[%dma_wait3A_291, %min3A_112] : memref<12x50000xf32, #tpu.memory_space<hbm>> -> memref<1x528xf32, #tpu.memory_space<hbm>>
      %dma_wait3A_302 = tpu.memref_squeeze %dma_wait3A_301 : memref<1x528xf32, #tpu.memory_space<hbm>> -> memref<528xf32, #tpu.memory_space<hbm>>
      tpu.wait_dma2 semaphore(%arg22 : memref<!tpu.dma_semaphore, #tpu.memory_space<semaphore_mem>>) src(%dma_wait3A_302 : memref<528xf32, #tpu.memory_space<hbm>>) dst(%dma_wait3A_300 : memref<528xf32, #tpu.memory_space<vmem>>)
      %dma_wait3A_303 = arith.constant 4 : i32
      %dma_wait3A_304 = arith.constant 4 : i32
      %dma_wait3A_305 = arith.constant 0 : i32
      %dma_wait3A_306 = tpu.memref_slice %arg11[%dma_wait3A_304, %dma_wait3A_305] : memref<12x528xf32, #tpu.memory_space<vmem>> -> memref<1x528xf32, #tpu.memory_space<vmem>>
      %dma_wait3A_307 = tpu.memref_squeeze %dma_wait3A_306 : memref<1x528xf32, #tpu.memory_space<vmem>> -> memref<528xf32, #tpu.memory_space<vmem>>
      %dma_wait3A_308 = tpu.memref_slice %arg2[%dma_wait3A_303, %min3A_112] : memref<12x50000xf32, #tpu.memory_space<hbm>> -> memref<1x528xf32, #tpu.memory_space<hbm>>
      %dma_wait3A_309 = tpu.memref_squeeze %dma_wait3A_308 : memref<1x528xf32, #tpu.memory_space<hbm>> -> memref<528xf32, #tpu.memory_space<hbm>>
      %dma_wait3A_310 = arith.constant 0 : i32
      %dma_wait3A_311 = tpu.memref_slice %arg11[%dma_wait3A_304, %dma_wait3A_310] : memref<12x528xf32, #tpu.memory_space<vmem>> -> memref<1x528xf32, #tpu.memory_space<vmem>>
      %dma_wait3A_312 = tpu.memref_squeeze %dma_wait3A_311 : memref<1x528xf32, #tpu.memory_space<vmem>> -> memref<528xf32, #tpu.memory_space<vmem>>
      %dma_wait3A_313 = tpu.memref_slice %arg2[%dma_wait3A_303, %min3A_112] : memref<12x50000xf32, #tpu.memory_space<hbm>> -> memref<1x528xf32, #tpu.memory_space<hbm>>
      %dma_wait3A_314 = tpu.memref_squeeze %dma_wait3A_313 : memref<1x528xf32, #tpu.memory_space<hbm>> -> memref<528xf32, #tpu.memory_space<hbm>>
      tpu.wait_dma2 semaphore(%arg22 : memref<!tpu.dma_semaphore, #tpu.memory_space<semaphore_mem>>) src(%dma_wait3A_314 : memref<528xf32, #tpu.memory_space<hbm>>) dst(%dma_wait3A_312 : memref<528xf32, #tpu.memory_space<vmem>>)
      %dma_wait3A_315 = arith.constant 5 : i32
      %dma_wait3A_316 = arith.constant 5 : i32
      %dma_wait3A_317 = arith.constant 0 : i32
      %dma_wait3A_318 = tpu.memref_slice %arg11[%dma_wait3A_316, %dma_wait3A_317] : memref<12x528xf32, #tpu.memory_space<vmem>> -> memref<1x528xf32, #tpu.memory_space<vmem>>
      %dma_wait3A_319 = tpu.memref_squeeze %dma_wait3A_318 : memref<1x528xf32, #tpu.memory_space<vmem>> -> memref<528xf32, #tpu.memory_space<vmem>>
      %dma_wait3A_320 = tpu.memref_slice %arg2[%dma_wait3A_315, %min3A_112] : memref<12x50000xf32, #tpu.memory_space<hbm>> -> memref<1x528xf32, #tpu.memory_space<hbm>>
      %dma_wait3A_321 = tpu.memref_squeeze %dma_wait3A_320 : memref<1x528xf32, #tpu.memory_space<hbm>> -> memref<528xf32, #tpu.memory_space<hbm>>
      %dma_wait3A_322 = arith.constant 0 : i32
      %dma_wait3A_323 = tpu.memref_slice %arg11[%dma_wait3A_316, %dma_wait3A_322] : memref<12x528xf32, #tpu.memory_space<vmem>> -> memref<1x528xf32, #tpu.memory_space<vmem>>
      %dma_wait3A_324 = tpu.memref_squeeze %dma_wait3A_323 : memref<1x528xf32, #tpu.memory_space<vmem>> -> memref<528xf32, #tpu.memory_space<vmem>>
      %dma_wait3A_325 = tpu.memref_slice %arg2[%dma_wait3A_315, %min3A_112] : memref<12x50000xf32, #tpu.memory_space<hbm>> -> memref<1x528xf32, #tpu.memory_space<hbm>>
      %dma_wait3A_326 = tpu.memref_squeeze %dma_wait3A_325 : memref<1x528xf32, #tpu.memory_space<hbm>> -> memref<528xf32, #tpu.memory_space<hbm>>
      tpu.wait_dma2 semaphore(%arg22 : memref<!tpu.dma_semaphore, #tpu.memory_space<semaphore_mem>>) src(%dma_wait3A_326 : memref<528xf32, #tpu.memory_space<hbm>>) dst(%dma_wait3A_324 : memref<528xf32, #tpu.memory_space<vmem>>)
      %dma_wait3A_327 = arith.constant 6 : i32
      %dma_wait3A_328 = arith.constant 6 : i32
      %dma_wait3A_329 = arith.constant 0 : i32
      %dma_wait3A_330 = tpu.memref_slice %arg11[%dma_wait3A_328, %dma_wait3A_329] : memref<12x528xf32, #tpu.memory_space<vmem>> -> memref<1x528xf32, #tpu.memory_space<vmem>>
      %dma_wait3A_331 = tpu.memref_squeeze %dma_wait3A_330 : memref<1x528xf32, #tpu.memory_space<vmem>> -> memref<528xf32, #tpu.memory_space<vmem>>
      %dma_wait3A_332 = tpu.memref_slice %arg2[%dma_wait3A_327, %min3A_112] : memref<12x50000xf32, #tpu.memory_space<hbm>> -> memref<1x528xf32, #tpu.memory_space<hbm>>
      %dma_wait3A_333 = tpu.memref_squeeze %dma_wait3A_332 : memref<1x528xf32, #tpu.memory_space<hbm>> -> memref<528xf32, #tpu.memory_space<hbm>>
      %dma_wait3A_334 = arith.constant 0 : i32
      %dma_wait3A_335 = tpu.memref_slice %arg11[%dma_wait3A_328, %dma_wait3A_334] : memref<12x528xf32, #tpu.memory_space<vmem>> -> memref<1x528xf32, #tpu.memory_space<vmem>>
      %dma_wait3A_336 = tpu.memref_squeeze %dma_wait3A_335 : memref<1x528xf32, #tpu.memory_space<vmem>> -> memref<528xf32, #tpu.memory_space<vmem>>
      %dma_wait3A_337 = tpu.memref_slice %arg2[%dma_wait3A_327, %min3A_112] : memref<12x50000xf32, #tpu.memory_space<hbm>> -> memref<1x528xf32, #tpu.memory_space<hbm>>
      %dma_wait3A_338 = tpu.memref_squeeze %dma_wait3A_337 : memref<1x528xf32, #tpu.memory_space<hbm>> -> memref<528xf32, #tpu.memory_space<hbm>>
      tpu.wait_dma2 semaphore(%arg22 : memref<!tpu.dma_semaphore, #tpu.memory_space<semaphore_mem>>) src(%dma_wait3A_338 : memref<528xf32, #tpu.memory_space<hbm>>) dst(%dma_wait3A_336 : memref<528xf32, #tpu.memory_space<vmem>>)
      %dma_wait3A_339 = arith.constant 7 : i32
      %dma_wait3A_340 = arith.constant 7 : i32
      %dma_wait3A_341 = arith.constant 0 : i32
      %dma_wait3A_342 = tpu.memref_slice %arg11[%dma_wait3A_340, %dma_wait3A_341] : memref<12x528xf32, #tpu.memory_space<vmem>> -> memref<1x528xf32, #tpu.memory_space<vmem>>
      %dma_wait3A_343 = tpu.memref_squeeze %dma_wait3A_342 : memref<1x528xf32, #tpu.memory_space<vmem>> -> memref<528xf32, #tpu.memory_space<vmem>>
      %dma_wait3A_344 = tpu.memref_slice %arg2[%dma_wait3A_339, %min3A_112] : memref<12x50000xf32, #tpu.memory_space<hbm>> -> memref<1x528xf32, #tpu.memory_space<hbm>>
      %dma_wait3A_345 = tpu.memref_squeeze %dma_wait3A_344 : memref<1x528xf32, #tpu.memory_space<hbm>> -> memref<528xf32, #tpu.memory_space<hbm>>
      %dma_wait3A_346 = arith.constant 0 : i32
      %dma_wait3A_347 = tpu.memref_slice %arg11[%dma_wait3A_340, %dma_wait3A_346] : memref<12x528xf32, #tpu.memory_space<vmem>> -> memref<1x528xf32, #tpu.memory_space<vmem>>
      %dma_wait3A_348 = tpu.memref_squeeze %dma_wait3A_347 : memref<1x528xf32, #tpu.memory_space<vmem>> -> memref<528xf32, #tpu.memory_space<vmem>>
      %dma_wait3A_349 = tpu.memref_slice %arg2[%dma_wait3A_339, %min3A_112] : memref<12x50000xf32, #tpu.memory_space<hbm>> -> memref<1x528xf32, #tpu.memory_space<hbm>>
      %dma_wait3A_350 = tpu.memref_squeeze %dma_wait3A_349 : memref<1x528xf32, #tpu.memory_space<hbm>> -> memref<528xf32, #tpu.memory_space<hbm>>
      tpu.wait_dma2 semaphore(%arg22 : memref<!tpu.dma_semaphore, #tpu.memory_space<semaphore_mem>>) src(%dma_wait3A_350 : memref<528xf32, #tpu.memory_space<hbm>>) dst(%dma_wait3A_348 : memref<528xf32, #tpu.memory_space<vmem>>)
      %dma_wait3A_351 = arith.constant 8 : i32
      %dma_wait3A_352 = arith.constant 8 : i32
      %dma_wait3A_353 = arith.constant 0 : i32
      %dma_wait3A_354 = tpu.memref_slice %arg11[%dma_wait3A_352, %dma_wait3A_353] : memref<12x528xf32, #tpu.memory_space<vmem>> -> memref<1x528xf32, #tpu.memory_space<vmem>>
      %dma_wait3A_355 = tpu.memref_squeeze %dma_wait3A_354 : memref<1x528xf32, #tpu.memory_space<vmem>> -> memref<528xf32, #tpu.memory_space<vmem>>
      %dma_wait3A_356 = tpu.memref_slice %arg2[%dma_wait3A_351, %min3A_112] : memref<12x50000xf32, #tpu.memory_space<hbm>> -> memref<1x528xf32, #tpu.memory_space<hbm>>
      %dma_wait3A_357 = tpu.memref_squeeze %dma_wait3A_356 : memref<1x528xf32, #tpu.memory_space<hbm>> -> memref<528xf32, #tpu.memory_space<hbm>>
      %dma_wait3A_358 = arith.constant 0 : i32
      %dma_wait3A_359 = tpu.memref_slice %arg11[%dma_wait3A_352, %dma_wait3A_358] : memref<12x528xf32, #tpu.memory_space<vmem>> -> memref<1x528xf32, #tpu.memory_space<vmem>>
      %dma_wait3A_360 = tpu.memref_squeeze %dma_wait3A_359 : memref<1x528xf32, #tpu.memory_space<vmem>> -> memref<528xf32, #tpu.memory_space<vmem>>
      %dma_wait3A_361 = tpu.memref_slice %arg2[%dma_wait3A_351, %min3A_112] : memref<12x50000xf32, #tpu.memory_space<hbm>> -> memref<1x528xf32, #tpu.memory_space<hbm>>
      %dma_wait3A_362 = tpu.memref_squeeze %dma_wait3A_361 : memref<1x528xf32, #tpu.memory_space<hbm>> -> memref<528xf32, #tpu.memory_space<hbm>>
      tpu.wait_dma2 semaphore(%arg22 : memref<!tpu.dma_semaphore, #tpu.memory_space<semaphore_mem>>) src(%dma_wait3A_362 : memref<528xf32, #tpu.memory_space<hbm>>) dst(%dma_wait3A_360 : memref<528xf32, #tpu.memory_space<vmem>>)
      %dma_wait3A_363 = arith.constant 9 : i32
      %dma_wait3A_364 = arith.constant 9 : i32
      %dma_wait3A_365 = arith.constant 0 : i32
      %dma_wait3A_366 = tpu.memref_slice %arg11[%dma_wait3A_364, %dma_wait3A_365] : memref<12x528xf32, #tpu.memory_space<vmem>> -> memref<1x528xf32, #tpu.memory_space<vmem>>
      %dma_wait3A_367 = tpu.memref_squeeze %dma_wait3A_366 : memref<1x528xf32, #tpu.memory_space<vmem>> -> memref<528xf32, #tpu.memory_space<vmem>>
      %dma_wait3A_368 = tpu.memref_slice %arg2[%dma_wait3A_363, %min3A_112] : memref<12x50000xf32, #tpu.memory_space<hbm>> -> memref<1x528xf32, #tpu.memory_space<hbm>>
      %dma_wait3A_369 = tpu.memref_squeeze %dma_wait3A_368 : memref<1x528xf32, #tpu.memory_space<hbm>> -> memref<528xf32, #tpu.memory_space<hbm>>
      %dma_wait3A_370 = arith.constant 0 : i32
      %dma_wait3A_371 = tpu.memref_slice %arg11[%dma_wait3A_364, %dma_wait3A_370] : memref<12x528xf32, #tpu.memory_space<vmem>> -> memref<1x528xf32, #tpu.memory_space<vmem>>
      %dma_wait3A_372 = tpu.memref_squeeze %dma_wait3A_371 : memref<1x528xf32, #tpu.memory_space<vmem>> -> memref<528xf32, #tpu.memory_space<vmem>>
      %dma_wait3A_373 = tpu.memref_slice %arg2[%dma_wait3A_363, %min3A_112] : memref<12x50000xf32, #tpu.memory_space<hbm>> -> memref<1x528xf32, #tpu.memory_space<hbm>>
      %dma_wait3A_374 = tpu.memref_squeeze %dma_wait3A_373 : memref<1x528xf32, #tpu.memory_space<hbm>> -> memref<528xf32, #tpu.memory_space<hbm>>
      tpu.wait_dma2 semaphore(%arg22 : memref<!tpu.dma_semaphore, #tpu.memory_space<semaphore_mem>>) src(%dma_wait3A_374 : memref<528xf32, #tpu.memory_space<hbm>>) dst(%dma_wait3A_372 : memref<528xf32, #tpu.memory_space<vmem>>)
      %dma_wait3A_375 = arith.constant 10 : i32
      %dma_wait3A_376 = arith.constant 10 : i32
      %dma_wait3A_377 = arith.constant 0 : i32
      %dma_wait3A_378 = tpu.memref_slice %arg11[%dma_wait3A_376, %dma_wait3A_377] : memref<12x528xf32, #tpu.memory_space<vmem>> -> memref<1x528xf32, #tpu.memory_space<vmem>>
      %dma_wait3A_379 = tpu.memref_squeeze %dma_wait3A_378 : memref<1x528xf32, #tpu.memory_space<vmem>> -> memref<528xf32, #tpu.memory_space<vmem>>
      %dma_wait3A_380 = tpu.memref_slice %arg2[%dma_wait3A_375, %min3A_112] : memref<12x50000xf32, #tpu.memory_space<hbm>> -> memref<1x528xf32, #tpu.memory_space<hbm>>
      %dma_wait3A_381 = tpu.memref_squeeze %dma_wait3A_380 : memref<1x528xf32, #tpu.memory_space<hbm>> -> memref<528xf32, #tpu.memory_space<hbm>>
      %dma_wait3A_382 = arith.constant 0 : i32
      %dma_wait3A_383 = tpu.memref_slice %arg11[%dma_wait3A_376, %dma_wait3A_382] : memref<12x528xf32, #tpu.memory_space<vmem>> -> memref<1x528xf32, #tpu.memory_space<vmem>>
      %dma_wait3A_384 = tpu.memref_squeeze %dma_wait3A_383 : memref<1x528xf32, #tpu.memory_space<vmem>> -> memref<528xf32, #tpu.memory_space<vmem>>
      %dma_wait3A_385 = tpu.memref_slice %arg2[%dma_wait3A_375, %min3A_112] : memref<12x50000xf32, #tpu.memory_space<hbm>> -> memref<1x528xf32, #tpu.memory_space<hbm>>
      %dma_wait3A_386 = tpu.memref_squeeze %dma_wait3A_385 : memref<1x528xf32, #tpu.memory_space<hbm>> -> memref<528xf32, #tpu.memory_space<hbm>>
      tpu.wait_dma2 semaphore(%arg22 : memref<!tpu.dma_semaphore, #tpu.memory_space<semaphore_mem>>) src(%dma_wait3A_386 : memref<528xf32, #tpu.memory_space<hbm>>) dst(%dma_wait3A_384 : memref<528xf32, #tpu.memory_space<vmem>>)
      %dma_wait3A_387 = arith.constant 11 : i32
      %dma_wait3A_388 = arith.constant 11 : i32
      %dma_wait3A_389 = arith.constant 0 : i32
      %dma_wait3A_390 = tpu.memref_slice %arg11[%dma_wait3A_388, %dma_wait3A_389] : memref<12x528xf32, #tpu.memory_space<vmem>> -> memref<1x528xf32, #tpu.memory_space<vmem>>
      %dma_wait3A_391 = tpu.memref_squeeze %dma_wait3A_390 : memref<1x528xf32, #tpu.memory_space<vmem>> -> memref<528xf32, #tpu.memory_space<vmem>>
      %dma_wait3A_392 = tpu.memref_slice %arg2[%dma_wait3A_387, %min3A_112] : memref<12x50000xf32, #tpu.memory_space<hbm>> -> memref<1x528xf32, #tpu.memory_space<hbm>>
      %dma_wait3A_393 = tpu.memref_squeeze %dma_wait3A_392 : memref<1x528xf32, #tpu.memory_space<hbm>> -> memref<528xf32, #tpu.memory_space<hbm>>
      %dma_wait3A_394 = arith.constant 0 : i32
      %dma_wait3A_395 = tpu.memref_slice %arg11[%dma_wait3A_388, %dma_wait3A_394] : memref<12x528xf32, #tpu.memory_space<vmem>> -> memref<1x528xf32, #tpu.memory_space<vmem>>
      %dma_wait3A_396 = tpu.memref_squeeze %dma_wait3A_395 : memref<1x528xf32, #tpu.memory_space<vmem>> -> memref<528xf32, #tpu.memory_space<vmem>>
      %dma_wait3A_397 = tpu.memref_slice %arg2[%dma_wait3A_387, %min3A_112] : memref<12x50000xf32, #tpu.memory_space<hbm>> -> memref<1x528xf32, #tpu.memory_space<hbm>>
      %dma_wait3A_398 = tpu.memref_squeeze %dma_wait3A_397 : memref<1x528xf32, #tpu.memory_space<hbm>> -> memref<528xf32, #tpu.memory_space<hbm>>
      tpu.wait_dma2 semaphore(%arg22 : memref<!tpu.dma_semaphore, #tpu.memory_space<semaphore_mem>>) src(%dma_wait3A_398 : memref<528xf32, #tpu.memory_space<hbm>>) dst(%dma_wait3A_396 : memref<528xf32, #tpu.memory_space<vmem>>)
      %scan3A = arith.constant 0 : i32
      %scan3A_399 = arith.constant 0 : i32
      %scan3A_400 = arith.constant 33 : i32
      %scan3A_401 = arith.addi %scan3A_399, %scan3A_400 : i32
      %scan3A_402 = arith.constant 1 : i32
      scf.for %scan3A_404 = %scan3A_399 to %scan3A_401 step %scan3A_402  : i32 {
        %mul3A_405 = arith.constant 16 : i32
        %mul3A_406 = arith.muli %scan3A_404, %mul3A_405 : i32
        %add3A_407 = vector.broadcast %mul3A_406 : i32 to vector<16xi32>
        %add3A_408 = arith.addi %add3A_407, %iota3A : vector<16xi32>
        %mul3A_409 = arith.constant 16 : i32
        %mul3A_410 = arith.muli %scan3A_404, %mul3A_409 : i32
        %get3A = arith.constant 0 : i32
        %get3A_411 = arith.index_cast %get3A : i32 to index
        %get3A_412 = arith.index_cast %mul3A_410 : i32 to index
        %get3A_413 = tpu.vector_load %arg11[%get3A_411, %get3A_412] {strides = array<i32>} : memref<12x528xf32, #tpu.memory_space<vmem>>, vector<16xf32>,
        %broadcast_in_dim3A = arith.constant 0 : i32
        %broadcast_in_dim3A_414 = vector.broadcast %broadcast_in_dim3A : i32 to vector<16xi32>
        tpu.vector_store_idx %arg12[%add3A_408, %broadcast_in_dim3A_414], %get3A_413 : memref<528x16xf32, #tpu.memory_space<vmem>>[vector<16xi32>, vector<16xi32>], vector<16xf32>,
        %mul3A_415 = arith.constant 16 : i32
        %mul3A_416 = arith.muli %scan3A_404, %mul3A_415 : i32
        %get3A_417 = arith.constant 1 : i32
        %get3A_418 = arith.index_cast %get3A_417 : i32 to index
        %get3A_419 = arith.index_cast %mul3A_416 : i32 to index
        %get3A_420 = tpu.vector_load %arg11[%get3A_418, %get3A_419] {strides = array<i32>} : memref<12x528xf32, #tpu.memory_space<vmem>>, vector<16xf32>,
        %broadcast_in_dim3A_421 = arith.constant 3 : i32
        %broadcast_in_dim3A_422 = vector.broadcast %broadcast_in_dim3A_421 : i32 to vector<16xi32>
        tpu.vector_store_idx %arg12[%add3A_408, %broadcast_in_dim3A_422], %get3A_420 : memref<528x16xf32, #tpu.memory_space<vmem>>[vector<16xi32>, vector<16xi32>], vector<16xf32>,
        %mul3A_423 = arith.constant 16 : i32
        %mul3A_424 = arith.muli %scan3A_404, %mul3A_423 : i32
        %get3A_425 = arith.constant 2 : i32
        %get3A_426 = arith.index_cast %get3A_425 : i32 to index
        %get3A_427 = arith.index_cast %mul3A_424 : i32 to index
        %get3A_428 = tpu.vector_load %arg11[%get3A_426, %get3A_427] {strides = array<i32>} : memref<12x528xf32, #tpu.memory_space<vmem>>, vector<16xf32>,
        %broadcast_in_dim3A_429 = arith.constant 6 : i32
        %broadcast_in_dim3A_430 = vector.broadcast %broadcast_in_dim3A_429 : i32 to vector<16xi32>
        tpu.vector_store_idx %arg12[%add3A_408, %broadcast_in_dim3A_430], %get3A_428 : memref<528x16xf32, #tpu.memory_space<vmem>>[vector<16xi32>, vector<16xi32>], vector<16xf32>,
        %mul3A_431 = arith.constant 16 : i32
        %mul3A_432 = arith.muli %scan3A_404, %mul3A_431 : i32
        %get3A_433 = arith.constant 3 : i32
        %get3A_434 = arith.index_cast %get3A_433 : i32 to index
        %get3A_435 = arith.index_cast %mul3A_432 : i32 to index
        %get3A_436 = tpu.vector_load %arg11[%get3A_434, %get3A_435] {strides = array<i32>} : memref<12x528xf32, #tpu.memory_space<vmem>>, vector<16xf32>,
        %broadcast_in_dim3A_437 = arith.constant 9 : i32
        %broadcast_in_dim3A_438 = vector.broadcast %broadcast_in_dim3A_437 : i32 to vector<16xi32>
        tpu.vector_store_idx %arg12[%add3A_408, %broadcast_in_dim3A_438], %get3A_436 : memref<528x16xf32, #tpu.memory_space<vmem>>[vector<16xi32>, vector<16xi32>], vector<16xf32>,
        %mul3A_439 = arith.constant 16 : i32
        %mul3A_440 = arith.muli %scan3A_404, %mul3A_439 : i32
        %get3A_441 = arith.constant 4 : i32
        %get3A_442 = arith.index_cast %get3A_441 : i32 to index
        %get3A_443 = arith.index_cast %mul3A_440 : i32 to index
        %get3A_444 = tpu.vector_load %arg11[%get3A_442, %get3A_443] {strides = array<i32>} : memref<12x528xf32, #tpu.memory_space<vmem>>, vector<16xf32>,
        %broadcast_in_dim3A_445 = arith.constant 1 : i32
        %broadcast_in_dim3A_446 = vector.broadcast %broadcast_in_dim3A_445 : i32 to vector<16xi32>
        tpu.vector_store_idx %arg12[%add3A_408, %broadcast_in_dim3A_446], %get3A_444 : memref<528x16xf32, #tpu.memory_space<vmem>>[vector<16xi32>, vector<16xi32>], vector<16xf32>,
        %mul3A_447 = arith.constant 16 : i32
        %mul3A_448 = arith.muli %scan3A_404, %mul3A_447 : i32
        %get3A_449 = arith.constant 5 : i32
        %get3A_450 = arith.index_cast %get3A_449 : i32 to index
        %get3A_451 = arith.index_cast %mul3A_448 : i32 to index
        %get3A_452 = tpu.vector_load %arg11[%get3A_450, %get3A_451] {strides = array<i32>} : memref<12x528xf32, #tpu.memory_space<vmem>>, vector<16xf32>,
        %broadcast_in_dim3A_453 = arith.constant 4 : i32
        %broadcast_in_dim3A_454 = vector.broadcast %broadcast_in_dim3A_453 : i32 to vector<16xi32>
        tpu.vector_store_idx %arg12[%add3A_408, %broadcast_in_dim3A_454], %get3A_452 : memref<528x16xf32, #tpu.memory_space<vmem>>[vector<16xi32>, vector<16xi32>], vector<16xf32>,
        %mul3A_455 = arith.constant 16 : i32
        %mul3A_456 = arith.muli %scan3A_404, %mul3A_455 : i32
        %get3A_457 = arith.constant 6 : i32
        %get3A_458 = arith.index_cast %get3A_457 : i32 to index
        %get3A_459 = arith.index_cast %mul3A_456 : i32 to index
        %get3A_460 = tpu.vector_load %arg11[%get3A_458, %get3A_459] {strides = array<i32>} : memref<12x528xf32, #tpu.memory_space<vmem>>, vector<16xf32>,
        %broadcast_in_dim3A_461 = arith.constant 7 : i32
        %broadcast_in_dim3A_462 = vector.broadcast %broadcast_in_dim3A_461 : i32 to vector<16xi32>
        tpu.vector_store_idx %arg12[%add3A_408, %broadcast_in_dim3A_462], %get3A_460 : memref<528x16xf32, #tpu.memory_space<vmem>>[vector<16xi32>, vector<16xi32>], vector<16xf32>,
        %mul3A_463 = arith.constant 16 : i32
        %mul3A_464 = arith.muli %scan3A_404, %mul3A_463 : i32
        %get3A_465 = arith.constant 7 : i32
        %get3A_466 = arith.index_cast %get3A_465 : i32 to index
        %get3A_467 = arith.index_cast %mul3A_464 : i32 to index
        %get3A_468 = tpu.vector_load %arg11[%get3A_466, %get3A_467] {strides = array<i32>} : memref<12x528xf32, #tpu.memory_space<vmem>>, vector<16xf32>,
        %broadcast_in_dim3A_469 = arith.constant 10 : i32
        %broadcast_in_dim3A_470 = vector.broadcast %broadcast_in_dim3A_469 : i32 to vector<16xi32>
        tpu.vector_store_idx %arg12[%add3A_408, %broadcast_in_dim3A_470], %get3A_468 : memref<528x16xf32, #tpu.memory_space<vmem>>[vector<16xi32>, vector<16xi32>], vector<16xf32>,
        %mul3A_471 = arith.constant 16 : i32
        %mul3A_472 = arith.muli %scan3A_404, %mul3A_471 : i32
        %get3A_473 = arith.constant 8 : i32
        %get3A_474 = arith.index_cast %get3A_473 : i32 to index
        %get3A_475 = arith.index_cast %mul3A_472 : i32 to index
        %get3A_476 = tpu.vector_load %arg11[%get3A_474, %get3A_475] {strides = array<i32>} : memref<12x528xf32, #tpu.memory_space<vmem>>, vector<16xf32>,
        %broadcast_in_dim3A_477 = arith.constant 2 : i32
        %broadcast_in_dim3A_478 = vector.broadcast %broadcast_in_dim3A_477 : i32 to vector<16xi32>
        tpu.vector_store_idx %arg12[%add3A_408, %broadcast_in_dim3A_478], %get3A_476 : memref<528x16xf32, #tpu.memory_space<vmem>>[vector<16xi32>, vector<16xi32>], vector<16xf32>,
        %mul3A_479 = arith.constant 16 : i32
        %mul3A_480 = arith.muli %scan3A_404, %mul3A_479 : i32
        %get3A_481 = arith.constant 9 : i32
        %get3A_482 = arith.index_cast %get3A_481 : i32 to index
        %get3A_483 = arith.index_cast %mul3A_480 : i32 to index
        %get3A_484 = tpu.vector_load %arg11[%get3A_482, %get3A_483] {strides = array<i32>} : memref<12x528xf32, #tpu.memory_space<vmem>>, vector<16xf32>,
        %broadcast_in_dim3A_485 = arith.constant 5 : i32
        %broadcast_in_dim3A_486 = vector.broadcast %broadcast_in_dim3A_485 : i32 to vector<16xi32>
        tpu.vector_store_idx %arg12[%add3A_408, %broadcast_in_dim3A_486], %get3A_484 : memref<528x16xf32, #tpu.memory_space<vmem>>[vector<16xi32>, vector<16xi32>], vector<16xf32>,
        %mul3A_487 = arith.constant 16 : i32
        %mul3A_488 = arith.muli %scan3A_404, %mul3A_487 : i32
        %get3A_489 = arith.constant 10 : i32
        %get3A_490 = arith.index_cast %get3A_489 : i32 to index
        %get3A_491 = arith.index_cast %mul3A_488 : i32 to index
        %get3A_492 = tpu.vector_load %arg11[%get3A_490, %get3A_491] {strides = array<i32>} : memref<12x528xf32, #tpu.memory_space<vmem>>, vector<16xf32>,
        %broadcast_in_dim3A_493 = arith.constant 8 : i32
        %broadcast_in_dim3A_494 = vector.broadcast %broadcast_in_dim3A_493 : i32 to vector<16xi32>
        tpu.vector_store_idx %arg12[%add3A_408, %broadcast_in_dim3A_494], %get3A_492 : memref<528x16xf32, #tpu.memory_space<vmem>>[vector<16xi32>, vector<16xi32>], vector<16xf32>,
        %mul3A_495 = arith.constant 16 : i32
        %mul3A_496 = arith.muli %scan3A_404, %mul3A_495 : i32
        %get3A_497 = arith.constant 11 : i32
        %get3A_498 = arith.index_cast %get3A_497 : i32 to index
        %get3A_499 = arith.index_cast %mul3A_496 : i32 to index
        %get3A_500 = tpu.vector_load %arg11[%get3A_498, %get3A_499] {strides = array<i32>} : memref<12x528xf32, #tpu.memory_space<vmem>>, vector<16xf32>,
        %broadcast_in_dim3A_501 = arith.constant 11 : i32
        %broadcast_in_dim3A_502 = vector.broadcast %broadcast_in_dim3A_501 : i32 to vector<16xi32>
        tpu.vector_store_idx %arg12[%add3A_408, %broadcast_in_dim3A_502], %get3A_500 : memref<528x16xf32, #tpu.memory_space<vmem>>[vector<16xi32>, vector<16xi32>], vector<16xf32>,
      }
      %scan3A_403 = arith.constant 33 : i32
      "tpu.region"() ({
        %run_scoped3A = tpu.sem_alloc : memref<!tpu.dma_semaphore, #tpu.memory_space<semaphore_mem>>
        %dma_start3A_404 = arith.constant 0 : i32
        %dma_start3A_405 = tpu.memref_slice %arg7[%min3A_112, %dma_start3A_404] : memref<50000x16xf32, #tpu.memory_space<vmem_shared>> -> memref<528x16xf32, #tpu.memory_space<vmem_shared>>
        %dma_start3A_406 = arith.constant 0 : i32
        %dma_start3A_407 = tpu.memref_slice %arg7[%min3A_112, %dma_start3A_406] : memref<50000x16xf32, #tpu.memory_space<vmem_shared>> -> memref<528x16xf32, #tpu.memory_space<vmem_shared>>
        tpu.enqueue_dma source(%arg12 : memref<528x16xf32, #tpu.memory_space<vmem>>) target(%dma_start3A_407 : memref<528x16xf32, #tpu.memory_space<vmem_shared>>) target_semaphore(%run_scoped3A : memref<!tpu.dma_semaphore, #tpu.memory_space<semaphore_mem>>)
        %dma_wait3A_408 = arith.constant 0 : i32
        %dma_wait3A_409 = tpu.memref_slice %arg7[%min3A_112, %dma_wait3A_408] : memref<50000x16xf32, #tpu.memory_space<vmem_shared>> -> memref<528x16xf32, #tpu.memory_space<vmem_shared>>
        %dma_wait3A_410 = arith.constant 0 : i32
        %dma_wait3A_411 = tpu.memref_slice %arg7[%min3A_112, %dma_wait3A_410] : memref<50000x16xf32, #tpu.memory_space<vmem_shared>> -> memref<528x16xf32, #tpu.memory_space<vmem_shared>>
        tpu.wait_dma2 semaphore(%run_scoped3A : memref<!tpu.dma_semaphore, #tpu.memory_space<semaphore_mem>>) src(%arg12 : memref<528x16xf32, #tpu.memory_space<vmem>>) dst(%dma_wait3A_411 : memref<528x16xf32, #tpu.memory_space<vmem_shared>>)
        tpu.yield
      }) : () -> ()
    }
    %sub3A_30 = arith.constant 47 : i32
    %sub3A_31 = arith.subi %sub3A_30, %arg1 : i32
    %jit3A_32 = arith.constant 16 : i32
    %div3A_33 = arith.divsi %sub3A_31, %jit3A_32 : i32
    %sign3A_34 = arith.constant 0 : i32
    %sign3A_35 = arith.cmpi sgt, %sub3A_31, %sign3A_34 : i32
    %sign3A_36 = arith.extui %sign3A_35 : i1 to i32
    %sign3A_37 = arith.constant 0 : i32
    %sign3A_38 = arith.cmpi slt, %sub3A_31, %sign3A_37 : i32
    %sign3A_39 = arith.extui %sign3A_38 : i1 to i32
    %sign3A_40 = arith.subi %sign3A_36, %sign3A_39 : i32
    %sign3A_41 = arith.constant 0 : i32
    %sign3A_42 = arith.cmpi sgt, %jit3A_32, %sign3A_41 : i32
    %sign3A_43 = arith.extui %sign3A_42 : i1 to i32
    %sign3A_44 = arith.constant 0 : i32
    %sign3A_45 = arith.cmpi slt, %jit3A_32, %sign3A_44 : i32
    %sign3A_46 = arith.extui %sign3A_45 : i1 to i32
    %sign3A_47 = arith.subi %sign3A_43, %sign3A_46 : i32
    %ne3A_48 = arith.cmpi ne, %sign3A_40, %sign3A_47 : i32
    %rem3A_49 = arith.remsi %sub3A_31, %jit3A_32 : i32
    %ne3A_50 = arith.constant 0 : i32
    %ne3A_51 = arith.cmpi ne, %rem3A_49, %ne3A_50 : i32
    %and3A_52 = arith.andi %ne3A_48, %ne3A_51 : i1
    %sub3A_53 = arith.constant 1 : i32
    %sub3A_54 = arith.subi %div3A_33, %sub3A_53 : i32
    %select_n3A_55 = arith.select %and3A_52, %sub3A_54, %div3A_33 : i32
    %add3A_56 = arith.constant 1 : i32
    %add3A_57 = arith.addi %select_n3A_55, %add3A_56 : i32
    %while3A_58 = arith.constant 0 : i32
    %while3A_59 = arith.constant 0 : i32
    %while3A_60 = arith.subi %add3A_57, %while3A_59 : i32
    %while3A_61 = arith.addi %while3A_59, %while3A_60 : i32
    %while3A_62 = arith.constant 1 : i32
    %while3A_63 = arith.divsi %while3A_60, %while3A_62 : i32
    %while3A_64 = arith.muli %while3A_63, %while3A_62 : i32
    %while3A_65 = arith.addi %while3A_59, %while3A_64 : i32
    %while3A_66 = arith.constant 1 : i32
    scf.for %while3A_106 = %while3A_59 to %while3A_65 step %while3A_66  : i32 {
      %mul3A_107 = arith.constant 16 : i32
      %mul3A_108 = arith.muli %while3A_106, %mul3A_107 : i32
      %add3A_109 = arith.addi %arg1, %mul3A_108 : i32
      %mul3A_110 = arith.constant 2096 : i32
      %mul3A_111 = arith.muli %add3A_109, %mul3A_110 : i32
      %min3A = arith.constant 97904 : i32
      %min3A_112 = arith.minsi %mul3A_111, %min3A : i32
      %dma_start3A = arith.constant 0 : i32
      %dma_start3A_113 = tpu.memref_slice %arg8[%min3A_112] : memref<100000xi32, #tpu.memory_space<vmem_shared>> -> memref<2096xi32, #tpu.memory_space<vmem_shared>>
      %dma_start3A_114 = tpu.memref_slice %arg3[%dma_start3A, %min3A_112] : memref<3x100000xi32, #tpu.memory_space<hbm>> -> memref<1x2096xi32, #tpu.memory_space<hbm>>
      %dma_start3A_115 = tpu.memref_squeeze %dma_start3A_114 : memref<1x2096xi32, #tpu.memory_space<hbm>> -> memref<2096xi32, #tpu.memory_space<hbm>>
      tpu.enqueue_dma source(%dma_start3A_115 : memref<2096xi32, #tpu.memory_space<hbm>>) target(%dma_start3A_113 : memref<2096xi32, #tpu.memory_space<vmem_shared>>) target_semaphore(%arg22 : memref<!tpu.dma_semaphore, #tpu.memory_space<semaphore_mem>>)
      %dma_start3A_116 = arith.constant 1 : i32
      %dma_start3A_117 = tpu.memref_slice %arg9[%min3A_112] : memref<100000xi32, #tpu.memory_space<vmem_shared>> -> memref<2096xi32, #tpu.memory_space<vmem_shared>>
      %dma_start3A_118 = tpu.memref_slice %arg3[%dma_start3A_116, %min3A_112] : memref<3x100000xi32, #tpu.memory_space<hbm>> -> memref<1x2096xi32, #tpu.memory_space<hbm>>
      %dma_start3A_119 = tpu.memref_squeeze %dma_start3A_118 : memref<1x2096xi32, #tpu.memory_space<hbm>> -> memref<2096xi32, #tpu.memory_space<hbm>>
      tpu.enqueue_dma source(%dma_start3A_119 : memref<2096xi32, #tpu.memory_space<hbm>>) target(%dma_start3A_117 : memref<2096xi32, #tpu.memory_space<vmem_shared>>) target_semaphore(%arg22 : memref<!tpu.dma_semaphore, #tpu.memory_space<semaphore_mem>>)
      %dma_start3A_120 = arith.constant 2 : i32
      %dma_start3A_121 = tpu.memref_slice %arg10[%min3A_112] : memref<100000xi32, #tpu.memory_space<vmem_shared>> -> memref<2096xi32, #tpu.memory_space<vmem_shared>>
      %dma_start3A_122 = tpu.memref_slice %arg3[%dma_start3A_120, %min3A_112] : memref<3x100000xi32, #tpu.memory_space<hbm>> -> memref<1x2096xi32, #tpu.memory_space<hbm>>
      %dma_start3A_123 = tpu.memref_squeeze %dma_start3A_122 : memref<1x2096xi32, #tpu.memory_space<hbm>> -> memref<2096xi32, #tpu.memory_space<hbm>>
      tpu.enqueue_dma source(%dma_start3A_123 : memref<2096xi32, #tpu.memory_space<hbm>>) target(%dma_start3A_121 : memref<2096xi32, #tpu.memory_space<vmem_shared>>) target_semaphore(%arg22 : memref<!tpu.dma_semaphore, #tpu.memory_space<semaphore_mem>>)
      %dma_wait3A = arith.constant 0 : i32
      %dma_wait3A_124 = tpu.memref_slice %arg8[%min3A_112] : memref<100000xi32, #tpu.memory_space<vmem_shared>> -> memref<2096xi32, #tpu.memory_space<vmem_shared>>
      %dma_wait3A_125 = tpu.memref_slice %arg3[%dma_wait3A, %min3A_112] : memref<3x100000xi32, #tpu.memory_space<hbm>> -> memref<1x2096xi32, #tpu.memory_space<hbm>>
      %dma_wait3A_126 = tpu.memref_squeeze %dma_wait3A_125 : memref<1x2096xi32, #tpu.memory_space<hbm>> -> memref<2096xi32, #tpu.memory_space<hbm>>
      tpu.wait_dma2 semaphore(%arg22 : memref<!tpu.dma_semaphore, #tpu.memory_space<semaphore_mem>>) src(%dma_wait3A_126 : memref<2096xi32, #tpu.memory_space<hbm>>) dst(%dma_wait3A_124 : memref<2096xi32, #tpu.memory_space<vmem_shared>>)
      %dma_wait3A_127 = arith.constant 1 : i32
      %dma_wait3A_128 = tpu.memref_slice %arg9[%min3A_112] : memref<100000xi32, #tpu.memory_space<vmem_shared>> -> memref<2096xi32, #tpu.memory_space<vmem_shared>>
      %dma_wait3A_129 = tpu.memref_slice %arg3[%dma_wait3A_127, %min3A_112] : memref<3x100000xi32, #tpu.memory_space<hbm>> -> memref<1x2096xi32, #tpu.memory_space<hbm>>
      %dma_wait3A_130 = tpu.memref_squeeze %dma_wait3A_129 : memref<1x2096xi32, #tpu.memory_space<hbm>> -> memref<2096xi32, #tpu.memory_space<hbm>>
      tpu.wait_dma2 semaphore(%arg22 : memref<!tpu.dma_semaphore, #tpu.memory_space<semaphore_mem>>) src(%dma_wait3A_130 : memref<2096xi32, #tpu.memory_space<hbm>>) dst(%dma_wait3A_128 : memref<2096xi32, #tpu.memory_space<vmem_shared>>)
      %dma_wait3A_131 = arith.constant 2 : i32
      %dma_wait3A_132 = tpu.memref_slice %arg10[%min3A_112] : memref<100000xi32, #tpu.memory_space<vmem_shared>> -> memref<2096xi32, #tpu.memory_space<vmem_shared>>
      %dma_wait3A_133 = tpu.memref_slice %arg3[%dma_wait3A_131, %min3A_112] : memref<3x100000xi32, #tpu.memory_space<hbm>> -> memref<1x2096xi32, #tpu.memory_space<hbm>>
      %dma_wait3A_134 = tpu.memref_squeeze %dma_wait3A_133 : memref<1x2096xi32, #tpu.memory_space<hbm>> -> memref<2096xi32, #tpu.memory_space<hbm>>
      tpu.wait_dma2 semaphore(%arg22 : memref<!tpu.dma_semaphore, #tpu.memory_space<semaphore_mem>>) src(%dma_wait3A_134 : memref<2096xi32, #tpu.memory_space<hbm>>) dst(%dma_wait3A_132 : memref<2096xi32, #tpu.memory_space<vmem_shared>>)
    }
    %while3A_67 = arith.constant 1 : i32
    scf.for %while3A_106 = %while3A_65 to %while3A_61 step %while3A_67  : i32 {
      %mul3A_107 = arith.constant 16 : i32
      %mul3A_108 = arith.muli %while3A_106, %mul3A_107 : i32
      %add3A_109 = arith.addi %arg1, %mul3A_108 : i32
      %mul3A_110 = arith.constant 2096 : i32
      %mul3A_111 = arith.muli %add3A_109, %mul3A_110 : i32
      %min3A = arith.constant 97904 : i32
      %min3A_112 = arith.minsi %mul3A_111, %min3A : i32
      %dma_start3A = arith.constant 0 : i32
      %dma_start3A_113 = tpu.memref_slice %arg8[%min3A_112] : memref<100000xi32, #tpu.memory_space<vmem_shared>> -> memref<2096xi32, #tpu.memory_space<vmem_shared>>
      %dma_start3A_114 = tpu.memref_slice %arg3[%dma_start3A, %min3A_112] : memref<3x100000xi32, #tpu.memory_space<hbm>> -> memref<1x2096xi32, #tpu.memory_space<hbm>>
      %dma_start3A_115 = tpu.memref_squeeze %dma_start3A_114 : memref<1x2096xi32, #tpu.memory_space<hbm>> -> memref<2096xi32, #tpu.memory_space<hbm>>
      tpu.enqueue_dma source(%dma_start3A_115 : memref<2096xi32, #tpu.memory_space<hbm>>) target(%dma_start3A_113 : memref<2096xi32, #tpu.memory_space<vmem_shared>>) target_semaphore(%arg22 : memref<!tpu.dma_semaphore, #tpu.memory_space<semaphore_mem>>)
      %dma_start3A_116 = arith.constant 1 : i32
      %dma_start3A_117 = tpu.memref_slice %arg9[%min3A_112] : memref<100000xi32, #tpu.memory_space<vmem_shared>> -> memref<2096xi32, #tpu.memory_space<vmem_shared>>
      %dma_start3A_118 = tpu.memref_slice %arg3[%dma_start3A_116, %min3A_112] : memref<3x100000xi32, #tpu.memory_space<hbm>> -> memref<1x2096xi32, #tpu.memory_space<hbm>>
      %dma_start3A_119 = tpu.memref_squeeze %dma_start3A_118 : memref<1x2096xi32, #tpu.memory_space<hbm>> -> memref<2096xi32, #tpu.memory_space<hbm>>
      tpu.enqueue_dma source(%dma_start3A_119 : memref<2096xi32, #tpu.memory_space<hbm>>) target(%dma_start3A_117 : memref<2096xi32, #tpu.memory_space<vmem_shared>>) target_semaphore(%arg22 : memref<!tpu.dma_semaphore, #tpu.memory_space<semaphore_mem>>)
      %dma_start3A_120 = arith.constant 2 : i32
      %dma_start3A_121 = tpu.memref_slice %arg10[%min3A_112] : memref<100000xi32, #tpu.memory_space<vmem_shared>> -> memref<2096xi32, #tpu.memory_space<vmem_shared>>
      %dma_start3A_122 = tpu.memref_slice %arg3[%dma_start3A_120, %min3A_112] : memref<3x100000xi32, #tpu.memory_space<hbm>> -> memref<1x2096xi32, #tpu.memory_space<hbm>>
      %dma_start3A_123 = tpu.memref_squeeze %dma_start3A_122 : memref<1x2096xi32, #tpu.memory_space<hbm>> -> memref<2096xi32, #tpu.memory_space<hbm>>
      tpu.enqueue_dma source(%dma_start3A_123 : memref<2096xi32, #tpu.memory_space<hbm>>) target(%dma_start3A_121 : memref<2096xi32, #tpu.memory_space<vmem_shared>>) target_semaphore(%arg22 : memref<!tpu.dma_semaphore, #tpu.memory_space<semaphore_mem>>)
      %dma_wait3A = arith.constant 0 : i32
      %dma_wait3A_124 = tpu.memref_slice %arg8[%min3A_112] : memref<100000xi32, #tpu.memory_space<vmem_shared>> -> memref<2096xi32, #tpu.memory_space<vmem_shared>>
      %dma_wait3A_125 = tpu.memref_slice %arg3[%dma_wait3A, %min3A_112] : memref<3x100000xi32, #tpu.memory_space<hbm>> -> memref<1x2096xi32, #tpu.memory_space<hbm>>
      %dma_wait3A_126 = tpu.memref_squeeze %dma_wait3A_125 : memref<1x2096xi32, #tpu.memory_space<hbm>> -> memref<2096xi32, #tpu.memory_space<hbm>>
      tpu.wait_dma2 semaphore(%arg22 : memref<!tpu.dma_semaphore, #tpu.memory_space<semaphore_mem>>) src(%dma_wait3A_126 : memref<2096xi32, #tpu.memory_space<hbm>>) dst(%dma_wait3A_124 : memref<2096xi32, #tpu.memory_space<vmem_shared>>)
      %dma_wait3A_127 = arith.constant 1 : i32
      %dma_wait3A_128 = tpu.memref_slice %arg9[%min3A_112] : memref<100000xi32, #tpu.memory_space<vmem_shared>> -> memref<2096xi32, #tpu.memory_space<vmem_shared>>
      %dma_wait3A_129 = tpu.memref_slice %arg3[%dma_wait3A_127, %min3A_112] : memref<3x100000xi32, #tpu.memory_space<hbm>> -> memref<1x2096xi32, #tpu.memory_space<hbm>>
      %dma_wait3A_130 = tpu.memref_squeeze %dma_wait3A_129 : memref<1x2096xi32, #tpu.memory_space<hbm>> -> memref<2096xi32, #tpu.memory_space<hbm>>
      tpu.wait_dma2 semaphore(%arg22 : memref<!tpu.dma_semaphore, #tpu.memory_space<semaphore_mem>>) src(%dma_wait3A_130 : memref<2096xi32, #tpu.memory_space<hbm>>) dst(%dma_wait3A_128 : memref<2096xi32, #tpu.memory_space<vmem_shared>>)
      %dma_wait3A_131 = arith.constant 2 : i32
      %dma_wait3A_132 = tpu.memref_slice %arg10[%min3A_112] : memref<100000xi32, #tpu.memory_space<vmem_shared>> -> memref<2096xi32, #tpu.memory_space<vmem_shared>>
      %dma_wait3A_133 = tpu.memref_slice %arg3[%dma_wait3A_131, %min3A_112] : memref<3x100000xi32, #tpu.memory_space<hbm>> -> memref<1x2096xi32, #tpu.memory_space<hbm>>
      %dma_wait3A_134 = tpu.memref_squeeze %dma_wait3A_133 : memref<1x2096xi32, #tpu.memory_space<hbm>> -> memref<2096xi32, #tpu.memory_space<hbm>>
      tpu.wait_dma2 semaphore(%arg22 : memref<!tpu.dma_semaphore, #tpu.memory_space<semaphore_mem>>) src(%dma_wait3A_134 : memref<2096xi32, #tpu.memory_space<hbm>>) dst(%dma_wait3A_132 : memref<2096xi32, #tpu.memory_space<vmem_shared>>)
    }
    %barrier3A = arith.constant 0 : index
    tpu.barrier barrier_id(%barrier3A)
    %sub3A_68 = arith.constant 156 : i32
    %sub3A_69 = arith.subi %sub3A_68, %add3A : i32
    %jit3A_70 = arith.constant 32 : i32
    %div3A_71 = arith.divsi %sub3A_69, %jit3A_70 : i32
    %sign3A_72 = arith.constant 0 : i32
    %sign3A_73 = arith.cmpi sgt, %sub3A_69, %sign3A_72 : i32
    %sign3A_74 = arith.extui %sign3A_73 : i1 to i32
    %sign3A_75 = arith.constant 0 : i32
    %sign3A_76 = arith.cmpi slt, %sub3A_69, %sign3A_75 : i32
    %sign3A_77 = arith.extui %sign3A_76 : i1 to i32
    %sign3A_78 = arith.subi %sign3A_74, %sign3A_77 : i32
    %sign3A_79 = arith.constant 0 : i32
    %sign3A_80 = arith.cmpi sgt, %jit3A_70, %sign3A_79 : i32
    %sign3A_81 = arith.extui %sign3A_80 : i1 to i32
    %sign3A_82 = arith.constant 0 : i32
    %sign3A_83 = arith.cmpi slt, %jit3A_70, %sign3A_82 : i32
    %sign3A_84 = arith.extui %sign3A_83 : i1 to i32
    %sign3A_85 = arith.subi %sign3A_81, %sign3A_84 : i32
    %ne3A_86 = arith.cmpi ne, %sign3A_78, %sign3A_85 : i32
    %rem3A_87 = arith.remsi %sub3A_69, %jit3A_70 : i32
    %ne3A_88 = arith.constant 0 : i32
    %ne3A_89 = arith.cmpi ne, %rem3A_87, %ne3A_88 : i32
    %and3A_90 = arith.andi %ne3A_86, %ne3A_89 : i1
    %sub3A_91 = arith.constant 1 : i32
    %sub3A_92 = arith.subi %div3A_71, %sub3A_91 : i32
    %select_n3A_93 = arith.select %and3A_90, %sub3A_92, %div3A_71 : i32
    %add3A_94 = arith.constant 1 : i32
    %add3A_95 = arith.addi %select_n3A_93, %add3A_94 : i32
    %while3A_96 = arith.constant 0 : i32
    %while3A_97 = arith.constant 0 : i32
    %while3A_98 = arith.subi %add3A_95, %while3A_97 : i32
    %while3A_99 = arith.addi %while3A_97, %while3A_98 : i32
    %while3A_100 = arith.constant 1 : i32
    %while3A_101 = arith.divsi %while3A_98, %while3A_100 : i32
    %while3A_102 = arith.muli %while3A_101, %while3A_100 : i32
    %while3A_103 = arith.addi %while3A_97, %while3A_102 : i32
    %while3A_104 = arith.constant 1 : i32
    scf.for %while3A_106 = %while3A_97 to %while3A_103 step %while3A_104  : i32 {
      %mul3A_107 = arith.constant 32 : i32
      %mul3A_108 = arith.muli %while3A_106, %mul3A_107 : i32
      %add3A_109 = arith.addi %add3A, %mul3A_108 : i32
      %mul3A_110 = arith.constant 640 : i32
      %mul3A_111 = arith.muli %add3A_109, %mul3A_110 : i32
      %min3A = arith.constant 99360 : i32
      %min3A_112 = arith.minsi %mul3A_111, %min3A : i32
      %dma_start3A = tpu.memref_slice %arg4[%min3A_112] : memref<100000xi32, #tpu.memory_space<hbm>> -> memref<640xi32, #tpu.memory_space<hbm>>
      %dma_start3A_113 = tpu.memref_slice %arg4[%min3A_112] : memref<100000xi32, #tpu.memory_space<hbm>> -> memref<640xi32, #tpu.memory_space<hbm>>
      tpu.enqueue_dma source(%dma_start3A_113 : memref<640xi32, #tpu.memory_space<hbm>>) target(%arg13 : memref<640xi32, #tpu.memory_space<vmem>>) target_semaphore(%arg22 : memref<!tpu.dma_semaphore, #tpu.memory_space<semaphore_mem>>)
      %dma_start3A_114 = arith.constant 0 : i32
      %dma_start3A_115 = arith.constant 0 : i32
      %dma_start3A_116 = arith.constant 0 : i32
      %dma_start3A_117 = tpu.memref_slice %arg20[%dma_start3A_115, %dma_start3A_116] : memref<4x640xf32, #tpu.memory_space<vmem>> -> memref<1x640xf32, #tpu.memory_space<vmem>>
      %dma_start3A_118 = tpu.memref_squeeze %dma_start3A_117 : memref<1x640xf32, #tpu.memory_space<vmem>> -> memref<640xf32, #tpu.memory_space<vmem>>
      %dma_start3A_119 = tpu.memref_slice %arg5[%dma_start3A_114, %min3A_112] : memref<4x100000xf32, #tpu.memory_space<hbm>> -> memref<1x640xf32, #tpu.memory_space<hbm>>
      %dma_start3A_120 = tpu.memref_squeeze %dma_start3A_119 : memref<1x640xf32, #tpu.memory_space<hbm>> -> memref<640xf32, #tpu.memory_space<hbm>>
      %dma_start3A_121 = arith.constant 0 : i32
      %dma_start3A_122 = tpu.memref_slice %arg20[%dma_start3A_115, %dma_start3A_121] : memref<4x640xf32, #tpu.memory_space<vmem>> -> memref<1x640xf32, #tpu.memory_space<vmem>>
      %dma_start3A_123 = tpu.memref_squeeze %dma_start3A_122 : memref<1x640xf32, #tpu.memory_space<vmem>> -> memref<640xf32, #tpu.memory_space<vmem>>
      %dma_start3A_124 = tpu.memref_slice %arg5[%dma_start3A_114, %min3A_112] : memref<4x100000xf32, #tpu.memory_space<hbm>> -> memref<1x640xf32, #tpu.memory_space<hbm>>
      %dma_start3A_125 = tpu.memref_squeeze %dma_start3A_124 : memref<1x640xf32, #tpu.memory_space<hbm>> -> memref<640xf32, #tpu.memory_space<hbm>>
      tpu.enqueue_dma source(%dma_start3A_125 : memref<640xf32, #tpu.memory_space<hbm>>) target(%dma_start3A_123 : memref<640xf32, #tpu.memory_space<vmem>>) target_semaphore(%arg22 : memref<!tpu.dma_semaphore, #tpu.memory_space<semaphore_mem>>)
      %dma_start3A_126 = arith.constant 1 : i32
      %dma_start3A_127 = arith.constant 1 : i32
      %dma_start3A_128 = arith.constant 0 : i32
      %dma_start3A_129 = tpu.memref_slice %arg20[%dma_start3A_127, %dma_start3A_128] : memref<4x640xf32, #tpu.memory_space<vmem>> -> memref<1x640xf32, #tpu.memory_space<vmem>>
      %dma_start3A_130 = tpu.memref_squeeze %dma_start3A_129 : memref<1x640xf32, #tpu.memory_space<vmem>> -> memref<640xf32, #tpu.memory_space<vmem>>
      %dma_start3A_131 = tpu.memref_slice %arg5[%dma_start3A_126, %min3A_112] : memref<4x100000xf32, #tpu.memory_space<hbm>> -> memref<1x640xf32, #tpu.memory_space<hbm>>
      %dma_start3A_132 = tpu.memref_squeeze %dma_start3A_131 : memref<1x640xf32, #tpu.memory_space<hbm>> -> memref<640xf32, #tpu.memory_space<hbm>>
      %dma_start3A_133 = arith.constant 0 : i32
      %dma_start3A_134 = tpu.memref_slice %arg20[%dma_start3A_127, %dma_start3A_133] : memref<4x640xf32, #tpu.memory_space<vmem>> -> memref<1x640xf32, #tpu.memory_space<vmem>>
      %dma_start3A_135 = tpu.memref_squeeze %dma_start3A_134 : memref<1x640xf32, #tpu.memory_space<vmem>> -> memref<640xf32, #tpu.memory_space<vmem>>
      %dma_start3A_136 = tpu.memref_slice %arg5[%dma_start3A_126, %min3A_112] : memref<4x100000xf32, #tpu.memory_space<hbm>> -> memref<1x640xf32, #tpu.memory_space<hbm>>
      %dma_start3A_137 = tpu.memref_squeeze %dma_start3A_136 : memref<1x640xf32, #tpu.memory_space<hbm>> -> memref<640xf32, #tpu.memory_space<hbm>>
      tpu.enqueue_dma source(%dma_start3A_137 : memref<640xf32, #tpu.memory_space<hbm>>) target(%dma_start3A_135 : memref<640xf32, #tpu.memory_space<vmem>>) target_semaphore(%arg22 : memref<!tpu.dma_semaphore, #tpu.memory_space<semaphore_mem>>)
      %dma_start3A_138 = arith.constant 2 : i32
      %dma_start3A_139 = arith.constant 2 : i32
      %dma_start3A_140 = arith.constant 0 : i32
      %dma_start3A_141 = tpu.memref_slice %arg20[%dma_start3A_139, %dma_start3A_140] : memref<4x640xf32, #tpu.memory_space<vmem>> -> memref<1x640xf32, #tpu.memory_space<vmem>>
      %dma_start3A_142 = tpu.memref_squeeze %dma_start3A_141 : memref<1x640xf32, #tpu.memory_space<vmem>> -> memref<640xf32, #tpu.memory_space<vmem>>
      %dma_start3A_143 = tpu.memref_slice %arg5[%dma_start3A_138, %min3A_112] : memref<4x100000xf32, #tpu.memory_space<hbm>> -> memref<1x640xf32, #tpu.memory_space<hbm>>
      %dma_start3A_144 = tpu.memref_squeeze %dma_start3A_143 : memref<1x640xf32, #tpu.memory_space<hbm>> -> memref<640xf32, #tpu.memory_space<hbm>>
      %dma_start3A_145 = arith.constant 0 : i32
      %dma_start3A_146 = tpu.memref_slice %arg20[%dma_start3A_139, %dma_start3A_145] : memref<4x640xf32, #tpu.memory_space<vmem>> -> memref<1x640xf32, #tpu.memory_space<vmem>>
      %dma_start3A_147 = tpu.memref_squeeze %dma_start3A_146 : memref<1x640xf32, #tpu.memory_space<vmem>> -> memref<640xf32, #tpu.memory_space<vmem>>
      %dma_start3A_148 = tpu.memref_slice %arg5[%dma_start3A_138, %min3A_112] : memref<4x100000xf32, #tpu.memory_space<hbm>> -> memref<1x640xf32, #tpu.memory_space<hbm>>
      %dma_start3A_149 = tpu.memref_squeeze %dma_start3A_148 : memref<1x640xf32, #tpu.memory_space<hbm>> -> memref<640xf32, #tpu.memory_space<hbm>>
      tpu.enqueue_dma source(%dma_start3A_149 : memref<640xf32, #tpu.memory_space<hbm>>) target(%dma_start3A_147 : memref<640xf32, #tpu.memory_space<vmem>>) target_semaphore(%arg22 : memref<!tpu.dma_semaphore, #tpu.memory_space<semaphore_mem>>)
      %dma_start3A_150 = arith.constant 3 : i32
      %dma_start3A_151 = arith.constant 3 : i32
      %dma_start3A_152 = arith.constant 0 : i32
      %dma_start3A_153 = tpu.memref_slice %arg20[%dma_start3A_151, %dma_start3A_152] : memref<4x640xf32, #tpu.memory_space<vmem>> -> memref<1x640xf32, #tpu.memory_space<vmem>>
      %dma_start3A_154 = tpu.memref_squeeze %dma_start3A_153 : memref<1x640xf32, #tpu.memory_space<vmem>> -> memref<640xf32, #tpu.memory_space<vmem>>
      %dma_start3A_155 = tpu.memref_slice %arg5[%dma_start3A_150, %min3A_112] : memref<4x100000xf32, #tpu.memory_space<hbm>> -> memref<1x640xf32, #tpu.memory_space<hbm>>
      %dma_start3A_156 = tpu.memref_squeeze %dma_start3A_155 : memref<1x640xf32, #tpu.memory_space<hbm>> -> memref<640xf32, #tpu.memory_space<hbm>>
      %dma_start3A_157 = arith.constant 0 : i32
      %dma_start3A_158 = tpu.memref_slice %arg20[%dma_start3A_151, %dma_start3A_157] : memref<4x640xf32, #tpu.memory_space<vmem>> -> memref<1x640xf32, #tpu.memory_space<vmem>>
      %dma_start3A_159 = tpu.memref_squeeze %dma_start3A_158 : memref<1x640xf32, #tpu.memory_space<vmem>> -> memref<640xf32, #tpu.memory_space<vmem>>
      %dma_start3A_160 = tpu.memref_slice %arg5[%dma_start3A_150, %min3A_112] : memref<4x100000xf32, #tpu.memory_space<hbm>> -> memref<1x640xf32, #tpu.memory_space<hbm>>
      %dma_start3A_161 = tpu.memref_squeeze %dma_start3A_160 : memref<1x640xf32, #tpu.memory_space<hbm>> -> memref<640xf32, #tpu.memory_space<hbm>>
      tpu.enqueue_dma source(%dma_start3A_161 : memref<640xf32, #tpu.memory_space<hbm>>) target(%dma_start3A_159 : memref<640xf32, #tpu.memory_space<vmem>>) target_semaphore(%arg22 : memref<!tpu.dma_semaphore, #tpu.memory_space<semaphore_mem>>)
      %dma_wait3A = tpu.memref_slice %arg4[%min3A_112] : memref<100000xi32, #tpu.memory_space<hbm>> -> memref<640xi32, #tpu.memory_space<hbm>>
      %dma_wait3A_162 = tpu.memref_slice %arg4[%min3A_112] : memref<100000xi32, #tpu.memory_space<hbm>> -> memref<640xi32, #tpu.memory_space<hbm>>
      tpu.wait_dma2 semaphore(%arg22 : memref<!tpu.dma_semaphore, #tpu.memory_space<semaphore_mem>>) src(%dma_wait3A_162 : memref<640xi32, #tpu.memory_space<hbm>>) dst(%arg13 : memref<640xi32, #tpu.memory_space<vmem>>)
      %dma_wait3A_163 = arith.constant 0 : i32
      %dma_wait3A_164 = arith.constant 0 : i32
      %dma_wait3A_165 = arith.constant 0 : i32
      %dma_wait3A_166 = tpu.memref_slice %arg20[%dma_wait3A_164, %dma_wait3A_165] : memref<4x640xf32, #tpu.memory_space<vmem>> -> memref<1x640xf32, #tpu.memory_space<vmem>>
      %dma_wait3A_167 = tpu.memref_squeeze %dma_wait3A_166 : memref<1x640xf32, #tpu.memory_space<vmem>> -> memref<640xf32, #tpu.memory_space<vmem>>
      %dma_wait3A_168 = tpu.memref_slice %arg5[%dma_wait3A_163, %min3A_112] : memref<4x100000xf32, #tpu.memory_space<hbm>> -> memref<1x640xf32, #tpu.memory_space<hbm>>
      %dma_wait3A_169 = tpu.memref_squeeze %dma_wait3A_168 : memref<1x640xf32, #tpu.memory_space<hbm>> -> memref<640xf32, #tpu.memory_space<hbm>>
      %dma_wait3A_170 = arith.constant 0 : i32
      %dma_wait3A_171 = tpu.memref_slice %arg20[%dma_wait3A_164, %dma_wait3A_170] : memref<4x640xf32, #tpu.memory_space<vmem>> -> memref<1x640xf32, #tpu.memory_space<vmem>>
      %dma_wait3A_172 = tpu.memref_squeeze %dma_wait3A_171 : memref<1x640xf32, #tpu.memory_space<vmem>> -> memref<640xf32, #tpu.memory_space<vmem>>
      %dma_wait3A_173 = tpu.memref_slice %arg5[%dma_wait3A_163, %min3A_112] : memref<4x100000xf32, #tpu.memory_space<hbm>> -> memref<1x640xf32, #tpu.memory_space<hbm>>
      %dma_wait3A_174 = tpu.memref_squeeze %dma_wait3A_173 : memref<1x640xf32, #tpu.memory_space<hbm>> -> memref<640xf32, #tpu.memory_space<hbm>>
      tpu.wait_dma2 semaphore(%arg22 : memref<!tpu.dma_semaphore, #tpu.memory_space<semaphore_mem>>) src(%dma_wait3A_174 : memref<640xf32, #tpu.memory_space<hbm>>) dst(%dma_wait3A_172 : memref<640xf32, #tpu.memory_space<vmem>>)
      %dma_wait3A_175 = arith.constant 1 : i32
      %dma_wait3A_176 = arith.constant 1 : i32
      %dma_wait3A_177 = arith.constant 0 : i32
      %dma_wait3A_178 = tpu.memref_slice %arg20[%dma_wait3A_176, %dma_wait3A_177] : memref<4x640xf32, #tpu.memory_space<vmem>> -> memref<1x640xf32, #tpu.memory_space<vmem>>
      %dma_wait3A_179 = tpu.memref_squeeze %dma_wait3A_178 : memref<1x640xf32, #tpu.memory_space<vmem>> -> memref<640xf32, #tpu.memory_space<vmem>>
      %dma_wait3A_180 = tpu.memref_slice %arg5[%dma_wait3A_175, %min3A_112] : memref<4x100000xf32, #tpu.memory_space<hbm>> -> memref<1x640xf32, #tpu.memory_space<hbm>>
      %dma_wait3A_181 = tpu.memref_squeeze %dma_wait3A_180 : memref<1x640xf32, #tpu.memory_space<hbm>> -> memref<640xf32, #tpu.memory_space<hbm>>
      %dma_wait3A_182 = arith.constant 0 : i32
      %dma_wait3A_183 = tpu.memref_slice %arg20[%dma_wait3A_176, %dma_wait3A_182] : memref<4x640xf32, #tpu.memory_space<vmem>> -> memref<1x640xf32, #tpu.memory_space<vmem>>
      %dma_wait3A_184 = tpu.memref_squeeze %dma_wait3A_183 : memref<1x640xf32, #tpu.memory_space<vmem>> -> memref<640xf32, #tpu.memory_space<vmem>>
      %dma_wait3A_185 = tpu.memref_slice %arg5[%dma_wait3A_175, %min3A_112] : memref<4x100000xf32, #tpu.memory_space<hbm>> -> memref<1x640xf32, #tpu.memory_space<hbm>>
      %dma_wait3A_186 = tpu.memref_squeeze %dma_wait3A_185 : memref<1x640xf32, #tpu.memory_space<hbm>> -> memref<640xf32, #tpu.memory_space<hbm>>
      tpu.wait_dma2 semaphore(%arg22 : memref<!tpu.dma_semaphore, #tpu.memory_space<semaphore_mem>>) src(%dma_wait3A_186 : memref<640xf32, #tpu.memory_space<hbm>>) dst(%dma_wait3A_184 : memref<640xf32, #tpu.memory_space<vmem>>)
      %dma_wait3A_187 = arith.constant 2 : i32
      %dma_wait3A_188 = arith.constant 2 : i32
      %dma_wait3A_189 = arith.constant 0 : i32
      %dma_wait3A_190 = tpu.memref_slice %arg20[%dma_wait3A_188, %dma_wait3A_189] : memref<4x640xf32, #tpu.memory_space<vmem>> -> memref<1x640xf32, #tpu.memory_space<vmem>>
      %dma_wait3A_191 = tpu.memref_squeeze %dma_wait3A_190 : memref<1x640xf32, #tpu.memory_space<vmem>> -> memref<640xf32, #tpu.memory_space<vmem>>
      %dma_wait3A_192 = tpu.memref_slice %arg5[%dma_wait3A_187, %min3A_112] : memref<4x100000xf32, #tpu.memory_space<hbm>> -> memref<1x640xf32, #tpu.memory_space<hbm>>
      %dma_wait3A_193 = tpu.memref_squeeze %dma_wait3A_192 : memref<1x640xf32, #tpu.memory_space<hbm>> -> memref<640xf32, #tpu.memory_space<hbm>>
      %dma_wait3A_194 = arith.constant 0 : i32
      %dma_wait3A_195 = tpu.memref_slice %arg20[%dma_wait3A_188, %dma_wait3A_194] : memref<4x640xf32, #tpu.memory_space<vmem>> -> memref<1x640xf32, #tpu.memory_space<vmem>>
      %dma_wait3A_196 = tpu.memref_squeeze %dma_wait3A_195 : memref<1x640xf32, #tpu.memory_space<vmem>> -> memref<640xf32, #tpu.memory_space<vmem>>
      %dma_wait3A_197 = tpu.memref_slice %arg5[%dma_wait3A_187, %min3A_112] : memref<4x100000xf32, #tpu.memory_space<hbm>> -> memref<1x640xf32, #tpu.memory_space<hbm>>
      %dma_wait3A_198 = tpu.memref_squeeze %dma_wait3A_197 : memref<1x640xf32, #tpu.memory_space<hbm>> -> memref<640xf32, #tpu.memory_space<hbm>>
      tpu.wait_dma2 semaphore(%arg22 : memref<!tpu.dma_semaphore, #tpu.memory_space<semaphore_mem>>) src(%dma_wait3A_198 : memref<640xf32, #tpu.memory_space<hbm>>) dst(%dma_wait3A_196 : memref<640xf32, #tpu.memory_space<vmem>>)
      %dma_wait3A_199 = arith.constant 3 : i32
      %dma_wait3A_200 = arith.constant 3 : i32
      %dma_wait3A_201 = arith.constant 0 : i32
      %dma_wait3A_202 = tpu.memref_slice %arg20[%dma_wait3A_200, %dma_wait3A_201] : memref<4x640xf32, #tpu.memory_space<vmem>> -> memref<1x640xf32, #tpu.memory_space<vmem>>
      %dma_wait3A_203 = tpu.memref_squeeze %dma_wait3A_202 : memref<1x640xf32, #tpu.memory_space<vmem>> -> memref<640xf32, #tpu.memory_space<vmem>>
      %dma_wait3A_204 = tpu.memref_slice %arg5[%dma_wait3A_199, %min3A_112] : memref<4x100000xf32, #tpu.memory_space<hbm>> -> memref<1x640xf32, #tpu.memory_space<hbm>>
      %dma_wait3A_205 = tpu.memref_squeeze %dma_wait3A_204 : memref<1x640xf32, #tpu.memory_space<hbm>> -> memref<640xf32, #tpu.memory_space<hbm>>
      %dma_wait3A_206 = arith.constant 0 : i32
      %dma_wait3A_207 = tpu.memref_slice %arg20[%dma_wait3A_200, %dma_wait3A_206] : memref<4x640xf32, #tpu.memory_space<vmem>> -> memref<1x640xf32, #tpu.memory_space<vmem>>
      %dma_wait3A_208 = tpu.memref_squeeze %dma_wait3A_207 : memref<1x640xf32, #tpu.memory_space<vmem>> -> memref<640xf32, #tpu.memory_space<vmem>>
      %dma_wait3A_209 = tpu.memref_slice %arg5[%dma_wait3A_199, %min3A_112] : memref<4x100000xf32, #tpu.memory_space<hbm>> -> memref<1x640xf32, #tpu.memory_space<hbm>>
      %dma_wait3A_210 = tpu.memref_squeeze %dma_wait3A_209 : memref<1x640xf32, #tpu.memory_space<hbm>> -> memref<640xf32, #tpu.memory_space<hbm>>
      tpu.wait_dma2 semaphore(%arg22 : memref<!tpu.dma_semaphore, #tpu.memory_space<semaphore_mem>>) src(%dma_wait3A_210 : memref<640xf32, #tpu.memory_space<hbm>>) dst(%dma_wait3A_208 : memref<640xf32, #tpu.memory_space<vmem>>)
      %dma_start3A_211 = arith.constant 0 : i32
      %dma_start3A_212 = tpu.memref_slice %arg8[%dma_start3A_211] : memref<100000xi32, #tpu.memory_space<vmem_shared>> -> memref<100000xi32, #tpu.memory_space<vmem_shared>>
      tpu.enqueue_indirect_dma source(%dma_start3A_212 : memref<100000xi32, #tpu.memory_space<vmem_shared>>) target(%arg14 : memref<640xi32, #tpu.memory_space<vmem>>) offsets(%arg13 : memref<640xi32, #tpu.memory_space<vmem>>) semaphore(%arg22 : memref<!tpu.dma_semaphore, #tpu.memory_space<semaphore_mem>>)
      %dma_start3A_213 = arith.constant 0 : i32
      %dma_start3A_214 = tpu.memref_slice %arg9[%dma_start3A_213] : memref<100000xi32, #tpu.memory_space<vmem_shared>> -> memref<100000xi32, #tpu.memory_space<vmem_shared>>
      tpu.enqueue_indirect_dma source(%dma_start3A_214 : memref<100000xi32, #tpu.memory_space<vmem_shared>>) target(%arg15 : memref<640xi32, #tpu.memory_space<vmem>>) offsets(%arg13 : memref<640xi32, #tpu.memory_space<vmem>>) semaphore(%arg22 : memref<!tpu.dma_semaphore, #tpu.memory_space<semaphore_mem>>)
      %dma_start3A_215 = arith.constant 0 : i32
      %dma_start3A_216 = tpu.memref_slice %arg10[%dma_start3A_215] : memref<100000xi32, #tpu.memory_space<vmem_shared>> -> memref<100000xi32, #tpu.memory_space<vmem_shared>>
      tpu.enqueue_indirect_dma source(%dma_start3A_216 : memref<100000xi32, #tpu.memory_space<vmem_shared>>) target(%arg16 : memref<640xi32, #tpu.memory_space<vmem>>) offsets(%arg13 : memref<640xi32, #tpu.memory_space<vmem>>) semaphore(%arg22 : memref<!tpu.dma_semaphore, #tpu.memory_space<semaphore_mem>>)
      %dma_wait3A_217 = arith.constant 0 : i32
      %dma_wait3A_218 = tpu.memref_slice %arg8[%dma_wait3A_217] : memref<100000xi32, #tpu.memory_space<vmem_shared>> -> memref<100000xi32, #tpu.memory_space<vmem_shared>>
      tpu.wait_indirect_dma semaphore(%arg22 : memref<!tpu.dma_semaphore, #tpu.memory_space<semaphore_mem>>) src(%dma_wait3A_218 : memref<100000xi32, #tpu.memory_space<vmem_shared>>) dst(%arg14 : memref<640xi32, #tpu.memory_space<vmem>>)
      %dma_wait3A_219 = arith.constant 0 : i32
      %dma_wait3A_220 = tpu.memref_slice %arg9[%dma_wait3A_219] : memref<100000xi32, #tpu.memory_space<vmem_shared>> -> memref<100000xi32, #tpu.memory_space<vmem_shared>>
      tpu.wait_indirect_dma semaphore(%arg22 : memref<!tpu.dma_semaphore, #tpu.memory_space<semaphore_mem>>) src(%dma_wait3A_220 : memref<100000xi32, #tpu.memory_space<vmem_shared>>) dst(%arg15 : memref<640xi32, #tpu.memory_space<vmem>>)
      %dma_wait3A_221 = arith.constant 0 : i32
      %dma_wait3A_222 = tpu.memref_slice %arg10[%dma_wait3A_221] : memref<100000xi32, #tpu.memory_space<vmem_shared>> -> memref<100000xi32, #tpu.memory_space<vmem_shared>>
      tpu.wait_indirect_dma semaphore(%arg22 : memref<!tpu.dma_semaphore, #tpu.memory_space<semaphore_mem>>) src(%dma_wait3A_222 : memref<100000xi32, #tpu.memory_space<vmem_shared>>) dst(%arg16 : memref<640xi32, #tpu.memory_space<vmem>>)
      %dma_start3A_223 = arith.constant 0 : i32
      %dma_start3A_224 = arith.constant 0 : i32
      %dma_start3A_225 = tpu.memref_slice %arg7[%dma_start3A_223, %dma_start3A_224] : memref<50000x16xf32, #tpu.memory_space<vmem_shared>> -> memref<50000x16xf32, #tpu.memory_space<vmem_shared>>
      tpu.enqueue_indirect_dma source(%dma_start3A_225 : memref<50000x16xf32, #tpu.memory_space<vmem_shared>>) target(%arg17 : memref<640x16xf32, #tpu.memory_space<vmem>>) offsets(%arg14 : memref<640xi32, #tpu.memory_space<vmem>>) semaphore(%arg22 : memref<!tpu.dma_semaphore, #tpu.memory_space<semaphore_mem>>)
      %dma_start3A_226 = arith.constant 0 : i32
      %dma_start3A_227 = arith.constant 0 : i32
      %dma_start3A_228 = tpu.memref_slice %arg7[%dma_start3A_226, %dma_start3A_227] : memref<50000x16xf32, #tpu.memory_space<vmem_shared>> -> memref<50000x16xf32, #tpu.memory_space<vmem_shared>>
      tpu.enqueue_indirect_dma source(%dma_start3A_228 : memref<50000x16xf32, #tpu.memory_space<vmem_shared>>) target(%arg18 : memref<640x16xf32, #tpu.memory_space<vmem>>) offsets(%arg15 : memref<640xi32, #tpu.memory_space<vmem>>) semaphore(%arg22 : memref<!tpu.dma_semaphore, #tpu.memory_space<semaphore_mem>>)
      %dma_start3A_229 = arith.constant 0 : i32
      %dma_start3A_230 = arith.constant 0 : i32
      %dma_start3A_231 = tpu.memref_slice %arg7[%dma_start3A_229, %dma_start3A_230] : memref<50000x16xf32, #tpu.memory_space<vmem_shared>> -> memref<50000x16xf32, #tpu.memory_space<vmem_shared>>
      tpu.enqueue_indirect_dma source(%dma_start3A_231 : memref<50000x16xf32, #tpu.memory_space<vmem_shared>>) target(%arg19 : memref<640x16xf32, #tpu.memory_space<vmem>>) offsets(%arg16 : memref<640xi32, #tpu.memory_space<vmem>>) semaphore(%arg22 : memref<!tpu.dma_semaphore, #tpu.memory_space<semaphore_mem>>)
      %dma_wait3A_232 = arith.constant 0 : i32
      %dma_wait3A_233 = arith.constant 0 : i32
      %dma_wait3A_234 = tpu.memref_slice %arg7[%dma_wait3A_232, %dma_wait3A_233] : memref<50000x16xf32, #tpu.memory_space<vmem_shared>> -> memref<50000x16xf32, #tpu.memory_space<vmem_shared>>
      tpu.wait_indirect_dma semaphore(%arg22 : memref<!tpu.dma_semaphore, #tpu.memory_space<semaphore_mem>>) src(%dma_wait3A_234 : memref<50000x16xf32, #tpu.memory_space<vmem_shared>>) dst(%arg17 : memref<640x16xf32, #tpu.memory_space<vmem>>)
      %dma_wait3A_235 = arith.constant 0 : i32
      %dma_wait3A_236 = arith.constant 0 : i32
      %dma_wait3A_237 = tpu.memref_slice %arg7[%dma_wait3A_235, %dma_wait3A_236] : memref<50000x16xf32, #tpu.memory_space<vmem_shared>> -> memref<50000x16xf32, #tpu.memory_space<vmem_shared>>
      tpu.wait_indirect_dma semaphore(%arg22 : memref<!tpu.dma_semaphore, #tpu.memory_space<semaphore_mem>>) src(%dma_wait3A_237 : memref<50000x16xf32, #tpu.memory_space<vmem_shared>>) dst(%arg18 : memref<640x16xf32, #tpu.memory_space<vmem>>)
      %dma_wait3A_238 = arith.constant 0 : i32
      %dma_wait3A_239 = arith.constant 0 : i32
      %dma_wait3A_240 = tpu.memref_slice %arg7[%dma_wait3A_238, %dma_wait3A_239] : memref<50000x16xf32, #tpu.memory_space<vmem_shared>> -> memref<50000x16xf32, #tpu.memory_space<vmem_shared>>
      tpu.wait_indirect_dma semaphore(%arg22 : memref<!tpu.dma_semaphore, #tpu.memory_space<semaphore_mem>>) src(%dma_wait3A_240 : memref<50000x16xf32, #tpu.memory_space<vmem_shared>>) dst(%arg19 : memref<640x16xf32, #tpu.memory_space<vmem>>)
      %scan3A = arith.constant 0 : i32
      %scan3A_241 = arith.constant 0 : i32
      %scan3A_242 = arith.constant 40 : i32
      %scan3A_243 = arith.addi %scan3A_241, %scan3A_242 : i32
      %scan3A_244 = arith.constant 1 : i32
      scf.for %scan3A_534 = %scan3A_241 to %scan3A_243 step %scan3A_244  : i32 {
        %mul3A_535 = arith.constant 16 : i32
        %mul3A_536 = arith.muli %scan3A_534, %mul3A_535 : i32
        %add3A_537 = vector.broadcast %mul3A_536 : i32 to vector<16xi32>
        %add3A_538 = arith.addi %add3A_537, %iota3A : vector<16xi32>
        %mul3A_539 = arith.constant 16 : i32
        %mul3A_540 = arith.muli %scan3A_534, %mul3A_539 : i32
        %get3A = arith.constant 0 : i32
        %get3A_541 = arith.index_cast %get3A : i32 to index
        %get3A_542 = arith.index_cast %mul3A_540 : i32 to index
        %get3A_543 = tpu.vector_load %arg20[%get3A_541, %get3A_542] {strides = array<i32>} : memref<4x640xf32, #tpu.memory_space<vmem>>, vector<16xf32>,
        %get3A_544 = arith.constant 1 : i32
        %get3A_545 = arith.index_cast %get3A_544 : i32 to index
        %get3A_546 = arith.index_cast %mul3A_540 : i32 to index
        %get3A_547 = tpu.vector_load %arg20[%get3A_545, %get3A_546] {strides = array<i32>} : memref<4x640xf32, #tpu.memory_space<vmem>>, vector<16xf32>,
        %get3A_548 = arith.constant 2 : i32
        %get3A_549 = arith.index_cast %get3A_548 : i32 to index
        %get3A_550 = arith.index_cast %mul3A_540 : i32 to index
        %get3A_551 = tpu.vector_load %arg20[%get3A_549, %get3A_550] {strides = array<i32>} : memref<4x640xf32, #tpu.memory_space<vmem>>, vector<16xf32>,
        %get3A_552 = arith.constant 3 : i32
        %get3A_553 = arith.index_cast %get3A_552 : i32 to index
        %get3A_554 = arith.index_cast %mul3A_540 : i32 to index
        %get3A_555 = tpu.vector_load %arg20[%get3A_553, %get3A_554] {strides = array<i32>} : memref<4x640xf32, #tpu.memory_space<vmem>>, vector<16xf32>,
        %add3A_556 = arith.addf %get3A_543, %get3A_555 : vector<16xf32>
        %broadcast_in_dim3A = arith.constant 0 : i32
        %broadcast_in_dim3A_557 = vector.broadcast %broadcast_in_dim3A : i32 to vector<16xi32>
        %gather3A = tpu.vector_load_idx %arg17[%add3A_538, %broadcast_in_dim3A_557] : memref<640x16xf32, #tpu.memory_space<vmem>>[vector<16xi32>, vector<16xi32>], vector<16xf32>,
        %broadcast_in_dim3A_558 = arith.constant 1 : i32
        %broadcast_in_dim3A_559 = vector.broadcast %broadcast_in_dim3A_558 : i32 to vector<16xi32>
        %gather3A_560 = tpu.vector_load_idx %arg17[%add3A_538, %broadcast_in_dim3A_559] : memref<640x16xf32, #tpu.memory_space<vmem>>[vector<16xi32>, vector<16xi32>], vector<16xf32>,
        %broadcast_in_dim3A_561 = arith.constant 2 : i32
        %broadcast_in_dim3A_562 = vector.broadcast %broadcast_in_dim3A_561 : i32 to vector<16xi32>
        %gather3A_563 = tpu.vector_load_idx %arg17[%add3A_538, %broadcast_in_dim3A_562] : memref<640x16xf32, #tpu.memory_space<vmem>>[vector<16xi32>, vector<16xi32>], vector<16xf32>,
        %broadcast_in_dim3A_564 = arith.constant 0 : i32
        %broadcast_in_dim3A_565 = vector.broadcast %broadcast_in_dim3A_564 : i32 to vector<16xi32>
        %gather3A_566 = tpu.vector_load_idx %arg18[%add3A_538, %broadcast_in_dim3A_565] : memref<640x16xf32, #tpu.memory_space<vmem>>[vector<16xi32>, vector<16xi32>], vector<16xf32>,
        %broadcast_in_dim3A_567 = arith.constant 1 : i32
        %broadcast_in_dim3A_568 = vector.broadcast %broadcast_in_dim3A_567 : i32 to vector<16xi32>
        %gather3A_569 = tpu.vector_load_idx %arg18[%add3A_538, %broadcast_in_dim3A_568] : memref<640x16xf32, #tpu.memory_space<vmem>>[vector<16xi32>, vector<16xi32>], vector<16xf32>,
        %broadcast_in_dim3A_570 = arith.constant 2 : i32
        %broadcast_in_dim3A_571 = vector.broadcast %broadcast_in_dim3A_570 : i32 to vector<16xi32>
        %gather3A_572 = tpu.vector_load_idx %arg18[%add3A_538, %broadcast_in_dim3A_571] : memref<640x16xf32, #tpu.memory_space<vmem>>[vector<16xi32>, vector<16xi32>], vector<16xf32>,
        %broadcast_in_dim3A_573 = arith.constant 0 : i32
        %broadcast_in_dim3A_574 = vector.broadcast %broadcast_in_dim3A_573 : i32 to vector<16xi32>
        %gather3A_575 = tpu.vector_load_idx %arg19[%add3A_538, %broadcast_in_dim3A_574] : memref<640x16xf32, #tpu.memory_space<vmem>>[vector<16xi32>, vector<16xi32>], vector<16xf32>,
        %broadcast_in_dim3A_576 = arith.constant 1 : i32
        %broadcast_in_dim3A_577 = vector.broadcast %broadcast_in_dim3A_576 : i32 to vector<16xi32>
        %gather3A_578 = tpu.vector_load_idx %arg19[%add3A_538, %broadcast_in_dim3A_577] : memref<640x16xf32, #tpu.memory_space<vmem>>[vector<16xi32>, vector<16xi32>], vector<16xf32>,
        %broadcast_in_dim3A_579 = arith.constant 2 : i32
        %broadcast_in_dim3A_580 = vector.broadcast %broadcast_in_dim3A_579 : i32 to vector<16xi32>
        %gather3A_581 = tpu.vector_load_idx %arg19[%add3A_538, %broadcast_in_dim3A_580] : memref<640x16xf32, #tpu.memory_space<vmem>>[vector<16xi32>, vector<16xi32>], vector<16xf32>,
        %sub3A_582 = arith.subf %gather3A_566, %gather3A : vector<16xf32>
        %sub3A_583 = arith.subf %gather3A_569, %gather3A_560 : vector<16xf32>
        %sub3A_584 = arith.subf %gather3A_572, %gather3A_563 : vector<16xf32>
        %sub3A_585 = arith.subf %gather3A_575, %gather3A : vector<16xf32>
        %sub3A_586 = arith.subf %gather3A_578, %gather3A_560 : vector<16xf32>
        %sub3A_587 = arith.subf %gather3A_581, %gather3A_563 : vector<16xf32>
        %mul3A_588 = arith.mulf %sub3A_583, %sub3A_587 : vector<16xf32>
        %mul3A_589 = arith.mulf %sub3A_584, %sub3A_586 : vector<16xf32>
        %sub3A_590 = arith.subf %mul3A_588, %mul3A_589 : vector<16xf32>
        %mul3A_591 = arith.mulf %sub3A_584, %sub3A_585 : vector<16xf32>
        %mul3A_592 = arith.mulf %sub3A_582, %sub3A_587 : vector<16xf32>
        %sub3A_593 = arith.subf %mul3A_591, %mul3A_592 : vector<16xf32>
        %mul3A_594 = arith.mulf %sub3A_582, %sub3A_586 : vector<16xf32>
        %mul3A_595 = arith.mulf %sub3A_583, %sub3A_585 : vector<16xf32>
        %sub3A_596 = arith.subf %mul3A_594, %mul3A_595 : vector<16xf32>
        %mul3A_597 = arith.mulf %add3A_556, %gather3A : vector<16xf32>
        %mul3A_598 = arith.mulf %get3A_547, %gather3A_566 : vector<16xf32>
        %add3A_599 = arith.addf %mul3A_597, %mul3A_598 : vector<16xf32>
        %mul3A_600 = arith.mulf %get3A_551, %gather3A_575 : vector<16xf32>
        %add3A_601 = arith.addf %add3A_599, %mul3A_600 : vector<16xf32>
        %mul3A_602 = arith.mulf %get3A_555, %sub3A_590 : vector<16xf32>
        %add3A_603 = arith.addf %add3A_601, %mul3A_602 : vector<16xf32>
        %mul3A_604 = arith.mulf %add3A_556, %gather3A_560 : vector<16xf32>
        %mul3A_605 = arith.mulf %get3A_547, %gather3A_569 : vector<16xf32>
        %add3A_606 = arith.addf %mul3A_604, %mul3A_605 : vector<16xf32>
        %mul3A_607 = arith.mulf %get3A_551, %gather3A_578 : vector<16xf32>
        %add3A_608 = arith.addf %add3A_606, %mul3A_607 : vector<16xf32>
        %mul3A_609 = arith.mulf %get3A_555, %sub3A_593 : vector<16xf32>
        %add3A_610 = arith.addf %add3A_608, %mul3A_609 : vector<16xf32>
        %mul3A_611 = arith.mulf %add3A_556, %gather3A_563 : vector<16xf32>
        %mul3A_612 = arith.mulf %get3A_547, %gather3A_572 : vector<16xf32>
        %add3A_613 = arith.addf %mul3A_611, %mul3A_612 : vector<16xf32>
        %mul3A_614 = arith.mulf %get3A_551, %gather3A_581 : vector<16xf32>
        %add3A_615 = arith.addf %add3A_613, %mul3A_614 : vector<16xf32>
        %mul3A_616 = arith.mulf %get3A_555, %sub3A_596 : vector<16xf32>
        %add3A_617 = arith.addf %add3A_615, %mul3A_616 : vector<16xf32>
        %broadcast_in_dim3A_618 = arith.constant 0 : i32
        %broadcast_in_dim3A_619 = vector.broadcast %broadcast_in_dim3A_618 : i32 to vector<16xi32>
        tpu.vector_store_idx %arg21[%broadcast_in_dim3A_619, %add3A_538], %add3A_603 : memref<12x640xf32, #tpu.memory_space<vmem>>[vector<16xi32>, vector<16xi32>], vector<16xf32>,
        %broadcast_in_dim3A_620 = arith.constant 4 : i32
        %broadcast_in_dim3A_621 = vector.broadcast %broadcast_in_dim3A_620 : i32 to vector<16xi32>
        tpu.vector_store_idx %arg21[%broadcast_in_dim3A_621, %add3A_538], %add3A_610 : memref<12x640xf32, #tpu.memory_space<vmem>>[vector<16xi32>, vector<16xi32>], vector<16xf32>,
        %broadcast_in_dim3A_622 = arith.constant 8 : i32
        %broadcast_in_dim3A_623 = vector.broadcast %broadcast_in_dim3A_622 : i32 to vector<16xi32>
        tpu.vector_store_idx %arg21[%broadcast_in_dim3A_623, %add3A_538], %add3A_617 : memref<12x640xf32, #tpu.memory_space<vmem>>[vector<16xi32>, vector<16xi32>], vector<16xf32>,
        %broadcast_in_dim3A_624 = arith.constant 3 : i32
        %broadcast_in_dim3A_625 = vector.broadcast %broadcast_in_dim3A_624 : i32 to vector<16xi32>
        %gather3A_626 = tpu.vector_load_idx %arg17[%add3A_538, %broadcast_in_dim3A_625] : memref<640x16xf32, #tpu.memory_space<vmem>>[vector<16xi32>, vector<16xi32>], vector<16xf32>,
        %broadcast_in_dim3A_627 = arith.constant 4 : i32
        %broadcast_in_dim3A_628 = vector.broadcast %broadcast_in_dim3A_627 : i32 to vector<16xi32>
        %gather3A_629 = tpu.vector_load_idx %arg17[%add3A_538, %broadcast_in_dim3A_628] : memref<640x16xf32, #tpu.memory_space<vmem>>[vector<16xi32>, vector<16xi32>], vector<16xf32>,
        %broadcast_in_dim3A_630 = arith.constant 5 : i32
        %broadcast_in_dim3A_631 = vector.broadcast %broadcast_in_dim3A_630 : i32 to vector<16xi32>
        %gather3A_632 = tpu.vector_load_idx %arg17[%add3A_538, %broadcast_in_dim3A_631] : memref<640x16xf32, #tpu.memory_space<vmem>>[vector<16xi32>, vector<16xi32>], vector<16xf32>,
        %broadcast_in_dim3A_633 = arith.constant 3 : i32
        %broadcast_in_dim3A_634 = vector.broadcast %broadcast_in_dim3A_633 : i32 to vector<16xi32>
        %gather3A_635 = tpu.vector_load_idx %arg18[%add3A_538, %broadcast_in_dim3A_634] : memref<640x16xf32, #tpu.memory_space<vmem>>[vector<16xi32>, vector<16xi32>], vector<16xf32>,
        %broadcast_in_dim3A_636 = arith.constant 4 : i32
        %broadcast_in_dim3A_637 = vector.broadcast %broadcast_in_dim3A_636 : i32 to vector<16xi32>
        %gather3A_638 = tpu.vector_load_idx %arg18[%add3A_538, %broadcast_in_dim3A_637] : memref<640x16xf32, #tpu.memory_space<vmem>>[vector<16xi32>, vector<16xi32>], vector<16xf32>,
        %broadcast_in_dim3A_639 = arith.constant 5 : i32
        %broadcast_in_dim3A_640 = vector.broadcast %broadcast_in_dim3A_639 : i32 to vector<16xi32>
        %gather3A_641 = tpu.vector_load_idx %arg18[%add3A_538, %broadcast_in_dim3A_640] : memref<640x16xf32, #tpu.memory_space<vmem>>[vector<16xi32>, vector<16xi32>], vector<16xf32>,
        %broadcast_in_dim3A_642 = arith.constant 3 : i32
        %broadcast_in_dim3A_643 = vector.broadcast %broadcast_in_dim3A_642 : i32 to vector<16xi32>
        %gather3A_644 = tpu.vector_load_idx %arg19[%add3A_538, %broadcast_in_dim3A_643] : memref<640x16xf32, #tpu.memory_space<vmem>>[vector<16xi32>, vector<16xi32>], vector<16xf32>,
        %broadcast_in_dim3A_645 = arith.constant 4 : i32
        %broadcast_in_dim3A_646 = vector.broadcast %broadcast_in_dim3A_645 : i32 to vector<16xi32>
        %gather3A_647 = tpu.vector_load_idx %arg19[%add3A_538, %broadcast_in_dim3A_646] : memref<640x16xf32, #tpu.memory_space<vmem>>[vector<16xi32>, vector<16xi32>], vector<16xf32>,
        %broadcast_in_dim3A_648 = arith.constant 5 : i32
        %broadcast_in_dim3A_649 = vector.broadcast %broadcast_in_dim3A_648 : i32 to vector<16xi32>
        %gather3A_650 = tpu.vector_load_idx %arg19[%add3A_538, %broadcast_in_dim3A_649] : memref<640x16xf32, #tpu.memory_space<vmem>>[vector<16xi32>, vector<16xi32>], vector<16xf32>,
        %sub3A_651 = arith.subf %gather3A_635, %gather3A_626 : vector<16xf32>
        %sub3A_652 = arith.subf %gather3A_638, %gather3A_629 : vector<16xf32>
        %sub3A_653 = arith.subf %gather3A_641, %gather3A_632 : vector<16xf32>
        %sub3A_654 = arith.subf %gather3A_644, %gather3A_626 : vector<16xf32>
        %sub3A_655 = arith.subf %gather3A_647, %gather3A_629 : vector<16xf32>
        %sub3A_656 = arith.subf %gather3A_650, %gather3A_632 : vector<16xf32>
        %mul3A_657 = arith.mulf %sub3A_652, %sub3A_656 : vector<16xf32>
        %mul3A_658 = arith.mulf %sub3A_653, %sub3A_655 : vector<16xf32>
        %sub3A_659 = arith.subf %mul3A_657, %mul3A_658 : vector<16xf32>
        %mul3A_660 = arith.mulf %sub3A_653, %sub3A_654 : vector<16xf32>
        %mul3A_661 = arith.mulf %sub3A_651, %sub3A_656 : vector<16xf32>
        %sub3A_662 = arith.subf %mul3A_660, %mul3A_661 : vector<16xf32>
        %mul3A_663 = arith.mulf %sub3A_651, %sub3A_655 : vector<16xf32>
        %mul3A_664 = arith.mulf %sub3A_652, %sub3A_654 : vector<16xf32>
        %sub3A_665 = arith.subf %mul3A_663, %mul3A_664 : vector<16xf32>
        %mul3A_666 = arith.mulf %add3A_556, %gather3A_626 : vector<16xf32>
        %mul3A_667 = arith.mulf %get3A_547, %gather3A_635 : vector<16xf32>
        %add3A_668 = arith.addf %mul3A_666, %mul3A_667 : vector<16xf32>
        %mul3A_669 = arith.mulf %get3A_551, %gather3A_644 : vector<16xf32>
        %add3A_670 = arith.addf %add3A_668, %mul3A_669 : vector<16xf32>
        %mul3A_671 = arith.mulf %get3A_555, %sub3A_659 : vector<16xf32>
        %add3A_672 = arith.addf %add3A_670, %mul3A_671 : vector<16xf32>
        %mul3A_673 = arith.mulf %add3A_556, %gather3A_629 : vector<16xf32>
        %mul3A_674 = arith.mulf %get3A_547, %gather3A_638 : vector<16xf32>
        %add3A_675 = arith.addf %mul3A_673, %mul3A_674 : vector<16xf32>
        %mul3A_676 = arith.mulf %get3A_551, %gather3A_647 : vector<16xf32>
        %add3A_677 = arith.addf %add3A_675, %mul3A_676 : vector<16xf32>
        %mul3A_678 = arith.mulf %get3A_555, %sub3A_662 : vector<16xf32>
        %add3A_679 = arith.addf %add3A_677, %mul3A_678 : vector<16xf32>
        %mul3A_680 = arith.mulf %add3A_556, %gather3A_632 : vector<16xf32>
        %mul3A_681 = arith.mulf %get3A_547, %gather3A_641 : vector<16xf32>
        %add3A_682 = arith.addf %mul3A_680, %mul3A_681 : vector<16xf32>
        %mul3A_683 = arith.mulf %get3A_551, %gather3A_650 : vector<16xf32>
        %add3A_684 = arith.addf %add3A_682, %mul3A_683 : vector<16xf32>
        %mul3A_685 = arith.mulf %get3A_555, %sub3A_665 : vector<16xf32>
        %add3A_686 = arith.addf %add3A_684, %mul3A_685 : vector<16xf32>
        %broadcast_in_dim3A_687 = arith.constant 1 : i32
        %broadcast_in_dim3A_688 = vector.broadcast %broadcast_in_dim3A_687 : i32 to vector<16xi32>
        tpu.vector_store_idx %arg21[%broadcast_in_dim3A_688, %add3A_538], %add3A_672 : memref<12x640xf32, #tpu.memory_space<vmem>>[vector<16xi32>, vector<16xi32>], vector<16xf32>,
        %broadcast_in_dim3A_689 = arith.constant 5 : i32
        %broadcast_in_dim3A_690 = vector.broadcast %broadcast_in_dim3A_689 : i32 to vector<16xi32>
        tpu.vector_store_idx %arg21[%broadcast_in_dim3A_690, %add3A_538], %add3A_679 : memref<12x640xf32, #tpu.memory_space<vmem>>[vector<16xi32>, vector<16xi32>], vector<16xf32>,
        %broadcast_in_dim3A_691 = arith.constant 9 : i32
        %broadcast_in_dim3A_692 = vector.broadcast %broadcast_in_dim3A_691 : i32 to vector<16xi32>
        tpu.vector_store_idx %arg21[%broadcast_in_dim3A_692, %add3A_538], %add3A_686 : memref<12x640xf32, #tpu.memory_space<vmem>>[vector<16xi32>, vector<16xi32>], vector<16xf32>,
        %broadcast_in_dim3A_693 = arith.constant 6 : i32
        %broadcast_in_dim3A_694 = vector.broadcast %broadcast_in_dim3A_693 : i32 to vector<16xi32>
        %gather3A_695 = tpu.vector_load_idx %arg17[%add3A_538, %broadcast_in_dim3A_694] : memref<640x16xf32, #tpu.memory_space<vmem>>[vector<16xi32>, vector<16xi32>], vector<16xf32>,
        %broadcast_in_dim3A_696 = arith.constant 7 : i32
        %broadcast_in_dim3A_697 = vector.broadcast %broadcast_in_dim3A_696 : i32 to vector<16xi32>
        %gather3A_698 = tpu.vector_load_idx %arg17[%add3A_538, %broadcast_in_dim3A_697] : memref<640x16xf32, #tpu.memory_space<vmem>>[vector<16xi32>, vector<16xi32>], vector<16xf32>,
        %broadcast_in_dim3A_699 = arith.constant 8 : i32
        %broadcast_in_dim3A_700 = vector.broadcast %broadcast_in_dim3A_699 : i32 to vector<16xi32>
        %gather3A_701 = tpu.vector_load_idx %arg17[%add3A_538, %broadcast_in_dim3A_700] : memref<640x16xf32, #tpu.memory_space<vmem>>[vector<16xi32>, vector<16xi32>], vector<16xf32>,
        %broadcast_in_dim3A_702 = arith.constant 6 : i32
        %broadcast_in_dim3A_703 = vector.broadcast %broadcast_in_dim3A_702 : i32 to vector<16xi32>
        %gather3A_704 = tpu.vector_load_idx %arg18[%add3A_538, %broadcast_in_dim3A_703] : memref<640x16xf32, #tpu.memory_space<vmem>>[vector<16xi32>, vector<16xi32>], vector<16xf32>,
        %broadcast_in_dim3A_705 = arith.constant 7 : i32
        %broadcast_in_dim3A_706 = vector.broadcast %broadcast_in_dim3A_705 : i32 to vector<16xi32>
        %gather3A_707 = tpu.vector_load_idx %arg18[%add3A_538, %broadcast_in_dim3A_706] : memref<640x16xf32, #tpu.memory_space<vmem>>[vector<16xi32>, vector<16xi32>], vector<16xf32>,
        %broadcast_in_dim3A_708 = arith.constant 8 : i32
        %broadcast_in_dim3A_709 = vector.broadcast %broadcast_in_dim3A_708 : i32 to vector<16xi32>
        %gather3A_710 = tpu.vector_load_idx %arg18[%add3A_538, %broadcast_in_dim3A_709] : memref<640x16xf32, #tpu.memory_space<vmem>>[vector<16xi32>, vector<16xi32>], vector<16xf32>,
        %broadcast_in_dim3A_711 = arith.constant 6 : i32
        %broadcast_in_dim3A_712 = vector.broadcast %broadcast_in_dim3A_711 : i32 to vector<16xi32>
        %gather3A_713 = tpu.vector_load_idx %arg19[%add3A_538, %broadcast_in_dim3A_712] : memref<640x16xf32, #tpu.memory_space<vmem>>[vector<16xi32>, vector<16xi32>], vector<16xf32>,
        %broadcast_in_dim3A_714 = arith.constant 7 : i32
        %broadcast_in_dim3A_715 = vector.broadcast %broadcast_in_dim3A_714 : i32 to vector<16xi32>
        %gather3A_716 = tpu.vector_load_idx %arg19[%add3A_538, %broadcast_in_dim3A_715] : memref<640x16xf32, #tpu.memory_space<vmem>>[vector<16xi32>, vector<16xi32>], vector<16xf32>,
        %broadcast_in_dim3A_717 = arith.constant 8 : i32
        %broadcast_in_dim3A_718 = vector.broadcast %broadcast_in_dim3A_717 : i32 to vector<16xi32>
        %gather3A_719 = tpu.vector_load_idx %arg19[%add3A_538, %broadcast_in_dim3A_718] : memref<640x16xf32, #tpu.memory_space<vmem>>[vector<16xi32>, vector<16xi32>], vector<16xf32>,
        %sub3A_720 = arith.subf %gather3A_704, %gather3A_695 : vector<16xf32>
        %sub3A_721 = arith.subf %gather3A_707, %gather3A_698 : vector<16xf32>
        %sub3A_722 = arith.subf %gather3A_710, %gather3A_701 : vector<16xf32>
        %sub3A_723 = arith.subf %gather3A_713, %gather3A_695 : vector<16xf32>
        %sub3A_724 = arith.subf %gather3A_716, %gather3A_698 : vector<16xf32>
        %sub3A_725 = arith.subf %gather3A_719, %gather3A_701 : vector<16xf32>
        %mul3A_726 = arith.mulf %sub3A_721, %sub3A_725 : vector<16xf32>
        %mul3A_727 = arith.mulf %sub3A_722, %sub3A_724 : vector<16xf32>
        %sub3A_728 = arith.subf %mul3A_726, %mul3A_727 : vector<16xf32>
        %mul3A_729 = arith.mulf %sub3A_722, %sub3A_723 : vector<16xf32>
        %mul3A_730 = arith.mulf %sub3A_720, %sub3A_725 : vector<16xf32>
        %sub3A_731 = arith.subf %mul3A_729, %mul3A_730 : vector<16xf32>
        %mul3A_732 = arith.mulf %sub3A_720, %sub3A_724 : vector<16xf32>
        %mul3A_733 = arith.mulf %sub3A_721, %sub3A_723 : vector<16xf32>
        %sub3A_734 = arith.subf %mul3A_732, %mul3A_733 : vector<16xf32>
        %mul3A_735 = arith.mulf %add3A_556, %gather3A_695 : vector<16xf32>
        %mul3A_736 = arith.mulf %get3A_547, %gather3A_704 : vector<16xf32>
        %add3A_737 = arith.addf %mul3A_735, %mul3A_736 : vector<16xf32>
        %mul3A_738 = arith.mulf %get3A_551, %gather3A_713 : vector<16xf32>
        %add3A_739 = arith.addf %add3A_737, %mul3A_738 : vector<16xf32>
        %mul3A_740 = arith.mulf %get3A_555, %sub3A_728 : vector<16xf32>
        %add3A_741 = arith.addf %add3A_739, %mul3A_740 : vector<16xf32>
        %mul3A_742 = arith.mulf %add3A_556, %gather3A_698 : vector<16xf32>
        %mul3A_743 = arith.mulf %get3A_547, %gather3A_707 : vector<16xf32>
        %add3A_744 = arith.addf %mul3A_742, %mul3A_743 : vector<16xf32>
        %mul3A_745 = arith.mulf %get3A_551, %gather3A_716 : vector<16xf32>
        %add3A_746 = arith.addf %add3A_744, %mul3A_745 : vector<16xf32>
        %mul3A_747 = arith.mulf %get3A_555, %sub3A_731 : vector<16xf32>
        %add3A_748 = arith.addf %add3A_746, %mul3A_747 : vector<16xf32>
        %mul3A_749 = arith.mulf %add3A_556, %gather3A_701 : vector<16xf32>
        %mul3A_750 = arith.mulf %get3A_547, %gather3A_710 : vector<16xf32>
        %add3A_751 = arith.addf %mul3A_749, %mul3A_750 : vector<16xf32>
        %mul3A_752 = arith.mulf %get3A_551, %gather3A_719 : vector<16xf32>
        %add3A_753 = arith.addf %add3A_751, %mul3A_752 : vector<16xf32>
        %mul3A_754 = arith.mulf %get3A_555, %sub3A_734 : vector<16xf32>
        %add3A_755 = arith.addf %add3A_753, %mul3A_754 : vector<16xf32>
        %broadcast_in_dim3A_756 = arith.constant 2 : i32
        %broadcast_in_dim3A_757 = vector.broadcast %broadcast_in_dim3A_756 : i32 to vector<16xi32>
        tpu.vector_store_idx %arg21[%broadcast_in_dim3A_757, %add3A_538], %add3A_741 : memref<12x640xf32, #tpu.memory_space<vmem>>[vector<16xi32>, vector<16xi32>], vector<16xf32>,
        %broadcast_in_dim3A_758 = arith.constant 6 : i32
        %broadcast_in_dim3A_759 = vector.broadcast %broadcast_in_dim3A_758 : i32 to vector<16xi32>
        tpu.vector_store_idx %arg21[%broadcast_in_dim3A_759, %add3A_538], %add3A_748 : memref<12x640xf32, #tpu.memory_space<vmem>>[vector<16xi32>, vector<16xi32>], vector<16xf32>,
        %broadcast_in_dim3A_760 = arith.constant 10 : i32
        %broadcast_in_dim3A_761 = vector.broadcast %broadcast_in_dim3A_760 : i32 to vector<16xi32>
        tpu.vector_store_idx %arg21[%broadcast_in_dim3A_761, %add3A_538], %add3A_755 : memref<12x640xf32, #tpu.memory_space<vmem>>[vector<16xi32>, vector<16xi32>], vector<16xf32>,
        %broadcast_in_dim3A_762 = arith.constant 9 : i32
        %broadcast_in_dim3A_763 = vector.broadcast %broadcast_in_dim3A_762 : i32 to vector<16xi32>
        %gather3A_764 = tpu.vector_load_idx %arg17[%add3A_538, %broadcast_in_dim3A_763] : memref<640x16xf32, #tpu.memory_space<vmem>>[vector<16xi32>, vector<16xi32>], vector<16xf32>,
        %broadcast_in_dim3A_765 = arith.constant 10 : i32
        %broadcast_in_dim3A_766 = vector.broadcast %broadcast_in_dim3A_765 : i32 to vector<16xi32>
        %gather3A_767 = tpu.vector_load_idx %arg17[%add3A_538, %broadcast_in_dim3A_766] : memref<640x16xf32, #tpu.memory_space<vmem>>[vector<16xi32>, vector<16xi32>], vector<16xf32>,
        %broadcast_in_dim3A_768 = arith.constant 11 : i32
        %broadcast_in_dim3A_769 = vector.broadcast %broadcast_in_dim3A_768 : i32 to vector<16xi32>
        %gather3A_770 = tpu.vector_load_idx %arg17[%add3A_538, %broadcast_in_dim3A_769] : memref<640x16xf32, #tpu.memory_space<vmem>>[vector<16xi32>, vector<16xi32>], vector<16xf32>,
        %broadcast_in_dim3A_771 = arith.constant 9 : i32
        %broadcast_in_dim3A_772 = vector.broadcast %broadcast_in_dim3A_771 : i32 to vector<16xi32>
        %gather3A_773 = tpu.vector_load_idx %arg18[%add3A_538, %broadcast_in_dim3A_772] : memref<640x16xf32, #tpu.memory_space<vmem>>[vector<16xi32>, vector<16xi32>], vector<16xf32>,
        %broadcast_in_dim3A_774 = arith.constant 10 : i32
        %broadcast_in_dim3A_775 = vector.broadcast %broadcast_in_dim3A_774 : i32 to vector<16xi32>
        %gather3A_776 = tpu.vector_load_idx %arg18[%add3A_538, %broadcast_in_dim3A_775] : memref<640x16xf32, #tpu.memory_space<vmem>>[vector<16xi32>, vector<16xi32>], vector<16xf32>,
        %broadcast_in_dim3A_777 = arith.constant 11 : i32
        %broadcast_in_dim3A_778 = vector.broadcast %broadcast_in_dim3A_777 : i32 to vector<16xi32>
        %gather3A_779 = tpu.vector_load_idx %arg18[%add3A_538, %broadcast_in_dim3A_778] : memref<640x16xf32, #tpu.memory_space<vmem>>[vector<16xi32>, vector<16xi32>], vector<16xf32>,
        %broadcast_in_dim3A_780 = arith.constant 9 : i32
        %broadcast_in_dim3A_781 = vector.broadcast %broadcast_in_dim3A_780 : i32 to vector<16xi32>
        %gather3A_782 = tpu.vector_load_idx %arg19[%add3A_538, %broadcast_in_dim3A_781] : memref<640x16xf32, #tpu.memory_space<vmem>>[vector<16xi32>, vector<16xi32>], vector<16xf32>,
        %broadcast_in_dim3A_783 = arith.constant 10 : i32
        %broadcast_in_dim3A_784 = vector.broadcast %broadcast_in_dim3A_783 : i32 to vector<16xi32>
        %gather3A_785 = tpu.vector_load_idx %arg19[%add3A_538, %broadcast_in_dim3A_784] : memref<640x16xf32, #tpu.memory_space<vmem>>[vector<16xi32>, vector<16xi32>], vector<16xf32>,
        %broadcast_in_dim3A_786 = arith.constant 11 : i32
        %broadcast_in_dim3A_787 = vector.broadcast %broadcast_in_dim3A_786 : i32 to vector<16xi32>
        %gather3A_788 = tpu.vector_load_idx %arg19[%add3A_538, %broadcast_in_dim3A_787] : memref<640x16xf32, #tpu.memory_space<vmem>>[vector<16xi32>, vector<16xi32>], vector<16xf32>,
        %sub3A_789 = arith.subf %gather3A_773, %gather3A_764 : vector<16xf32>
        %sub3A_790 = arith.subf %gather3A_776, %gather3A_767 : vector<16xf32>
        %sub3A_791 = arith.subf %gather3A_779, %gather3A_770 : vector<16xf32>
        %sub3A_792 = arith.subf %gather3A_782, %gather3A_764 : vector<16xf32>
        %sub3A_793 = arith.subf %gather3A_785, %gather3A_767 : vector<16xf32>
        %sub3A_794 = arith.subf %gather3A_788, %gather3A_770 : vector<16xf32>
        %mul3A_795 = arith.mulf %sub3A_790, %sub3A_794 : vector<16xf32>
        %mul3A_796 = arith.mulf %sub3A_791, %sub3A_793 : vector<16xf32>
        %sub3A_797 = arith.subf %mul3A_795, %mul3A_796 : vector<16xf32>
        %mul3A_798 = arith.mulf %sub3A_791, %sub3A_792 : vector<16xf32>
        %mul3A_799 = arith.mulf %sub3A_789, %sub3A_794 : vector<16xf32>
        %sub3A_800 = arith.subf %mul3A_798, %mul3A_799 : vector<16xf32>
        %mul3A_801 = arith.mulf %sub3A_789, %sub3A_793 : vector<16xf32>
        %mul3A_802 = arith.mulf %sub3A_790, %sub3A_792 : vector<16xf32>
        %sub3A_803 = arith.subf %mul3A_801, %mul3A_802 : vector<16xf32>
        %mul3A_804 = arith.mulf %add3A_556, %gather3A_764 : vector<16xf32>
        %mul3A_805 = arith.mulf %get3A_547, %gather3A_773 : vector<16xf32>
        %add3A_806 = arith.addf %mul3A_804, %mul3A_805 : vector<16xf32>
        %mul3A_807 = arith.mulf %get3A_551, %gather3A_782 : vector<16xf32>
        %add3A_808 = arith.addf %add3A_806, %mul3A_807 : vector<16xf32>
        %mul3A_809 = arith.mulf %get3A_555, %sub3A_797 : vector<16xf32>
        %add3A_810 = arith.addf %add3A_808, %mul3A_809 : vector<16xf32>
        %mul3A_811 = arith.mulf %add3A_556, %gather3A_767 : vector<16xf32>
        %mul3A_812 = arith.mulf %get3A_547, %gather3A_776 : vector<16xf32>
        %add3A_813 = arith.addf %mul3A_811, %mul3A_812 : vector<16xf32>
        %mul3A_814 = arith.mulf %get3A_551, %gather3A_785 : vector<16xf32>
        %add3A_815 = arith.addf %add3A_813, %mul3A_814 : vector<16xf32>
        %mul3A_816 = arith.mulf %get3A_555, %sub3A_800 : vector<16xf32>
        %add3A_817 = arith.addf %add3A_815, %mul3A_816 : vector<16xf32>
        %mul3A_818 = arith.mulf %add3A_556, %gather3A_770 : vector<16xf32>
        %mul3A_819 = arith.mulf %get3A_547, %gather3A_779 : vector<16xf32>
        %add3A_820 = arith.addf %mul3A_818, %mul3A_819 : vector<16xf32>
        %mul3A_821 = arith.mulf %get3A_551, %gather3A_788 : vector<16xf32>
        %add3A_822 = arith.addf %add3A_820, %mul3A_821 : vector<16xf32>
        %mul3A_823 = arith.mulf %get3A_555, %sub3A_803 : vector<16xf32>
        %add3A_824 = arith.addf %add3A_822, %mul3A_823 : vector<16xf32>
        %broadcast_in_dim3A_825 = arith.constant 3 : i32
        %broadcast_in_dim3A_826 = vector.broadcast %broadcast_in_dim3A_825 : i32 to vector<16xi32>
        tpu.vector_store_idx %arg21[%broadcast_in_dim3A_826, %add3A_538], %add3A_810 : memref<12x640xf32, #tpu.memory_space<vmem>>[vector<16xi32>, vector<16xi32>], vector<16xf32>,
        %broadcast_in_dim3A_827 = arith.constant 7 : i32
        %broadcast_in_dim3A_828 = vector.broadcast %broadcast_in_dim3A_827 : i32 to vector<16xi32>
        tpu.vector_store_idx %arg21[%broadcast_in_dim3A_828, %add3A_538], %add3A_817 : memref<12x640xf32, #tpu.memory_space<vmem>>[vector<16xi32>, vector<16xi32>], vector<16xf32>,
        %broadcast_in_dim3A_829 = arith.constant 11 : i32
        %broadcast_in_dim3A_830 = vector.broadcast %broadcast_in_dim3A_829 : i32 to vector<16xi32>
        tpu.vector_store_idx %arg21[%broadcast_in_dim3A_830, %add3A_538], %add3A_824 : memref<12x640xf32, #tpu.memory_space<vmem>>[vector<16xi32>, vector<16xi32>], vector<16xf32>,
      }
      %scan3A_245 = arith.constant 40 : i32
      %dma_start3A_246 = arith.constant 0 : i32
      %dma_start3A_247 = arith.constant 0 : i32
      %dma_start3A_248 = arith.constant 0 : i32
      %dma_start3A_249 = tpu.memref_slice %arg21[%dma_start3A_246, %dma_start3A_248] : memref<12x640xf32, #tpu.memory_space<vmem>> -> memref<1x640xf32, #tpu.memory_space<vmem>>
      %dma_start3A_250 = tpu.memref_squeeze %dma_start3A_249 : memref<1x640xf32, #tpu.memory_space<vmem>> -> memref<640xf32, #tpu.memory_space<vmem>>
      %dma_start3A_251 = tpu.memref_slice %arg6[%dma_start3A_247, %min3A_112] : memref<12x100000xf32, #tpu.memory_space<hbm>> -> memref<1x640xf32, #tpu.memory_space<hbm>>
      %dma_start3A_252 = tpu.memref_squeeze %dma_start3A_251 : memref<1x640xf32, #tpu.memory_space<hbm>> -> memref<640xf32, #tpu.memory_space<hbm>>
      %dma_start3A_253 = tpu.memref_slice %arg6[%dma_start3A_247, %min3A_112] : memref<12x100000xf32, #tpu.memory_space<hbm>> -> memref<1x640xf32, #tpu.memory_space<hbm>>
      %dma_start3A_254 = tpu.memref_squeeze %dma_start3A_253 : memref<1x640xf32, #tpu.memory_space<hbm>> -> memref<640xf32, #tpu.memory_space<hbm>>
      %dma_start3A_255 = arith.constant 0 : i32
      %dma_start3A_256 = tpu.memref_slice %arg21[%dma_start3A_246, %dma_start3A_255] : memref<12x640xf32, #tpu.memory_space<vmem>> -> memref<1x640xf32, #tpu.memory_space<vmem>>
      %dma_start3A_257 = tpu.memref_squeeze %dma_start3A_256 : memref<1x640xf32, #tpu.memory_space<vmem>> -> memref<640xf32, #tpu.memory_space<vmem>>
      tpu.enqueue_dma source(%dma_start3A_257 : memref<640xf32, #tpu.memory_space<vmem>>) target(%dma_start3A_254 : memref<640xf32, #tpu.memory_space<hbm>>) target_semaphore(%arg22 : memref<!tpu.dma_semaphore, #tpu.memory_space<semaphore_mem>>)
      %dma_start3A_258 = arith.constant 1 : i32
      %dma_start3A_259 = arith.constant 1 : i32
      %dma_start3A_260 = arith.constant 0 : i32
      %dma_start3A_261 = tpu.memref_slice %arg21[%dma_start3A_258, %dma_start3A_260] : memref<12x640xf32, #tpu.memory_space<vmem>> -> memref<1x640xf32, #tpu.memory_space<vmem>>
      %dma_start3A_262 = tpu.memref_squeeze %dma_start3A_261 : memref<1x640xf32, #tpu.memory_space<vmem>> -> memref<640xf32, #tpu.memory_space<vmem>>
      %dma_start3A_263 = tpu.memref_slice %arg6[%dma_start3A_259, %min3A_112] : memref<12x100000xf32, #tpu.memory_space<hbm>> -> memref<1x640xf32, #tpu.memory_space<hbm>>
      %dma_start3A_264 = tpu.memref_squeeze %dma_start3A_263 : memref<1x640xf32, #tpu.memory_space<hbm>> -> memref<640xf32, #tpu.memory_space<hbm>>
      %dma_start3A_265 = tpu.memref_slice %arg6[%dma_start3A_259, %min3A_112] : memref<12x100000xf32, #tpu.memory_space<hbm>> -> memref<1x640xf32, #tpu.memory_space<hbm>>
      %dma_start3A_266 = tpu.memref_squeeze %dma_start3A_265 : memref<1x640xf32, #tpu.memory_space<hbm>> -> memref<640xf32, #tpu.memory_space<hbm>>
      %dma_start3A_267 = arith.constant 0 : i32
      %dma_start3A_268 = tpu.memref_slice %arg21[%dma_start3A_258, %dma_start3A_267] : memref<12x640xf32, #tpu.memory_space<vmem>> -> memref<1x640xf32, #tpu.memory_space<vmem>>
      %dma_start3A_269 = tpu.memref_squeeze %dma_start3A_268 : memref<1x640xf32, #tpu.memory_space<vmem>> -> memref<640xf32, #tpu.memory_space<vmem>>
      tpu.enqueue_dma source(%dma_start3A_269 : memref<640xf32, #tpu.memory_space<vmem>>) target(%dma_start3A_266 : memref<640xf32, #tpu.memory_space<hbm>>) target_semaphore(%arg22 : memref<!tpu.dma_semaphore, #tpu.memory_space<semaphore_mem>>)
      %dma_start3A_270 = arith.constant 2 : i32
      %dma_start3A_271 = arith.constant 2 : i32
      %dma_start3A_272 = arith.constant 0 : i32
      %dma_start3A_273 = tpu.memref_slice %arg21[%dma_start3A_270, %dma_start3A_272] : memref<12x640xf32, #tpu.memory_space<vmem>> -> memref<1x640xf32, #tpu.memory_space<vmem>>
      %dma_start3A_274 = tpu.memref_squeeze %dma_start3A_273 : memref<1x640xf32, #tpu.memory_space<vmem>> -> memref<640xf32, #tpu.memory_space<vmem>>
      %dma_start3A_275 = tpu.memref_slice %arg6[%dma_start3A_271, %min3A_112] : memref<12x100000xf32, #tpu.memory_space<hbm>> -> memref<1x640xf32, #tpu.memory_space<hbm>>
      %dma_start3A_276 = tpu.memref_squeeze %dma_start3A_275 : memref<1x640xf32, #tpu.memory_space<hbm>> -> memref<640xf32, #tpu.memory_space<hbm>>
      %dma_start3A_277 = tpu.memref_slice %arg6[%dma_start3A_271, %min3A_112] : memref<12x100000xf32, #tpu.memory_space<hbm>> -> memref<1x640xf32, #tpu.memory_space<hbm>>
      %dma_start3A_278 = tpu.memref_squeeze %dma_start3A_277 : memref<1x640xf32, #tpu.memory_space<hbm>> -> memref<640xf32, #tpu.memory_space<hbm>>
      %dma_start3A_279 = arith.constant 0 : i32
      %dma_start3A_280 = tpu.memref_slice %arg21[%dma_start3A_270, %dma_start3A_279] : memref<12x640xf32, #tpu.memory_space<vmem>> -> memref<1x640xf32, #tpu.memory_space<vmem>>
      %dma_start3A_281 = tpu.memref_squeeze %dma_start3A_280 : memref<1x640xf32, #tpu.memory_space<vmem>> -> memref<640xf32, #tpu.memory_space<vmem>>
      tpu.enqueue_dma source(%dma_start3A_281 : memref<640xf32, #tpu.memory_space<vmem>>) target(%dma_start3A_278 : memref<640xf32, #tpu.memory_space<hbm>>) target_semaphore(%arg22 : memref<!tpu.dma_semaphore, #tpu.memory_space<semaphore_mem>>)
      %dma_start3A_282 = arith.constant 3 : i32
      %dma_start3A_283 = arith.constant 3 : i32
      %dma_start3A_284 = arith.constant 0 : i32
      %dma_start3A_285 = tpu.memref_slice %arg21[%dma_start3A_282, %dma_start3A_284] : memref<12x640xf32, #tpu.memory_space<vmem>> -> memref<1x640xf32, #tpu.memory_space<vmem>>
      %dma_start3A_286 = tpu.memref_squeeze %dma_start3A_285 : memref<1x640xf32, #tpu.memory_space<vmem>> -> memref<640xf32, #tpu.memory_space<vmem>>
      %dma_start3A_287 = tpu.memref_slice %arg6[%dma_start3A_283, %min3A_112] : memref<12x100000xf32, #tpu.memory_space<hbm>> -> memref<1x640xf32, #tpu.memory_space<hbm>>
      %dma_start3A_288 = tpu.memref_squeeze %dma_start3A_287 : memref<1x640xf32, #tpu.memory_space<hbm>> -> memref<640xf32, #tpu.memory_space<hbm>>
      %dma_start3A_289 = tpu.memref_slice %arg6[%dma_start3A_283, %min3A_112] : memref<12x100000xf32, #tpu.memory_space<hbm>> -> memref<1x640xf32, #tpu.memory_space<hbm>>
      %dma_start3A_290 = tpu.memref_squeeze %dma_start3A_289 : memref<1x640xf32, #tpu.memory_space<hbm>> -> memref<640xf32, #tpu.memory_space<hbm>>
      %dma_start3A_291 = arith.constant 0 : i32
      %dma_start3A_292 = tpu.memref_slice %arg21[%dma_start3A_282, %dma_start3A_291] : memref<12x640xf32, #tpu.memory_space<vmem>> -> memref<1x640xf32, #tpu.memory_space<vmem>>
      %dma_start3A_293 = tpu.memref_squeeze %dma_start3A_292 : memref<1x640xf32, #tpu.memory_space<vmem>> -> memref<640xf32, #tpu.memory_space<vmem>>
      tpu.enqueue_dma source(%dma_start3A_293 : memref<640xf32, #tpu.memory_space<vmem>>) target(%dma_start3A_290 : memref<640xf32, #tpu.memory_space<hbm>>) target_semaphore(%arg22 : memref<!tpu.dma_semaphore, #tpu.memory_space<semaphore_mem>>)
      %dma_start3A_294 = arith.constant 4 : i32
      %dma_start3A_295 = arith.constant 4 : i32
      %dma_start3A_296 = arith.constant 0 : i32
      %dma_start3A_297 = tpu.memref_slice %arg21[%dma_start3A_294, %dma_start3A_296] : memref<12x640xf32, #tpu.memory_space<vmem>> -> memref<1x640xf32, #tpu.memory_space<vmem>>
      %dma_start3A_298 = tpu.memref_squeeze %dma_start3A_297 : memref<1x640xf32, #tpu.memory_space<vmem>> -> memref<640xf32, #tpu.memory_space<vmem>>
      %dma_start3A_299 = tpu.memref_slice %arg6[%dma_start3A_295, %min3A_112] : memref<12x100000xf32, #tpu.memory_space<hbm>> -> memref<1x640xf32, #tpu.memory_space<hbm>>
      %dma_start3A_300 = tpu.memref_squeeze %dma_start3A_299 : memref<1x640xf32, #tpu.memory_space<hbm>> -> memref<640xf32, #tpu.memory_space<hbm>>
      %dma_start3A_301 = tpu.memref_slice %arg6[%dma_start3A_295, %min3A_112] : memref<12x100000xf32, #tpu.memory_space<hbm>> -> memref<1x640xf32, #tpu.memory_space<hbm>>
      %dma_start3A_302 = tpu.memref_squeeze %dma_start3A_301 : memref<1x640xf32, #tpu.memory_space<hbm>> -> memref<640xf32, #tpu.memory_space<hbm>>
      %dma_start3A_303 = arith.constant 0 : i32
      %dma_start3A_304 = tpu.memref_slice %arg21[%dma_start3A_294, %dma_start3A_303] : memref<12x640xf32, #tpu.memory_space<vmem>> -> memref<1x640xf32, #tpu.memory_space<vmem>>
      %dma_start3A_305 = tpu.memref_squeeze %dma_start3A_304 : memref<1x640xf32, #tpu.memory_space<vmem>> -> memref<640xf32, #tpu.memory_space<vmem>>
      tpu.enqueue_dma source(%dma_start3A_305 : memref<640xf32, #tpu.memory_space<vmem>>) target(%dma_start3A_302 : memref<640xf32, #tpu.memory_space<hbm>>) target_semaphore(%arg22 : memref<!tpu.dma_semaphore, #tpu.memory_space<semaphore_mem>>)
      %dma_start3A_306 = arith.constant 5 : i32
      %dma_start3A_307 = arith.constant 5 : i32
      %dma_start3A_308 = arith.constant 0 : i32
      %dma_start3A_309 = tpu.memref_slice %arg21[%dma_start3A_306, %dma_start3A_308] : memref<12x640xf32, #tpu.memory_space<vmem>> -> memref<1x640xf32, #tpu.memory_space<vmem>>
      %dma_start3A_310 = tpu.memref_squeeze %dma_start3A_309 : memref<1x640xf32, #tpu.memory_space<vmem>> -> memref<640xf32, #tpu.memory_space<vmem>>
      %dma_start3A_311 = tpu.memref_slice %arg6[%dma_start3A_307, %min3A_112] : memref<12x100000xf32, #tpu.memory_space<hbm>> -> memref<1x640xf32, #tpu.memory_space<hbm>>
      %dma_start3A_312 = tpu.memref_squeeze %dma_start3A_311 : memref<1x640xf32, #tpu.memory_space<hbm>> -> memref<640xf32, #tpu.memory_space<hbm>>
      %dma_start3A_313 = tpu.memref_slice %arg6[%dma_start3A_307, %min3A_112] : memref<12x100000xf32, #tpu.memory_space<hbm>> -> memref<1x640xf32, #tpu.memory_space<hbm>>
      %dma_start3A_314 = tpu.memref_squeeze %dma_start3A_313 : memref<1x640xf32, #tpu.memory_space<hbm>> -> memref<640xf32, #tpu.memory_space<hbm>>
      %dma_start3A_315 = arith.constant 0 : i32
      %dma_start3A_316 = tpu.memref_slice %arg21[%dma_start3A_306, %dma_start3A_315] : memref<12x640xf32, #tpu.memory_space<vmem>> -> memref<1x640xf32, #tpu.memory_space<vmem>>
      %dma_start3A_317 = tpu.memref_squeeze %dma_start3A_316 : memref<1x640xf32, #tpu.memory_space<vmem>> -> memref<640xf32, #tpu.memory_space<vmem>>
      tpu.enqueue_dma source(%dma_start3A_317 : memref<640xf32, #tpu.memory_space<vmem>>) target(%dma_start3A_314 : memref<640xf32, #tpu.memory_space<hbm>>) target_semaphore(%arg22 : memref<!tpu.dma_semaphore, #tpu.memory_space<semaphore_mem>>)
      %dma_start3A_318 = arith.constant 6 : i32
      %dma_start3A_319 = arith.constant 6 : i32
      %dma_start3A_320 = arith.constant 0 : i32
      %dma_start3A_321 = tpu.memref_slice %arg21[%dma_start3A_318, %dma_start3A_320] : memref<12x640xf32, #tpu.memory_space<vmem>> -> memref<1x640xf32, #tpu.memory_space<vmem>>
      %dma_start3A_322 = tpu.memref_squeeze %dma_start3A_321 : memref<1x640xf32, #tpu.memory_space<vmem>> -> memref<640xf32, #tpu.memory_space<vmem>>
      %dma_start3A_323 = tpu.memref_slice %arg6[%dma_start3A_319, %min3A_112] : memref<12x100000xf32, #tpu.memory_space<hbm>> -> memref<1x640xf32, #tpu.memory_space<hbm>>
      %dma_start3A_324 = tpu.memref_squeeze %dma_start3A_323 : memref<1x640xf32, #tpu.memory_space<hbm>> -> memref<640xf32, #tpu.memory_space<hbm>>
      %dma_start3A_325 = tpu.memref_slice %arg6[%dma_start3A_319, %min3A_112] : memref<12x100000xf32, #tpu.memory_space<hbm>> -> memref<1x640xf32, #tpu.memory_space<hbm>>
      %dma_start3A_326 = tpu.memref_squeeze %dma_start3A_325 : memref<1x640xf32, #tpu.memory_space<hbm>> -> memref<640xf32, #tpu.memory_space<hbm>>
      %dma_start3A_327 = arith.constant 0 : i32
      %dma_start3A_328 = tpu.memref_slice %arg21[%dma_start3A_318, %dma_start3A_327] : memref<12x640xf32, #tpu.memory_space<vmem>> -> memref<1x640xf32, #tpu.memory_space<vmem>>
      %dma_start3A_329 = tpu.memref_squeeze %dma_start3A_328 : memref<1x640xf32, #tpu.memory_space<vmem>> -> memref<640xf32, #tpu.memory_space<vmem>>
      tpu.enqueue_dma source(%dma_start3A_329 : memref<640xf32, #tpu.memory_space<vmem>>) target(%dma_start3A_326 : memref<640xf32, #tpu.memory_space<hbm>>) target_semaphore(%arg22 : memref<!tpu.dma_semaphore, #tpu.memory_space<semaphore_mem>>)
      %dma_start3A_330 = arith.constant 7 : i32
      %dma_start3A_331 = arith.constant 7 : i32
      %dma_start3A_332 = arith.constant 0 : i32
      %dma_start3A_333 = tpu.memref_slice %arg21[%dma_start3A_330, %dma_start3A_332] : memref<12x640xf32, #tpu.memory_space<vmem>> -> memref<1x640xf32, #tpu.memory_space<vmem>>
      %dma_start3A_334 = tpu.memref_squeeze %dma_start3A_333 : memref<1x640xf32, #tpu.memory_space<vmem>> -> memref<640xf32, #tpu.memory_space<vmem>>
      %dma_start3A_335 = tpu.memref_slice %arg6[%dma_start3A_331, %min3A_112] : memref<12x100000xf32, #tpu.memory_space<hbm>> -> memref<1x640xf32, #tpu.memory_space<hbm>>
      %dma_start3A_336 = tpu.memref_squeeze %dma_start3A_335 : memref<1x640xf32, #tpu.memory_space<hbm>> -> memref<640xf32, #tpu.memory_space<hbm>>
      %dma_start3A_337 = tpu.memref_slice %arg6[%dma_start3A_331, %min3A_112] : memref<12x100000xf32, #tpu.memory_space<hbm>> -> memref<1x640xf32, #tpu.memory_space<hbm>>
      %dma_start3A_338 = tpu.memref_squeeze %dma_start3A_337 : memref<1x640xf32, #tpu.memory_space<hbm>> -> memref<640xf32, #tpu.memory_space<hbm>>
      %dma_start3A_339 = arith.constant 0 : i32
      %dma_start3A_340 = tpu.memref_slice %arg21[%dma_start3A_330, %dma_start3A_339] : memref<12x640xf32, #tpu.memory_space<vmem>> -> memref<1x640xf32, #tpu.memory_space<vmem>>
      %dma_start3A_341 = tpu.memref_squeeze %dma_start3A_340 : memref<1x640xf32, #tpu.memory_space<vmem>> -> memref<640xf32, #tpu.memory_space<vmem>>
      tpu.enqueue_dma source(%dma_start3A_341 : memref<640xf32, #tpu.memory_space<vmem>>) target(%dma_start3A_338 : memref<640xf32, #tpu.memory_space<hbm>>) target_semaphore(%arg22 : memref<!tpu.dma_semaphore, #tpu.memory_space<semaphore_mem>>)
      %dma_start3A_342 = arith.constant 8 : i32
      %dma_start3A_343 = arith.constant 8 : i32
      %dma_start3A_344 = arith.constant 0 : i32
      %dma_start3A_345 = tpu.memref_slice %arg21[%dma_start3A_342, %dma_start3A_344] : memref<12x640xf32, #tpu.memory_space<vmem>> -> memref<1x640xf32, #tpu.memory_space<vmem>>
      %dma_start3A_346 = tpu.memref_squeeze %dma_start3A_345 : memref<1x640xf32, #tpu.memory_space<vmem>> -> memref<640xf32, #tpu.memory_space<vmem>>
      %dma_start3A_347 = tpu.memref_slice %arg6[%dma_start3A_343, %min3A_112] : memref<12x100000xf32, #tpu.memory_space<hbm>> -> memref<1x640xf32, #tpu.memory_space<hbm>>
      %dma_start3A_348 = tpu.memref_squeeze %dma_start3A_347 : memref<1x640xf32, #tpu.memory_space<hbm>> -> memref<640xf32, #tpu.memory_space<hbm>>
      %dma_start3A_349 = tpu.memref_slice %arg6[%dma_start3A_343, %min3A_112] : memref<12x100000xf32, #tpu.memory_space<hbm>> -> memref<1x640xf32, #tpu.memory_space<hbm>>
      %dma_start3A_350 = tpu.memref_squeeze %dma_start3A_349 : memref<1x640xf32, #tpu.memory_space<hbm>> -> memref<640xf32, #tpu.memory_space<hbm>>
      %dma_start3A_351 = arith.constant 0 : i32
      %dma_start3A_352 = tpu.memref_slice %arg21[%dma_start3A_342, %dma_start3A_351] : memref<12x640xf32, #tpu.memory_space<vmem>> -> memref<1x640xf32, #tpu.memory_space<vmem>>
      %dma_start3A_353 = tpu.memref_squeeze %dma_start3A_352 : memref<1x640xf32, #tpu.memory_space<vmem>> -> memref<640xf32, #tpu.memory_space<vmem>>
      tpu.enqueue_dma source(%dma_start3A_353 : memref<640xf32, #tpu.memory_space<vmem>>) target(%dma_start3A_350 : memref<640xf32, #tpu.memory_space<hbm>>) target_semaphore(%arg22 : memref<!tpu.dma_semaphore, #tpu.memory_space<semaphore_mem>>)
      %dma_start3A_354 = arith.constant 9 : i32
      %dma_start3A_355 = arith.constant 9 : i32
      %dma_start3A_356 = arith.constant 0 : i32
      %dma_start3A_357 = tpu.memref_slice %arg21[%dma_start3A_354, %dma_start3A_356] : memref<12x640xf32, #tpu.memory_space<vmem>> -> memref<1x640xf32, #tpu.memory_space<vmem>>
      %dma_start3A_358 = tpu.memref_squeeze %dma_start3A_357 : memref<1x640xf32, #tpu.memory_space<vmem>> -> memref<640xf32, #tpu.memory_space<vmem>>
      %dma_start3A_359 = tpu.memref_slice %arg6[%dma_start3A_355, %min3A_112] : memref<12x100000xf32, #tpu.memory_space<hbm>> -> memref<1x640xf32, #tpu.memory_space<hbm>>
      %dma_start3A_360 = tpu.memref_squeeze %dma_start3A_359 : memref<1x640xf32, #tpu.memory_space<hbm>> -> memref<640xf32, #tpu.memory_space<hbm>>
      %dma_start3A_361 = tpu.memref_slice %arg6[%dma_start3A_355, %min3A_112] : memref<12x100000xf32, #tpu.memory_space<hbm>> -> memref<1x640xf32, #tpu.memory_space<hbm>>
      %dma_start3A_362 = tpu.memref_squeeze %dma_start3A_361 : memref<1x640xf32, #tpu.memory_space<hbm>> -> memref<640xf32, #tpu.memory_space<hbm>>
      %dma_start3A_363 = arith.constant 0 : i32
      %dma_start3A_364 = tpu.memref_slice %arg21[%dma_start3A_354, %dma_start3A_363] : memref<12x640xf32, #tpu.memory_space<vmem>> -> memref<1x640xf32, #tpu.memory_space<vmem>>
      %dma_start3A_365 = tpu.memref_squeeze %dma_start3A_364 : memref<1x640xf32, #tpu.memory_space<vmem>> -> memref<640xf32, #tpu.memory_space<vmem>>
      tpu.enqueue_dma source(%dma_start3A_365 : memref<640xf32, #tpu.memory_space<vmem>>) target(%dma_start3A_362 : memref<640xf32, #tpu.memory_space<hbm>>) target_semaphore(%arg22 : memref<!tpu.dma_semaphore, #tpu.memory_space<semaphore_mem>>)
      %dma_start3A_366 = arith.constant 10 : i32
      %dma_start3A_367 = arith.constant 10 : i32
      %dma_start3A_368 = arith.constant 0 : i32
      %dma_start3A_369 = tpu.memref_slice %arg21[%dma_start3A_366, %dma_start3A_368] : memref<12x640xf32, #tpu.memory_space<vmem>> -> memref<1x640xf32, #tpu.memory_space<vmem>>
      %dma_start3A_370 = tpu.memref_squeeze %dma_start3A_369 : memref<1x640xf32, #tpu.memory_space<vmem>> -> memref<640xf32, #tpu.memory_space<vmem>>
      %dma_start3A_371 = tpu.memref_slice %arg6[%dma_start3A_367, %min3A_112] : memref<12x100000xf32, #tpu.memory_space<hbm>> -> memref<1x640xf32, #tpu.memory_space<hbm>>
      %dma_start3A_372 = tpu.memref_squeeze %dma_start3A_371 : memref<1x640xf32, #tpu.memory_space<hbm>> -> memref<640xf32, #tpu.memory_space<hbm>>
      %dma_start3A_373 = tpu.memref_slice %arg6[%dma_start3A_367, %min3A_112] : memref<12x100000xf32, #tpu.memory_space<hbm>> -> memref<1x640xf32, #tpu.memory_space<hbm>>
      %dma_start3A_374 = tpu.memref_squeeze %dma_start3A_373 : memref<1x640xf32, #tpu.memory_space<hbm>> -> memref<640xf32, #tpu.memory_space<hbm>>
      %dma_start3A_375 = arith.constant 0 : i32
      %dma_start3A_376 = tpu.memref_slice %arg21[%dma_start3A_366, %dma_start3A_375] : memref<12x640xf32, #tpu.memory_space<vmem>> -> memref<1x640xf32, #tpu.memory_space<vmem>>
      %dma_start3A_377 = tpu.memref_squeeze %dma_start3A_376 : memref<1x640xf32, #tpu.memory_space<vmem>> -> memref<640xf32, #tpu.memory_space<vmem>>
      tpu.enqueue_dma source(%dma_start3A_377 : memref<640xf32, #tpu.memory_space<vmem>>) target(%dma_start3A_374 : memref<640xf32, #tpu.memory_space<hbm>>) target_semaphore(%arg22 : memref<!tpu.dma_semaphore, #tpu.memory_space<semaphore_mem>>)
      %dma_start3A_378 = arith.constant 11 : i32
      %dma_start3A_379 = arith.constant 11 : i32
      %dma_start3A_380 = arith.constant 0 : i32
      %dma_start3A_381 = tpu.memref_slice %arg21[%dma_start3A_378, %dma_start3A_380] : memref<12x640xf32, #tpu.memory_space<vmem>> -> memref<1x640xf32, #tpu.memory_space<vmem>>
      %dma_start3A_382 = tpu.memref_squeeze %dma_start3A_381 : memref<1x640xf32, #tpu.memory_space<vmem>> -> memref<640xf32, #tpu.memory_space<vmem>>
      %dma_start3A_383 = tpu.memref_slice %arg6[%dma_start3A_379, %min3A_112] : memref<12x100000xf32, #tpu.memory_space<hbm>> -> memref<1x640xf32, #tpu.memory_space<hbm>>
      %dma_start3A_384 = tpu.memref_squeeze %dma_start3A_383 : memref<1x640xf32, #tpu.memory_space<hbm>> -> memref<640xf32, #tpu.memory_space<hbm>>
      %dma_start3A_385 = tpu.memref_slice %arg6[%dma_start3A_379, %min3A_112] : memref<12x100000xf32, #tpu.memory_space<hbm>> -> memref<1x640xf32, #tpu.memory_space<hbm>>
      %dma_start3A_386 = tpu.memref_squeeze %dma_start3A_385 : memref<1x640xf32, #tpu.memory_space<hbm>> -> memref<640xf32, #tpu.memory_space<hbm>>
      %dma_start3A_387 = arith.constant 0 : i32
      %dma_start3A_388 = tpu.memref_slice %arg21[%dma_start3A_378, %dma_start3A_387] : memref<12x640xf32, #tpu.memory_space<vmem>> -> memref<1x640xf32, #tpu.memory_space<vmem>>
      %dma_start3A_389 = tpu.memref_squeeze %dma_start3A_388 : memref<1x640xf32, #tpu.memory_space<vmem>> -> memref<640xf32, #tpu.memory_space<vmem>>
      tpu.enqueue_dma source(%dma_start3A_389 : memref<640xf32, #tpu.memory_space<vmem>>) target(%dma_start3A_386 : memref<640xf32, #tpu.memory_space<hbm>>) target_semaphore(%arg22 : memref<!tpu.dma_semaphore, #tpu.memory_space<semaphore_mem>>)
      %dma_wait3A_390 = arith.constant 0 : i32
      %dma_wait3A_391 = arith.constant 0 : i32
      %dma_wait3A_392 = arith.constant 0 : i32
      %dma_wait3A_393 = tpu.memref_slice %arg21[%dma_wait3A_390, %dma_wait3A_392] : memref<12x640xf32, #tpu.memory_space<vmem>> -> memref<1x640xf32, #tpu.memory_space<vmem>>
      %dma_wait3A_394 = tpu.memref_squeeze %dma_wait3A_393 : memref<1x640xf32, #tpu.memory_space<vmem>> -> memref<640xf32, #tpu.memory_space<vmem>>
      %dma_wait3A_395 = tpu.memref_slice %arg6[%dma_wait3A_391, %min3A_112] : memref<12x100000xf32, #tpu.memory_space<hbm>> -> memref<1x640xf32, #tpu.memory_space<hbm>>
      %dma_wait3A_396 = tpu.memref_squeeze %dma_wait3A_395 : memref<1x640xf32, #tpu.memory_space<hbm>> -> memref<640xf32, #tpu.memory_space<hbm>>
      %dma_wait3A_397 = tpu.memref_slice %arg6[%dma_wait3A_391, %min3A_112] : memref<12x100000xf32, #tpu.memory_space<hbm>> -> memref<1x640xf32, #tpu.memory_space<hbm>>
      %dma_wait3A_398 = tpu.memref_squeeze %dma_wait3A_397 : memref<1x640xf32, #tpu.memory_space<hbm>> -> memref<640xf32, #tpu.memory_space<hbm>>
      %dma_wait3A_399 = arith.constant 0 : i32
      %dma_wait3A_400 = tpu.memref_slice %arg21[%dma_wait3A_390, %dma_wait3A_399] : memref<12x640xf32, #tpu.memory_space<vmem>> -> memref<1x640xf32, #tpu.memory_space<vmem>>
      %dma_wait3A_401 = tpu.memref_squeeze %dma_wait3A_400 : memref<1x640xf32, #tpu.memory_space<vmem>> -> memref<640xf32, #tpu.memory_space<vmem>>
      tpu.wait_dma2 semaphore(%arg22 : memref<!tpu.dma_semaphore, #tpu.memory_space<semaphore_mem>>) src(%dma_wait3A_401 : memref<640xf32, #tpu.memory_space<vmem>>) dst(%dma_wait3A_398 : memref<640xf32, #tpu.memory_space<hbm>>)
      %dma_wait3A_402 = arith.constant 1 : i32
      %dma_wait3A_403 = arith.constant 1 : i32
      %dma_wait3A_404 = arith.constant 0 : i32
      %dma_wait3A_405 = tpu.memref_slice %arg21[%dma_wait3A_402, %dma_wait3A_404] : memref<12x640xf32, #tpu.memory_space<vmem>> -> memref<1x640xf32, #tpu.memory_space<vmem>>
      %dma_wait3A_406 = tpu.memref_squeeze %dma_wait3A_405 : memref<1x640xf32, #tpu.memory_space<vmem>> -> memref<640xf32, #tpu.memory_space<vmem>>
      %dma_wait3A_407 = tpu.memref_slice %arg6[%dma_wait3A_403, %min3A_112] : memref<12x100000xf32, #tpu.memory_space<hbm>> -> memref<1x640xf32, #tpu.memory_space<hbm>>
      %dma_wait3A_408 = tpu.memref_squeeze %dma_wait3A_407 : memref<1x640xf32, #tpu.memory_space<hbm>> -> memref<640xf32, #tpu.memory_space<hbm>>
      %dma_wait3A_409 = tpu.memref_slice %arg6[%dma_wait3A_403, %min3A_112] : memref<12x100000xf32, #tpu.memory_space<hbm>> -> memref<1x640xf32, #tpu.memory_space<hbm>>
      %dma_wait3A_410 = tpu.memref_squeeze %dma_wait3A_409 : memref<1x640xf32, #tpu.memory_space<hbm>> -> memref<640xf32, #tpu.memory_space<hbm>>
      %dma_wait3A_411 = arith.constant 0 : i32
      %dma_wait3A_412 = tpu.memref_slice %arg21[%dma_wait3A_402, %dma_wait3A_411] : memref<12x640xf32, #tpu.memory_space<vmem>> -> memref<1x640xf32, #tpu.memory_space<vmem>>
      %dma_wait3A_413 = tpu.memref_squeeze %dma_wait3A_412 : memref<1x640xf32, #tpu.memory_space<vmem>> -> memref<640xf32, #tpu.memory_space<vmem>>
      tpu.wait_dma2 semaphore(%arg22 : memref<!tpu.dma_semaphore, #tpu.memory_space<semaphore_mem>>) src(%dma_wait3A_413 : memref<640xf32, #tpu.memory_space<vmem>>) dst(%dma_wait3A_410 : memref<640xf32, #tpu.memory_space<hbm>>)
      %dma_wait3A_414 = arith.constant 2 : i32
      %dma_wait3A_415 = arith.constant 2 : i32
      %dma_wait3A_416 = arith.constant 0 : i32
      %dma_wait3A_417 = tpu.memref_slice %arg21[%dma_wait3A_414, %dma_wait3A_416] : memref<12x640xf32, #tpu.memory_space<vmem>> -> memref<1x640xf32, #tpu.memory_space<vmem>>
      %dma_wait3A_418 = tpu.memref_squeeze %dma_wait3A_417 : memref<1x640xf32, #tpu.memory_space<vmem>> -> memref<640xf32, #tpu.memory_space<vmem>>
      %dma_wait3A_419 = tpu.memref_slice %arg6[%dma_wait3A_415, %min3A_112] : memref<12x100000xf32, #tpu.memory_space<hbm>> -> memref<1x640xf32, #tpu.memory_space<hbm>>
      %dma_wait3A_420 = tpu.memref_squeeze %dma_wait3A_419 : memref<1x640xf32, #tpu.memory_space<hbm>> -> memref<640xf32, #tpu.memory_space<hbm>>
      %dma_wait3A_421 = tpu.memref_slice %arg6[%dma_wait3A_415, %min3A_112] : memref<12x100000xf32, #tpu.memory_space<hbm>> -> memref<1x640xf32, #tpu.memory_space<hbm>>
      %dma_wait3A_422 = tpu.memref_squeeze %dma_wait3A_421 : memref<1x640xf32, #tpu.memory_space<hbm>> -> memref<640xf32, #tpu.memory_space<hbm>>
      %dma_wait3A_423 = arith.constant 0 : i32
      %dma_wait3A_424 = tpu.memref_slice %arg21[%dma_wait3A_414, %dma_wait3A_423] : memref<12x640xf32, #tpu.memory_space<vmem>> -> memref<1x640xf32, #tpu.memory_space<vmem>>
      %dma_wait3A_425 = tpu.memref_squeeze %dma_wait3A_424 : memref<1x640xf32, #tpu.memory_space<vmem>> -> memref<640xf32, #tpu.memory_space<vmem>>
      tpu.wait_dma2 semaphore(%arg22 : memref<!tpu.dma_semaphore, #tpu.memory_space<semaphore_mem>>) src(%dma_wait3A_425 : memref<640xf32, #tpu.memory_space<vmem>>) dst(%dma_wait3A_422 : memref<640xf32, #tpu.memory_space<hbm>>)
      %dma_wait3A_426 = arith.constant 3 : i32
      %dma_wait3A_427 = arith.constant 3 : i32
      %dma_wait3A_428 = arith.constant 0 : i32
      %dma_wait3A_429 = tpu.memref_slice %arg21[%dma_wait3A_426, %dma_wait3A_428] : memref<12x640xf32, #tpu.memory_space<vmem>> -> memref<1x640xf32, #tpu.memory_space<vmem>>
      %dma_wait3A_430 = tpu.memref_squeeze %dma_wait3A_429 : memref<1x640xf32, #tpu.memory_space<vmem>> -> memref<640xf32, #tpu.memory_space<vmem>>
      %dma_wait3A_431 = tpu.memref_slice %arg6[%dma_wait3A_427, %min3A_112] : memref<12x100000xf32, #tpu.memory_space<hbm>> -> memref<1x640xf32, #tpu.memory_space<hbm>>
      %dma_wait3A_432 = tpu.memref_squeeze %dma_wait3A_431 : memref<1x640xf32, #tpu.memory_space<hbm>> -> memref<640xf32, #tpu.memory_space<hbm>>
      %dma_wait3A_433 = tpu.memref_slice %arg6[%dma_wait3A_427, %min3A_112] : memref<12x100000xf32, #tpu.memory_space<hbm>> -> memref<1x640xf32, #tpu.memory_space<hbm>>
      %dma_wait3A_434 = tpu.memref_squeeze %dma_wait3A_433 : memref<1x640xf32, #tpu.memory_space<hbm>> -> memref<640xf32, #tpu.memory_space<hbm>>
      %dma_wait3A_435 = arith.constant 0 : i32
      %dma_wait3A_436 = tpu.memref_slice %arg21[%dma_wait3A_426, %dma_wait3A_435] : memref<12x640xf32, #tpu.memory_space<vmem>> -> memref<1x640xf32, #tpu.memory_space<vmem>>
      %dma_wait3A_437 = tpu.memref_squeeze %dma_wait3A_436 : memref<1x640xf32, #tpu.memory_space<vmem>> -> memref<640xf32, #tpu.memory_space<vmem>>
      tpu.wait_dma2 semaphore(%arg22 : memref<!tpu.dma_semaphore, #tpu.memory_space<semaphore_mem>>) src(%dma_wait3A_437 : memref<640xf32, #tpu.memory_space<vmem>>) dst(%dma_wait3A_434 : memref<640xf32, #tpu.memory_space<hbm>>)
      %dma_wait3A_438 = arith.constant 4 : i32
      %dma_wait3A_439 = arith.constant 4 : i32
      %dma_wait3A_440 = arith.constant 0 : i32
      %dma_wait3A_441 = tpu.memref_slice %arg21[%dma_wait3A_438, %dma_wait3A_440] : memref<12x640xf32, #tpu.memory_space<vmem>> -> memref<1x640xf32, #tpu.memory_space<vmem>>
      %dma_wait3A_442 = tpu.memref_squeeze %dma_wait3A_441 : memref<1x640xf32, #tpu.memory_space<vmem>> -> memref<640xf32, #tpu.memory_space<vmem>>
      %dma_wait3A_443 = tpu.memref_slice %arg6[%dma_wait3A_439, %min3A_112] : memref<12x100000xf32, #tpu.memory_space<hbm>> -> memref<1x640xf32, #tpu.memory_space<hbm>>
      %dma_wait3A_444 = tpu.memref_squeeze %dma_wait3A_443 : memref<1x640xf32, #tpu.memory_space<hbm>> -> memref<640xf32, #tpu.memory_space<hbm>>
      %dma_wait3A_445 = tpu.memref_slice %arg6[%dma_wait3A_439, %min3A_112] : memref<12x100000xf32, #tpu.memory_space<hbm>> -> memref<1x640xf32, #tpu.memory_space<hbm>>
      %dma_wait3A_446 = tpu.memref_squeeze %dma_wait3A_445 : memref<1x640xf32, #tpu.memory_space<hbm>> -> memref<640xf32, #tpu.memory_space<hbm>>
      %dma_wait3A_447 = arith.constant 0 : i32
      %dma_wait3A_448 = tpu.memref_slice %arg21[%dma_wait3A_438, %dma_wait3A_447] : memref<12x640xf32, #tpu.memory_space<vmem>> -> memref<1x640xf32, #tpu.memory_space<vmem>>
      %dma_wait3A_449 = tpu.memref_squeeze %dma_wait3A_448 : memref<1x640xf32, #tpu.memory_space<vmem>> -> memref<640xf32, #tpu.memory_space<vmem>>
      tpu.wait_dma2 semaphore(%arg22 : memref<!tpu.dma_semaphore, #tpu.memory_space<semaphore_mem>>) src(%dma_wait3A_449 : memref<640xf32, #tpu.memory_space<vmem>>) dst(%dma_wait3A_446 : memref<640xf32, #tpu.memory_space<hbm>>)
      %dma_wait3A_450 = arith.constant 5 : i32
      %dma_wait3A_451 = arith.constant 5 : i32
      %dma_wait3A_452 = arith.constant 0 : i32
      %dma_wait3A_453 = tpu.memref_slice %arg21[%dma_wait3A_450, %dma_wait3A_452] : memref<12x640xf32, #tpu.memory_space<vmem>> -> memref<1x640xf32, #tpu.memory_space<vmem>>
      %dma_wait3A_454 = tpu.memref_squeeze %dma_wait3A_453 : memref<1x640xf32, #tpu.memory_space<vmem>> -> memref<640xf32, #tpu.memory_space<vmem>>
      %dma_wait3A_455 = tpu.memref_slice %arg6[%dma_wait3A_451, %min3A_112] : memref<12x100000xf32, #tpu.memory_space<hbm>> -> memref<1x640xf32, #tpu.memory_space<hbm>>
      %dma_wait3A_456 = tpu.memref_squeeze %dma_wait3A_455 : memref<1x640xf32, #tpu.memory_space<hbm>> -> memref<640xf32, #tpu.memory_space<hbm>>
      %dma_wait3A_457 = tpu.memref_slice %arg6[%dma_wait3A_451, %min3A_112] : memref<12x100000xf32, #tpu.memory_space<hbm>> -> memref<1x640xf32, #tpu.memory_space<hbm>>
      %dma_wait3A_458 = tpu.memref_squeeze %dma_wait3A_457 : memref<1x640xf32, #tpu.memory_space<hbm>> -> memref<640xf32, #tpu.memory_space<hbm>>
      %dma_wait3A_459 = arith.constant 0 : i32
      %dma_wait3A_460 = tpu.memref_slice %arg21[%dma_wait3A_450, %dma_wait3A_459] : memref<12x640xf32, #tpu.memory_space<vmem>> -> memref<1x640xf32, #tpu.memory_space<vmem>>
      %dma_wait3A_461 = tpu.memref_squeeze %dma_wait3A_460 : memref<1x640xf32, #tpu.memory_space<vmem>> -> memref<640xf32, #tpu.memory_space<vmem>>
      tpu.wait_dma2 semaphore(%arg22 : memref<!tpu.dma_semaphore, #tpu.memory_space<semaphore_mem>>) src(%dma_wait3A_461 : memref<640xf32, #tpu.memory_space<vmem>>) dst(%dma_wait3A_458 : memref<640xf32, #tpu.memory_space<hbm>>)
      %dma_wait3A_462 = arith.constant 6 : i32
      %dma_wait3A_463 = arith.constant 6 : i32
      %dma_wait3A_464 = arith.constant 0 : i32
      %dma_wait3A_465 = tpu.memref_slice %arg21[%dma_wait3A_462, %dma_wait3A_464] : memref<12x640xf32, #tpu.memory_space<vmem>> -> memref<1x640xf32, #tpu.memory_space<vmem>>
      %dma_wait3A_466 = tpu.memref_squeeze %dma_wait3A_465 : memref<1x640xf32, #tpu.memory_space<vmem>> -> memref<640xf32, #tpu.memory_space<vmem>>
      %dma_wait3A_467 = tpu.memref_slice %arg6[%dma_wait3A_463, %min3A_112] : memref<12x100000xf32, #tpu.memory_space<hbm>> -> memref<1x640xf32, #tpu.memory_space<hbm>>
      %dma_wait3A_468 = tpu.memref_squeeze %dma_wait3A_467 : memref<1x640xf32, #tpu.memory_space<hbm>> -> memref<640xf32, #tpu.memory_space<hbm>>
      %dma_wait3A_469 = tpu.memref_slice %arg6[%dma_wait3A_463, %min3A_112] : memref<12x100000xf32, #tpu.memory_space<hbm>> -> memref<1x640xf32, #tpu.memory_space<hbm>>
      %dma_wait3A_470 = tpu.memref_squeeze %dma_wait3A_469 : memref<1x640xf32, #tpu.memory_space<hbm>> -> memref<640xf32, #tpu.memory_space<hbm>>
      %dma_wait3A_471 = arith.constant 0 : i32
      %dma_wait3A_472 = tpu.memref_slice %arg21[%dma_wait3A_462, %dma_wait3A_471] : memref<12x640xf32, #tpu.memory_space<vmem>> -> memref<1x640xf32, #tpu.memory_space<vmem>>
      %dma_wait3A_473 = tpu.memref_squeeze %dma_wait3A_472 : memref<1x640xf32, #tpu.memory_space<vmem>> -> memref<640xf32, #tpu.memory_space<vmem>>
      tpu.wait_dma2 semaphore(%arg22 : memref<!tpu.dma_semaphore, #tpu.memory_space<semaphore_mem>>) src(%dma_wait3A_473 : memref<640xf32, #tpu.memory_space<vmem>>) dst(%dma_wait3A_470 : memref<640xf32, #tpu.memory_space<hbm>>)
      %dma_wait3A_474 = arith.constant 7 : i32
      %dma_wait3A_475 = arith.constant 7 : i32
      %dma_wait3A_476 = arith.constant 0 : i32
      %dma_wait3A_477 = tpu.memref_slice %arg21[%dma_wait3A_474, %dma_wait3A_476] : memref<12x640xf32, #tpu.memory_space<vmem>> -> memref<1x640xf32, #tpu.memory_space<vmem>>
      %dma_wait3A_478 = tpu.memref_squeeze %dma_wait3A_477 : memref<1x640xf32, #tpu.memory_space<vmem>> -> memref<640xf32, #tpu.memory_space<vmem>>
      %dma_wait3A_479 = tpu.memref_slice %arg6[%dma_wait3A_475, %min3A_112] : memref<12x100000xf32, #tpu.memory_space<hbm>> -> memref<1x640xf32, #tpu.memory_space<hbm>>
      %dma_wait3A_480 = tpu.memref_squeeze %dma_wait3A_479 : memref<1x640xf32, #tpu.memory_space<hbm>> -> memref<640xf32, #tpu.memory_space<hbm>>
      %dma_wait3A_481 = tpu.memref_slice %arg6[%dma_wait3A_475, %min3A_112] : memref<12x100000xf32, #tpu.memory_space<hbm>> -> memref<1x640xf32, #tpu.memory_space<hbm>>
      %dma_wait3A_482 = tpu.memref_squeeze %dma_wait3A_481 : memref<1x640xf32, #tpu.memory_space<hbm>> -> memref<640xf32, #tpu.memory_space<hbm>>
      %dma_wait3A_483 = arith.constant 0 : i32
      %dma_wait3A_484 = tpu.memref_slice %arg21[%dma_wait3A_474, %dma_wait3A_483] : memref<12x640xf32, #tpu.memory_space<vmem>> -> memref<1x640xf32, #tpu.memory_space<vmem>>
      %dma_wait3A_485 = tpu.memref_squeeze %dma_wait3A_484 : memref<1x640xf32, #tpu.memory_space<vmem>> -> memref<640xf32, #tpu.memory_space<vmem>>
      tpu.wait_dma2 semaphore(%arg22 : memref<!tpu.dma_semaphore, #tpu.memory_space<semaphore_mem>>) src(%dma_wait3A_485 : memref<640xf32, #tpu.memory_space<vmem>>) dst(%dma_wait3A_482 : memref<640xf32, #tpu.memory_space<hbm>>)
      %dma_wait3A_486 = arith.constant 8 : i32
      %dma_wait3A_487 = arith.constant 8 : i32
      %dma_wait3A_488 = arith.constant 0 : i32
      %dma_wait3A_489 = tpu.memref_slice %arg21[%dma_wait3A_486, %dma_wait3A_488] : memref<12x640xf32, #tpu.memory_space<vmem>> -> memref<1x640xf32, #tpu.memory_space<vmem>>
      %dma_wait3A_490 = tpu.memref_squeeze %dma_wait3A_489 : memref<1x640xf32, #tpu.memory_space<vmem>> -> memref<640xf32, #tpu.memory_space<vmem>>
      %dma_wait3A_491 = tpu.memref_slice %arg6[%dma_wait3A_487, %min3A_112] : memref<12x100000xf32, #tpu.memory_space<hbm>> -> memref<1x640xf32, #tpu.memory_space<hbm>>
      %dma_wait3A_492 = tpu.memref_squeeze %dma_wait3A_491 : memref<1x640xf32, #tpu.memory_space<hbm>> -> memref<640xf32, #tpu.memory_space<hbm>>
      %dma_wait3A_493 = tpu.memref_slice %arg6[%dma_wait3A_487, %min3A_112] : memref<12x100000xf32, #tpu.memory_space<hbm>> -> memref<1x640xf32, #tpu.memory_space<hbm>>
      %dma_wait3A_494 = tpu.memref_squeeze %dma_wait3A_493 : memref<1x640xf32, #tpu.memory_space<hbm>> -> memref<640xf32, #tpu.memory_space<hbm>>
      %dma_wait3A_495 = arith.constant 0 : i32
      %dma_wait3A_496 = tpu.memref_slice %arg21[%dma_wait3A_486, %dma_wait3A_495] : memref<12x640xf32, #tpu.memory_space<vmem>> -> memref<1x640xf32, #tpu.memory_space<vmem>>
      %dma_wait3A_497 = tpu.memref_squeeze %dma_wait3A_496 : memref<1x640xf32, #tpu.memory_space<vmem>> -> memref<640xf32, #tpu.memory_space<vmem>>
      tpu.wait_dma2 semaphore(%arg22 : memref<!tpu.dma_semaphore, #tpu.memory_space<semaphore_mem>>) src(%dma_wait3A_497 : memref<640xf32, #tpu.memory_space<vmem>>) dst(%dma_wait3A_494 : memref<640xf32, #tpu.memory_space<hbm>>)
      %dma_wait3A_498 = arith.constant 9 : i32
      %dma_wait3A_499 = arith.constant 9 : i32
      %dma_wait3A_500 = arith.constant 0 : i32
      %dma_wait3A_501 = tpu.memref_slice %arg21[%dma_wait3A_498, %dma_wait3A_500] : memref<12x640xf32, #tpu.memory_space<vmem>> -> memref<1x640xf32, #tpu.memory_space<vmem>>
      %dma_wait3A_502 = tpu.memref_squeeze %dma_wait3A_501 : memref<1x640xf32, #tpu.memory_space<vmem>> -> memref<640xf32, #tpu.memory_space<vmem>>
      %dma_wait3A_503 = tpu.memref_slice %arg6[%dma_wait3A_499, %min3A_112] : memref<12x100000xf32, #tpu.memory_space<hbm>> -> memref<1x640xf32, #tpu.memory_space<hbm>>
      %dma_wait3A_504 = tpu.memref_squeeze %dma_wait3A_503 : memref<1x640xf32, #tpu.memory_space<hbm>> -> memref<640xf32, #tpu.memory_space<hbm>>
      %dma_wait3A_505 = tpu.memref_slice %arg6[%dma_wait3A_499, %min3A_112] : memref<12x100000xf32, #tpu.memory_space<hbm>> -> memref<1x640xf32, #tpu.memory_space<hbm>>
      %dma_wait3A_506 = tpu.memref_squeeze %dma_wait3A_505 : memref<1x640xf32, #tpu.memory_space<hbm>> -> memref<640xf32, #tpu.memory_space<hbm>>
      %dma_wait3A_507 = arith.constant 0 : i32
      %dma_wait3A_508 = tpu.memref_slice %arg21[%dma_wait3A_498, %dma_wait3A_507] : memref<12x640xf32, #tpu.memory_space<vmem>> -> memref<1x640xf32, #tpu.memory_space<vmem>>
      %dma_wait3A_509 = tpu.memref_squeeze %dma_wait3A_508 : memref<1x640xf32, #tpu.memory_space<vmem>> -> memref<640xf32, #tpu.memory_space<vmem>>
      tpu.wait_dma2 semaphore(%arg22 : memref<!tpu.dma_semaphore, #tpu.memory_space<semaphore_mem>>) src(%dma_wait3A_509 : memref<640xf32, #tpu.memory_space<vmem>>) dst(%dma_wait3A_506 : memref<640xf32, #tpu.memory_space<hbm>>)
      %dma_wait3A_510 = arith.constant 10 : i32
      %dma_wait3A_511 = arith.constant 10 : i32
      %dma_wait3A_512 = arith.constant 0 : i32
      %dma_wait3A_513 = tpu.memref_slice %arg21[%dma_wait3A_510, %dma_wait3A_512] : memref<12x640xf32, #tpu.memory_space<vmem>> -> memref<1x640xf32, #tpu.memory_space<vmem>>
      %dma_wait3A_514 = tpu.memref_squeeze %dma_wait3A_513 : memref<1x640xf32, #tpu.memory_space<vmem>> -> memref<640xf32, #tpu.memory_space<vmem>>
      %dma_wait3A_515 = tpu.memref_slice %arg6[%dma_wait3A_511, %min3A_112] : memref<12x100000xf32, #tpu.memory_space<hbm>> -> memref<1x640xf32, #tpu.memory_space<hbm>>
      %dma_wait3A_516 = tpu.memref_squeeze %dma_wait3A_515 : memref<1x640xf32, #tpu.memory_space<hbm>> -> memref<640xf32, #tpu.memory_space<hbm>>
      %dma_wait3A_517 = tpu.memref_slice %arg6[%dma_wait3A_511, %min3A_112] : memref<12x100000xf32, #tpu.memory_space<hbm>> -> memref<1x640xf32, #tpu.memory_space<hbm>>
      %dma_wait3A_518 = tpu.memref_squeeze %dma_wait3A_517 : memref<1x640xf32, #tpu.memory_space<hbm>> -> memref<640xf32, #tpu.memory_space<hbm>>
      %dma_wait3A_519 = arith.constant 0 : i32
      %dma_wait3A_520 = tpu.memref_slice %arg21[%dma_wait3A_510, %dma_wait3A_519] : memref<12x640xf32, #tpu.memory_space<vmem>> -> memref<1x640xf32, #tpu.memory_space<vmem>>
      %dma_wait3A_521 = tpu.memref_squeeze %dma_wait3A_520 : memref<1x640xf32, #tpu.memory_space<vmem>> -> memref<640xf32, #tpu.memory_space<vmem>>
      tpu.wait_dma2 semaphore(%arg22 : memref<!tpu.dma_semaphore, #tpu.memory_space<semaphore_mem>>) src(%dma_wait3A_521 : memref<640xf32, #tpu.memory_space<vmem>>) dst(%dma_wait3A_518 : memref<640xf32, #tpu.memory_space<hbm>>)
      %dma_wait3A_522 = arith.constant 11 : i32
      %dma_wait3A_523 = arith.constant 11 : i32
      %dma_wait3A_524 = arith.constant 0 : i32
      %dma_wait3A_525 = tpu.memref_slice %arg21[%dma_wait3A_522, %dma_wait3A_524] : memref<12x640xf32, #tpu.memory_space<vmem>> -> memref<1x640xf32, #tpu.memory_space<vmem>>
      %dma_wait3A_526 = tpu.memref_squeeze %dma_wait3A_525 : memref<1x640xf32, #tpu.memory_space<vmem>> -> memref<640xf32, #tpu.memory_space<vmem>>
      %dma_wait3A_527 = tpu.memref_slice %arg6[%dma_wait3A_523, %min3A_112] : memref<12x100000xf32, #tpu.memory_space<hbm>> -> memref<1x640xf32, #tpu.memory_space<hbm>>
      %dma_wait3A_528 = tpu.memref_squeeze %dma_wait3A_527 : memref<1x640xf32, #tpu.memory_space<hbm>> -> memref<640xf32, #tpu.memory_space<hbm>>
      %dma_wait3A_529 = tpu.memref_slice %arg6[%dma_wait3A_523, %min3A_112] : memref<12x100000xf32, #tpu.memory_space<hbm>> -> memref<1x640xf32, #tpu.memory_space<hbm>>
      %dma_wait3A_530 = tpu.memref_squeeze %dma_wait3A_529 : memref<1x640xf32, #tpu.memory_space<hbm>> -> memref<640xf32, #tpu.memory_space<hbm>>
      %dma_wait3A_531 = arith.constant 0 : i32
      %dma_wait3A_532 = tpu.memref_slice %arg21[%dma_wait3A_522, %dma_wait3A_531] : memref<12x640xf32, #tpu.memory_space<vmem>> -> memref<1x640xf32, #tpu.memory_space<vmem>>
      %dma_wait3A_533 = tpu.memref_squeeze %dma_wait3A_532 : memref<1x640xf32, #tpu.memory_space<vmem>> -> memref<640xf32, #tpu.memory_space<vmem>>
      tpu.wait_dma2 semaphore(%arg22 : memref<!tpu.dma_semaphore, #tpu.memory_space<semaphore_mem>>) src(%dma_wait3A_533 : memref<640xf32, #tpu.memory_space<vmem>>) dst(%dma_wait3A_530 : memref<640xf32, #tpu.memory_space<hbm>>)
    }
    %while3A_105 = arith.constant 1 : i32
    scf.for %while3A_106 = %while3A_103 to %while3A_99 step %while3A_105  : i32 {
      %mul3A_107 = arith.constant 32 : i32
      %mul3A_108 = arith.muli %while3A_106, %mul3A_107 : i32
      %add3A_109 = arith.addi %add3A, %mul3A_108 : i32
      %mul3A_110 = arith.constant 640 : i32
      %mul3A_111 = arith.muli %add3A_109, %mul3A_110 : i32
      %min3A = arith.constant 99360 : i32
      %min3A_112 = arith.minsi %mul3A_111, %min3A : i32
      %dma_start3A = tpu.memref_slice %arg4[%min3A_112] : memref<100000xi32, #tpu.memory_space<hbm>> -> memref<640xi32, #tpu.memory_space<hbm>>
      %dma_start3A_113 = tpu.memref_slice %arg4[%min3A_112] : memref<100000xi32, #tpu.memory_space<hbm>> -> memref<640xi32, #tpu.memory_space<hbm>>
      tpu.enqueue_dma source(%dma_start3A_113 : memref<640xi32, #tpu.memory_space<hbm>>) target(%arg13 : memref<640xi32, #tpu.memory_space<vmem>>) target_semaphore(%arg22 : memref<!tpu.dma_semaphore, #tpu.memory_space<semaphore_mem>>)
      %dma_start3A_114 = arith.constant 0 : i32
      %dma_start3A_115 = arith.constant 0 : i32
      %dma_start3A_116 = arith.constant 0 : i32
      %dma_start3A_117 = tpu.memref_slice %arg20[%dma_start3A_115, %dma_start3A_116] : memref<4x640xf32, #tpu.memory_space<vmem>> -> memref<1x640xf32, #tpu.memory_space<vmem>>
      %dma_start3A_118 = tpu.memref_squeeze %dma_start3A_117 : memref<1x640xf32, #tpu.memory_space<vmem>> -> memref<640xf32, #tpu.memory_space<vmem>>
      %dma_start3A_119 = tpu.memref_slice %arg5[%dma_start3A_114, %min3A_112] : memref<4x100000xf32, #tpu.memory_space<hbm>> -> memref<1x640xf32, #tpu.memory_space<hbm>>
      %dma_start3A_120 = tpu.memref_squeeze %dma_start3A_119 : memref<1x640xf32, #tpu.memory_space<hbm>> -> memref<640xf32, #tpu.memory_space<hbm>>
      %dma_start3A_121 = arith.constant 0 : i32
      %dma_start3A_122 = tpu.memref_slice %arg20[%dma_start3A_115, %dma_start3A_121] : memref<4x640xf32, #tpu.memory_space<vmem>> -> memref<1x640xf32, #tpu.memory_space<vmem>>
      %dma_start3A_123 = tpu.memref_squeeze %dma_start3A_122 : memref<1x640xf32, #tpu.memory_space<vmem>> -> memref<640xf32, #tpu.memory_space<vmem>>
      %dma_start3A_124 = tpu.memref_slice %arg5[%dma_start3A_114, %min3A_112] : memref<4x100000xf32, #tpu.memory_space<hbm>> -> memref<1x640xf32, #tpu.memory_space<hbm>>
      %dma_start3A_125 = tpu.memref_squeeze %dma_start3A_124 : memref<1x640xf32, #tpu.memory_space<hbm>> -> memref<640xf32, #tpu.memory_space<hbm>>
      tpu.enqueue_dma source(%dma_start3A_125 : memref<640xf32, #tpu.memory_space<hbm>>) target(%dma_start3A_123 : memref<640xf32, #tpu.memory_space<vmem>>) target_semaphore(%arg22 : memref<!tpu.dma_semaphore, #tpu.memory_space<semaphore_mem>>)
      %dma_start3A_126 = arith.constant 1 : i32
      %dma_start3A_127 = arith.constant 1 : i32
      %dma_start3A_128 = arith.constant 0 : i32
      %dma_start3A_129 = tpu.memref_slice %arg20[%dma_start3A_127, %dma_start3A_128] : memref<4x640xf32, #tpu.memory_space<vmem>> -> memref<1x640xf32, #tpu.memory_space<vmem>>
      %dma_start3A_130 = tpu.memref_squeeze %dma_start3A_129 : memref<1x640xf32, #tpu.memory_space<vmem>> -> memref<640xf32, #tpu.memory_space<vmem>>
      %dma_start3A_131 = tpu.memref_slice %arg5[%dma_start3A_126, %min3A_112] : memref<4x100000xf32, #tpu.memory_space<hbm>> -> memref<1x640xf32, #tpu.memory_space<hbm>>
      %dma_start3A_132 = tpu.memref_squeeze %dma_start3A_131 : memref<1x640xf32, #tpu.memory_space<hbm>> -> memref<640xf32, #tpu.memory_space<hbm>>
      %dma_start3A_133 = arith.constant 0 : i32
      %dma_start3A_134 = tpu.memref_slice %arg20[%dma_start3A_127, %dma_start3A_133] : memref<4x640xf32, #tpu.memory_space<vmem>> -> memref<1x640xf32, #tpu.memory_space<vmem>>
      %dma_start3A_135 = tpu.memref_squeeze %dma_start3A_134 : memref<1x640xf32, #tpu.memory_space<vmem>> -> memref<640xf32, #tpu.memory_space<vmem>>
      %dma_start3A_136 = tpu.memref_slice %arg5[%dma_start3A_126, %min3A_112] : memref<4x100000xf32, #tpu.memory_space<hbm>> -> memref<1x640xf32, #tpu.memory_space<hbm>>
      %dma_start3A_137 = tpu.memref_squeeze %dma_start3A_136 : memref<1x640xf32, #tpu.memory_space<hbm>> -> memref<640xf32, #tpu.memory_space<hbm>>
      tpu.enqueue_dma source(%dma_start3A_137 : memref<640xf32, #tpu.memory_space<hbm>>) target(%dma_start3A_135 : memref<640xf32, #tpu.memory_space<vmem>>) target_semaphore(%arg22 : memref<!tpu.dma_semaphore, #tpu.memory_space<semaphore_mem>>)
      %dma_start3A_138 = arith.constant 2 : i32
      %dma_start3A_139 = arith.constant 2 : i32
      %dma_start3A_140 = arith.constant 0 : i32
      %dma_start3A_141 = tpu.memref_slice %arg20[%dma_start3A_139, %dma_start3A_140] : memref<4x640xf32, #tpu.memory_space<vmem>> -> memref<1x640xf32, #tpu.memory_space<vmem>>
      %dma_start3A_142 = tpu.memref_squeeze %dma_start3A_141 : memref<1x640xf32, #tpu.memory_space<vmem>> -> memref<640xf32, #tpu.memory_space<vmem>>
      %dma_start3A_143 = tpu.memref_slice %arg5[%dma_start3A_138, %min3A_112] : memref<4x100000xf32, #tpu.memory_space<hbm>> -> memref<1x640xf32, #tpu.memory_space<hbm>>
      %dma_start3A_144 = tpu.memref_squeeze %dma_start3A_143 : memref<1x640xf32, #tpu.memory_space<hbm>> -> memref<640xf32, #tpu.memory_space<hbm>>
      %dma_start3A_145 = arith.constant 0 : i32
      %dma_start3A_146 = tpu.memref_slice %arg20[%dma_start3A_139, %dma_start3A_145] : memref<4x640xf32, #tpu.memory_space<vmem>> -> memref<1x640xf32, #tpu.memory_space<vmem>>
      %dma_start3A_147 = tpu.memref_squeeze %dma_start3A_146 : memref<1x640xf32, #tpu.memory_space<vmem>> -> memref<640xf32, #tpu.memory_space<vmem>>
      %dma_start3A_148 = tpu.memref_slice %arg5[%dma_start3A_138, %min3A_112] : memref<4x100000xf32, #tpu.memory_space<hbm>> -> memref<1x640xf32, #tpu.memory_space<hbm>>
      %dma_start3A_149 = tpu.memref_squeeze %dma_start3A_148 : memref<1x640xf32, #tpu.memory_space<hbm>> -> memref<640xf32, #tpu.memory_space<hbm>>
      tpu.enqueue_dma source(%dma_start3A_149 : memref<640xf32, #tpu.memory_space<hbm>>) target(%dma_start3A_147 : memref<640xf32, #tpu.memory_space<vmem>>) target_semaphore(%arg22 : memref<!tpu.dma_semaphore, #tpu.memory_space<semaphore_mem>>)
      %dma_start3A_150 = arith.constant 3 : i32
      %dma_start3A_151 = arith.constant 3 : i32
      %dma_start3A_152 = arith.constant 0 : i32
      %dma_start3A_153 = tpu.memref_slice %arg20[%dma_start3A_151, %dma_start3A_152] : memref<4x640xf32, #tpu.memory_space<vmem>> -> memref<1x640xf32, #tpu.memory_space<vmem>>
      %dma_start3A_154 = tpu.memref_squeeze %dma_start3A_153 : memref<1x640xf32, #tpu.memory_space<vmem>> -> memref<640xf32, #tpu.memory_space<vmem>>
      %dma_start3A_155 = tpu.memref_slice %arg5[%dma_start3A_150, %min3A_112] : memref<4x100000xf32, #tpu.memory_space<hbm>> -> memref<1x640xf32, #tpu.memory_space<hbm>>
      %dma_start3A_156 = tpu.memref_squeeze %dma_start3A_155 : memref<1x640xf32, #tpu.memory_space<hbm>> -> memref<640xf32, #tpu.memory_space<hbm>>
      %dma_start3A_157 = arith.constant 0 : i32
      %dma_start3A_158 = tpu.memref_slice %arg20[%dma_start3A_151, %dma_start3A_157] : memref<4x640xf32, #tpu.memory_space<vmem>> -> memref<1x640xf32, #tpu.memory_space<vmem>>
      %dma_start3A_159 = tpu.memref_squeeze %dma_start3A_158 : memref<1x640xf32, #tpu.memory_space<vmem>> -> memref<640xf32, #tpu.memory_space<vmem>>
      %dma_start3A_160 = tpu.memref_slice %arg5[%dma_start3A_150, %min3A_112] : memref<4x100000xf32, #tpu.memory_space<hbm>> -> memref<1x640xf32, #tpu.memory_space<hbm>>
      %dma_start3A_161 = tpu.memref_squeeze %dma_start3A_160 : memref<1x640xf32, #tpu.memory_space<hbm>> -> memref<640xf32, #tpu.memory_space<hbm>>
      tpu.enqueue_dma source(%dma_start3A_161 : memref<640xf32, #tpu.memory_space<hbm>>) target(%dma_start3A_159 : memref<640xf32, #tpu.memory_space<vmem>>) target_semaphore(%arg22 : memref<!tpu.dma_semaphore, #tpu.memory_space<semaphore_mem>>)
      %dma_wait3A = tpu.memref_slice %arg4[%min3A_112] : memref<100000xi32, #tpu.memory_space<hbm>> -> memref<640xi32, #tpu.memory_space<hbm>>
      %dma_wait3A_162 = tpu.memref_slice %arg4[%min3A_112] : memref<100000xi32, #tpu.memory_space<hbm>> -> memref<640xi32, #tpu.memory_space<hbm>>
      tpu.wait_dma2 semaphore(%arg22 : memref<!tpu.dma_semaphore, #tpu.memory_space<semaphore_mem>>) src(%dma_wait3A_162 : memref<640xi32, #tpu.memory_space<hbm>>) dst(%arg13 : memref<640xi32, #tpu.memory_space<vmem>>)
      %dma_wait3A_163 = arith.constant 0 : i32
      %dma_wait3A_164 = arith.constant 0 : i32
      %dma_wait3A_165 = arith.constant 0 : i32
      %dma_wait3A_166 = tpu.memref_slice %arg20[%dma_wait3A_164, %dma_wait3A_165] : memref<4x640xf32, #tpu.memory_space<vmem>> -> memref<1x640xf32, #tpu.memory_space<vmem>>
      %dma_wait3A_167 = tpu.memref_squeeze %dma_wait3A_166 : memref<1x640xf32, #tpu.memory_space<vmem>> -> memref<640xf32, #tpu.memory_space<vmem>>
      %dma_wait3A_168 = tpu.memref_slice %arg5[%dma_wait3A_163, %min3A_112] : memref<4x100000xf32, #tpu.memory_space<hbm>> -> memref<1x640xf32, #tpu.memory_space<hbm>>
      %dma_wait3A_169 = tpu.memref_squeeze %dma_wait3A_168 : memref<1x640xf32, #tpu.memory_space<hbm>> -> memref<640xf32, #tpu.memory_space<hbm>>
      %dma_wait3A_170 = arith.constant 0 : i32
      %dma_wait3A_171 = tpu.memref_slice %arg20[%dma_wait3A_164, %dma_wait3A_170] : memref<4x640xf32, #tpu.memory_space<vmem>> -> memref<1x640xf32, #tpu.memory_space<vmem>>
      %dma_wait3A_172 = tpu.memref_squeeze %dma_wait3A_171 : memref<1x640xf32, #tpu.memory_space<vmem>> -> memref<640xf32, #tpu.memory_space<vmem>>
      %dma_wait3A_173 = tpu.memref_slice %arg5[%dma_wait3A_163, %min3A_112] : memref<4x100000xf32, #tpu.memory_space<hbm>> -> memref<1x640xf32, #tpu.memory_space<hbm>>
      %dma_wait3A_174 = tpu.memref_squeeze %dma_wait3A_173 : memref<1x640xf32, #tpu.memory_space<hbm>> -> memref<640xf32, #tpu.memory_space<hbm>>
      tpu.wait_dma2 semaphore(%arg22 : memref<!tpu.dma_semaphore, #tpu.memory_space<semaphore_mem>>) src(%dma_wait3A_174 : memref<640xf32, #tpu.memory_space<hbm>>) dst(%dma_wait3A_172 : memref<640xf32, #tpu.memory_space<vmem>>)
      %dma_wait3A_175 = arith.constant 1 : i32
      %dma_wait3A_176 = arith.constant 1 : i32
      %dma_wait3A_177 = arith.constant 0 : i32
      %dma_wait3A_178 = tpu.memref_slice %arg20[%dma_wait3A_176, %dma_wait3A_177] : memref<4x640xf32, #tpu.memory_space<vmem>> -> memref<1x640xf32, #tpu.memory_space<vmem>>
      %dma_wait3A_179 = tpu.memref_squeeze %dma_wait3A_178 : memref<1x640xf32, #tpu.memory_space<vmem>> -> memref<640xf32, #tpu.memory_space<vmem>>
      %dma_wait3A_180 = tpu.memref_slice %arg5[%dma_wait3A_175, %min3A_112] : memref<4x100000xf32, #tpu.memory_space<hbm>> -> memref<1x640xf32, #tpu.memory_space<hbm>>
      %dma_wait3A_181 = tpu.memref_squeeze %dma_wait3A_180 : memref<1x640xf32, #tpu.memory_space<hbm>> -> memref<640xf32, #tpu.memory_space<hbm>>
      %dma_wait3A_182 = arith.constant 0 : i32
      %dma_wait3A_183 = tpu.memref_slice %arg20[%dma_wait3A_176, %dma_wait3A_182] : memref<4x640xf32, #tpu.memory_space<vmem>> -> memref<1x640xf32, #tpu.memory_space<vmem>>
      %dma_wait3A_184 = tpu.memref_squeeze %dma_wait3A_183 : memref<1x640xf32, #tpu.memory_space<vmem>> -> memref<640xf32, #tpu.memory_space<vmem>>
      %dma_wait3A_185 = tpu.memref_slice %arg5[%dma_wait3A_175, %min3A_112] : memref<4x100000xf32, #tpu.memory_space<hbm>> -> memref<1x640xf32, #tpu.memory_space<hbm>>
      %dma_wait3A_186 = tpu.memref_squeeze %dma_wait3A_185 : memref<1x640xf32, #tpu.memory_space<hbm>> -> memref<640xf32, #tpu.memory_space<hbm>>
      tpu.wait_dma2 semaphore(%arg22 : memref<!tpu.dma_semaphore, #tpu.memory_space<semaphore_mem>>) src(%dma_wait3A_186 : memref<640xf32, #tpu.memory_space<hbm>>) dst(%dma_wait3A_184 : memref<640xf32, #tpu.memory_space<vmem>>)
      %dma_wait3A_187 = arith.constant 2 : i32
      %dma_wait3A_188 = arith.constant 2 : i32
      %dma_wait3A_189 = arith.constant 0 : i32
      %dma_wait3A_190 = tpu.memref_slice %arg20[%dma_wait3A_188, %dma_wait3A_189] : memref<4x640xf32, #tpu.memory_space<vmem>> -> memref<1x640xf32, #tpu.memory_space<vmem>>
      %dma_wait3A_191 = tpu.memref_squeeze %dma_wait3A_190 : memref<1x640xf32, #tpu.memory_space<vmem>> -> memref<640xf32, #tpu.memory_space<vmem>>
      %dma_wait3A_192 = tpu.memref_slice %arg5[%dma_wait3A_187, %min3A_112] : memref<4x100000xf32, #tpu.memory_space<hbm>> -> memref<1x640xf32, #tpu.memory_space<hbm>>
      %dma_wait3A_193 = tpu.memref_squeeze %dma_wait3A_192 : memref<1x640xf32, #tpu.memory_space<hbm>> -> memref<640xf32, #tpu.memory_space<hbm>>
      %dma_wait3A_194 = arith.constant 0 : i32
      %dma_wait3A_195 = tpu.memref_slice %arg20[%dma_wait3A_188, %dma_wait3A_194] : memref<4x640xf32, #tpu.memory_space<vmem>> -> memref<1x640xf32, #tpu.memory_space<vmem>>
      %dma_wait3A_196 = tpu.memref_squeeze %dma_wait3A_195 : memref<1x640xf32, #tpu.memory_space<vmem>> -> memref<640xf32, #tpu.memory_space<vmem>>
      %dma_wait3A_197 = tpu.memref_slice %arg5[%dma_wait3A_187, %min3A_112] : memref<4x100000xf32, #tpu.memory_space<hbm>> -> memref<1x640xf32, #tpu.memory_space<hbm>>
      %dma_wait3A_198 = tpu.memref_squeeze %dma_wait3A_197 : memref<1x640xf32, #tpu.memory_space<hbm>> -> memref<640xf32, #tpu.memory_space<hbm>>
      tpu.wait_dma2 semaphore(%arg22 : memref<!tpu.dma_semaphore, #tpu.memory_space<semaphore_mem>>) src(%dma_wait3A_198 : memref<640xf32, #tpu.memory_space<hbm>>) dst(%dma_wait3A_196 : memref<640xf32, #tpu.memory_space<vmem>>)
      %dma_wait3A_199 = arith.constant 3 : i32
      %dma_wait3A_200 = arith.constant 3 : i32
      %dma_wait3A_201 = arith.constant 0 : i32
      %dma_wait3A_202 = tpu.memref_slice %arg20[%dma_wait3A_200, %dma_wait3A_201] : memref<4x640xf32, #tpu.memory_space<vmem>> -> memref<1x640xf32, #tpu.memory_space<vmem>>
      %dma_wait3A_203 = tpu.memref_squeeze %dma_wait3A_202 : memref<1x640xf32, #tpu.memory_space<vmem>> -> memref<640xf32, #tpu.memory_space<vmem>>
      %dma_wait3A_204 = tpu.memref_slice %arg5[%dma_wait3A_199, %min3A_112] : memref<4x100000xf32, #tpu.memory_space<hbm>> -> memref<1x640xf32, #tpu.memory_space<hbm>>
      %dma_wait3A_205 = tpu.memref_squeeze %dma_wait3A_204 : memref<1x640xf32, #tpu.memory_space<hbm>> -> memref<640xf32, #tpu.memory_space<hbm>>
      %dma_wait3A_206 = arith.constant 0 : i32
      %dma_wait3A_207 = tpu.memref_slice %arg20[%dma_wait3A_200, %dma_wait3A_206] : memref<4x640xf32, #tpu.memory_space<vmem>> -> memref<1x640xf32, #tpu.memory_space<vmem>>
      %dma_wait3A_208 = tpu.memref_squeeze %dma_wait3A_207 : memref<1x640xf32, #tpu.memory_space<vmem>> -> memref<640xf32, #tpu.memory_space<vmem>>
      %dma_wait3A_209 = tpu.memref_slice %arg5[%dma_wait3A_199, %min3A_112] : memref<4x100000xf32, #tpu.memory_space<hbm>> -> memref<1x640xf32, #tpu.memory_space<hbm>>
      %dma_wait3A_210 = tpu.memref_squeeze %dma_wait3A_209 : memref<1x640xf32, #tpu.memory_space<hbm>> -> memref<640xf32, #tpu.memory_space<hbm>>
      tpu.wait_dma2 semaphore(%arg22 : memref<!tpu.dma_semaphore, #tpu.memory_space<semaphore_mem>>) src(%dma_wait3A_210 : memref<640xf32, #tpu.memory_space<hbm>>) dst(%dma_wait3A_208 : memref<640xf32, #tpu.memory_space<vmem>>)
      %dma_start3A_211 = arith.constant 0 : i32
      %dma_start3A_212 = tpu.memref_slice %arg8[%dma_start3A_211] : memref<100000xi32, #tpu.memory_space<vmem_shared>> -> memref<100000xi32, #tpu.memory_space<vmem_shared>>
      tpu.enqueue_indirect_dma source(%dma_start3A_212 : memref<100000xi32, #tpu.memory_space<vmem_shared>>) target(%arg14 : memref<640xi32, #tpu.memory_space<vmem>>) offsets(%arg13 : memref<640xi32, #tpu.memory_space<vmem>>) semaphore(%arg22 : memref<!tpu.dma_semaphore, #tpu.memory_space<semaphore_mem>>)
      %dma_start3A_213 = arith.constant 0 : i32
      %dma_start3A_214 = tpu.memref_slice %arg9[%dma_start3A_213] : memref<100000xi32, #tpu.memory_space<vmem_shared>> -> memref<100000xi32, #tpu.memory_space<vmem_shared>>
      tpu.enqueue_indirect_dma source(%dma_start3A_214 : memref<100000xi32, #tpu.memory_space<vmem_shared>>) target(%arg15 : memref<640xi32, #tpu.memory_space<vmem>>) offsets(%arg13 : memref<640xi32, #tpu.memory_space<vmem>>) semaphore(%arg22 : memref<!tpu.dma_semaphore, #tpu.memory_space<semaphore_mem>>)
      %dma_start3A_215 = arith.constant 0 : i32
      %dma_start3A_216 = tpu.memref_slice %arg10[%dma_start3A_215] : memref<100000xi32, #tpu.memory_space<vmem_shared>> -> memref<100000xi32, #tpu.memory_space<vmem_shared>>
      tpu.enqueue_indirect_dma source(%dma_start3A_216 : memref<100000xi32, #tpu.memory_space<vmem_shared>>) target(%arg16 : memref<640xi32, #tpu.memory_space<vmem>>) offsets(%arg13 : memref<640xi32, #tpu.memory_space<vmem>>) semaphore(%arg22 : memref<!tpu.dma_semaphore, #tpu.memory_space<semaphore_mem>>)
      %dma_wait3A_217 = arith.constant 0 : i32
      %dma_wait3A_218 = tpu.memref_slice %arg8[%dma_wait3A_217] : memref<100000xi32, #tpu.memory_space<vmem_shared>> -> memref<100000xi32, #tpu.memory_space<vmem_shared>>
      tpu.wait_indirect_dma semaphore(%arg22 : memref<!tpu.dma_semaphore, #tpu.memory_space<semaphore_mem>>) src(%dma_wait3A_218 : memref<100000xi32, #tpu.memory_space<vmem_shared>>) dst(%arg14 : memref<640xi32, #tpu.memory_space<vmem>>)
      %dma_wait3A_219 = arith.constant 0 : i32
      %dma_wait3A_220 = tpu.memref_slice %arg9[%dma_wait3A_219] : memref<100000xi32, #tpu.memory_space<vmem_shared>> -> memref<100000xi32, #tpu.memory_space<vmem_shared>>
      tpu.wait_indirect_dma semaphore(%arg22 : memref<!tpu.dma_semaphore, #tpu.memory_space<semaphore_mem>>) src(%dma_wait3A_220 : memref<100000xi32, #tpu.memory_space<vmem_shared>>) dst(%arg15 : memref<640xi32, #tpu.memory_space<vmem>>)
      %dma_wait3A_221 = arith.constant 0 : i32
      %dma_wait3A_222 = tpu.memref_slice %arg10[%dma_wait3A_221] : memref<100000xi32, #tpu.memory_space<vmem_shared>> -> memref<100000xi32, #tpu.memory_space<vmem_shared>>
      tpu.wait_indirect_dma semaphore(%arg22 : memref<!tpu.dma_semaphore, #tpu.memory_space<semaphore_mem>>) src(%dma_wait3A_222 : memref<100000xi32, #tpu.memory_space<vmem_shared>>) dst(%arg16 : memref<640xi32, #tpu.memory_space<vmem>>)
      %dma_start3A_223 = arith.constant 0 : i32
      %dma_start3A_224 = arith.constant 0 : i32
      %dma_start3A_225 = tpu.memref_slice %arg7[%dma_start3A_223, %dma_start3A_224] : memref<50000x16xf32, #tpu.memory_space<vmem_shared>> -> memref<50000x16xf32, #tpu.memory_space<vmem_shared>>
      tpu.enqueue_indirect_dma source(%dma_start3A_225 : memref<50000x16xf32, #tpu.memory_space<vmem_shared>>) target(%arg17 : memref<640x16xf32, #tpu.memory_space<vmem>>) offsets(%arg14 : memref<640xi32, #tpu.memory_space<vmem>>) semaphore(%arg22 : memref<!tpu.dma_semaphore, #tpu.memory_space<semaphore_mem>>)
      %dma_start3A_226 = arith.constant 0 : i32
      %dma_start3A_227 = arith.constant 0 : i32
      %dma_start3A_228 = tpu.memref_slice %arg7[%dma_start3A_226, %dma_start3A_227] : memref<50000x16xf32, #tpu.memory_space<vmem_shared>> -> memref<50000x16xf32, #tpu.memory_space<vmem_shared>>
      tpu.enqueue_indirect_dma source(%dma_start3A_228 : memref<50000x16xf32, #tpu.memory_space<vmem_shared>>) target(%arg18 : memref<640x16xf32, #tpu.memory_space<vmem>>) offsets(%arg15 : memref<640xi32, #tpu.memory_space<vmem>>) semaphore(%arg22 : memref<!tpu.dma_semaphore, #tpu.memory_space<semaphore_mem>>)
      %dma_start3A_229 = arith.constant 0 : i32
      %dma_start3A_230 = arith.constant 0 : i32
      %dma_start3A_231 = tpu.memref_slice %arg7[%dma_start3A_229, %dma_start3A_230] : memref<50000x16xf32, #tpu.memory_space<vmem_shared>> -> memref<50000x16xf32, #tpu.memory_space<vmem_shared>>
      tpu.enqueue_indirect_dma source(%dma_start3A_231 : memref<50000x16xf32, #tpu.memory_space<vmem_shared>>) target(%arg19 : memref<640x16xf32, #tpu.memory_space<vmem>>) offsets(%arg16 : memref<640xi32, #tpu.memory_space<vmem>>) semaphore(%arg22 : memref<!tpu.dma_semaphore, #tpu.memory_space<semaphore_mem>>)
      %dma_wait3A_232 = arith.constant 0 : i32
      %dma_wait3A_233 = arith.constant 0 : i32
      %dma_wait3A_234 = tpu.memref_slice %arg7[%dma_wait3A_232, %dma_wait3A_233] : memref<50000x16xf32, #tpu.memory_space<vmem_shared>> -> memref<50000x16xf32, #tpu.memory_space<vmem_shared>>
      tpu.wait_indirect_dma semaphore(%arg22 : memref<!tpu.dma_semaphore, #tpu.memory_space<semaphore_mem>>) src(%dma_wait3A_234 : memref<50000x16xf32, #tpu.memory_space<vmem_shared>>) dst(%arg17 : memref<640x16xf32, #tpu.memory_space<vmem>>)
      %dma_wait3A_235 = arith.constant 0 : i32
      %dma_wait3A_236 = arith.constant 0 : i32
      %dma_wait3A_237 = tpu.memref_slice %arg7[%dma_wait3A_235, %dma_wait3A_236] : memref<50000x16xf32, #tpu.memory_space<vmem_shared>> -> memref<50000x16xf32, #tpu.memory_space<vmem_shared>>
      tpu.wait_indirect_dma semaphore(%arg22 : memref<!tpu.dma_semaphore, #tpu.memory_space<semaphore_mem>>) src(%dma_wait3A_237 : memref<50000x16xf32, #tpu.memory_space<vmem_shared>>) dst(%arg18 : memref<640x16xf32, #tpu.memory_space<vmem>>)
      %dma_wait3A_238 = arith.constant 0 : i32
      %dma_wait3A_239 = arith.constant 0 : i32
      %dma_wait3A_240 = tpu.memref_slice %arg7[%dma_wait3A_238, %dma_wait3A_239] : memref<50000x16xf32, #tpu.memory_space<vmem_shared>> -> memref<50000x16xf32, #tpu.memory_space<vmem_shared>>
      tpu.wait_indirect_dma semaphore(%arg22 : memref<!tpu.dma_semaphore, #tpu.memory_space<semaphore_mem>>) src(%dma_wait3A_240 : memref<50000x16xf32, #tpu.memory_space<vmem_shared>>) dst(%arg19 : memref<640x16xf32, #tpu.memory_space<vmem>>)
      %scan3A = arith.constant 0 : i32
      %scan3A_241 = arith.constant 0 : i32
      %scan3A_242 = arith.constant 40 : i32
      %scan3A_243 = arith.addi %scan3A_241, %scan3A_242 : i32
      %scan3A_244 = arith.constant 1 : i32
      scf.for %scan3A_534 = %scan3A_241 to %scan3A_243 step %scan3A_244  : i32 {
        %mul3A_535 = arith.constant 16 : i32
        %mul3A_536 = arith.muli %scan3A_534, %mul3A_535 : i32
        %add3A_537 = vector.broadcast %mul3A_536 : i32 to vector<16xi32>
        %add3A_538 = arith.addi %add3A_537, %iota3A : vector<16xi32>
        %mul3A_539 = arith.constant 16 : i32
        %mul3A_540 = arith.muli %scan3A_534, %mul3A_539 : i32
        %get3A = arith.constant 0 : i32
        %get3A_541 = arith.index_cast %get3A : i32 to index
        %get3A_542 = arith.index_cast %mul3A_540 : i32 to index
        %get3A_543 = tpu.vector_load %arg20[%get3A_541, %get3A_542] {strides = array<i32>} : memref<4x640xf32, #tpu.memory_space<vmem>>, vector<16xf32>,
        %get3A_544 = arith.constant 1 : i32
        %get3A_545 = arith.index_cast %get3A_544 : i32 to index
        %get3A_546 = arith.index_cast %mul3A_540 : i32 to index
        %get3A_547 = tpu.vector_load %arg20[%get3A_545, %get3A_546] {strides = array<i32>} : memref<4x640xf32, #tpu.memory_space<vmem>>, vector<16xf32>,
        %get3A_548 = arith.constant 2 : i32
        %get3A_549 = arith.index_cast %get3A_548 : i32 to index
        %get3A_550 = arith.index_cast %mul3A_540 : i32 to index
        %get3A_551 = tpu.vector_load %arg20[%get3A_549, %get3A_550] {strides = array<i32>} : memref<4x640xf32, #tpu.memory_space<vmem>>, vector<16xf32>,
        %get3A_552 = arith.constant 3 : i32
        %get3A_553 = arith.index_cast %get3A_552 : i32 to index
        %get3A_554 = arith.index_cast %mul3A_540 : i32 to index
        %get3A_555 = tpu.vector_load %arg20[%get3A_553, %get3A_554] {strides = array<i32>} : memref<4x640xf32, #tpu.memory_space<vmem>>, vector<16xf32>,
        %add3A_556 = arith.addf %get3A_543, %get3A_555 : vector<16xf32>
        %broadcast_in_dim3A = arith.constant 0 : i32
        %broadcast_in_dim3A_557 = vector.broadcast %broadcast_in_dim3A : i32 to vector<16xi32>
        %gather3A = tpu.vector_load_idx %arg17[%add3A_538, %broadcast_in_dim3A_557] : memref<640x16xf32, #tpu.memory_space<vmem>>[vector<16xi32>, vector<16xi32>], vector<16xf32>,
        %broadcast_in_dim3A_558 = arith.constant 1 : i32
        %broadcast_in_dim3A_559 = vector.broadcast %broadcast_in_dim3A_558 : i32 to vector<16xi32>
        %gather3A_560 = tpu.vector_load_idx %arg17[%add3A_538, %broadcast_in_dim3A_559] : memref<640x16xf32, #tpu.memory_space<vmem>>[vector<16xi32>, vector<16xi32>], vector<16xf32>,
        %broadcast_in_dim3A_561 = arith.constant 2 : i32
        %broadcast_in_dim3A_562 = vector.broadcast %broadcast_in_dim3A_561 : i32 to vector<16xi32>
        %gather3A_563 = tpu.vector_load_idx %arg17[%add3A_538, %broadcast_in_dim3A_562] : memref<640x16xf32, #tpu.memory_space<vmem>>[vector<16xi32>, vector<16xi32>], vector<16xf32>,
        %broadcast_in_dim3A_564 = arith.constant 0 : i32
        %broadcast_in_dim3A_565 = vector.broadcast %broadcast_in_dim3A_564 : i32 to vector<16xi32>
        %gather3A_566 = tpu.vector_load_idx %arg18[%add3A_538, %broadcast_in_dim3A_565] : memref<640x16xf32, #tpu.memory_space<vmem>>[vector<16xi32>, vector<16xi32>], vector<16xf32>,
        %broadcast_in_dim3A_567 = arith.constant 1 : i32
        %broadcast_in_dim3A_568 = vector.broadcast %broadcast_in_dim3A_567 : i32 to vector<16xi32>
        %gather3A_569 = tpu.vector_load_idx %arg18[%add3A_538, %broadcast_in_dim3A_568] : memref<640x16xf32, #tpu.memory_space<vmem>>[vector<16xi32>, vector<16xi32>], vector<16xf32>,
        %broadcast_in_dim3A_570 = arith.constant 2 : i32
        %broadcast_in_dim3A_571 = vector.broadcast %broadcast_in_dim3A_570 : i32 to vector<16xi32>
        %gather3A_572 = tpu.vector_load_idx %arg18[%add3A_538, %broadcast_in_dim3A_571] : memref<640x16xf32, #tpu.memory_space<vmem>>[vector<16xi32>, vector<16xi32>], vector<16xf32>,
        %broadcast_in_dim3A_573 = arith.constant 0 : i32
        %broadcast_in_dim3A_574 = vector.broadcast %broadcast_in_dim3A_573 : i32 to vector<16xi32>
        %gather3A_575 = tpu.vector_load_idx %arg19[%add3A_538, %broadcast_in_dim3A_574] : memref<640x16xf32, #tpu.memory_space<vmem>>[vector<16xi32>, vector<16xi32>], vector<16xf32>,
        %broadcast_in_dim3A_576 = arith.constant 1 : i32
        %broadcast_in_dim3A_577 = vector.broadcast %broadcast_in_dim3A_576 : i32 to vector<16xi32>
        %gather3A_578 = tpu.vector_load_idx %arg19[%add3A_538, %broadcast_in_dim3A_577] : memref<640x16xf32, #tpu.memory_space<vmem>>[vector<16xi32>, vector<16xi32>], vector<16xf32>,
        %broadcast_in_dim3A_579 = arith.constant 2 : i32
        %broadcast_in_dim3A_580 = vector.broadcast %broadcast_in_dim3A_579 : i32 to vector<16xi32>
        %gather3A_581 = tpu.vector_load_idx %arg19[%add3A_538, %broadcast_in_dim3A_580] : memref<640x16xf32, #tpu.memory_space<vmem>>[vector<16xi32>, vector<16xi32>], vector<16xf32>,
        %sub3A_582 = arith.subf %gather3A_566, %gather3A : vector<16xf32>
        %sub3A_583 = arith.subf %gather3A_569, %gather3A_560 : vector<16xf32>
        %sub3A_584 = arith.subf %gather3A_572, %gather3A_563 : vector<16xf32>
        %sub3A_585 = arith.subf %gather3A_575, %gather3A : vector<16xf32>
        %sub3A_586 = arith.subf %gather3A_578, %gather3A_560 : vector<16xf32>
        %sub3A_587 = arith.subf %gather3A_581, %gather3A_563 : vector<16xf32>
        %mul3A_588 = arith.mulf %sub3A_583, %sub3A_587 : vector<16xf32>
        %mul3A_589 = arith.mulf %sub3A_584, %sub3A_586 : vector<16xf32>
        %sub3A_590 = arith.subf %mul3A_588, %mul3A_589 : vector<16xf32>
        %mul3A_591 = arith.mulf %sub3A_584, %sub3A_585 : vector<16xf32>
        %mul3A_592 = arith.mulf %sub3A_582, %sub3A_587 : vector<16xf32>
        %sub3A_593 = arith.subf %mul3A_591, %mul3A_592 : vector<16xf32>
        %mul3A_594 = arith.mulf %sub3A_582, %sub3A_586 : vector<16xf32>
        %mul3A_595 = arith.mulf %sub3A_583, %sub3A_585 : vector<16xf32>
        %sub3A_596 = arith.subf %mul3A_594, %mul3A_595 : vector<16xf32>
        %mul3A_597 = arith.mulf %add3A_556, %gather3A : vector<16xf32>
        %mul3A_598 = arith.mulf %get3A_547, %gather3A_566 : vector<16xf32>
        %add3A_599 = arith.addf %mul3A_597, %mul3A_598 : vector<16xf32>
        %mul3A_600 = arith.mulf %get3A_551, %gather3A_575 : vector<16xf32>
        %add3A_601 = arith.addf %add3A_599, %mul3A_600 : vector<16xf32>
        %mul3A_602 = arith.mulf %get3A_555, %sub3A_590 : vector<16xf32>
        %add3A_603 = arith.addf %add3A_601, %mul3A_602 : vector<16xf32>
        %mul3A_604 = arith.mulf %add3A_556, %gather3A_560 : vector<16xf32>
        %mul3A_605 = arith.mulf %get3A_547, %gather3A_569 : vector<16xf32>
        %add3A_606 = arith.addf %mul3A_604, %mul3A_605 : vector<16xf32>
        %mul3A_607 = arith.mulf %get3A_551, %gather3A_578 : vector<16xf32>
        %add3A_608 = arith.addf %add3A_606, %mul3A_607 : vector<16xf32>
        %mul3A_609 = arith.mulf %get3A_555, %sub3A_593 : vector<16xf32>
        %add3A_610 = arith.addf %add3A_608, %mul3A_609 : vector<16xf32>
        %mul3A_611 = arith.mulf %add3A_556, %gather3A_563 : vector<16xf32>
        %mul3A_612 = arith.mulf %get3A_547, %gather3A_572 : vector<16xf32>
        %add3A_613 = arith.addf %mul3A_611, %mul3A_612 : vector<16xf32>
        %mul3A_614 = arith.mulf %get3A_551, %gather3A_581 : vector<16xf32>
        %add3A_615 = arith.addf %add3A_613, %mul3A_614 : vector<16xf32>
        %mul3A_616 = arith.mulf %get3A_555, %sub3A_596 : vector<16xf32>
        %add3A_617 = arith.addf %add3A_615, %mul3A_616 : vector<16xf32>
        %broadcast_in_dim3A_618 = arith.constant 0 : i32
        %broadcast_in_dim3A_619 = vector.broadcast %broadcast_in_dim3A_618 : i32 to vector<16xi32>
        tpu.vector_store_idx %arg21[%broadcast_in_dim3A_619, %add3A_538], %add3A_603 : memref<12x640xf32, #tpu.memory_space<vmem>>[vector<16xi32>, vector<16xi32>], vector<16xf32>,
        %broadcast_in_dim3A_620 = arith.constant 4 : i32
        %broadcast_in_dim3A_621 = vector.broadcast %broadcast_in_dim3A_620 : i32 to vector<16xi32>
        tpu.vector_store_idx %arg21[%broadcast_in_dim3A_621, %add3A_538], %add3A_610 : memref<12x640xf32, #tpu.memory_space<vmem>>[vector<16xi32>, vector<16xi32>], vector<16xf32>,
        %broadcast_in_dim3A_622 = arith.constant 8 : i32
        %broadcast_in_dim3A_623 = vector.broadcast %broadcast_in_dim3A_622 : i32 to vector<16xi32>
        tpu.vector_store_idx %arg21[%broadcast_in_dim3A_623, %add3A_538], %add3A_617 : memref<12x640xf32, #tpu.memory_space<vmem>>[vector<16xi32>, vector<16xi32>], vector<16xf32>,
        %broadcast_in_dim3A_624 = arith.constant 3 : i32
        %broadcast_in_dim3A_625 = vector.broadcast %broadcast_in_dim3A_624 : i32 to vector<16xi32>
        %gather3A_626 = tpu.vector_load_idx %arg17[%add3A_538, %broadcast_in_dim3A_625] : memref<640x16xf32, #tpu.memory_space<vmem>>[vector<16xi32>, vector<16xi32>], vector<16xf32>,
        %broadcast_in_dim3A_627 = arith.constant 4 : i32
        %broadcast_in_dim3A_628 = vector.broadcast %broadcast_in_dim3A_627 : i32 to vector<16xi32>
        %gather3A_629 = tpu.vector_load_idx %arg17[%add3A_538, %broadcast_in_dim3A_628] : memref<640x16xf32, #tpu.memory_space<vmem>>[vector<16xi32>, vector<16xi32>], vector<16xf32>,
        %broadcast_in_dim3A_630 = arith.constant 5 : i32
        %broadcast_in_dim3A_631 = vector.broadcast %broadcast_in_dim3A_630 : i32 to vector<16xi32>
        %gather3A_632 = tpu.vector_load_idx %arg17[%add3A_538, %broadcast_in_dim3A_631] : memref<640x16xf32, #tpu.memory_space<vmem>>[vector<16xi32>, vector<16xi32>], vector<16xf32>,
        %broadcast_in_dim3A_633 = arith.constant 3 : i32
        %broadcast_in_dim3A_634 = vector.broadcast %broadcast_in_dim3A_633 : i32 to vector<16xi32>
        %gather3A_635 = tpu.vector_load_idx %arg18[%add3A_538, %broadcast_in_dim3A_634] : memref<640x16xf32, #tpu.memory_space<vmem>>[vector<16xi32>, vector<16xi32>], vector<16xf32>,
        %broadcast_in_dim3A_636 = arith.constant 4 : i32
        %broadcast_in_dim3A_637 = vector.broadcast %broadcast_in_dim3A_636 : i32 to vector<16xi32>
        %gather3A_638 = tpu.vector_load_idx %arg18[%add3A_538, %broadcast_in_dim3A_637] : memref<640x16xf32, #tpu.memory_space<vmem>>[vector<16xi32>, vector<16xi32>], vector<16xf32>,
        %broadcast_in_dim3A_639 = arith.constant 5 : i32
        %broadcast_in_dim3A_640 = vector.broadcast %broadcast_in_dim3A_639 : i32 to vector<16xi32>
        %gather3A_641 = tpu.vector_load_idx %arg18[%add3A_538, %broadcast_in_dim3A_640] : memref<640x16xf32, #tpu.memory_space<vmem>>[vector<16xi32>, vector<16xi32>], vector<16xf32>,
        %broadcast_in_dim3A_642 = arith.constant 3 : i32
        %broadcast_in_dim3A_643 = vector.broadcast %broadcast_in_dim3A_642 : i32 to vector<16xi32>
        %gather3A_644 = tpu.vector_load_idx %arg19[%add3A_538, %broadcast_in_dim3A_643] : memref<640x16xf32, #tpu.memory_space<vmem>>[vector<16xi32>, vector<16xi32>], vector<16xf32>,
        %broadcast_in_dim3A_645 = arith.constant 4 : i32
        %broadcast_in_dim3A_646 = vector.broadcast %broadcast_in_dim3A_645 : i32 to vector<16xi32>
        %gather3A_647 = tpu.vector_load_idx %arg19[%add3A_538, %broadcast_in_dim3A_646] : memref<640x16xf32, #tpu.memory_space<vmem>>[vector<16xi32>, vector<16xi32>], vector<16xf32>,
        %broadcast_in_dim3A_648 = arith.constant 5 : i32
        %broadcast_in_dim3A_649 = vector.broadcast %broadcast_in_dim3A_648 : i32 to vector<16xi32>
        %gather3A_650 = tpu.vector_load_idx %arg19[%add3A_538, %broadcast_in_dim3A_649] : memref<640x16xf32, #tpu.memory_space<vmem>>[vector<16xi32>, vector<16xi32>], vector<16xf32>,
        %sub3A_651 = arith.subf %gather3A_635, %gather3A_626 : vector<16xf32>
        %sub3A_652 = arith.subf %gather3A_638, %gather3A_629 : vector<16xf32>
        %sub3A_653 = arith.subf %gather3A_641, %gather3A_632 : vector<16xf32>
        %sub3A_654 = arith.subf %gather3A_644, %gather3A_626 : vector<16xf32>
        %sub3A_655 = arith.subf %gather3A_647, %gather3A_629 : vector<16xf32>
        %sub3A_656 = arith.subf %gather3A_650, %gather3A_632 : vector<16xf32>
        %mul3A_657 = arith.mulf %sub3A_652, %sub3A_656 : vector<16xf32>
        %mul3A_658 = arith.mulf %sub3A_653, %sub3A_655 : vector<16xf32>
        %sub3A_659 = arith.subf %mul3A_657, %mul3A_658 : vector<16xf32>
        %mul3A_660 = arith.mulf %sub3A_653, %sub3A_654 : vector<16xf32>
        %mul3A_661 = arith.mulf %sub3A_651, %sub3A_656 : vector<16xf32>
        %sub3A_662 = arith.subf %mul3A_660, %mul3A_661 : vector<16xf32>
        %mul3A_663 = arith.mulf %sub3A_651, %sub3A_655 : vector<16xf32>
        %mul3A_664 = arith.mulf %sub3A_652, %sub3A_654 : vector<16xf32>
        %sub3A_665 = arith.subf %mul3A_663, %mul3A_664 : vector<16xf32>
        %mul3A_666 = arith.mulf %add3A_556, %gather3A_626 : vector<16xf32>
        %mul3A_667 = arith.mulf %get3A_547, %gather3A_635 : vector<16xf32>
        %add3A_668 = arith.addf %mul3A_666, %mul3A_667 : vector<16xf32>
        %mul3A_669 = arith.mulf %get3A_551, %gather3A_644 : vector<16xf32>
        %add3A_670 = arith.addf %add3A_668, %mul3A_669 : vector<16xf32>
        %mul3A_671 = arith.mulf %get3A_555, %sub3A_659 : vector<16xf32>
        %add3A_672 = arith.addf %add3A_670, %mul3A_671 : vector<16xf32>
        %mul3A_673 = arith.mulf %add3A_556, %gather3A_629 : vector<16xf32>
        %mul3A_674 = arith.mulf %get3A_547, %gather3A_638 : vector<16xf32>
        %add3A_675 = arith.addf %mul3A_673, %mul3A_674 : vector<16xf32>
        %mul3A_676 = arith.mulf %get3A_551, %gather3A_647 : vector<16xf32>
        %add3A_677 = arith.addf %add3A_675, %mul3A_676 : vector<16xf32>
        %mul3A_678 = arith.mulf %get3A_555, %sub3A_662 : vector<16xf32>
        %add3A_679 = arith.addf %add3A_677, %mul3A_678 : vector<16xf32>
        %mul3A_680 = arith.mulf %add3A_556, %gather3A_632 : vector<16xf32>
        %mul3A_681 = arith.mulf %get3A_547, %gather3A_641 : vector<16xf32>
        %add3A_682 = arith.addf %mul3A_680, %mul3A_681 : vector<16xf32>
        %mul3A_683 = arith.mulf %get3A_551, %gather3A_650 : vector<16xf32>
        %add3A_684 = arith.addf %add3A_682, %mul3A_683 : vector<16xf32>
        %mul3A_685 = arith.mulf %get3A_555, %sub3A_665 : vector<16xf32>
        %add3A_686 = arith.addf %add3A_684, %mul3A_685 : vector<16xf32>
        %broadcast_in_dim3A_687 = arith.constant 1 : i32
        %broadcast_in_dim3A_688 = vector.broadcast %broadcast_in_dim3A_687 : i32 to vector<16xi32>
        tpu.vector_store_idx %arg21[%broadcast_in_dim3A_688, %add3A_538], %add3A_672 : memref<12x640xf32, #tpu.memory_space<vmem>>[vector<16xi32>, vector<16xi32>], vector<16xf32>,
        %broadcast_in_dim3A_689 = arith.constant 5 : i32
        %broadcast_in_dim3A_690 = vector.broadcast %broadcast_in_dim3A_689 : i32 to vector<16xi32>
        tpu.vector_store_idx %arg21[%broadcast_in_dim3A_690, %add3A_538], %add3A_679 : memref<12x640xf32, #tpu.memory_space<vmem>>[vector<16xi32>, vector<16xi32>], vector<16xf32>,
        %broadcast_in_dim3A_691 = arith.constant 9 : i32
        %broadcast_in_dim3A_692 = vector.broadcast %broadcast_in_dim3A_691 : i32 to vector<16xi32>
        tpu.vector_store_idx %arg21[%broadcast_in_dim3A_692, %add3A_538], %add3A_686 : memref<12x640xf32, #tpu.memory_space<vmem>>[vector<16xi32>, vector<16xi32>], vector<16xf32>,
        %broadcast_in_dim3A_693 = arith.constant 6 : i32
        %broadcast_in_dim3A_694 = vector.broadcast %broadcast_in_dim3A_693 : i32 to vector<16xi32>
        %gather3A_695 = tpu.vector_load_idx %arg17[%add3A_538, %broadcast_in_dim3A_694] : memref<640x16xf32, #tpu.memory_space<vmem>>[vector<16xi32>, vector<16xi32>], vector<16xf32>,
        %broadcast_in_dim3A_696 = arith.constant 7 : i32
        %broadcast_in_dim3A_697 = vector.broadcast %broadcast_in_dim3A_696 : i32 to vector<16xi32>
        %gather3A_698 = tpu.vector_load_idx %arg17[%add3A_538, %broadcast_in_dim3A_697] : memref<640x16xf32, #tpu.memory_space<vmem>>[vector<16xi32>, vector<16xi32>], vector<16xf32>,
        %broadcast_in_dim3A_699 = arith.constant 8 : i32
        %broadcast_in_dim3A_700 = vector.broadcast %broadcast_in_dim3A_699 : i32 to vector<16xi32>
        %gather3A_701 = tpu.vector_load_idx %arg17[%add3A_538, %broadcast_in_dim3A_700] : memref<640x16xf32, #tpu.memory_space<vmem>>[vector<16xi32>, vector<16xi32>], vector<16xf32>,
        %broadcast_in_dim3A_702 = arith.constant 6 : i32
        %broadcast_in_dim3A_703 = vector.broadcast %broadcast_in_dim3A_702 : i32 to vector<16xi32>
        %gather3A_704 = tpu.vector_load_idx %arg18[%add3A_538, %broadcast_in_dim3A_703] : memref<640x16xf32, #tpu.memory_space<vmem>>[vector<16xi32>, vector<16xi32>], vector<16xf32>,
        %broadcast_in_dim3A_705 = arith.constant 7 : i32
        %broadcast_in_dim3A_706 = vector.broadcast %broadcast_in_dim3A_705 : i32 to vector<16xi32>
        %gather3A_707 = tpu.vector_load_idx %arg18[%add3A_538, %broadcast_in_dim3A_706] : memref<640x16xf32, #tpu.memory_space<vmem>>[vector<16xi32>, vector<16xi32>], vector<16xf32>,
        %broadcast_in_dim3A_708 = arith.constant 8 : i32
        %broadcast_in_dim3A_709 = vector.broadcast %broadcast_in_dim3A_708 : i32 to vector<16xi32>
        %gather3A_710 = tpu.vector_load_idx %arg18[%add3A_538, %broadcast_in_dim3A_709] : memref<640x16xf32, #tpu.memory_space<vmem>>[vector<16xi32>, vector<16xi32>], vector<16xf32>,
        %broadcast_in_dim3A_711 = arith.constant 6 : i32
        %broadcast_in_dim3A_712 = vector.broadcast %broadcast_in_dim3A_711 : i32 to vector<16xi32>
        %gather3A_713 = tpu.vector_load_idx %arg19[%add3A_538, %broadcast_in_dim3A_712] : memref<640x16xf32, #tpu.memory_space<vmem>>[vector<16xi32>, vector<16xi32>], vector<16xf32>,
        %broadcast_in_dim3A_714 = arith.constant 7 : i32
        %broadcast_in_dim3A_715 = vector.broadcast %broadcast_in_dim3A_714 : i32 to vector<16xi32>
        %gather3A_716 = tpu.vector_load_idx %arg19[%add3A_538, %broadcast_in_dim3A_715] : memref<640x16xf32, #tpu.memory_space<vmem>>[vector<16xi32>, vector<16xi32>], vector<16xf32>,
        %broadcast_in_dim3A_717 = arith.constant 8 : i32
        %broadcast_in_dim3A_718 = vector.broadcast %broadcast_in_dim3A_717 : i32 to vector<16xi32>
        %gather3A_719 = tpu.vector_load_idx %arg19[%add3A_538, %broadcast_in_dim3A_718] : memref<640x16xf32, #tpu.memory_space<vmem>>[vector<16xi32>, vector<16xi32>], vector<16xf32>,
        %sub3A_720 = arith.subf %gather3A_704, %gather3A_695 : vector<16xf32>
        %sub3A_721 = arith.subf %gather3A_707, %gather3A_698 : vector<16xf32>
        %sub3A_722 = arith.subf %gather3A_710, %gather3A_701 : vector<16xf32>
        %sub3A_723 = arith.subf %gather3A_713, %gather3A_695 : vector<16xf32>
        %sub3A_724 = arith.subf %gather3A_716, %gather3A_698 : vector<16xf32>
        %sub3A_725 = arith.subf %gather3A_719, %gather3A_701 : vector<16xf32>
        %mul3A_726 = arith.mulf %sub3A_721, %sub3A_725 : vector<16xf32>
        %mul3A_727 = arith.mulf %sub3A_722, %sub3A_724 : vector<16xf32>
        %sub3A_728 = arith.subf %mul3A_726, %mul3A_727 : vector<16xf32>
        %mul3A_729 = arith.mulf %sub3A_722, %sub3A_723 : vector<16xf32>
        %mul3A_730 = arith.mulf %sub3A_720, %sub3A_725 : vector<16xf32>
        %sub3A_731 = arith.subf %mul3A_729, %mul3A_730 : vector<16xf32>
        %mul3A_732 = arith.mulf %sub3A_720, %sub3A_724 : vector<16xf32>
        %mul3A_733 = arith.mulf %sub3A_721, %sub3A_723 : vector<16xf32>
        %sub3A_734 = arith.subf %mul3A_732, %mul3A_733 : vector<16xf32>
        %mul3A_735 = arith.mulf %add3A_556, %gather3A_695 : vector<16xf32>
        %mul3A_736 = arith.mulf %get3A_547, %gather3A_704 : vector<16xf32>
        %add3A_737 = arith.addf %mul3A_735, %mul3A_736 : vector<16xf32>
        %mul3A_738 = arith.mulf %get3A_551, %gather3A_713 : vector<16xf32>
        %add3A_739 = arith.addf %add3A_737, %mul3A_738 : vector<16xf32>
        %mul3A_740 = arith.mulf %get3A_555, %sub3A_728 : vector<16xf32>
        %add3A_741 = arith.addf %add3A_739, %mul3A_740 : vector<16xf32>
        %mul3A_742 = arith.mulf %add3A_556, %gather3A_698 : vector<16xf32>
        %mul3A_743 = arith.mulf %get3A_547, %gather3A_707 : vector<16xf32>
        %add3A_744 = arith.addf %mul3A_742, %mul3A_743 : vector<16xf32>
        %mul3A_745 = arith.mulf %get3A_551, %gather3A_716 : vector<16xf32>
        %add3A_746 = arith.addf %add3A_744, %mul3A_745 : vector<16xf32>
        %mul3A_747 = arith.mulf %get3A_555, %sub3A_731 : vector<16xf32>
        %add3A_748 = arith.addf %add3A_746, %mul3A_747 : vector<16xf32>
        %mul3A_749 = arith.mulf %add3A_556, %gather3A_701 : vector<16xf32>
        %mul3A_750 = arith.mulf %get3A_547, %gather3A_710 : vector<16xf32>
        %add3A_751 = arith.addf %mul3A_749, %mul3A_750 : vector<16xf32>
        %mul3A_752 = arith.mulf %get3A_551, %gather3A_719 : vector<16xf32>
        %add3A_753 = arith.addf %add3A_751, %mul3A_752 : vector<16xf32>
        %mul3A_754 = arith.mulf %get3A_555, %sub3A_734 : vector<16xf32>
        %add3A_755 = arith.addf %add3A_753, %mul3A_754 : vector<16xf32>
        %broadcast_in_dim3A_756 = arith.constant 2 : i32
        %broadcast_in_dim3A_757 = vector.broadcast %broadcast_in_dim3A_756 : i32 to vector<16xi32>
        tpu.vector_store_idx %arg21[%broadcast_in_dim3A_757, %add3A_538], %add3A_741 : memref<12x640xf32, #tpu.memory_space<vmem>>[vector<16xi32>, vector<16xi32>], vector<16xf32>,
        %broadcast_in_dim3A_758 = arith.constant 6 : i32
        %broadcast_in_dim3A_759 = vector.broadcast %broadcast_in_dim3A_758 : i32 to vector<16xi32>
        tpu.vector_store_idx %arg21[%broadcast_in_dim3A_759, %add3A_538], %add3A_748 : memref<12x640xf32, #tpu.memory_space<vmem>>[vector<16xi32>, vector<16xi32>], vector<16xf32>,
        %broadcast_in_dim3A_760 = arith.constant 10 : i32
        %broadcast_in_dim3A_761 = vector.broadcast %broadcast_in_dim3A_760 : i32 to vector<16xi32>
        tpu.vector_store_idx %arg21[%broadcast_in_dim3A_761, %add3A_538], %add3A_755 : memref<12x640xf32, #tpu.memory_space<vmem>>[vector<16xi32>, vector<16xi32>], vector<16xf32>,
        %broadcast_in_dim3A_762 = arith.constant 9 : i32
        %broadcast_in_dim3A_763 = vector.broadcast %broadcast_in_dim3A_762 : i32 to vector<16xi32>
        %gather3A_764 = tpu.vector_load_idx %arg17[%add3A_538, %broadcast_in_dim3A_763] : memref<640x16xf32, #tpu.memory_space<vmem>>[vector<16xi32>, vector<16xi32>], vector<16xf32>,
        %broadcast_in_dim3A_765 = arith.constant 10 : i32
        %broadcast_in_dim3A_766 = vector.broadcast %broadcast_in_dim3A_765 : i32 to vector<16xi32>
        %gather3A_767 = tpu.vector_load_idx %arg17[%add3A_538, %broadcast_in_dim3A_766] : memref<640x16xf32, #tpu.memory_space<vmem>>[vector<16xi32>, vector<16xi32>], vector<16xf32>,
        %broadcast_in_dim3A_768 = arith.constant 11 : i32
        %broadcast_in_dim3A_769 = vector.broadcast %broadcast_in_dim3A_768 : i32 to vector<16xi32>
        %gather3A_770 = tpu.vector_load_idx %arg17[%add3A_538, %broadcast_in_dim3A_769] : memref<640x16xf32, #tpu.memory_space<vmem>>[vector<16xi32>, vector<16xi32>], vector<16xf32>,
        %broadcast_in_dim3A_771 = arith.constant 9 : i32
        %broadcast_in_dim3A_772 = vector.broadcast %broadcast_in_dim3A_771 : i32 to vector<16xi32>
        %gather3A_773 = tpu.vector_load_idx %arg18[%add3A_538, %broadcast_in_dim3A_772] : memref<640x16xf32, #tpu.memory_space<vmem>>[vector<16xi32>, vector<16xi32>], vector<16xf32>,
        %broadcast_in_dim3A_774 = arith.constant 10 : i32
        %broadcast_in_dim3A_775 = vector.broadcast %broadcast_in_dim3A_774 : i32 to vector<16xi32>
        %gather3A_776 = tpu.vector_load_idx %arg18[%add3A_538, %broadcast_in_dim3A_775] : memref<640x16xf32, #tpu.memory_space<vmem>>[vector<16xi32>, vector<16xi32>], vector<16xf32>,
        %broadcast_in_dim3A_777 = arith.constant 11 : i32
        %broadcast_in_dim3A_778 = vector.broadcast %broadcast_in_dim3A_777 : i32 to vector<16xi32>
        %gather3A_779 = tpu.vector_load_idx %arg18[%add3A_538, %broadcast_in_dim3A_778] : memref<640x16xf32, #tpu.memory_space<vmem>>[vector<16xi32>, vector<16xi32>], vector<16xf32>,
        %broadcast_in_dim3A_780 = arith.constant 9 : i32
        %broadcast_in_dim3A_781 = vector.broadcast %broadcast_in_dim3A_780 : i32 to vector<16xi32>
        %gather3A_782 = tpu.vector_load_idx %arg19[%add3A_538, %broadcast_in_dim3A_781] : memref<640x16xf32, #tpu.memory_space<vmem>>[vector<16xi32>, vector<16xi32>], vector<16xf32>,
        %broadcast_in_dim3A_783 = arith.constant 10 : i32
        %broadcast_in_dim3A_784 = vector.broadcast %broadcast_in_dim3A_783 : i32 to vector<16xi32>
        %gather3A_785 = tpu.vector_load_idx %arg19[%add3A_538, %broadcast_in_dim3A_784] : memref<640x16xf32, #tpu.memory_space<vmem>>[vector<16xi32>, vector<16xi32>], vector<16xf32>,
        %broadcast_in_dim3A_786 = arith.constant 11 : i32
        %broadcast_in_dim3A_787 = vector.broadcast %broadcast_in_dim3A_786 : i32 to vector<16xi32>
        %gather3A_788 = tpu.vector_load_idx %arg19[%add3A_538, %broadcast_in_dim3A_787] : memref<640x16xf32, #tpu.memory_space<vmem>>[vector<16xi32>, vector<16xi32>], vector<16xf32>,
        %sub3A_789 = arith.subf %gather3A_773, %gather3A_764 : vector<16xf32>
        %sub3A_790 = arith.subf %gather3A_776, %gather3A_767 : vector<16xf32>
        %sub3A_791 = arith.subf %gather3A_779, %gather3A_770 : vector<16xf32>
        %sub3A_792 = arith.subf %gather3A_782, %gather3A_764 : vector<16xf32>
        %sub3A_793 = arith.subf %gather3A_785, %gather3A_767 : vector<16xf32>
        %sub3A_794 = arith.subf %gather3A_788, %gather3A_770 : vector<16xf32>
        %mul3A_795 = arith.mulf %sub3A_790, %sub3A_794 : vector<16xf32>
        %mul3A_796 = arith.mulf %sub3A_791, %sub3A_793 : vector<16xf32>
        %sub3A_797 = arith.subf %mul3A_795, %mul3A_796 : vector<16xf32>
        %mul3A_798 = arith.mulf %sub3A_791, %sub3A_792 : vector<16xf32>
        %mul3A_799 = arith.mulf %sub3A_789, %sub3A_794 : vector<16xf32>
        %sub3A_800 = arith.subf %mul3A_798, %mul3A_799 : vector<16xf32>
        %mul3A_801 = arith.mulf %sub3A_789, %sub3A_793 : vector<16xf32>
        %mul3A_802 = arith.mulf %sub3A_790, %sub3A_792 : vector<16xf32>
        %sub3A_803 = arith.subf %mul3A_801, %mul3A_802 : vector<16xf32>
        %mul3A_804 = arith.mulf %add3A_556, %gather3A_764 : vector<16xf32>
        %mul3A_805 = arith.mulf %get3A_547, %gather3A_773 : vector<16xf32>
        %add3A_806 = arith.addf %mul3A_804, %mul3A_805 : vector<16xf32>
        %mul3A_807 = arith.mulf %get3A_551, %gather3A_782 : vector<16xf32>
        %add3A_808 = arith.addf %add3A_806, %mul3A_807 : vector<16xf32>
        %mul3A_809 = arith.mulf %get3A_555, %sub3A_797 : vector<16xf32>
        %add3A_810 = arith.addf %add3A_808, %mul3A_809 : vector<16xf32>
        %mul3A_811 = arith.mulf %add3A_556, %gather3A_767 : vector<16xf32>
        %mul3A_812 = arith.mulf %get3A_547, %gather3A_776 : vector<16xf32>
        %add3A_813 = arith.addf %mul3A_811, %mul3A_812 : vector<16xf32>
        %mul3A_814 = arith.mulf %get3A_551, %gather3A_785 : vector<16xf32>
        %add3A_815 = arith.addf %add3A_813, %mul3A_814 : vector<16xf32>
        %mul3A_816 = arith.mulf %get3A_555, %sub3A_800 : vector<16xf32>
        %add3A_817 = arith.addf %add3A_815, %mul3A_816 : vector<16xf32>
        %mul3A_818 = arith.mulf %add3A_556, %gather3A_770 : vector<16xf32>
        %mul3A_819 = arith.mulf %get3A_547, %gather3A_779 : vector<16xf32>
        %add3A_820 = arith.addf %mul3A_818, %mul3A_819 : vector<16xf32>
        %mul3A_821 = arith.mulf %get3A_551, %gather3A_788 : vector<16xf32>
        %add3A_822 = arith.addf %add3A_820, %mul3A_821 : vector<16xf32>
        %mul3A_823 = arith.mulf %get3A_555, %sub3A_803 : vector<16xf32>
        %add3A_824 = arith.addf %add3A_822, %mul3A_823 : vector<16xf32>
        %broadcast_in_dim3A_825 = arith.constant 3 : i32
        %broadcast_in_dim3A_826 = vector.broadcast %broadcast_in_dim3A_825 : i32 to vector<16xi32>
        tpu.vector_store_idx %arg21[%broadcast_in_dim3A_826, %add3A_538], %add3A_810 : memref<12x640xf32, #tpu.memory_space<vmem>>[vector<16xi32>, vector<16xi32>], vector<16xf32>,
        %broadcast_in_dim3A_827 = arith.constant 7 : i32
        %broadcast_in_dim3A_828 = vector.broadcast %broadcast_in_dim3A_827 : i32 to vector<16xi32>
        tpu.vector_store_idx %arg21[%broadcast_in_dim3A_828, %add3A_538], %add3A_817 : memref<12x640xf32, #tpu.memory_space<vmem>>[vector<16xi32>, vector<16xi32>], vector<16xf32>,
        %broadcast_in_dim3A_829 = arith.constant 11 : i32
        %broadcast_in_dim3A_830 = vector.broadcast %broadcast_in_dim3A_829 : i32 to vector<16xi32>
        tpu.vector_store_idx %arg21[%broadcast_in_dim3A_830, %add3A_538], %add3A_824 : memref<12x640xf32, #tpu.memory_space<vmem>>[vector<16xi32>, vector<16xi32>], vector<16xf32>,
      }
      %scan3A_245 = arith.constant 40 : i32
      %dma_start3A_246 = arith.constant 0 : i32
      %dma_start3A_247 = arith.constant 0 : i32
      %dma_start3A_248 = arith.constant 0 : i32
      %dma_start3A_249 = tpu.memref_slice %arg21[%dma_start3A_246, %dma_start3A_248] : memref<12x640xf32, #tpu.memory_space<vmem>> -> memref<1x640xf32, #tpu.memory_space<vmem>>
      %dma_start3A_250 = tpu.memref_squeeze %dma_start3A_249 : memref<1x640xf32, #tpu.memory_space<vmem>> -> memref<640xf32, #tpu.memory_space<vmem>>
      %dma_start3A_251 = tpu.memref_slice %arg6[%dma_start3A_247, %min3A_112] : memref<12x100000xf32, #tpu.memory_space<hbm>> -> memref<1x640xf32, #tpu.memory_space<hbm>>
      %dma_start3A_252 = tpu.memref_squeeze %dma_start3A_251 : memref<1x640xf32, #tpu.memory_space<hbm>> -> memref<640xf32, #tpu.memory_space<hbm>>
      %dma_start3A_253 = tpu.memref_slice %arg6[%dma_start3A_247, %min3A_112] : memref<12x100000xf32, #tpu.memory_space<hbm>> -> memref<1x640xf32, #tpu.memory_space<hbm>>
      %dma_start3A_254 = tpu.memref_squeeze %dma_start3A_253 : memref<1x640xf32, #tpu.memory_space<hbm>> -> memref<640xf32, #tpu.memory_space<hbm>>
      %dma_start3A_255 = arith.constant 0 : i32
      %dma_start3A_256 = tpu.memref_slice %arg21[%dma_start3A_246, %dma_start3A_255] : memref<12x640xf32, #tpu.memory_space<vmem>> -> memref<1x640xf32, #tpu.memory_space<vmem>>
      %dma_start3A_257 = tpu.memref_squeeze %dma_start3A_256 : memref<1x640xf32, #tpu.memory_space<vmem>> -> memref<640xf32, #tpu.memory_space<vmem>>
      tpu.enqueue_dma source(%dma_start3A_257 : memref<640xf32, #tpu.memory_space<vmem>>) target(%dma_start3A_254 : memref<640xf32, #tpu.memory_space<hbm>>) target_semaphore(%arg22 : memref<!tpu.dma_semaphore, #tpu.memory_space<semaphore_mem>>)
      %dma_start3A_258 = arith.constant 1 : i32
      %dma_start3A_259 = arith.constant 1 : i32
      %dma_start3A_260 = arith.constant 0 : i32
      %dma_start3A_261 = tpu.memref_slice %arg21[%dma_start3A_258, %dma_start3A_260] : memref<12x640xf32, #tpu.memory_space<vmem>> -> memref<1x640xf32, #tpu.memory_space<vmem>>
      %dma_start3A_262 = tpu.memref_squeeze %dma_start3A_261 : memref<1x640xf32, #tpu.memory_space<vmem>> -> memref<640xf32, #tpu.memory_space<vmem>>
      %dma_start3A_263 = tpu.memref_slice %arg6[%dma_start3A_259, %min3A_112] : memref<12x100000xf32, #tpu.memory_space<hbm>> -> memref<1x640xf32, #tpu.memory_space<hbm>>
      %dma_start3A_264 = tpu.memref_squeeze %dma_start3A_263 : memref<1x640xf32, #tpu.memory_space<hbm>> -> memref<640xf32, #tpu.memory_space<hbm>>
      %dma_start3A_265 = tpu.memref_slice %arg6[%dma_start3A_259, %min3A_112] : memref<12x100000xf32, #tpu.memory_space<hbm>> -> memref<1x640xf32, #tpu.memory_space<hbm>>
      %dma_start3A_266 = tpu.memref_squeeze %dma_start3A_265 : memref<1x640xf32, #tpu.memory_space<hbm>> -> memref<640xf32, #tpu.memory_space<hbm>>
      %dma_start3A_267 = arith.constant 0 : i32
      %dma_start3A_268 = tpu.memref_slice %arg21[%dma_start3A_258, %dma_start3A_267] : memref<12x640xf32, #tpu.memory_space<vmem>> -> memref<1x640xf32, #tpu.memory_space<vmem>>
      %dma_start3A_269 = tpu.memref_squeeze %dma_start3A_268 : memref<1x640xf32, #tpu.memory_space<vmem>> -> memref<640xf32, #tpu.memory_space<vmem>>
      tpu.enqueue_dma source(%dma_start3A_269 : memref<640xf32, #tpu.memory_space<vmem>>) target(%dma_start3A_266 : memref<640xf32, #tpu.memory_space<hbm>>) target_semaphore(%arg22 : memref<!tpu.dma_semaphore, #tpu.memory_space<semaphore_mem>>)
      %dma_start3A_270 = arith.constant 2 : i32
      %dma_start3A_271 = arith.constant 2 : i32
      %dma_start3A_272 = arith.constant 0 : i32
      %dma_start3A_273 = tpu.memref_slice %arg21[%dma_start3A_270, %dma_start3A_272] : memref<12x640xf32, #tpu.memory_space<vmem>> -> memref<1x640xf32, #tpu.memory_space<vmem>>
      %dma_start3A_274 = tpu.memref_squeeze %dma_start3A_273 : memref<1x640xf32, #tpu.memory_space<vmem>> -> memref<640xf32, #tpu.memory_space<vmem>>
      %dma_start3A_275 = tpu.memref_slice %arg6[%dma_start3A_271, %min3A_112] : memref<12x100000xf32, #tpu.memory_space<hbm>> -> memref<1x640xf32, #tpu.memory_space<hbm>>
      %dma_start3A_276 = tpu.memref_squeeze %dma_start3A_275 : memref<1x640xf32, #tpu.memory_space<hbm>> -> memref<640xf32, #tpu.memory_space<hbm>>
      %dma_start3A_277 = tpu.memref_slice %arg6[%dma_start3A_271, %min3A_112] : memref<12x100000xf32, #tpu.memory_space<hbm>> -> memref<1x640xf32, #tpu.memory_space<hbm>>
      %dma_start3A_278 = tpu.memref_squeeze %dma_start3A_277 : memref<1x640xf32, #tpu.memory_space<hbm>> -> memref<640xf32, #tpu.memory_space<hbm>>
      %dma_start3A_279 = arith.constant 0 : i32
      %dma_start3A_280 = tpu.memref_slice %arg21[%dma_start3A_270, %dma_start3A_279] : memref<12x640xf32, #tpu.memory_space<vmem>> -> memref<1x640xf32, #tpu.memory_space<vmem>>
      %dma_start3A_281 = tpu.memref_squeeze %dma_start3A_280 : memref<1x640xf32, #tpu.memory_space<vmem>> -> memref<640xf32, #tpu.memory_space<vmem>>
      tpu.enqueue_dma source(%dma_start3A_281 : memref<640xf32, #tpu.memory_space<vmem>>) target(%dma_start3A_278 : memref<640xf32, #tpu.memory_space<hbm>>) target_semaphore(%arg22 : memref<!tpu.dma_semaphore, #tpu.memory_space<semaphore_mem>>)
      %dma_start3A_282 = arith.constant 3 : i32
      %dma_start3A_283 = arith.constant 3 : i32
      %dma_start3A_284 = arith.constant 0 : i32
      %dma_start3A_285 = tpu.memref_slice %arg21[%dma_start3A_282, %dma_start3A_284] : memref<12x640xf32, #tpu.memory_space<vmem>> -> memref<1x640xf32, #tpu.memory_space<vmem>>
      %dma_start3A_286 = tpu.memref_squeeze %dma_start3A_285 : memref<1x640xf32, #tpu.memory_space<vmem>> -> memref<640xf32, #tpu.memory_space<vmem>>
      %dma_start3A_287 = tpu.memref_slice %arg6[%dma_start3A_283, %min3A_112] : memref<12x100000xf32, #tpu.memory_space<hbm>> -> memref<1x640xf32, #tpu.memory_space<hbm>>
      %dma_start3A_288 = tpu.memref_squeeze %dma_start3A_287 : memref<1x640xf32, #tpu.memory_space<hbm>> -> memref<640xf32, #tpu.memory_space<hbm>>
      %dma_start3A_289 = tpu.memref_slice %arg6[%dma_start3A_283, %min3A_112] : memref<12x100000xf32, #tpu.memory_space<hbm>> -> memref<1x640xf32, #tpu.memory_space<hbm>>
      %dma_start3A_290 = tpu.memref_squeeze %dma_start3A_289 : memref<1x640xf32, #tpu.memory_space<hbm>> -> memref<640xf32, #tpu.memory_space<hbm>>
      %dma_start3A_291 = arith.constant 0 : i32
      %dma_start3A_292 = tpu.memref_slice %arg21[%dma_start3A_282, %dma_start3A_291] : memref<12x640xf32, #tpu.memory_space<vmem>> -> memref<1x640xf32, #tpu.memory_space<vmem>>
      %dma_start3A_293 = tpu.memref_squeeze %dma_start3A_292 : memref<1x640xf32, #tpu.memory_space<vmem>> -> memref<640xf32, #tpu.memory_space<vmem>>
      tpu.enqueue_dma source(%dma_start3A_293 : memref<640xf32, #tpu.memory_space<vmem>>) target(%dma_start3A_290 : memref<640xf32, #tpu.memory_space<hbm>>) target_semaphore(%arg22 : memref<!tpu.dma_semaphore, #tpu.memory_space<semaphore_mem>>)
      %dma_start3A_294 = arith.constant 4 : i32
      %dma_start3A_295 = arith.constant 4 : i32
      %dma_start3A_296 = arith.constant 0 : i32
      %dma_start3A_297 = tpu.memref_slice %arg21[%dma_start3A_294, %dma_start3A_296] : memref<12x640xf32, #tpu.memory_space<vmem>> -> memref<1x640xf32, #tpu.memory_space<vmem>>
      %dma_start3A_298 = tpu.memref_squeeze %dma_start3A_297 : memref<1x640xf32, #tpu.memory_space<vmem>> -> memref<640xf32, #tpu.memory_space<vmem>>
      %dma_start3A_299 = tpu.memref_slice %arg6[%dma_start3A_295, %min3A_112] : memref<12x100000xf32, #tpu.memory_space<hbm>> -> memref<1x640xf32, #tpu.memory_space<hbm>>
      %dma_start3A_300 = tpu.memref_squeeze %dma_start3A_299 : memref<1x640xf32, #tpu.memory_space<hbm>> -> memref<640xf32, #tpu.memory_space<hbm>>
      %dma_start3A_301 = tpu.memref_slice %arg6[%dma_start3A_295, %min3A_112] : memref<12x100000xf32, #tpu.memory_space<hbm>> -> memref<1x640xf32, #tpu.memory_space<hbm>>
      %dma_start3A_302 = tpu.memref_squeeze %dma_start3A_301 : memref<1x640xf32, #tpu.memory_space<hbm>> -> memref<640xf32, #tpu.memory_space<hbm>>
      %dma_start3A_303 = arith.constant 0 : i32
      %dma_start3A_304 = tpu.memref_slice %arg21[%dma_start3A_294, %dma_start3A_303] : memref<12x640xf32, #tpu.memory_space<vmem>> -> memref<1x640xf32, #tpu.memory_space<vmem>>
      %dma_start3A_305 = tpu.memref_squeeze %dma_start3A_304 : memref<1x640xf32, #tpu.memory_space<vmem>> -> memref<640xf32, #tpu.memory_space<vmem>>
      tpu.enqueue_dma source(%dma_start3A_305 : memref<640xf32, #tpu.memory_space<vmem>>) target(%dma_start3A_302 : memref<640xf32, #tpu.memory_space<hbm>>) target_semaphore(%arg22 : memref<!tpu.dma_semaphore, #tpu.memory_space<semaphore_mem>>)
      %dma_start3A_306 = arith.constant 5 : i32
      %dma_start3A_307 = arith.constant 5 : i32
      %dma_start3A_308 = arith.constant 0 : i32
      %dma_start3A_309 = tpu.memref_slice %arg21[%dma_start3A_306, %dma_start3A_308] : memref<12x640xf32, #tpu.memory_space<vmem>> -> memref<1x640xf32, #tpu.memory_space<vmem>>
      %dma_start3A_310 = tpu.memref_squeeze %dma_start3A_309 : memref<1x640xf32, #tpu.memory_space<vmem>> -> memref<640xf32, #tpu.memory_space<vmem>>
      %dma_start3A_311 = tpu.memref_slice %arg6[%dma_start3A_307, %min3A_112] : memref<12x100000xf32, #tpu.memory_space<hbm>> -> memref<1x640xf32, #tpu.memory_space<hbm>>
      %dma_start3A_312 = tpu.memref_squeeze %dma_start3A_311 : memref<1x640xf32, #tpu.memory_space<hbm>> -> memref<640xf32, #tpu.memory_space<hbm>>
      %dma_start3A_313 = tpu.memref_slice %arg6[%dma_start3A_307, %min3A_112] : memref<12x100000xf32, #tpu.memory_space<hbm>> -> memref<1x640xf32, #tpu.memory_space<hbm>>
      %dma_start3A_314 = tpu.memref_squeeze %dma_start3A_313 : memref<1x640xf32, #tpu.memory_space<hbm>> -> memref<640xf32, #tpu.memory_space<hbm>>
      %dma_start3A_315 = arith.constant 0 : i32
      %dma_start3A_316 = tpu.memref_slice %arg21[%dma_start3A_306, %dma_start3A_315] : memref<12x640xf32, #tpu.memory_space<vmem>> -> memref<1x640xf32, #tpu.memory_space<vmem>>
      %dma_start3A_317 = tpu.memref_squeeze %dma_start3A_316 : memref<1x640xf32, #tpu.memory_space<vmem>> -> memref<640xf32, #tpu.memory_space<vmem>>
      tpu.enqueue_dma source(%dma_start3A_317 : memref<640xf32, #tpu.memory_space<vmem>>) target(%dma_start3A_314 : memref<640xf32, #tpu.memory_space<hbm>>) target_semaphore(%arg22 : memref<!tpu.dma_semaphore, #tpu.memory_space<semaphore_mem>>)
      %dma_start3A_318 = arith.constant 6 : i32
      %dma_start3A_319 = arith.constant 6 : i32
      %dma_start3A_320 = arith.constant 0 : i32
      %dma_start3A_321 = tpu.memref_slice %arg21[%dma_start3A_318, %dma_start3A_320] : memref<12x640xf32, #tpu.memory_space<vmem>> -> memref<1x640xf32, #tpu.memory_space<vmem>>
      %dma_start3A_322 = tpu.memref_squeeze %dma_start3A_321 : memref<1x640xf32, #tpu.memory_space<vmem>> -> memref<640xf32, #tpu.memory_space<vmem>>
      %dma_start3A_323 = tpu.memref_slice %arg6[%dma_start3A_319, %min3A_112] : memref<12x100000xf32, #tpu.memory_space<hbm>> -> memref<1x640xf32, #tpu.memory_space<hbm>>
      %dma_start3A_324 = tpu.memref_squeeze %dma_start3A_323 : memref<1x640xf32, #tpu.memory_space<hbm>> -> memref<640xf32, #tpu.memory_space<hbm>>
      %dma_start3A_325 = tpu.memref_slice %arg6[%dma_start3A_319, %min3A_112] : memref<12x100000xf32, #tpu.memory_space<hbm>> -> memref<1x640xf32, #tpu.memory_space<hbm>>
      %dma_start3A_326 = tpu.memref_squeeze %dma_start3A_325 : memref<1x640xf32, #tpu.memory_space<hbm>> -> memref<640xf32, #tpu.memory_space<hbm>>
      %dma_start3A_327 = arith.constant 0 : i32
      %dma_start3A_328 = tpu.memref_slice %arg21[%dma_start3A_318, %dma_start3A_327] : memref<12x640xf32, #tpu.memory_space<vmem>> -> memref<1x640xf32, #tpu.memory_space<vmem>>
      %dma_start3A_329 = tpu.memref_squeeze %dma_start3A_328 : memref<1x640xf32, #tpu.memory_space<vmem>> -> memref<640xf32, #tpu.memory_space<vmem>>
      tpu.enqueue_dma source(%dma_start3A_329 : memref<640xf32, #tpu.memory_space<vmem>>) target(%dma_start3A_326 : memref<640xf32, #tpu.memory_space<hbm>>) target_semaphore(%arg22 : memref<!tpu.dma_semaphore, #tpu.memory_space<semaphore_mem>>)
      %dma_start3A_330 = arith.constant 7 : i32
      %dma_start3A_331 = arith.constant 7 : i32
      %dma_start3A_332 = arith.constant 0 : i32
      %dma_start3A_333 = tpu.memref_slice %arg21[%dma_start3A_330, %dma_start3A_332] : memref<12x640xf32, #tpu.memory_space<vmem>> -> memref<1x640xf32, #tpu.memory_space<vmem>>
      %dma_start3A_334 = tpu.memref_squeeze %dma_start3A_333 : memref<1x640xf32, #tpu.memory_space<vmem>> -> memref<640xf32, #tpu.memory_space<vmem>>
      %dma_start3A_335 = tpu.memref_slice %arg6[%dma_start3A_331, %min3A_112] : memref<12x100000xf32, #tpu.memory_space<hbm>> -> memref<1x640xf32, #tpu.memory_space<hbm>>
      %dma_start3A_336 = tpu.memref_squeeze %dma_start3A_335 : memref<1x640xf32, #tpu.memory_space<hbm>> -> memref<640xf32, #tpu.memory_space<hbm>>
      %dma_start3A_337 = tpu.memref_slice %arg6[%dma_start3A_331, %min3A_112] : memref<12x100000xf32, #tpu.memory_space<hbm>> -> memref<1x640xf32, #tpu.memory_space<hbm>>
      %dma_start3A_338 = tpu.memref_squeeze %dma_start3A_337 : memref<1x640xf32, #tpu.memory_space<hbm>> -> memref<640xf32, #tpu.memory_space<hbm>>
      %dma_start3A_339 = arith.constant 0 : i32
      %dma_start3A_340 = tpu.memref_slice %arg21[%dma_start3A_330, %dma_start3A_339] : memref<12x640xf32, #tpu.memory_space<vmem>> -> memref<1x640xf32, #tpu.memory_space<vmem>>
      %dma_start3A_341 = tpu.memref_squeeze %dma_start3A_340 : memref<1x640xf32, #tpu.memory_space<vmem>> -> memref<640xf32, #tpu.memory_space<vmem>>
      tpu.enqueue_dma source(%dma_start3A_341 : memref<640xf32, #tpu.memory_space<vmem>>) target(%dma_start3A_338 : memref<640xf32, #tpu.memory_space<hbm>>) target_semaphore(%arg22 : memref<!tpu.dma_semaphore, #tpu.memory_space<semaphore_mem>>)
      %dma_start3A_342 = arith.constant 8 : i32
      %dma_start3A_343 = arith.constant 8 : i32
      %dma_start3A_344 = arith.constant 0 : i32
      %dma_start3A_345 = tpu.memref_slice %arg21[%dma_start3A_342, %dma_start3A_344] : memref<12x640xf32, #tpu.memory_space<vmem>> -> memref<1x640xf32, #tpu.memory_space<vmem>>
      %dma_start3A_346 = tpu.memref_squeeze %dma_start3A_345 : memref<1x640xf32, #tpu.memory_space<vmem>> -> memref<640xf32, #tpu.memory_space<vmem>>
      %dma_start3A_347 = tpu.memref_slice %arg6[%dma_start3A_343, %min3A_112] : memref<12x100000xf32, #tpu.memory_space<hbm>> -> memref<1x640xf32, #tpu.memory_space<hbm>>
      %dma_start3A_348 = tpu.memref_squeeze %dma_start3A_347 : memref<1x640xf32, #tpu.memory_space<hbm>> -> memref<640xf32, #tpu.memory_space<hbm>>
      %dma_start3A_349 = tpu.memref_slice %arg6[%dma_start3A_343, %min3A_112] : memref<12x100000xf32, #tpu.memory_space<hbm>> -> memref<1x640xf32, #tpu.memory_space<hbm>>
      %dma_start3A_350 = tpu.memref_squeeze %dma_start3A_349 : memref<1x640xf32, #tpu.memory_space<hbm>> -> memref<640xf32, #tpu.memory_space<hbm>>
      %dma_start3A_351 = arith.constant 0 : i32
      %dma_start3A_352 = tpu.memref_slice %arg21[%dma_start3A_342, %dma_start3A_351] : memref<12x640xf32, #tpu.memory_space<vmem>> -> memref<1x640xf32, #tpu.memory_space<vmem>>
      %dma_start3A_353 = tpu.memref_squeeze %dma_start3A_352 : memref<1x640xf32, #tpu.memory_space<vmem>> -> memref<640xf32, #tpu.memory_space<vmem>>
      tpu.enqueue_dma source(%dma_start3A_353 : memref<640xf32, #tpu.memory_space<vmem>>) target(%dma_start3A_350 : memref<640xf32, #tpu.memory_space<hbm>>) target_semaphore(%arg22 : memref<!tpu.dma_semaphore, #tpu.memory_space<semaphore_mem>>)
      %dma_start3A_354 = arith.constant 9 : i32
      %dma_start3A_355 = arith.constant 9 : i32
      %dma_start3A_356 = arith.constant 0 : i32
      %dma_start3A_357 = tpu.memref_slice %arg21[%dma_start3A_354, %dma_start3A_356] : memref<12x640xf32, #tpu.memory_space<vmem>> -> memref<1x640xf32, #tpu.memory_space<vmem>>
      %dma_start3A_358 = tpu.memref_squeeze %dma_start3A_357 : memref<1x640xf32, #tpu.memory_space<vmem>> -> memref<640xf32, #tpu.memory_space<vmem>>
      %dma_start3A_359 = tpu.memref_slice %arg6[%dma_start3A_355, %min3A_112] : memref<12x100000xf32, #tpu.memory_space<hbm>> -> memref<1x640xf32, #tpu.memory_space<hbm>>
      %dma_start3A_360 = tpu.memref_squeeze %dma_start3A_359 : memref<1x640xf32, #tpu.memory_space<hbm>> -> memref<640xf32, #tpu.memory_space<hbm>>
      %dma_start3A_361 = tpu.memref_slice %arg6[%dma_start3A_355, %min3A_112] : memref<12x100000xf32, #tpu.memory_space<hbm>> -> memref<1x640xf32, #tpu.memory_space<hbm>>
      %dma_start3A_362 = tpu.memref_squeeze %dma_start3A_361 : memref<1x640xf32, #tpu.memory_space<hbm>> -> memref<640xf32, #tpu.memory_space<hbm>>
      %dma_start3A_363 = arith.constant 0 : i32
      %dma_start3A_364 = tpu.memref_slice %arg21[%dma_start3A_354, %dma_start3A_363] : memref<12x640xf32, #tpu.memory_space<vmem>> -> memref<1x640xf32, #tpu.memory_space<vmem>>
      %dma_start3A_365 = tpu.memref_squeeze %dma_start3A_364 : memref<1x640xf32, #tpu.memory_space<vmem>> -> memref<640xf32, #tpu.memory_space<vmem>>
      tpu.enqueue_dma source(%dma_start3A_365 : memref<640xf32, #tpu.memory_space<vmem>>) target(%dma_start3A_362 : memref<640xf32, #tpu.memory_space<hbm>>) target_semaphore(%arg22 : memref<!tpu.dma_semaphore, #tpu.memory_space<semaphore_mem>>)
      %dma_start3A_366 = arith.constant 10 : i32
      %dma_start3A_367 = arith.constant 10 : i32
      %dma_start3A_368 = arith.constant 0 : i32
      %dma_start3A_369 = tpu.memref_slice %arg21[%dma_start3A_366, %dma_start3A_368] : memref<12x640xf32, #tpu.memory_space<vmem>> -> memref<1x640xf32, #tpu.memory_space<vmem>>
      %dma_start3A_370 = tpu.memref_squeeze %dma_start3A_369 : memref<1x640xf32, #tpu.memory_space<vmem>> -> memref<640xf32, #tpu.memory_space<vmem>>
      %dma_start3A_371 = tpu.memref_slice %arg6[%dma_start3A_367, %min3A_112] : memref<12x100000xf32, #tpu.memory_space<hbm>> -> memref<1x640xf32, #tpu.memory_space<hbm>>
      %dma_start3A_372 = tpu.memref_squeeze %dma_start3A_371 : memref<1x640xf32, #tpu.memory_space<hbm>> -> memref<640xf32, #tpu.memory_space<hbm>>
      %dma_start3A_373 = tpu.memref_slice %arg6[%dma_start3A_367, %min3A_112] : memref<12x100000xf32, #tpu.memory_space<hbm>> -> memref<1x640xf32, #tpu.memory_space<hbm>>
      %dma_start3A_374 = tpu.memref_squeeze %dma_start3A_373 : memref<1x640xf32, #tpu.memory_space<hbm>> -> memref<640xf32, #tpu.memory_space<hbm>>
      %dma_start3A_375 = arith.constant 0 : i32
      %dma_start3A_376 = tpu.memref_slice %arg21[%dma_start3A_366, %dma_start3A_375] : memref<12x640xf32, #tpu.memory_space<vmem>> -> memref<1x640xf32, #tpu.memory_space<vmem>>
      %dma_start3A_377 = tpu.memref_squeeze %dma_start3A_376 : memref<1x640xf32, #tpu.memory_space<vmem>> -> memref<640xf32, #tpu.memory_space<vmem>>
      tpu.enqueue_dma source(%dma_start3A_377 : memref<640xf32, #tpu.memory_space<vmem>>) target(%dma_start3A_374 : memref<640xf32, #tpu.memory_space<hbm>>) target_semaphore(%arg22 : memref<!tpu.dma_semaphore, #tpu.memory_space<semaphore_mem>>)
      %dma_start3A_378 = arith.constant 11 : i32
      %dma_start3A_379 = arith.constant 11 : i32
      %dma_start3A_380 = arith.constant 0 : i32
      %dma_start3A_381 = tpu.memref_slice %arg21[%dma_start3A_378, %dma_start3A_380] : memref<12x640xf32, #tpu.memory_space<vmem>> -> memref<1x640xf32, #tpu.memory_space<vmem>>
      %dma_start3A_382 = tpu.memref_squeeze %dma_start3A_381 : memref<1x640xf32, #tpu.memory_space<vmem>> -> memref<640xf32, #tpu.memory_space<vmem>>
      %dma_start3A_383 = tpu.memref_slice %arg6[%dma_start3A_379, %min3A_112] : memref<12x100000xf32, #tpu.memory_space<hbm>> -> memref<1x640xf32, #tpu.memory_space<hbm>>
      %dma_start3A_384 = tpu.memref_squeeze %dma_start3A_383 : memref<1x640xf32, #tpu.memory_space<hbm>> -> memref<640xf32, #tpu.memory_space<hbm>>
      %dma_start3A_385 = tpu.memref_slice %arg6[%dma_start3A_379, %min3A_112] : memref<12x100000xf32, #tpu.memory_space<hbm>> -> memref<1x640xf32, #tpu.memory_space<hbm>>
      %dma_start3A_386 = tpu.memref_squeeze %dma_start3A_385 : memref<1x640xf32, #tpu.memory_space<hbm>> -> memref<640xf32, #tpu.memory_space<hbm>>
      %dma_start3A_387 = arith.constant 0 : i32
      %dma_start3A_388 = tpu.memref_slice %arg21[%dma_start3A_378, %dma_start3A_387] : memref<12x640xf32, #tpu.memory_space<vmem>> -> memref<1x640xf32, #tpu.memory_space<vmem>>
      %dma_start3A_389 = tpu.memref_squeeze %dma_start3A_388 : memref<1x640xf32, #tpu.memory_space<vmem>> -> memref<640xf32, #tpu.memory_space<vmem>>
      tpu.enqueue_dma source(%dma_start3A_389 : memref<640xf32, #tpu.memory_space<vmem>>) target(%dma_start3A_386 : memref<640xf32, #tpu.memory_space<hbm>>) target_semaphore(%arg22 : memref<!tpu.dma_semaphore, #tpu.memory_space<semaphore_mem>>)
      %dma_wait3A_390 = arith.constant 0 : i32
      %dma_wait3A_391 = arith.constant 0 : i32
      %dma_wait3A_392 = arith.constant 0 : i32
      %dma_wait3A_393 = tpu.memref_slice %arg21[%dma_wait3A_390, %dma_wait3A_392] : memref<12x640xf32, #tpu.memory_space<vmem>> -> memref<1x640xf32, #tpu.memory_space<vmem>>
      %dma_wait3A_394 = tpu.memref_squeeze %dma_wait3A_393 : memref<1x640xf32, #tpu.memory_space<vmem>> -> memref<640xf32, #tpu.memory_space<vmem>>
      %dma_wait3A_395 = tpu.memref_slice %arg6[%dma_wait3A_391, %min3A_112] : memref<12x100000xf32, #tpu.memory_space<hbm>> -> memref<1x640xf32, #tpu.memory_space<hbm>>
      %dma_wait3A_396 = tpu.memref_squeeze %dma_wait3A_395 : memref<1x640xf32, #tpu.memory_space<hbm>> -> memref<640xf32, #tpu.memory_space<hbm>>
      %dma_wait3A_397 = tpu.memref_slice %arg6[%dma_wait3A_391, %min3A_112] : memref<12x100000xf32, #tpu.memory_space<hbm>> -> memref<1x640xf32, #tpu.memory_space<hbm>>
      %dma_wait3A_398 = tpu.memref_squeeze %dma_wait3A_397 : memref<1x640xf32, #tpu.memory_space<hbm>> -> memref<640xf32, #tpu.memory_space<hbm>>
      %dma_wait3A_399 = arith.constant 0 : i32
      %dma_wait3A_400 = tpu.memref_slice %arg21[%dma_wait3A_390, %dma_wait3A_399] : memref<12x640xf32, #tpu.memory_space<vmem>> -> memref<1x640xf32, #tpu.memory_space<vmem>>
      %dma_wait3A_401 = tpu.memref_squeeze %dma_wait3A_400 : memref<1x640xf32, #tpu.memory_space<vmem>> -> memref<640xf32, #tpu.memory_space<vmem>>
      tpu.wait_dma2 semaphore(%arg22 : memref<!tpu.dma_semaphore, #tpu.memory_space<semaphore_mem>>) src(%dma_wait3A_401 : memref<640xf32, #tpu.memory_space<vmem>>) dst(%dma_wait3A_398 : memref<640xf32, #tpu.memory_space<hbm>>)
      %dma_wait3A_402 = arith.constant 1 : i32
      %dma_wait3A_403 = arith.constant 1 : i32
      %dma_wait3A_404 = arith.constant 0 : i32
      %dma_wait3A_405 = tpu.memref_slice %arg21[%dma_wait3A_402, %dma_wait3A_404] : memref<12x640xf32, #tpu.memory_space<vmem>> -> memref<1x640xf32, #tpu.memory_space<vmem>>
      %dma_wait3A_406 = tpu.memref_squeeze %dma_wait3A_405 : memref<1x640xf32, #tpu.memory_space<vmem>> -> memref<640xf32, #tpu.memory_space<vmem>>
      %dma_wait3A_407 = tpu.memref_slice %arg6[%dma_wait3A_403, %min3A_112] : memref<12x100000xf32, #tpu.memory_space<hbm>> -> memref<1x640xf32, #tpu.memory_space<hbm>>
      %dma_wait3A_408 = tpu.memref_squeeze %dma_wait3A_407 : memref<1x640xf32, #tpu.memory_space<hbm>> -> memref<640xf32, #tpu.memory_space<hbm>>
      %dma_wait3A_409 = tpu.memref_slice %arg6[%dma_wait3A_403, %min3A_112] : memref<12x100000xf32, #tpu.memory_space<hbm>> -> memref<1x640xf32, #tpu.memory_space<hbm>>
      %dma_wait3A_410 = tpu.memref_squeeze %dma_wait3A_409 : memref<1x640xf32, #tpu.memory_space<hbm>> -> memref<640xf32, #tpu.memory_space<hbm>>
      %dma_wait3A_411 = arith.constant 0 : i32
      %dma_wait3A_412 = tpu.memref_slice %arg21[%dma_wait3A_402, %dma_wait3A_411] : memref<12x640xf32, #tpu.memory_space<vmem>> -> memref<1x640xf32, #tpu.memory_space<vmem>>
      %dma_wait3A_413 = tpu.memref_squeeze %dma_wait3A_412 : memref<1x640xf32, #tpu.memory_space<vmem>> -> memref<640xf32, #tpu.memory_space<vmem>>
      tpu.wait_dma2 semaphore(%arg22 : memref<!tpu.dma_semaphore, #tpu.memory_space<semaphore_mem>>) src(%dma_wait3A_413 : memref<640xf32, #tpu.memory_space<vmem>>) dst(%dma_wait3A_410 : memref<640xf32, #tpu.memory_space<hbm>>)
      %dma_wait3A_414 = arith.constant 2 : i32
      %dma_wait3A_415 = arith.constant 2 : i32
      %dma_wait3A_416 = arith.constant 0 : i32
      %dma_wait3A_417 = tpu.memref_slice %arg21[%dma_wait3A_414, %dma_wait3A_416] : memref<12x640xf32, #tpu.memory_space<vmem>> -> memref<1x640xf32, #tpu.memory_space<vmem>>
      %dma_wait3A_418 = tpu.memref_squeeze %dma_wait3A_417 : memref<1x640xf32, #tpu.memory_space<vmem>> -> memref<640xf32, #tpu.memory_space<vmem>>
      %dma_wait3A_419 = tpu.memref_slice %arg6[%dma_wait3A_415, %min3A_112] : memref<12x100000xf32, #tpu.memory_space<hbm>> -> memref<1x640xf32, #tpu.memory_space<hbm>>
      %dma_wait3A_420 = tpu.memref_squeeze %dma_wait3A_419 : memref<1x640xf32, #tpu.memory_space<hbm>> -> memref<640xf32, #tpu.memory_space<hbm>>
      %dma_wait3A_421 = tpu.memref_slice %arg6[%dma_wait3A_415, %min3A_112] : memref<12x100000xf32, #tpu.memory_space<hbm>> -> memref<1x640xf32, #tpu.memory_space<hbm>>
      %dma_wait3A_422 = tpu.memref_squeeze %dma_wait3A_421 : memref<1x640xf32, #tpu.memory_space<hbm>> -> memref<640xf32, #tpu.memory_space<hbm>>
      %dma_wait3A_423 = arith.constant 0 : i32
      %dma_wait3A_424 = tpu.memref_slice %arg21[%dma_wait3A_414, %dma_wait3A_423] : memref<12x640xf32, #tpu.memory_space<vmem>> -> memref<1x640xf32, #tpu.memory_space<vmem>>
      %dma_wait3A_425 = tpu.memref_squeeze %dma_wait3A_424 : memref<1x640xf32, #tpu.memory_space<vmem>> -> memref<640xf32, #tpu.memory_space<vmem>>
      tpu.wait_dma2 semaphore(%arg22 : memref<!tpu.dma_semaphore, #tpu.memory_space<semaphore_mem>>) src(%dma_wait3A_425 : memref<640xf32, #tpu.memory_space<vmem>>) dst(%dma_wait3A_422 : memref<640xf32, #tpu.memory_space<hbm>>)
      %dma_wait3A_426 = arith.constant 3 : i32
      %dma_wait3A_427 = arith.constant 3 : i32
      %dma_wait3A_428 = arith.constant 0 : i32
      %dma_wait3A_429 = tpu.memref_slice %arg21[%dma_wait3A_426, %dma_wait3A_428] : memref<12x640xf32, #tpu.memory_space<vmem>> -> memref<1x640xf32, #tpu.memory_space<vmem>>
      %dma_wait3A_430 = tpu.memref_squeeze %dma_wait3A_429 : memref<1x640xf32, #tpu.memory_space<vmem>> -> memref<640xf32, #tpu.memory_space<vmem>>
      %dma_wait3A_431 = tpu.memref_slice %arg6[%dma_wait3A_427, %min3A_112] : memref<12x100000xf32, #tpu.memory_space<hbm>> -> memref<1x640xf32, #tpu.memory_space<hbm>>
      %dma_wait3A_432 = tpu.memref_squeeze %dma_wait3A_431 : memref<1x640xf32, #tpu.memory_space<hbm>> -> memref<640xf32, #tpu.memory_space<hbm>>
      %dma_wait3A_433 = tpu.memref_slice %arg6[%dma_wait3A_427, %min3A_112] : memref<12x100000xf32, #tpu.memory_space<hbm>> -> memref<1x640xf32, #tpu.memory_space<hbm>>
      %dma_wait3A_434 = tpu.memref_squeeze %dma_wait3A_433 : memref<1x640xf32, #tpu.memory_space<hbm>> -> memref<640xf32, #tpu.memory_space<hbm>>
      %dma_wait3A_435 = arith.constant 0 : i32
      %dma_wait3A_436 = tpu.memref_slice %arg21[%dma_wait3A_426, %dma_wait3A_435] : memref<12x640xf32, #tpu.memory_space<vmem>> -> memref<1x640xf32, #tpu.memory_space<vmem>>
      %dma_wait3A_437 = tpu.memref_squeeze %dma_wait3A_436 : memref<1x640xf32, #tpu.memory_space<vmem>> -> memref<640xf32, #tpu.memory_space<vmem>>
      tpu.wait_dma2 semaphore(%arg22 : memref<!tpu.dma_semaphore, #tpu.memory_space<semaphore_mem>>) src(%dma_wait3A_437 : memref<640xf32, #tpu.memory_space<vmem>>) dst(%dma_wait3A_434 : memref<640xf32, #tpu.memory_space<hbm>>)
      %dma_wait3A_438 = arith.constant 4 : i32
      %dma_wait3A_439 = arith.constant 4 : i32
      %dma_wait3A_440 = arith.constant 0 : i32
      %dma_wait3A_441 = tpu.memref_slice %arg21[%dma_wait3A_438, %dma_wait3A_440] : memref<12x640xf32, #tpu.memory_space<vmem>> -> memref<1x640xf32, #tpu.memory_space<vmem>>
      %dma_wait3A_442 = tpu.memref_squeeze %dma_wait3A_441 : memref<1x640xf32, #tpu.memory_space<vmem>> -> memref<640xf32, #tpu.memory_space<vmem>>
      %dma_wait3A_443 = tpu.memref_slice %arg6[%dma_wait3A_439, %min3A_112] : memref<12x100000xf32, #tpu.memory_space<hbm>> -> memref<1x640xf32, #tpu.memory_space<hbm>>
      %dma_wait3A_444 = tpu.memref_squeeze %dma_wait3A_443 : memref<1x640xf32, #tpu.memory_space<hbm>> -> memref<640xf32, #tpu.memory_space<hbm>>
      %dma_wait3A_445 = tpu.memref_slice %arg6[%dma_wait3A_439, %min3A_112] : memref<12x100000xf32, #tpu.memory_space<hbm>> -> memref<1x640xf32, #tpu.memory_space<hbm>>
      %dma_wait3A_446 = tpu.memref_squeeze %dma_wait3A_445 : memref<1x640xf32, #tpu.memory_space<hbm>> -> memref<640xf32, #tpu.memory_space<hbm>>
      %dma_wait3A_447 = arith.constant 0 : i32
      %dma_wait3A_448 = tpu.memref_slice %arg21[%dma_wait3A_438, %dma_wait3A_447] : memref<12x640xf32, #tpu.memory_space<vmem>> -> memref<1x640xf32, #tpu.memory_space<vmem>>
      %dma_wait3A_449 = tpu.memref_squeeze %dma_wait3A_448 : memref<1x640xf32, #tpu.memory_space<vmem>> -> memref<640xf32, #tpu.memory_space<vmem>>
      tpu.wait_dma2 semaphore(%arg22 : memref<!tpu.dma_semaphore, #tpu.memory_space<semaphore_mem>>) src(%dma_wait3A_449 : memref<640xf32, #tpu.memory_space<vmem>>) dst(%dma_wait3A_446 : memref<640xf32, #tpu.memory_space<hbm>>)
      %dma_wait3A_450 = arith.constant 5 : i32
      %dma_wait3A_451 = arith.constant 5 : i32
      %dma_wait3A_452 = arith.constant 0 : i32
      %dma_wait3A_453 = tpu.memref_slice %arg21[%dma_wait3A_450, %dma_wait3A_452] : memref<12x640xf32, #tpu.memory_space<vmem>> -> memref<1x640xf32, #tpu.memory_space<vmem>>
      %dma_wait3A_454 = tpu.memref_squeeze %dma_wait3A_453 : memref<1x640xf32, #tpu.memory_space<vmem>> -> memref<640xf32, #tpu.memory_space<vmem>>
      %dma_wait3A_455 = tpu.memref_slice %arg6[%dma_wait3A_451, %min3A_112] : memref<12x100000xf32, #tpu.memory_space<hbm>> -> memref<1x640xf32, #tpu.memory_space<hbm>>
      %dma_wait3A_456 = tpu.memref_squeeze %dma_wait3A_455 : memref<1x640xf32, #tpu.memory_space<hbm>> -> memref<640xf32, #tpu.memory_space<hbm>>
      %dma_wait3A_457 = tpu.memref_slice %arg6[%dma_wait3A_451, %min3A_112] : memref<12x100000xf32, #tpu.memory_space<hbm>> -> memref<1x640xf32, #tpu.memory_space<hbm>>
      %dma_wait3A_458 = tpu.memref_squeeze %dma_wait3A_457 : memref<1x640xf32, #tpu.memory_space<hbm>> -> memref<640xf32, #tpu.memory_space<hbm>>
      %dma_wait3A_459 = arith.constant 0 : i32
      %dma_wait3A_460 = tpu.memref_slice %arg21[%dma_wait3A_450, %dma_wait3A_459] : memref<12x640xf32, #tpu.memory_space<vmem>> -> memref<1x640xf32, #tpu.memory_space<vmem>>
      %dma_wait3A_461 = tpu.memref_squeeze %dma_wait3A_460 : memref<1x640xf32, #tpu.memory_space<vmem>> -> memref<640xf32, #tpu.memory_space<vmem>>
      tpu.wait_dma2 semaphore(%arg22 : memref<!tpu.dma_semaphore, #tpu.memory_space<semaphore_mem>>) src(%dma_wait3A_461 : memref<640xf32, #tpu.memory_space<vmem>>) dst(%dma_wait3A_458 : memref<640xf32, #tpu.memory_space<hbm>>)
      %dma_wait3A_462 = arith.constant 6 : i32
      %dma_wait3A_463 = arith.constant 6 : i32
      %dma_wait3A_464 = arith.constant 0 : i32
      %dma_wait3A_465 = tpu.memref_slice %arg21[%dma_wait3A_462, %dma_wait3A_464] : memref<12x640xf32, #tpu.memory_space<vmem>> -> memref<1x640xf32, #tpu.memory_space<vmem>>
      %dma_wait3A_466 = tpu.memref_squeeze %dma_wait3A_465 : memref<1x640xf32, #tpu.memory_space<vmem>> -> memref<640xf32, #tpu.memory_space<vmem>>
      %dma_wait3A_467 = tpu.memref_slice %arg6[%dma_wait3A_463, %min3A_112] : memref<12x100000xf32, #tpu.memory_space<hbm>> -> memref<1x640xf32, #tpu.memory_space<hbm>>
      %dma_wait3A_468 = tpu.memref_squeeze %dma_wait3A_467 : memref<1x640xf32, #tpu.memory_space<hbm>> -> memref<640xf32, #tpu.memory_space<hbm>>
      %dma_wait3A_469 = tpu.memref_slice %arg6[%dma_wait3A_463, %min3A_112] : memref<12x100000xf32, #tpu.memory_space<hbm>> -> memref<1x640xf32, #tpu.memory_space<hbm>>
      %dma_wait3A_470 = tpu.memref_squeeze %dma_wait3A_469 : memref<1x640xf32, #tpu.memory_space<hbm>> -> memref<640xf32, #tpu.memory_space<hbm>>
      %dma_wait3A_471 = arith.constant 0 : i32
      %dma_wait3A_472 = tpu.memref_slice %arg21[%dma_wait3A_462, %dma_wait3A_471] : memref<12x640xf32, #tpu.memory_space<vmem>> -> memref<1x640xf32, #tpu.memory_space<vmem>>
      %dma_wait3A_473 = tpu.memref_squeeze %dma_wait3A_472 : memref<1x640xf32, #tpu.memory_space<vmem>> -> memref<640xf32, #tpu.memory_space<vmem>>
      tpu.wait_dma2 semaphore(%arg22 : memref<!tpu.dma_semaphore, #tpu.memory_space<semaphore_mem>>) src(%dma_wait3A_473 : memref<640xf32, #tpu.memory_space<vmem>>) dst(%dma_wait3A_470 : memref<640xf32, #tpu.memory_space<hbm>>)
      %dma_wait3A_474 = arith.constant 7 : i32
      %dma_wait3A_475 = arith.constant 7 : i32
      %dma_wait3A_476 = arith.constant 0 : i32
      %dma_wait3A_477 = tpu.memref_slice %arg21[%dma_wait3A_474, %dma_wait3A_476] : memref<12x640xf32, #tpu.memory_space<vmem>> -> memref<1x640xf32, #tpu.memory_space<vmem>>
      %dma_wait3A_478 = tpu.memref_squeeze %dma_wait3A_477 : memref<1x640xf32, #tpu.memory_space<vmem>> -> memref<640xf32, #tpu.memory_space<vmem>>
      %dma_wait3A_479 = tpu.memref_slice %arg6[%dma_wait3A_475, %min3A_112] : memref<12x100000xf32, #tpu.memory_space<hbm>> -> memref<1x640xf32, #tpu.memory_space<hbm>>
      %dma_wait3A_480 = tpu.memref_squeeze %dma_wait3A_479 : memref<1x640xf32, #tpu.memory_space<hbm>> -> memref<640xf32, #tpu.memory_space<hbm>>
      %dma_wait3A_481 = tpu.memref_slice %arg6[%dma_wait3A_475, %min3A_112] : memref<12x100000xf32, #tpu.memory_space<hbm>> -> memref<1x640xf32, #tpu.memory_space<hbm>>
      %dma_wait3A_482 = tpu.memref_squeeze %dma_wait3A_481 : memref<1x640xf32, #tpu.memory_space<hbm>> -> memref<640xf32, #tpu.memory_space<hbm>>
      %dma_wait3A_483 = arith.constant 0 : i32
      %dma_wait3A_484 = tpu.memref_slice %arg21[%dma_wait3A_474, %dma_wait3A_483] : memref<12x640xf32, #tpu.memory_space<vmem>> -> memref<1x640xf32, #tpu.memory_space<vmem>>
      %dma_wait3A_485 = tpu.memref_squeeze %dma_wait3A_484 : memref<1x640xf32, #tpu.memory_space<vmem>> -> memref<640xf32, #tpu.memory_space<vmem>>
      tpu.wait_dma2 semaphore(%arg22 : memref<!tpu.dma_semaphore, #tpu.memory_space<semaphore_mem>>) src(%dma_wait3A_485 : memref<640xf32, #tpu.memory_space<vmem>>) dst(%dma_wait3A_482 : memref<640xf32, #tpu.memory_space<hbm>>)
      %dma_wait3A_486 = arith.constant 8 : i32
      %dma_wait3A_487 = arith.constant 8 : i32
      %dma_wait3A_488 = arith.constant 0 : i32
      %dma_wait3A_489 = tpu.memref_slice %arg21[%dma_wait3A_486, %dma_wait3A_488] : memref<12x640xf32, #tpu.memory_space<vmem>> -> memref<1x640xf32, #tpu.memory_space<vmem>>
      %dma_wait3A_490 = tpu.memref_squeeze %dma_wait3A_489 : memref<1x640xf32, #tpu.memory_space<vmem>> -> memref<640xf32, #tpu.memory_space<vmem>>
      %dma_wait3A_491 = tpu.memref_slice %arg6[%dma_wait3A_487, %min3A_112] : memref<12x100000xf32, #tpu.memory_space<hbm>> -> memref<1x640xf32, #tpu.memory_space<hbm>>
      %dma_wait3A_492 = tpu.memref_squeeze %dma_wait3A_491 : memref<1x640xf32, #tpu.memory_space<hbm>> -> memref<640xf32, #tpu.memory_space<hbm>>
      %dma_wait3A_493 = tpu.memref_slice %arg6[%dma_wait3A_487, %min3A_112] : memref<12x100000xf32, #tpu.memory_space<hbm>> -> memref<1x640xf32, #tpu.memory_space<hbm>>
      %dma_wait3A_494 = tpu.memref_squeeze %dma_wait3A_493 : memref<1x640xf32, #tpu.memory_space<hbm>> -> memref<640xf32, #tpu.memory_space<hbm>>
      %dma_wait3A_495 = arith.constant 0 : i32
      %dma_wait3A_496 = tpu.memref_slice %arg21[%dma_wait3A_486, %dma_wait3A_495] : memref<12x640xf32, #tpu.memory_space<vmem>> -> memref<1x640xf32, #tpu.memory_space<vmem>>
      %dma_wait3A_497 = tpu.memref_squeeze %dma_wait3A_496 : memref<1x640xf32, #tpu.memory_space<vmem>> -> memref<640xf32, #tpu.memory_space<vmem>>
      tpu.wait_dma2 semaphore(%arg22 : memref<!tpu.dma_semaphore, #tpu.memory_space<semaphore_mem>>) src(%dma_wait3A_497 : memref<640xf32, #tpu.memory_space<vmem>>) dst(%dma_wait3A_494 : memref<640xf32, #tpu.memory_space<hbm>>)
      %dma_wait3A_498 = arith.constant 9 : i32
      %dma_wait3A_499 = arith.constant 9 : i32
      %dma_wait3A_500 = arith.constant 0 : i32
      %dma_wait3A_501 = tpu.memref_slice %arg21[%dma_wait3A_498, %dma_wait3A_500] : memref<12x640xf32, #tpu.memory_space<vmem>> -> memref<1x640xf32, #tpu.memory_space<vmem>>
      %dma_wait3A_502 = tpu.memref_squeeze %dma_wait3A_501 : memref<1x640xf32, #tpu.memory_space<vmem>> -> memref<640xf32, #tpu.memory_space<vmem>>
      %dma_wait3A_503 = tpu.memref_slice %arg6[%dma_wait3A_499, %min3A_112] : memref<12x100000xf32, #tpu.memory_space<hbm>> -> memref<1x640xf32, #tpu.memory_space<hbm>>
      %dma_wait3A_504 = tpu.memref_squeeze %dma_wait3A_503 : memref<1x640xf32, #tpu.memory_space<hbm>> -> memref<640xf32, #tpu.memory_space<hbm>>
      %dma_wait3A_505 = tpu.memref_slice %arg6[%dma_wait3A_499, %min3A_112] : memref<12x100000xf32, #tpu.memory_space<hbm>> -> memref<1x640xf32, #tpu.memory_space<hbm>>
      %dma_wait3A_506 = tpu.memref_squeeze %dma_wait3A_505 : memref<1x640xf32, #tpu.memory_space<hbm>> -> memref<640xf32, #tpu.memory_space<hbm>>
      %dma_wait3A_507 = arith.constant 0 : i32
      %dma_wait3A_508 = tpu.memref_slice %arg21[%dma_wait3A_498, %dma_wait3A_507] : memref<12x640xf32, #tpu.memory_space<vmem>> -> memref<1x640xf32, #tpu.memory_space<vmem>>
      %dma_wait3A_509 = tpu.memref_squeeze %dma_wait3A_508 : memref<1x640xf32, #tpu.memory_space<vmem>> -> memref<640xf32, #tpu.memory_space<vmem>>
      tpu.wait_dma2 semaphore(%arg22 : memref<!tpu.dma_semaphore, #tpu.memory_space<semaphore_mem>>) src(%dma_wait3A_509 : memref<640xf32, #tpu.memory_space<vmem>>) dst(%dma_wait3A_506 : memref<640xf32, #tpu.memory_space<hbm>>)
      %dma_wait3A_510 = arith.constant 10 : i32
      %dma_wait3A_511 = arith.constant 10 : i32
      %dma_wait3A_512 = arith.constant 0 : i32
      %dma_wait3A_513 = tpu.memref_slice %arg21[%dma_wait3A_510, %dma_wait3A_512] : memref<12x640xf32, #tpu.memory_space<vmem>> -> memref<1x640xf32, #tpu.memory_space<vmem>>
      %dma_wait3A_514 = tpu.memref_squeeze %dma_wait3A_513 : memref<1x640xf32, #tpu.memory_space<vmem>> -> memref<640xf32, #tpu.memory_space<vmem>>
      %dma_wait3A_515 = tpu.memref_slice %arg6[%dma_wait3A_511, %min3A_112] : memref<12x100000xf32, #tpu.memory_space<hbm>> -> memref<1x640xf32, #tpu.memory_space<hbm>>
      %dma_wait3A_516 = tpu.memref_squeeze %dma_wait3A_515 : memref<1x640xf32, #tpu.memory_space<hbm>> -> memref<640xf32, #tpu.memory_space<hbm>>
      %dma_wait3A_517 = tpu.memref_slice %arg6[%dma_wait3A_511, %min3A_112] : memref<12x100000xf32, #tpu.memory_space<hbm>> -> memref<1x640xf32, #tpu.memory_space<hbm>>
      %dma_wait3A_518 = tpu.memref_squeeze %dma_wait3A_517 : memref<1x640xf32, #tpu.memory_space<hbm>> -> memref<640xf32, #tpu.memory_space<hbm>>
      %dma_wait3A_519 = arith.constant 0 : i32
      %dma_wait3A_520 = tpu.memref_slice %arg21[%dma_wait3A_510, %dma_wait3A_519] : memref<12x640xf32, #tpu.memory_space<vmem>> -> memref<1x640xf32, #tpu.memory_space<vmem>>
      %dma_wait3A_521 = tpu.memref_squeeze %dma_wait3A_520 : memref<1x640xf32, #tpu.memory_space<vmem>> -> memref<640xf32, #tpu.memory_space<vmem>>
      tpu.wait_dma2 semaphore(%arg22 : memref<!tpu.dma_semaphore, #tpu.memory_space<semaphore_mem>>) src(%dma_wait3A_521 : memref<640xf32, #tpu.memory_space<vmem>>) dst(%dma_wait3A_518 : memref<640xf32, #tpu.memory_space<hbm>>)
      %dma_wait3A_522 = arith.constant 11 : i32
      %dma_wait3A_523 = arith.constant 11 : i32
      %dma_wait3A_524 = arith.constant 0 : i32
      %dma_wait3A_525 = tpu.memref_slice %arg21[%dma_wait3A_522, %dma_wait3A_524] : memref<12x640xf32, #tpu.memory_space<vmem>> -> memref<1x640xf32, #tpu.memory_space<vmem>>
      %dma_wait3A_526 = tpu.memref_squeeze %dma_wait3A_525 : memref<1x640xf32, #tpu.memory_space<vmem>> -> memref<640xf32, #tpu.memory_space<vmem>>
      %dma_wait3A_527 = tpu.memref_slice %arg6[%dma_wait3A_523, %min3A_112] : memref<12x100000xf32, #tpu.memory_space<hbm>> -> memref<1x640xf32, #tpu.memory_space<hbm>>
      %dma_wait3A_528 = tpu.memref_squeeze %dma_wait3A_527 : memref<1x640xf32, #tpu.memory_space<hbm>> -> memref<640xf32, #tpu.memory_space<hbm>>
      %dma_wait3A_529 = tpu.memref_slice %arg6[%dma_wait3A_523, %min3A_112] : memref<12x100000xf32, #tpu.memory_space<hbm>> -> memref<1x640xf32, #tpu.memory_space<hbm>>
      %dma_wait3A_530 = tpu.memref_squeeze %dma_wait3A_529 : memref<1x640xf32, #tpu.memory_space<hbm>> -> memref<640xf32, #tpu.memory_space<hbm>>
      %dma_wait3A_531 = arith.constant 0 : i32
      %dma_wait3A_532 = tpu.memref_slice %arg21[%dma_wait3A_522, %dma_wait3A_531] : memref<12x640xf32, #tpu.memory_space<vmem>> -> memref<1x640xf32, #tpu.memory_space<vmem>>
      %dma_wait3A_533 = tpu.memref_squeeze %dma_wait3A_532 : memref<1x640xf32, #tpu.memory_space<vmem>> -> memref<640xf32, #tpu.memory_space<vmem>>
      tpu.wait_dma2 semaphore(%arg22 : memref<!tpu.dma_semaphore, #tpu.memory_space<semaphore_mem>>) src(%dma_wait3A_533 : memref<640xf32, #tpu.memory_space<vmem>>) dst(%dma_wait3A_530 : memref<640xf32, #tpu.memory_space<hbm>>)
    }
    return
  }
}

</mosaic_0001>

<sc_bundles>
// kernel: kernel.3.cloned.1.call-start
scs
__scs_entry_jumppad:
0x0: {  	(pc) =	sbr.rel $0x88, $3  }
0x1: {  	(tag) =	ssettag $0x0;
	lr =	simm.s32 $0x1  }
0x2: {  	[smem:$0x3F9D] =	sst lr;
	_ =	strace $0xD0000000  }
0x3: {  	_ = 	snop  }
0x4: {  	_ = 	snop  }
0x5: {  	_ = 	snop  }
0x6: {  	_ = 	snop  }
0x7: {  	_ = 	snop  }
__scs_overlays_trampoline_lowered:
0x8: {  	[smem:$0x3FAC] =	sst s0  }
0x9: {  	[smem:$0x3FAD] =	sst s1  }
0xa: {  	[smem:$0x3FAE] =	sst s2  }
0xb: {  	[smem:$0x3FAF] =	sst s3  }
0xc: {  	[smem:$0x3FB0] =	sst s4  }
0xd: {  	[smem:$0x3FB1] =	sst s5  }
0xe: {  	[smem:$0x3FB2] =	sst s6  }
0xf: {  	[smem:$0x3FB3] =	sst s7  }
0x10: {  	[smem:$0x3FB4] =	sst s8  }
0x11: {  	[smem:$0x3FB5] =	sst s9;
	s0 =	simm.s32 @!p0 $0x0  }
0x12: {  	s1 =	sld [smem:$0x3F9B];
	s0 =	simm.s32 @p0 $0x1  }
0x13: {  	[smem:$0x3FB6] =	sst s0;
	s0 =	simm.s32 @!p1 $0x0  }
0x14: {  	s2 =	sld [smem:$0x3F9A];
	s0 =	simm.s32 @p1 $0x1  }
0x15: {  	[smem:$0x3FB7] =	sst s0;
	s0 =	simm.s32 @!p2 $0x0  }
0x16: {  	s3 =	sld [smem:$0x3FDB];
	s0 =	simm.s32 @p2 $0x1  }
0x17: {  	s4 =	simm.s32 $0x1BF5;
	[smem:$0x3FB9] =	sst s0  }
0x18: {  	s0 =	sld [smem:$0x3F9C];
	_ =	swait.ge [sflag:s4], $0x0  }
0x19: {  	s7 =	sld [smem:$0x3F9D]  }
0x1a: {  	s8 =	sadd.s32 $0xFFFFE003, lr  }
0x1b: {  	s9 =	sadd.s32 $0xFFFFFEF7, lr;
	s5 =	simm.s32 $0xFFFFFFFF;
	p2 =	slt.u32 s8, $0xFFFFF086  }
0x1c: {  	p1 =	slt.u32 s9, $0xF7A;
	s5 =	simm.s32 @!p2 $0x0  }
0x1d: {  	s5 =	simm.s32 @p1 $0x1;
	p0 =	seq.s32 s7, s2  }
0x1e: {  	s7 =	smul.u32 @!p0 $0xF7A, s2;
	p2 =	seq.s32 @!p0 s5, $0x0  }
0x1f: {  	s9 =	smul.u32 $0xF7A, s1;
	s8 =	simm.s32 @!p0 $0x1BF5;
	p2 =	por !p2, p0  }
0x20: {  	[sflag:s8] =	ssyncset.s32 @!p0 $0xFFFFF086;
	s6 =	sadd.s32 @!p0 s3, s7;
	s7 =	simm.s32 @!p0 $0x108  }
0x21: {  	s3 =	sadd.s32 s3, s9;
	s6 =	sadd.s32 @!p0 $0x88, s6;
	s7 =	simm.s32 @p2 $0x1082  }
0x22: {  	[simem:s7], [sflag:s8] =	dma.local @!p0 [hbm:s6], $0xF7A  }
0x23: {  	s9 =	sor.u32 $0xD0000000, s2;
	s6 =	simm.s32 $0x108;
	_ =	swait.ge @!p0 [sflag:s8], $0x0  }
0x24: {  	s3 =	sadd.s32 $0x88, s3;
	s6 =	simm.s32 @!p1 $0x1082;
	[sflag:s4] =	ssyncset.s32 $0xFFFFF086  }
0x25: {  	[simem:s6], [sflag:s4] =	dma.local [hbm:s3], $0xF7A  }
0x26: {  	[smem:$0x3F9D] =	sst s1;
	(tag) =	ssettag s2;
	_ =	strace s9  }
0x27: {  	s1 =	sld [smem:$0x3FAD]  }
0x28: {  	s2 =	sld [smem:$0x3FAE]  }
0x29: {  	s4 =	sld [smem:$0x3FB0]  }
0x2a: {  	p0 =	seq.s32 s5, $0x0;
	s5 =	sld [smem:$0x3FB1]  }
0x2b: {  	s6 =	sld [smem:$0x3FB2]  }
0x2c: {  	s7 =	sld [smem:$0x3FB3]  }
0x2d: {  	s3 =	simm.s32 $0x108;
	s8 =	sld [smem:$0x3FB4]  }
0x2e: {  	s3 =	simm.s32 @!p0 $0x1082;
	s9 =	sld [smem:$0x3FB5]  }
0x2f: {  	lr =	sadd.s32 s0, s3;
	s0 =	sld [smem:$0x3FAC]  }
0x30: {  	s3 =	sld [smem:$0x3FAF]  }
0x31: {  	[smem:$0x3FB8] =	sst s10  }
0x32: {  	s10 =	sld [smem:$0x3FB6];
	_ =	sdelay $0x3  }
0x33: {  	p0 =	seq.s32 s10, $0x1;
	s10 =	sld [smem:$0x3FB8];
	_ =	sdelay $0x3  }
0x34: {  	[smem:$0x3FB8] =	sst s10  }
0x35: {  	s10 =	sld [smem:$0x3FB7];
	_ =	sdelay $0x3  }
0x36: {  	p1 =	seq.s32 s10, $0x1;
	s10 =	sld [smem:$0x3FB8];
	_ =	sdelay $0x3  }
0x37: {  	[smem:$0x3FB8] =	sst s10  }
0x38: {  	s10 =	sld [smem:$0x3FB9]  }
0x39: {  	_ = 	snop;
	(pc) =	sbr.ind lr, $3  }
0x3a: {  	_ = 	snop  }
0x3b: {  	_ = 	snop  }
0x3c: {  	p2 =	seq.s32 s10, $0x1;
	s10 =	sld [smem:$0x3FB8]  }
0x3d: {  	_ =	shalt  }
0x3e: {  	_ =	shalt  }
0x3f: {  	_ =	shalt  }
0x40: {  	_ =	shalt  }
0x41: {  	_ =	shalt  }
0x42: {  	_ =	shalt  }
0x43: {  	_ =	shalt  }
0x44: {  	_ =	shalt  }
0x45: {  	_ =	shalt  }
0x46: {  	_ =	shalt  }
0x47: {  	_ =	shalt  }
0x48: {  	_ =	shalt  }
0x49: {  	_ =	shalt  }
0x4a: {  	_ =	shalt  }
0x4b: {  	_ =	shalt  }
0x4c: {  	_ =	shalt  }
0x4d: {  	_ =	shalt  }
0x4e: {  	_ =	shalt  }
0x4f: {  	_ =	shalt  }
0x50: {  	_ =	shalt  }
0x51: {  	_ =	shalt  }
0x52: {  	_ =	shalt  }
0x53: {  	_ =	shalt  }
0x54: {  	_ =	shalt  }
0x55: {  	_ =	shalt  }
0x56: {  	_ =	shalt  }
0x57: {  	_ =	shalt  }
0x58: {  	_ =	shalt  }
0x59: {  	_ =	shalt  }
0x5a: {  	_ =	shalt  }
0x5b: {  	_ =	shalt  }
0x5c: {  	_ =	shalt  }
0x5d: {  	_ =	shalt  }
0x5e: {  	_ =	shalt  }
0x5f: {  	_ =	shalt  }
0x60: {  	_ =	shalt  }
0x61: {  	_ =	shalt  }
0x62: {  	_ =	shalt  }
0x63: {  	_ =	shalt  }
0x64: {  	_ =	shalt  }
0x65: {  	_ =	shalt  }
0x66: {  	_ =	shalt  }
0x67: {  	_ =	shalt  }
0x68: {  	_ =	shalt  }
0x69: {  	_ =	shalt  }
0x6a: {  	_ =	shalt  }
0x6b: {  	_ =	shalt  }
0x6c: {  	_ =	shalt  }
0x6d: {  	_ =	shalt  }
0x6e: {  	_ =	shalt  }
0x6f: {  	_ =	shalt  }
0x70: {  	_ =	shalt  }
0x71: {  	_ =	shalt  }
0x72: {  	_ =	shalt  }
0x73: {  	_ =	shalt  }
0x74: {  	_ =	shalt  }
0x75: {  	_ =	shalt  }
0x76: {  	_ =	shalt  }
0x77: {  	_ =	shalt  }
0x78: {  	_ =	shalt  }
0x79: {  	_ =	shalt  }
0x7a: {  	_ =	shalt  }
0x7b: {  	_ =	shalt  }
0x7c: {  	_ =	shalt  }
0x7d: {  	_ =	shalt  }
0x7e: {  	_ =	shalt  }
0x7f: {  	_ =	shalt  }
0x80: {  	_ =	shalt  }
0x81: {  	_ =	shalt  }
0x82: {  	_ =	shalt  }
0x83: {  	_ =	shalt  }
0x84: {  	_ =	shalt  }
0x85: {  	_ =	shalt  }
0x86: {  	_ =	shalt  }
0x87: {  	_ =	shalt  }
.Lfunc_end0:
.L_simem_size_0:
called_computation_lowered:
.L_overlay_start_0:
0x88: {  	s2 =	sld [smem:$0x3FD9]  }
0x89: {  	s3 =	sld [smem:$0x3FFE];
	_ =	sdelay $0x1  }
0x8a: {  	s1 =	srdreg.scid  }
0x8b: {  	s0 =	sand.u32 $0x1, s1  }
0x8c: {  	s17 =	sshll.u32 s0, $0xA;
	s2 =	sadd.s32 s3, s2  }
0x8d: {  	s2 =	sadd.s32 s2, s17  }
0x8e: {  	[smem:$0x3FC4] =	sst s2  }
0x8f: {  	_ = 	snop  }
0x90: {  	s2 =	sld [smem:$0x3FC7]  }
0x91: {  	s18 =	sld [smem:$0x3FD0];
	(tm) =	ssettm $0x1  }
0x92: {  	s4 =	sld [smem:$0x3FFB];
	_ =	sdelay $0x3  }
0x93: {  	_ =	strace s4  }
0x94: {  	s4 =	sld [smem:$0x3FFC];
	_ =	sdelay $0x3  }
0x95: {  	_ =	strace s4  }
0x96: {  	s4 =	sld [smem:$0x3FFD];
	_ =	sdelay $0x3  }
0x97: {  	_ =	strace s4  }
0x98: {  	_ =	strace $0x8FFFFFFF  }
0x99: {  	s19 =	sld [smem:$0x3FDB];
	_ =	sdelay $0x1  }
0x9a: {  	s5 =	simm.s32 $_scs_section_size  }
0x9b: {  	s6 =	simm.s32 $_size__tile_overlayer_lowered;
	s7 =	simm.s32 $_tile_overlayer_lowered  }
0x9c: {  	s22 =	simm.s32 $0x1BFF;
	s21 =	sshll.u32 s7, $0x1;
	s4 =	sadd.s32 s5, s19  }
0x9d: {  	s8 =	simm.s32 $0x0;
	s20 =	sshll.u32 s6, $0x1;
	s6 =	sadd.s32 s21, s4  }
0x9e: {  	[timem:s8], [sflag:s22] =	dma.local [hbm:s6], s20  }
0x9f: {  	_ =	swait.ge [sflag:s22], s20  }
0xa0: {  	s5 =	ssub.s32 $0x0, s20;
	[sflag:s22] =	ssyncset.done $0x0  }
0xa1: {  	[sflag:s22] =	ssyncadd.s32 s5;
	_ =	sdelay $0x1  }
0xa2: {  	s23 =	simm.s32 $0x1B8B  }
0xa3: {  	_ =	swait.ge [sflag:s23], $0x1  }
0xa4: {  	[sflag:s23] =	ssyncset.done $0x0  }
0xa5: {  	s25 =	simm.s32 $0x1B8E;
	s24 =	sld [smem:$0x3FFE];
	[sflag:s23] =	ssyncadd.s32 $0xFFFFFFFF  }
0xa6: {  	s26 =	simm.s32 $execute0_lowered;
	[smem:$0x3FD2] =	sst s25  }
0xa7: {  	s6 =	sshll.u32 s26, $0x1;
	_ =	strace $0x80000046;
	[dreg:$0x1] =	wrdreg $0xFFFFFFFF  }
0xa8: {  	s28 =	simm.s32 $_size_execute0_lowered;
	s4 =	sadd.s32 s4, s6;
	[dreg:$0x0] =	wrdreg $0x0  }
0xa9: {  	s6 =	sshll.u32 s28, $0x1;
	[dreg:$0x2] =	wrdreg s4  }
0xaa: {  	[dreg:$0x3] =	wrdreg s6  }
0xab: {  	[dreg:$0x4] =	wrdreg $0xC0  }
0xac: {  	_ =	task [dreg:s8], $0x5FFFF  }
0xad: {  	[dreg:$0x1] =	wrdreg $0xFFFFFFFF  }
0xae: {  	[dreg:$0x0] =	wrdreg $0x60  }
0xaf: {  	[dreg:$0x2] =	wrdreg s18  }
0xb0: {  	[dreg:$0x3] =	wrdreg s24  }
0xb1: {  	[dreg:$0x4] =	wrdreg s2  }
0xb2: {  	[dreg:$0x5] =	wrdreg $0x0  }
0xb3: {  	[dreg:$0x6] =	wrdreg $0xC3500  }
0xb4: {  	[dreg:$0x7] =	wrdreg $0xDBC00  }
0xb5: {  	[dreg:$0x8] =	wrdreg $0xF4300  }
0xb6: {  	[dreg:$0x9] =	wrdreg $0x9  }
0xb7: {  	_ =	task.clear_ibuf [dreg:s8], $0xAFFFF;
	_ =	strace $0x90000046  }
0xb8: {  	s29 =	simm.s32 $0x9;
	_ =	strace $0x80000048  }
0xb9: {  	_ =	swait.ge [sflag:s29], $0x1  }
0xba: {  	[sflag:s29] =	ssyncadd.s32 $0xFFFFFFFF  }
0xbb: {  	_ =	strace $0x90000048  }
0xbc: {  	_ =	sfence  }
0xbd: {  	s30 =	sld [smem:$0x0];
	_ =	sdelay $0x2  }
0xbe: {  	s31 =	sshll.u32 s1, $0xD;
	s1 =	sshrl.u32 s1, $0x2  }
0xbf: {  	s3 =	sand.u32 $0x4000, s31;
	s1 =	sadd.s32 s1, s30  }
0xc0: {  	s0 =	sor.u32 s3, s0;
	s1 =	sshll.u32 s1, $0x11  }
0xc1: {  	s0 =	sor.u32 s1, s0  }
0xc2: {  	s0 =	sadd.s32 $0x8F2B, s0  }
0xc3: {  	[sflag:s0] =	ssyncadd.remote.s32 $0x1  }
0xc4: {  	_ =	sfence.sel $0xFFFF  }
0xc5: {  	[dreg:$0x0] =	wrdreg $0xFFFFFFFF;
	(pc) =	sbr.abs _section_cstart, $3  }
0xc6: {  	[dreg:$0x1] =	wrdreg $0xFFFFFFFF  }
0xc7: {  	_ =	task.clear_ibuf [dreg:s8], $0x2FFFF;
	_ =	strace $0x9FFFFFFF  }
0xc8: {  	(tm) =	ssettm $0x7FFFFFFF  }
0xc9: {  	_ =	shalt  }
tec
execute0_lowered:
.L_overlay_start_1:
0x0: {  	(tag) =	ssettag $0x1  }
0x1: {  	s23 =	rddreg [dreg:$0x0]  }
0x2: {  	s0 =	rddreg [dreg:$0x1]  }
0x3: {  	s3 =	rddreg [dreg:$0x3]  }
0x4: {  	s16 =	rddreg [dreg:$0x4]  }
0x5: {  	s17 =	rddreg [dreg:$0x5]  }
0x6: {  	s18 =	rddreg [dreg:$0x6];
	s7 =	simm.s32 $0x0;
	s1 =	srdreg.scid  }
0x7: {  	s24 =	stileid.u32;
	s28 =	simm.s32 $0x1;
	[smem:$0x7FF] =	sst s7  }
0x8: {  	s2 =	sadd.s32 $0x800, s0;
	s1 =	sand.u32 $0x1, s1;
	s9 =	sadd.s32 $0x9C00, s0  }
0x9: {  	s10 =	sadd.s32 $0x16000, s0;
	s5 =	sshll.u32 s24, $0x1;
	s6 =	ssub.s32 $0x5E, s24  }
0xa: {  	s20 =	smul.u32 $0x830, s24;
	_ =	strace $0x80000047;
	s4 =	ssub.s32 $0x2, s1  }
0xb: {  	s11 =	sor.u32 s5, s1;
	s12 =	sshrl.u32 s6, $0x4;
	s19 =	sshrl.u32 s4, $0x1  }
0xc: {  	s22 =	sshrl.u32 s20, $0x3;
	s5 =	sadd.s32 s20, s18;
	s25 =	sadd.s32 $0x8300, s20  }
0xd: {  	s1 =	smin.u32 s20, $0x7870;
	s0 =	ssub.s32 s4, s19;
	s4 =	sadd.s32 s20, s16  }
0xe: {  	s19 =	sadd.s32 s2, s22;
	s8 =	sadd.s32 s25, s16;
	s14 =	sshrl.u32 s25, $0x3  }
0xf: {  	s15 =	sadd.s32 $0x10600, s1;
	s1 =	sshrl.u32 s1, $0x3;
	s6 =	sadd.s32 s25, s18  }
0x10: {  	s0 =	smax.u32 s0, $0x1;
	s14 =	sadd.s32 s2, s14;
	[dreg:$0x9] =	wrdreg s19  }
0x11: {  	s26 =	sshrl.u32 s15, $0x3;
	s1 =	sadd.s32 s2, s1;
	[dreg:$0x8] =	wrdreg s0  }
0x12: {  	s0 =	sadd.s32 s20, s17;
	[dreg:$0xa] =	wrdreg s14;
	s14 =	sadd.s32 s2, s26  }
0x13: {  	s20 =	sadd.s32 s25, s17;
	s25 =	sadd.s32 $0x5194, s1;
	[dreg:$0xb] =	wrdreg s14  }
0x14: {  	s29 =	simm.s32 $0x12560;
	s1 =	sadd.s32 $0x8268, s1;
	[dreg:$0xc] =	wrdreg s25  }
0x15: {  	s21 =	ssub.s32 $0x9C, s11;
	s26 =	sshrl.u32 s4, $0x3;
	[dreg:$0xd] =	wrdreg s1  }
0x16: {  	s13 =	sshrl.u32 s21, $0x5;
	s4 =	sshrl.u32 s8, $0x3;
	[dreg:$0xe] =	wrdreg s26  }
0x17: {  	s21 =	sadd.s32 s15, s16;
	s8 =	sshrl.u32 s6, $0x3;
	[dreg:$0x11] =	wrdreg s4  }
0x18: {  	s22 =	sadd.s32 s15, s17;
	s17 =	sshrl.u32 s21, $0x3;
	[dreg:$0x13] =	wrdreg s8  }
0x19: {  	s15 =	sadd.s32 s15, s18;
	s18 =	sshrl.u32 s22, $0x3;
	[dreg:$0x14] =	wrdreg s17  }
0x1a: {  	s30 =	simm.s32 $0x2;
	s21 =	sadd.s32 $0x30D4, s19;
	[dreg:$0x15] =	wrdreg s18  }
0x1b: {  	s31 =	simm.s32 $0x14660;
	s22 =	sadd.s32 $0x61A8, s19;
	[dreg:$0x17] =	wrdreg s21  }
0x1c: {  	s16 =	simm.s32 $0x1A060;
	s0 =	sshrl.u32 s0, $0x3;
	[dreg:$0x18] =	wrdreg s22  }
0x1d: {  	s2 =	simm.s32 $0x148E0;
	s1 =	sshrl.u32 s5, $0x3;
	[dreg:$0xf] =	wrdreg s0  }
0x1e: {  	v0 =	vlaneseq.u32;
	s6 =	simm.s32 $0x15060;
	s5 =	sshrl.u32 s20, $0x3;
	[dreg:$0x10] =	wrdreg s1  }
0x1f: {  	v1 =	vmul.u32 $0x10, v0;
	v13 =	vand.u32 $0x7, v0;
	s20 =	sshrl.u32 s15, $0x3;
	s25 =	sadd.s32 $0x4134, s19;
	[dreg:$0x12] =	wrdreg s5  }
0x20: {  	v2 =	vor.u32 $0xFFFFFFF8, v13;
	v3 =	vor.u32 $0xA00, v13;
	v4 =	vor.u32 $0x1400, v13;
	s26 =	sadd.s32 $0x7208, s19;
	s4 =	simm.s32 $0x14B60;
	[dreg:$0x16] =	wrdreg s20  }
0x21: {  	v5 =	vor.u32 $0x280, v13;
	v6 =	vor.u32 $0xC80, v13;
	v7 =	vor.u32 $0x1680, v13;
	s8 =	simm.s32 $0x17860;
	s17 =	simm.s32 $0x1D260;
	[dreg:$0x19] =	wrdreg s25  }
0x22: {  	v8 =	vor.u32 $0x500, v13;
	v9 =	vor.u32 $0xF00, v13;
	v10 =	vor.u32 $0x1900, v13;
	s14 =	simm.s32 $0x1EDE0;
	[dreg:$0x1a] =	wrdreg s26;
	s25 =	simm.s32 $0x10CA0  }
0x23: {  	v11 =	vor.u32 $0x780, v13;
	v12 =	vor.u32 $0x1180, v13;
	v13 =	vor.u32 $0x1B80, v13;
	s0 =	simm.s32 $0x280;
	s5 =	simm.s32 $0x14DE0;
	s1 =	simm.s32 $0x0  }
.LBB2_1:
0x24: {  	[dreg:$0x1b] =	wrdreg s1;
	s15 =	simm.s32 $0x0  }
.LBB2_2:
0x25: {  	s18 =	sshll.u32 s15, $0x4  }
0x26: {  	s18 =	sor.u32 s24, s18  }
0x27: {  	s18 =	smul.u32 $0x210, s18;
	_ =	sdelay $0x1  }
0x28: {  	s18 =	smin.u32 s18, $0xC140  }
0x29: {  	s19 =	sshrl.u32 s18, $0x3  }
0x2a: {  	s21 =	simm.s32 $0x0;
	s20 =	sadd.s32 s23, s19  }
0x2b: {  	[tilespmem:s25], [sflag:$0x1] =	stream.linear.gather [hbm4b:s20+s21], $0x210, $0x38;
	[tilespmem:$0x1F060] =	vst v63  }
0x2c: {  	s22 =	simm.s32 $0x10EB0;
	s19 =	sadd.s32 $0x186A, s20  }
0x2d: {  	[tilespmem:s22], [sflag:$0x1] =	stream.linear.gather [hbm4b:s19+s21], $0x210, $0x38;
	[tilespmem:$0x1F060] =	vst v63  }
0x2e: {  	s1 =	simm.s32 $0x110C0;
	s26 =	sadd.s32 $0x30D4, s20  }
0x2f: {  	[tilespmem:s1], [sflag:$0x1] =	stream.linear.gather [hbm4b:s26+s21], $0x210, $0x38;
	[tilespmem:$0x1F060] =	vst v63  }
0x30: {  	s26 =	sadd.s32 $0x493E, s20;
	s1 =	simm.s32 $0x112D0  }
0x31: {  	[tilespmem:s1], [sflag:$0x1] =	stream.linear.gather [hbm4b:s26+s21], $0x210, $0x38;
	[tilespmem:$0x1F060] =	vst v63  }
0x32: {  	s26 =	sadd.s32 $0x61A8, s20;
	s1 =	simm.s32 $0x114E0  }
0x33: {  	[tilespmem:s1], [sflag:$0x1] =	stream.linear.gather [hbm4b:s26+s21], $0x210, $0x38;
	[tilespmem:$0x1F060] =	vst v63  }
0x34: {  	s26 =	sadd.s32 $0x7A12, s20;
	s1 =	simm.s32 $0x116F0  }
0x35: {  	[tilespmem:s1], [sflag:$0x1] =	stream.linear.gather [hbm4b:s26+s21], $0x210, $0x38;
	[tilespmem:$0x1F060] =	vst v63  }
0x36: {  	s19 =	simm.s32 $0x11900;
	s26 =	sadd.s32 $0x927C, s20  }
0x37: {  	[tilespmem:s19], [sflag:$0x1] =	stream.linear.gather [hbm4b:s26+s21], $0x210, $0x38;
	[tilespmem:$0x1F060] =	vst v63  }
0x38: {  	s1 =	sadd.s32 $0xAAE6, s20;
	s26 =	simm.s32 $0x11B10  }
0x39: {  	[tilespmem:s26], [sflag:$0x1] =	stream.linear.gather [hbm4b:s1+s21], $0x210, $0x38;
	[tilespmem:$0x1F060] =	vst v63  }
0x3a: {  	s26 =	sadd.s32 $0xC350, s20;
	s1 =	simm.s32 $0x11D20  }
0x3b: {  	[tilespmem:s1], [sflag:$0x1] =	stream.linear.gather [hbm4b:s26+s21], $0x210, $0x38;
	[tilespmem:$0x1F060] =	vst v63  }
0x3c: {  	s26 =	sadd.s32 $0xDBBA, s20;
	s1 =	simm.s32 $0x11F30  }
0x3d: {  	[tilespmem:s1], [sflag:$0x1] =	stream.linear.gather [hbm4b:s26+s21], $0x210, $0x38;
	[tilespmem:$0x1F060] =	vst v63  }
0x3e: {  	s26 =	sadd.s32 $0xF424, s20;
	s1 =	simm.s32 $0x12140  }
0x3f: {  	[tilespmem:s1], [sflag:$0x1] =	stream.linear.gather [hbm4b:s26+s21], $0x210, $0x38;
	[tilespmem:$0x1F060] =	vst v63  }
0x40: {  	s20 =	sadd.s32 $0x10C8E, s20;
	s1 =	simm.s32 $0x12350  }
0x41: {  	[tilespmem:s1], [sflag:$0x1] =	stream.linear.gather [hbm4b:s20+s21], $0x210, $0x38;
	[tilespmem:$0x1F060] =	vst v63  }
0x42: {  	_ =	swait.ge [sflag:s28], $0x210  }
0x43: {  	[sflag:s28] =	ssyncset.done $0x0  }
0x44: {  	[sflag:s28] =	ssyncadd.s32 $0xFFFFFDF0  }
0x45: {  	_ =	swait.ge [sflag:s28], $0x210  }
0x46: {  	[sflag:s28] =	ssyncset.done $0x0  }
0x47: {  	[sflag:s28] =	ssyncadd.s32 $0xFFFFFDF0  }
0x48: {  	_ =	swait.ge [sflag:s28], $0x210  }
0x49: {  	[sflag:s28] =	ssyncset.done $0x0  }
0x4a: {  	[sflag:s28] =	ssyncadd.s32 $0xFFFFFDF0  }
0x4b: {  	_ =	swait.ge [sflag:s28], $0x210  }
0x4c: {  	[sflag:s28] =	ssyncset.done $0x0  }
0x4d: {  	[sflag:s28] =	ssyncadd.s32 $0xFFFFFDF0  }
0x4e: {  	_ =	swait.ge [sflag:s28], $0x210  }
0x4f: {  	[sflag:s28] =	ssyncset.done $0x0  }
0x50: {  	[sflag:s28] =	ssyncadd.s32 $0xFFFFFDF0  }
0x51: {  	_ =	swait.ge [sflag:s28], $0x210  }
0x52: {  	[sflag:s28] =	ssyncset.done $0x0  }
0x53: {  	[sflag:s28] =	ssyncadd.s32 $0xFFFFFDF0  }
0x54: {  	_ =	swait.ge [sflag:s28], $0x210  }
0x55: {  	[sflag:s28] =	ssyncset.done $0x0  }
0x56: {  	[sflag:s28] =	ssyncadd.s32 $0xFFFFFDF0  }
0x57: {  	_ =	swait.ge [sflag:s28], $0x210  }
0x58: {  	[sflag:s28] =	ssyncset.done $0x0  }
0x59: {  	[sflag:s28] =	ssyncadd.s32 $0xFFFFFDF0  }
0x5a: {  	_ =	swait.ge [sflag:s28], $0x210  }
0x5b: {  	[sflag:s28] =	ssyncset.done $0x0  }
0x5c: {  	[sflag:s28] =	ssyncadd.s32 $0xFFFFFDF0  }
0x5d: {  	_ =	swait.ge [sflag:s28], $0x210  }
0x5e: {  	[sflag:s28] =	ssyncset.done $0x0  }
0x5f: {  	[sflag:s28] =	ssyncadd.s32 $0xFFFFFDF0  }
0x60: {  	_ =	swait.ge [sflag:s28], $0x210  }
0x61: {  	[sflag:s28] =	ssyncset.done $0x0  }
0x62: {  	[sflag:s28] =	ssyncadd.s32 $0xFFFFFDF0  }
0x63: {  	_ =	swait.ge [sflag:s28], $0x210  }
0x64: {  	v14 =	vmov s21;
	[sflag:s28] =	ssyncset.done $0x0  }
0x65: {  	v14 =	vshll.u32 v14, $0x4;
	[sflag:s28] =	ssyncadd.s32 $0xFFFFFDF0  }
0x66: {  	v16 =	vor.u32 v1, v14;
	v15 =	vld [tilespmem:s19+$0xFFFFF3A0];
	_ =	sdelay $0x4  }
0x67: {  	[tilespmem:v16+s29+$0x0] =	vst.idx.msk $0xffff, v15  }
0x68: {  	v15 =	vor.u32 $0x3, v16;
	v14 =	vld [tilespmem:s19+$0xFFFFF5B0];
	_ =	sdelay $0x4  }
0x69: {  	[tilespmem:v15+s29+$0x0] =	vst.idx.msk $0xffff, v14  }
0x6a: {  	v15 =	vor.u32 $0x6, v16;
	v14 =	vld [tilespmem:s19+$0xFFFFF7C0];
	_ =	sdelay $0x4  }
0x6b: {  	[tilespmem:v15+s29+$0x0] =	vst.idx.msk $0xffff, v14  }
0x6c: {  	v15 =	vor.u32 $0x9, v16;
	v14 =	vld [tilespmem:s19+$0xFFFFF9D0];
	_ =	sdelay $0x4  }
0x6d: {  	[tilespmem:v15+s29+$0x0] =	vst.idx.msk $0xffff, v14  }
0x6e: {  	v15 =	vor.u32 $0x1, v16;
	v14 =	vld [tilespmem:s19+$0xFFFFFBE0];
	_ =	sdelay $0x4  }
0x6f: {  	[tilespmem:v15+s29+$0x0] =	vst.idx.msk $0xffff, v14  }
0x70: {  	v15 =	vor.u32 $0x4, v16;
	v14 =	vld [tilespmem:s19+$0xFFFFFDF0];
	_ =	sdelay $0x4  }
0x71: {  	[tilespmem:v15+s29+$0x0] =	vst.idx.msk $0xffff, v14  }
0x72: {  	v15 =	vor.u32 $0x7, v16;
	v14 =	vld [tilespmem:s19+$0x0];
	_ =	sdelay $0x4  }
0x73: {  	[tilespmem:v15+s29+$0x0] =	vst.idx.msk $0xffff, v14  }
0x74: {  	v15 =	vor.u32 $0xA, v16;
	v14 =	vld [tilespmem:s19+$0x210];
	_ =	sdelay $0x4  }
0x75: {  	[tilespmem:v15+s29+$0x0] =	vst.idx.msk $0xffff, v14  }
0x76: {  	v15 =	vor.u32 $0x2, v16;
	v14 =	vld [tilespmem:s19+$0x420];
	_ =	sdelay $0x4  }
0x77: {  	[tilespmem:v15+s29+$0x0] =	vst.idx.msk $0xffff, v14  }
0x78: {  	v15 =	vor.u32 $0x5, v16;
	v14 =	vld [tilespmem:s19+$0x630];
	_ =	sdelay $0x4  }
0x79: {  	[tilespmem:v15+s29+$0x0] =	vst.idx.msk $0xffff, v14  }
0x7a: {  	v14 =	vor.u32 $0x8, v16;
	v15 =	vld [tilespmem:s19+$0x840];
	_ =	sdelay $0x4  }
0x7b: {  	[tilespmem:v14+s29+$0x0] =	vst.idx.msk $0xffff, v15  }
0x7c: {  	v15 =	vor.u32 $0xB, v16;
	v14 =	vld [tilespmem:s19+$0xA50];
	_ =	sdelay $0x2  }
0x7d: {  	s26 =	simm.s32 $0x10  }
0x7e: {  	s20 =	simm.s32 $0x20;
	v16 =	vmov s26  }
.LBB2_3:
0x7f: {  	p0 =	sne.s32 s20, $0x200;
	v16 =	vshll.u32 v16, $0x4;
	[tilespmem:v15+s29+$0x0] =	vst.idx.msk $0xffff, v14;
	s19 =	sadd.s32 $0x10, s19  }
0x80: {  	v14 =	vld [tilespmem:s19+$0xFFFFF3A0];
	v15 =	vor.u32 v1, v16;
	_ =	sdelay $0x4  }
0x81: {  	[tilespmem:v15+s29+$0x0] =	vst.idx.msk $0xffff, v14  }
0x82: {  	v16 =	vor.u32 $0x3, v15;
	v14 =	vld [tilespmem:s19+$0xFFFFF5B0];
	_ =	sdelay $0x4  }
0x83: {  	[tilespmem:v16+s29+$0x0] =	vst.idx.msk $0xffff, v14  }
0x84: {  	v16 =	vor.u32 $0x6, v15;
	v14 =	vld [tilespmem:s19+$0xFFFFF7C0];
	_ =	sdelay $0x4  }
0x85: {  	[tilespmem:v16+s29+$0x0] =	vst.idx.msk $0xffff, v14  }
0x86: {  	v16 =	vor.u32 $0x9, v15;
	v14 =	vld [tilespmem:s19+$0xFFFFF9D0];
	_ =	sdelay $0x4  }
0x87: {  	[tilespmem:v16+s29+$0x0] =	vst.idx.msk $0xffff, v14  }
0x88: {  	v16 =	vor.u32 $0x1, v15;
	v14 =	vld [tilespmem:s19+$0xFFFFFBE0];
	_ =	sdelay $0x4  }
0x89: {  	[tilespmem:v16+s29+$0x0] =	vst.idx.msk $0xffff, v14  }
0x8a: {  	v16 =	vor.u32 $0x4, v15;
	v14 =	vld [tilespmem:s19+$0xFFFFFDF0];
	_ =	sdelay $0x4  }
0x8b: {  	[tilespmem:v16+s29+$0x0] =	vst.idx.msk $0xffff, v14  }
0x8c: {  	v16 =	vor.u32 $0x7, v15;
	v14 =	vld [tilespmem:s19+$0x0];
	_ =	sdelay $0x4  }
0x8d: {  	[tilespmem:v16+s29+$0x0] =	vst.idx.msk $0xffff, v14  }
0x8e: {  	v16 =	vor.u32 $0xA, v15;
	v14 =	vld [tilespmem:s19+$0x210];
	_ =	sdelay $0x4  }
0x8f: {  	[tilespmem:v16+s29+$0x0] =	vst.idx.msk $0xffff, v14  }
0x90: {  	v16 =	vor.u32 $0x2, v15;
	v14 =	vld [tilespmem:s19+$0x420];
	_ =	sdelay $0x4  }
0x91: {  	[tilespmem:v16+s29+$0x0] =	vst.idx.msk $0xffff, v14  }
0x92: {  	v16 =	vor.u32 $0x5, v15;
	v14 =	vld [tilespmem:s19+$0x630];
	_ =	sdelay $0x4  }
0x93: {  	[tilespmem:v16+s29+$0x0] =	vst.idx.msk $0xffff, v14  }
0x94: {  	v14 =	vor.u32 $0x8, v15;
	v16 =	vld [tilespmem:s19+$0x840];
	_ =	sdelay $0x4  }
0x95: {  	[tilespmem:v14+s29+$0x0] =	vst.idx.msk $0xffff, v16  }
.Ltmp0:
0x96: {  	v15 =	vor.u32 $0xB, v15;
	v14 =	vld [tilespmem:s19+$0xA50];
	(pc) =	sbr.rel @p0 .LBB2_3-.Ltmp0, $2  }
0x97: {  	_ =	sdelay $0x2  }
0x98: {  	v16 =	vmov s20;
	s20 =	sadd.s32 $0x10, s20  }
0x99: {  	_ =	sdelay $0x3  }
0x9a: {  	v16 =	vshll.u32 v16, $0x4;
	[tilespmem:v15+s29+$0x0] =	vst.idx.msk $0xffff, v14;
	s19 =	sadd.s32 $0x10, s19  }
0x9b: {  	v14 =	vld [tilespmem:s19+$0xFFFFF3A0];
	v15 =	vor.u32 v1, v16;
	_ =	sdelay $0x4  }
0x9c: {  	[tilespmem:v15+s29+$0x0] =	vst.idx.msk $0xffff, v14  }
0x9d: {  	v16 =	vor.u32 $0x3, v15;
	v14 =	vld [tilespmem:s19+$0xFFFFF5B0];
	_ =	sdelay $0x4  }
0x9e: {  	[tilespmem:v16+s29+$0x0] =	vst.idx.msk $0xffff, v14  }
0x9f: {  	v56 =	vor.u32 $0x6, v15;
	v14 =	vld [tilespmem:s19+$0xFFFFF7C0];
	_ =	sdelay $0x4  }
0xa0: {  	[tilespmem:v56+s29+$0x0] =	vst.idx.msk $0xffff, v14  }
0xa1: {  	v57 =	vor.u32 $0x9, v15;
	v14 =	vld [tilespmem:s19+$0xFFFFF9D0];
	_ =	sdelay $0x4  }
0xa2: {  	[tilespmem:v57+s29+$0x0] =	vst.idx.msk $0xffff, v14  }
0xa3: {  	v58 =	vor.u32 $0x1, v15;
	v14 =	vld [tilespmem:s19+$0xFFFFFBE0];
	_ =	sdelay $0x4  }
0xa4: {  	[tilespmem:v58+s29+$0x0] =	vst.idx.msk $0xffff, v14  }
0xa5: {  	v59 =	vor.u32 $0x4, v15;
	v14 =	vld [tilespmem:s19+$0xFFFFFDF0];
	_ =	sdelay $0x4  }
0xa6: {  	[tilespmem:v59+s29+$0x0] =	vst.idx.msk $0xffff, v14  }
0xa7: {  	v60 =	vor.u32 $0x7, v15;
	v14 =	vld [tilespmem:s19+$0x0];
	_ =	sdelay $0x4  }
0xa8: {  	[tilespmem:v60+s29+$0x0] =	vst.idx.msk $0xffff, v14  }
0xa9: {  	v61 =	vor.u32 $0xA, v15;
	v14 =	vld [tilespmem:s19+$0x210];
	_ =	sdelay $0x4  }
0xaa: {  	[tilespmem:v61+s29+$0x0] =	vst.idx.msk $0xffff, v14  }
0xab: {  	v62 =	vor.u32 $0x2, v15;
	v14 =	vld [tilespmem:s19+$0x420];
	_ =	sdelay $0x4  }
0xac: {  	[tilespmem:v62+s29+$0x0] =	vst.idx.msk $0xffff, v14  }
0xad: {  	v63 =	vor.u32 $0x5, v15;
	v14 =	vld [tilespmem:s19+$0x630];
	_ =	sdelay $0x4  }
0xae: {  	[tilespmem:v63+s29+$0x0] =	vst.idx.msk $0xffff, v14  }
0xaf: {  	v14 =	vor.u32 $0x8, v15;
	v16 =	vld [tilespmem:s19+$0x840];
	_ =	sdelay $0x4  }
0xb0: {  	[tilespmem:v14+s29+$0x0] =	vst.idx.msk $0xffff, v16  }
0xb1: {  	v15 =	vor.u32 $0xB, v15;
	v14 =	vld [tilespmem:s19+$0xA50];
	_ =	sdelay $0x3  }
0xb2: {  	s18 =	sshll.u32 s18, $0x4;
	p0 =	sne.s32 s15, s12  }
.Ltmp1:
0xb3: {  	s18 =	sadd.s32 s18, s3;
	[tilespmem:v15+s29+$0x0] =	vst.idx.msk $0xffff, v14;
	(pc) =	sbr.rel @p0 .LBB2_2-.Ltmp1, $4  }
0xb4: {  	[spmem:s18] =	stream.linear.scatter [tilespmem:s29], [sflag:$0x2], $0x2100, $0x38;
	[tilespmem:$0x1F060] =	vst v63  }
0xb5: {  	_ =	swait.ge [sflag:s30], $0x2100  }
0xb6: {  	s26 =	sadd.s32 $0x1, s15;
	[sflag:s30] =	ssyncset.done $0x0  }
0xb7: {  	s15 =	smov.u32 s26;
	[sflag:s30] =	ssyncadd.s32 $0xFFFFDF00  }
0xb8: {  	s15 =	sshll.u32 s24, $0x6;
	s18 =	rddreg [dreg:$0x9]  }
0xb9: {  	s19 =	rddreg [dreg:$0xe];
	s15 =	sor.u32 $0x1C01, s15  }
0xba: {  	[spmem:s19], [sflag:s15] =	dma.local [hbm:s18], $0x106  }
0xbb: {  	s18 =	rddreg [dreg:$0xf]  }
0xbc: {  	s19 =	rddreg [dreg:$0x17]  }
0xbd: {  	[spmem:s18], [sflag:s15] =	dma.local [hbm:s19], $0x106  }
0xbe: {  	s18 =	rddreg [dreg:$0x10]  }
0xbf: {  	s19 =	rddreg [dreg:$0x18]  }
0xc0: {  	[spmem:s18], [sflag:s15] =	dma.local [hbm:s19], $0x106  }
0xc1: {  	_ =	swait.ge [sflag:s28], $0x106  }
0xc2: {  	[sflag:s28] =	ssyncset.done $0x0  }
0xc3: {  	[sflag:s28] =	ssyncadd.s32 $0xFFFFFEFA  }
0xc4: {  	_ =	swait.ge [sflag:s28], $0x106  }
0xc5: {  	[sflag:s28] =	ssyncset.done $0x0  }
0xc6: {  	[sflag:s28] =	ssyncadd.s32 $0xFFFFFEFA  }
0xc7: {  	_ =	swait.ge [sflag:s28], $0x106  }
0xc8: {  	[sflag:s28] =	ssyncset.done $0x0;
	s23 =	rddreg [dreg:$0xa]  }
0xc9: {  	s24 =	rddreg [dreg:$0x11];
	[sflag:s28] =	ssyncadd.s32 $0xFFFFFEFA  }
0xca: {  	[spmem:s24], [sflag:s15] =	dma.local [hbm:s23], $0x106  }
0xcb: {  	s18 =	rddreg [dreg:$0x12]  }
0xcc: {  	s19 =	rddreg [dreg:$0x19]  }
0xcd: {  	[spmem:s18], [sflag:s15] =	dma.local [hbm:s19], $0x106  }
0xce: {  	s18 =	rddreg [dreg:$0x13]  }
0xcf: {  	s19 =	rddreg [dreg:$0x1a]  }
0xd0: {  	[spmem:s18], [sflag:s15] =	dma.local [hbm:s19], $0x106  }
0xd1: {  	_ =	swait.ge [sflag:s28], $0x106  }
0xd2: {  	[sflag:s28] =	ssyncset.done $0x0  }
0xd3: {  	[sflag:s28] =	ssyncadd.s32 $0xFFFFFEFA  }
0xd4: {  	_ =	swait.ge [sflag:s28], $0x106  }
0xd5: {  	[sflag:s28] =	ssyncset.done $0x0  }
0xd6: {  	[sflag:s28] =	ssyncadd.s32 $0xFFFFFEFA  }
0xd7: {  	_ =	swait.ge [sflag:s28], $0x106  }
0xd8: {  	[sflag:s28] =	ssyncset.done $0x0;
	s25 =	rddreg [dreg:$0xb]  }
0xd9: {  	s26 =	rddreg [dreg:$0x14];
	[sflag:s28] =	ssyncadd.s32 $0xFFFFFEFA  }
0xda: {  	[spmem:s26], [sflag:s15] =	dma.local [hbm:s25], $0x106  }
0xdb: {  	s18 =	rddreg [dreg:$0xc]  }
0xdc: {  	s19 =	rddreg [dreg:$0x15]  }
0xdd: {  	[spmem:s19], [sflag:s15] =	dma.local [hbm:s18], $0x106  }
0xde: {  	s18 =	rddreg [dreg:$0xd]  }
0xdf: {  	s19 =	rddreg [dreg:$0x16]  }
0xe0: {  	[spmem:s19], [sflag:s15] =	dma.local [hbm:s18], $0x106  }
0xe1: {  	_ =	swait.ge [sflag:s28], $0x106  }
0xe2: {  	[sflag:s28] =	ssyncset.done $0x0  }
0xe3: {  	[sflag:s28] =	ssyncadd.s32 $0xFFFFFEFA  }
0xe4: {  	_ =	swait.ge [sflag:s28], $0x106  }
0xe5: {  	[sflag:s28] =	ssyncset.done $0x0  }
0xe6: {  	[sflag:s28] =	ssyncadd.s32 $0xFFFFFEFA  }
0xe7: {  	_ =	swait.ge [sflag:s28], $0x106  }
0xe8: {  	[sflag:s28] =	ssyncset.done $0x0  }
0xe9: {  	s26 =	simm.s32 $0x1C860;
	[sflag:s28] =	ssyncadd.s32 $0xFFFFFEFA  }
0xea: {  	s15 =	simm.s32 $0x0;
	s18 =	simm.s32 $0x0;
	[bflag:$0x0] =	sbarrier.arrive $0xFFFF  }
.LBB2_6:
0xeb: {  	s19 =	sshll.u32 s18, $0x5  }
0xec: {  	s19 =	sor.u32 s11, s19  }
0xed: {  	s19 =	smul.u32 $0x280, s19;
	_ =	sdelay $0x1  }
0xee: {  	p0 =	slt.s32 s19, $0x18420  }
0xef: {  	s19 =	simm.s32 @!p0 $0x18420  }
0xf0: {  	s21 =	rddreg [dreg:$0x2];
	s20 =	sshrl.u32 s19, $0x3  }
0xf1: {  	s24 =	sadd.s32 $0x186A0, s19;
	s21 =	sadd.s32 s21, s20  }
0xf2: {  	[tilespmem:s31], [sflag:$0x1] =	stream.linear.gather [hbm4b:s21+s15], $0x280, $0x38;
	[tilespmem:$0x1F060] =	vst v63  }
0xf3: {  	s23 =	sadd.s32 s9, s20;
	s21 =	sshrl.u32 s24, $0x3  }
0xf4: {  	[tilespmem:s26], [sflag:$0x1] =	stream.linear.gather [hbm4b:s23+s15], $0x280, $0x38;
	[tilespmem:$0x1F060] =	vst v63  }
0xf5: {  	s25 =	sadd.s32 $0x30D40, s19;
	s22 =	sadd.s32 s9, s21;
	s23 =	simm.s32 $0x1CAE0  }
0xf6: {  	[tilespmem:s23], [sflag:$0x1] =	stream.linear.gather [hbm4b:s22+s15], $0x280, $0x38;
	[tilespmem:$0x1F060] =	vst v63  }
0xf7: {  	s22 =	sshrl.u32 s25, $0x3;
	s25 =	sadd.s32 $0x493E0, s19  }
0xf8: {  	s24 =	simm.s32 $0x1CD60;
	s1 =	sadd.s32 s9, s22;
	s23 =	sshrl.u32 s25, $0x3  }
0xf9: {  	[tilespmem:s24], [sflag:$0x1] =	stream.linear.gather [hbm4b:s1+s15], $0x280, $0x38;
	[tilespmem:$0x1F060] =	vst v63  }
0xfa: {  	s25 =	sadd.s32 s9, s23;
	s1 =	simm.s32 $0x1CFE0  }
0xfb: {  	[tilespmem:s1], [sflag:$0x1] =	stream.linear.gather [hbm4b:s25+s15], $0x280, $0x38;
	[tilespmem:$0x1F060] =	vst v63  }
0xfc: {  	_ =	swait.ge [sflag:s28], $0x280  }
0xfd: {  	[sflag:s28] =	ssyncset.done $0x0  }
0xfe: {  	[sflag:s28] =	ssyncadd.s32 $0xFFFFFD80  }
0xff: {  	_ =	swait.ge [sflag:s28], $0x280  }
0x100: {  	[sflag:s28] =	ssyncset.done $0x0  }
0x101: {  	[sflag:s28] =	ssyncadd.s32 $0xFFFFFD80  }
0x102: {  	_ =	swait.ge [sflag:s28], $0x280  }
0x103: {  	[sflag:s28] =	ssyncset.done $0x0  }
0x104: {  	[sflag:s28] =	ssyncadd.s32 $0xFFFFFD80  }
0x105: {  	_ =	swait.ge [sflag:s28], $0x280  }
0x106: {  	[sflag:s28] =	ssyncset.done $0x0  }
0x107: {  	[sflag:s28] =	ssyncadd.s32 $0xFFFFFD80  }
0x108: {  	_ =	swait.ge [sflag:s28], $0x280  }
0x109: {  	[sflag:s28] =	ssyncset.done $0x0  }
0x10a: {  	[sflag:s28] =	ssyncadd.s32 $0xFFFFFD80  }
0x10b: {  	s1 =	rddreg [dreg:$0x4]  }
0x10c: {  	[tilespmem:s2], [sflag:$0x1] =	stream.indirect.gather [spmem:s1], $0x1, s31, s0, $0xb8;
	[tilespmem:$0x1F060] =	vst v63  }
0x10d: {  	s1 =	rddreg [dreg:$0x5]  }
0x10e: {  	[tilespmem:s4], [sflag:$0x1] =	stream.indirect.gather [spmem:s1], $0x1, s31, s0, $0xb8;
	[tilespmem:$0x1F060] =	vst v63  }
0x10f: {  	s1 =	rddreg [dreg:$0x6]  }
0x110: {  	[tilespmem:s5], [sflag:$0x1] =	stream.indirect.gather [spmem:s1], $0x1, s31, s0, $0xb8;
	[tilespmem:$0x1F060] =	vst v63  }
0x111: {  	_ =	swait.ge [sflag:s28], $0x280  }
0x112: {  	[sflag:s28] =	ssyncset.done $0x0  }
0x113: {  	[sflag:s28] =	ssyncadd.s32 $0xFFFFFD80  }
0x114: {  	_ =	swait.ge [sflag:s28], $0x280  }
0x115: {  	[sflag:s28] =	ssyncset.done $0x0  }
0x116: {  	[sflag:s28] =	ssyncadd.s32 $0xFFFFFD80  }
0x117: {  	_ =	swait.ge [sflag:s28], $0x280  }
0x118: {  	[sflag:s28] =	ssyncset.done $0x0  }
0x119: {  	[sflag:s28] =	ssyncadd.s32 $0xFFFFFD80  }
0x11a: {  	[tilespmem:s6], [sflag:$0x1] =	stream.indirect.gather [spmem:s3], $0x10, s2, s0, $0xb8;
	[tilespmem:$0x1F060] =	vst v63  }
0x11b: {  	_ = 	snop  }
0x11c: {  	[tilespmem:s8], [sflag:$0x1] =	stream.indirect.gather [spmem:s3], $0x10, s4, s0, $0xb8;
	[tilespmem:$0x1F060] =	vst v63  }
0x11d: {  	_ = 	snop  }
0x11e: {  	[tilespmem:s16], [sflag:$0x1] =	stream.indirect.gather [spmem:s3], $0x10, s5, s0, $0xb8;
	[tilespmem:$0x1F060] =	vst v63  }
0x11f: {  	_ =	swait.ge [sflag:s28], $0x2800  }
0x120: {  	[sflag:s28] =	ssyncset.done $0x0  }
0x121: {  	[sflag:s28] =	ssyncadd.s32 $0xFFFFD800  }
0x122: {  	_ =	swait.ge [sflag:s28], $0x2800  }
0x123: {  	[sflag:s28] =	ssyncset.done $0x0  }
0x124: {  	[sflag:s28] =	ssyncadd.s32 $0xFFFFD800  }
0x125: {  	_ =	swait.ge [sflag:s28], $0x2800  }
0x126: {  	[sflag:s28] =	ssyncset.done $0x0  }
0x127: {  	s25 =	simm.s32 $0x0;
	[sflag:s28] =	ssyncadd.s32 $0xFFFFD800  }
.LBB2_7:
0x128: {  	v20 =	vor.u32 s25, v0  }
0x129: {  	v18 =	vshll.u32 v20, $0x4;
	_ =	sdelay $0x1  }
0x12a: {  	v19 =	vld [tilespmem:s24+$0xFFFFFB00]  }
0x12b: {  	v15 =	vld [tilespmem:s24+$0xFFFFFD80];
	v16 =	vor.u32 $0x1, v18  }
0x12c: {  	v14 =	vld [tilespmem:s24+$0x280];
	v17 =	vor.u32 $0x2, v18  }
0x12d: {  	v27 =	vld.idx.msk [tilespmem:v18+s6+$0x0], $0xffff  }
0x12e: {  	v28 =	vld.idx.msk [tilespmem:v18+s8+$0x0], $0xffff  }
0x12f: {  	v29 =	vld.idx.msk [tilespmem:v18+s16+$0x0], $0xffff  }
0x130: {  	v21 =	vld.idx.msk [tilespmem:v16+s6+$0x0], $0xffff  }
0x131: {  	v22 =	vld.idx.msk [tilespmem:v17+s6+$0x0], $0xffff  }
0x132: {  	v23 =	vld.idx.msk [tilespmem:v16+s8+$0x0], $0xffff  }
0x133: {  	v24 =	vld.idx.msk [tilespmem:v17+s8+$0x0], $0xffff  }
0x134: {  	v25 =	vld.idx.msk [tilespmem:v16+s16+$0x0], $0xffff  }
0x135: {  	v26 =	vld.idx.msk [tilespmem:v17+s16+$0x0], $0xffff  }
0x136: {  	v16 =	vld [tilespmem:s24+$0x0]  }
0x137: {  	v17 =	vadd.f32 v14, v19;
	_ =	sdelay $0x1  }
0x138: {  	v35 =	vsub.f32 v29, v27;
	v36 =	vmul.f32 v27, v17;
	v30 =	vsub.f32 v23, v21  }
0x139: {  	v37 =	vmul.f32 v28, v15;
	v31 =	vsub.f32 v24, v22;
	v32 =	vsub.f32 v25, v21  }
0x13a: {  	v33 =	vsub.f32 v26, v22;
	v29 =	vmul.f32 v29, v16;
	v21 =	vmul.f32 v21, v17  }
0x13b: {  	v23 =	vmul.f32 v23, v15;
	v22 =	vmul.f32 v22, v17  }
0x13c: {  	v42 =	vmul.f32 v33, v30;
	v34 =	vmul.f32 v32, v31  }
0x13d: {  	v27 =	vsub.f32 v28, v27;
	v45 =	vmul.f32 v24, v15;
	v46 =	vmul.f32 v25, v16  }
0x13e: {  	v47 =	vmul.f32 v26, v16;
	v44 =	vadd.f32 v37, v36;
	v19 =	vsub.f32 v42, v34  }
0x13f: {  	v43 =	vmul.f32 v35, v31;
	v33 =	vmul.f32 v33, v27  }
0x140: {  	v27 =	vmul.f32 v32, v27;
	v29 =	vadd.f32 v29, v44;
	v19 =	vmul.f32 v19, v14  }
0x141: {  	v30 =	vmul.f32 v35, v30;
	v21 =	vadd.f32 v23, v21;
	v28 =	vsub.f32 v43, v33  }
0x142: {  	v29 =	vadd.f32 v19, v29;
	v19 =	vand.u32 $0x3F8, v20;
	v20 =	vand.u32 v2, v20  }
0x143: {  	v22 =	vadd.f32 v45, v22;
	v27 =	vsub.f32 v27, v30;
	v48 =	vadd.s32 v3, v19  }
0x144: {  	v21 =	vadd.f32 v46, v21;
	v49 =	vmul.f32 v28, v14;
	v50 =	vor.u32 v4, v19  }
0x145: {  	v52 =	vor.u32 $0x4, v18;
	v22 =	vadd.f32 v47, v22;
	v51 =	vmul.f32 v27, v14  }
0x146: {  	v53 =	vor.u32 $0x5, v18;
	v21 =	vadd.f32 v49, v21  }
0x147: {  	v22 =	vadd.f32 v51, v22;
	[tilespmem:v20+s17+$0x0] =	vst.idx.msk $0xffff, v29  }
0x148: {  	[tilespmem:v48+s17+$0x0] =	vst.idx.msk $0xffff, v21  }
0x149: {  	[tilespmem:v50+s17+$0x0] =	vst.idx.msk $0xffff, v22  }
0x14a: {  	v54 =	vor.u32 $0x3, v18;
	v20 =	vld.idx.msk [tilespmem:v52+s6+$0x0], $0xffff  }
0x14b: {  	v22 =	vld.idx.msk [tilespmem:v53+s6+$0x0], $0xffff  }
0x14c: {  	v55 =	vld.idx.msk [tilespmem:v52+s8+$0x0], $0xffff  }
0x14d: {  	v25 =	vld.idx.msk [tilespmem:v53+s8+$0x0], $0xffff  }
0x14e: {  	v26 =	vld.idx.msk [tilespmem:v52+s16+$0x0], $0xffff  }
0x14f: {  	v56 =	vld.idx.msk [tilespmem:v54+s6+$0x0], $0xffff  }
0x150: {  	v57 =	vld.idx.msk [tilespmem:v54+s16+$0x0], $0xffff  }
0x151: {  	v21 =	vld.idx.msk [tilespmem:v54+s8+$0x0], $0xffff  }
0x152: {  	v24 =	vld.idx.msk [tilespmem:v53+s16+$0x0], $0xffff;
	_ =	sdelay $0x1  }
0x153: {  	v51 =	vor.u32 $0x7, v18;
	v58 =	vsub.f32 v55, v20  }
0x154: {  	v59 =	vsub.f32 v25, v22;
	v60 =	vsub.f32 v26, v20;
	v27 =	vmul.f32 v56, v17  }
0x155: {  	v41 =	vsub.f32 v21, v56;
	v21 =	vmul.f32 v21, v15;
	v42 =	vmul.f32 v57, v16  }
0x156: {  	v61 =	vsub.f32 v24, v22;
	v20 =	vmul.f32 v20, v17;
	v23 =	vmul.f32 v55, v15  }
0x157: {  	v62 =	vsub.f32 v57, v56;
	v22 =	vmul.f32 v22, v17;
	v25 =	vmul.f32 v25, v15  }
0x158: {  	v46 =	vadd.s32 v5, v19;
	v45 =	vmul.f32 v26, v16;
	v63 =	vmul.f32 v61, v58  }
0x159: {  	v47 =	vadd.s32 v6, v19;
	v40 =	vmul.f32 v60, v59;
	v30 =	vmul.f32 v62, v59  }
0x15a: {  	v32 =	vmul.f32 v61, v41;
	v21 =	vadd.f32 v21, v27;
	v43 =	vmul.f32 v60, v41  }
0x15b: {  	v29 =	vmul.f32 v62, v58;
	v20 =	vadd.f32 v23, v20;
	v34 =	vsub.f32 v63, v40  }
0x15c: {  	v24 =	vmul.f32 v24, v16;
	v22 =	vadd.f32 v25, v22;
	v30 =	vsub.f32 v30, v32  }
0x15d: {  	v21 =	vadd.f32 v42, v21;
	v28 =	vsub.f32 v43, v29;
	v44 =	vmul.f32 v34, v14  }
0x15e: {  	v49 =	vadd.s32 v7, v19;
	v20 =	vadd.f32 v45, v20;
	v48 =	vmul.f32 v30, v14  }
0x15f: {  	v22 =	vadd.f32 v24, v22;
	v50 =	vmul.f32 v28, v14;
	v21 =	vadd.f32 v44, v21  }
0x160: {  	v52 =	vor.u32 $0x8, v18;
	v20 =	vadd.f32 v48, v20  }
0x161: {  	v22 =	vadd.f32 v50, v22;
	[tilespmem:v46+s17+$0x0] =	vst.idx.msk $0xffff, v21  }
0x162: {  	v53 =	vor.u32 $0x6, v18;
	[tilespmem:v47+s17+$0x0] =	vst.idx.msk $0xffff, v20  }
0x163: {  	[tilespmem:v49+s17+$0x0] =	vst.idx.msk $0xffff, v22  }
0x164: {  	v20 =	vld.idx.msk [tilespmem:v51+s6+$0x0], $0xffff  }
0x165: {  	v22 =	vld.idx.msk [tilespmem:v52+s6+$0x0], $0xffff  }
0x166: {  	v54 =	vld.idx.msk [tilespmem:v51+s8+$0x0], $0xffff  }
0x167: {  	v27 =	vld.idx.msk [tilespmem:v53+s6+$0x0], $0xffff  }
0x168: {  	v55 =	vld.idx.msk [tilespmem:v53+s16+$0x0], $0xffff  }
0x169: {  	v21 =	vld.idx.msk [tilespmem:v53+s8+$0x0], $0xffff  }
0x16a: {  	v26 =	vld.idx.msk [tilespmem:v51+s16+$0x0], $0xffff  }
0x16b: {  	v23 =	vld.idx.msk [tilespmem:v52+s16+$0x0], $0xffff  }
0x16c: {  	v25 =	vld.idx.msk [tilespmem:v52+s8+$0x0], $0xffff  }
0x16d: {  	v41 =	vadd.s32 v9, v19;
	v56 =	vsub.f32 v54, v20  }
0x16e: {  	v60 =	vsub.f32 v55, v27;
	v63 =	vsub.f32 v21, v27;
	v27 =	vmul.f32 v27, v17  }
0x16f: {  	v58 =	vsub.f32 v26, v20;
	v21 =	vmul.f32 v21, v15;
	v35 =	vmul.f32 v55, v16  }
0x170: {  	v59 =	vsub.f32 v23, v22;
	v20 =	vmul.f32 v20, v17;
	v24 =	vmul.f32 v54, v15  }
0x171: {  	v57 =	vsub.f32 v25, v22;
	v22 =	vmul.f32 v22, v17;
	v25 =	vmul.f32 v25, v15  }
0x172: {  	v40 =	vadd.s32 v8, v19;
	v39 =	vmul.f32 v26, v16;
	v61 =	vmul.f32 v59, v56  }
0x173: {  	v43 =	vadd.s32 v10, v19;
	v62 =	vmul.f32 v58, v57;
	v30 =	vmul.f32 v60, v57  }
0x174: {  	v32 =	vmul.f32 v59, v63;
	v21 =	vadd.f32 v21, v27;
	v37 =	vmul.f32 v58, v63  }
0x175: {  	v29 =	vmul.f32 v60, v56;
	v20 =	vadd.f32 v24, v20;
	v34 =	vsub.f32 v61, v62  }
0x176: {  	v23 =	vmul.f32 v23, v16;
	v22 =	vadd.f32 v25, v22;
	v30 =	vsub.f32 v30, v32  }
0x177: {  	v21 =	vadd.f32 v35, v21;
	v28 =	vsub.f32 v37, v29;
	v38 =	vmul.f32 v34, v14  }
0x178: {  	v45 =	vor.u32 $0x9, v18;
	v20 =	vadd.f32 v39, v20;
	v42 =	vmul.f32 v30, v14  }
0x179: {  	v22 =	vadd.f32 v23, v22;
	v44 =	vmul.f32 v28, v14;
	v21 =	vadd.f32 v38, v21  }
0x17a: {  	v46 =	vor.u32 $0xA, v18;
	v20 =	vadd.f32 v42, v20  }
0x17b: {  	v18 =	vor.u32 $0xB, v18;
	v22 =	vadd.f32 v44, v22;
	[tilespmem:v40+s17+$0x0] =	vst.idx.msk $0xffff, v21  }
0x17c: {  	[tilespmem:v41+s17+$0x0] =	vst.idx.msk $0xffff, v20  }
0x17d: {  	[tilespmem:v43+s17+$0x0] =	vst.idx.msk $0xffff, v22  }
0x17e: {  	v20 =	vld.idx.msk [tilespmem:v45+s6+$0x0], $0xffff  }
0x17f: {  	v21 =	vld.idx.msk [tilespmem:v46+s6+$0x0], $0xffff  }
0x180: {  	v22 =	vld.idx.msk [tilespmem:v18+s6+$0x0], $0xffff  }
0x181: {  	v47 =	vld.idx.msk [tilespmem:v45+s8+$0x0], $0xffff  }
0x182: {  	v25 =	vld.idx.msk [tilespmem:v46+s8+$0x0], $0xffff  }
0x183: {  	v26 =	vld.idx.msk [tilespmem:v18+s8+$0x0], $0xffff  }
0x184: {  	v27 =	vld.idx.msk [tilespmem:v45+s16+$0x0], $0xffff  }
0x185: {  	v24 =	vld.idx.msk [tilespmem:v46+s16+$0x0], $0xffff  }
0x186: {  	v18 =	vld.idx.msk [tilespmem:v18+s16+$0x0], $0xffff;
	_ =	sdelay $0x1  }
0x187: {  	v48 =	vsub.f32 v25, v21  }
0x188: {  	v52 =	vsub.f32 v47, v20;
	v53 =	vsub.f32 v27, v20;
	v20 =	vmul.f32 v20, v17  }
0x189: {  	v50 =	vsub.f32 v24, v21;
	v23 =	vmul.f32 v47, v15;
	v56 =	vmul.f32 v27, v16  }
0x18a: {  	v51 =	vsub.f32 v18, v22;
	v21 =	vmul.f32 v21, v17;
	v25 =	vmul.f32 v25, v15  }
0x18b: {  	v49 =	vsub.f32 v26, v22;
	v17 =	vmul.f32 v22, v17;
	v15 =	vmul.f32 v26, v15  }
0x18c: {  	v59 =	vadd.s32 v11, v19;
	v58 =	vmul.f32 v24, v16;
	v54 =	vmul.f32 v51, v48  }
0x18d: {  	v60 =	vadd.s32 v12, v19;
	v55 =	vmul.f32 v50, v49;
	v29 =	vmul.f32 v53, v49  }
0x18e: {  	v31 =	vmul.f32 v51, v52;
	v30 =	vmul.f32 v50, v52;
	v20 =	vadd.f32 v23, v20  }
0x18f: {  	v28 =	vmul.f32 v53, v48;
	v21 =	vadd.f32 v25, v21;
	v34 =	vsub.f32 v54, v55  }
0x190: {  	v16 =	vmul.f32 v18, v16;
	v15 =	vadd.f32 v15, v17;
	v29 =	vsub.f32 v29, v31  }
0x191: {  	v28 =	vsub.f32 v30, v28;
	v20 =	vadd.f32 v56, v20;
	v57 =	vmul.f32 v34, v14  }
0x192: {  	p0 =	sne.s32 s25, $0x270;
	v19 =	vadd.s32 v13, v19;
	v61 =	vadd.f32 v58, v21;
	v62 =	vmul.f32 v29, v14  }
.Ltmp2:
0x193: {  	v15 =	vadd.f32 v16, v15;
	v14 =	vmul.f32 v28, v14;
	v20 =	vadd.f32 v57, v20;
	(pc) =	sbr.rel @p0 .LBB2_7-.Ltmp2, $4  }
0x194: {  	v63 =	vadd.f32 v62, v61  }
0x195: {  	v14 =	vadd.f32 v14, v15;
	[tilespmem:v59+s17+$0x0] =	vst.idx.msk $0xffff, v20  }
0x196: {  	[tilespmem:v60+s17+$0x0] =	vst.idx.msk $0xffff, v63  }
0x197: {  	s25 =	sadd.s32 $0x10, s25;
	s24 =	sadd.s32 $0x10, s24;
	[tilespmem:v19+s17+$0x0] =	vst.idx.msk $0xffff, v14  }
0x198: {  	s20 =	sadd.s32 s10, s20  }
0x199: {  	[hbm4b:s20+s7] =	stream.linear.scatter [tilespmem:s17], [sflag:$0x1], $0x280, $0x38;
	[tilespmem:$0x1F060] =	vst v63  }
0x19a: {  	s21 =	sadd.s32 s10, s21;
	s1 =	simm.s32 $0x1D4E0  }
0x19b: {  	[hbm4b:s21+s7] =	stream.linear.scatter [tilespmem:s1], [sflag:$0x1], $0x280, $0x38;
	[tilespmem:$0x1F060] =	vst v63  }
0x19c: {  	s24 =	sadd.s32 s10, s22;
	s25 =	simm.s32 $0x1D760;
	s22 =	sadd.s32 $0x61A80, s19  }
0x19d: {  	[hbm4b:s24+s7] =	stream.linear.scatter [tilespmem:s25], [sflag:$0x1], $0x280, $0x38;
	[tilespmem:$0x1F060] =	vst v63  }
0x19e: {  	s20 =	sshrl.u32 s22, $0x3;
	s1 =	sadd.s32 s10, s23;
	s21 =	simm.s32 $0x1D9E0  }
0x19f: {  	[hbm4b:s1+s7] =	stream.linear.scatter [tilespmem:s21], [sflag:$0x1], $0x280, $0x38;
	[tilespmem:$0x1F060] =	vst v63  }
0x1a0: {  	s20 =	sadd.s32 s10, s20;
	s23 =	simm.s32 $0x1DC60;
	s24 =	sadd.s32 $0x7A120, s19  }
0x1a1: {  	[hbm4b:s20+s7] =	stream.linear.scatter [tilespmem:s23], [sflag:$0x1], $0x280, $0x38;
	[tilespmem:$0x1F060] =	vst v63  }
0x1a2: {  	s20 =	sshrl.u32 s24, $0x3  }
0x1a3: {  	s25 =	simm.s32 $0x1DEE0;
	s1 =	sadd.s32 $0x927C0, s19;
	s20 =	sadd.s32 s10, s20  }
0x1a4: {  	[hbm4b:s20+s7] =	stream.linear.scatter [tilespmem:s25], [sflag:$0x1], $0x280, $0x38;
	[tilespmem:$0x1F060] =	vst v63  }
0x1a5: {  	s20 =	sshrl.u32 s1, $0x3  }
0x1a6: {  	s22 =	sadd.s32 $0xAAE60, s19;
	s21 =	simm.s32 $0x1E160;
	s20 =	sadd.s32 s10, s20  }
0x1a7: {  	[hbm4b:s20+s7] =	stream.linear.scatter [tilespmem:s21], [sflag:$0x1], $0x280, $0x38;
	[tilespmem:$0x1F060] =	vst v63  }
0x1a8: {  	s20 =	sshrl.u32 s22, $0x3  }
0x1a9: {  	s23 =	simm.s32 $0x1E3E0;
	s24 =	sadd.s32 $0xC3500, s19;
	s20 =	sadd.s32 s10, s20  }
0x1aa: {  	[hbm4b:s20+s7] =	stream.linear.scatter [tilespmem:s23], [sflag:$0x1], $0x280, $0x38;
	[tilespmem:$0x1F060] =	vst v63  }
0x1ab: {  	s20 =	sshrl.u32 s24, $0x3  }
0x1ac: {  	s25 =	simm.s32 $0x1E660;
	s1 =	sadd.s32 $0xDBBA0, s19;
	s20 =	sadd.s32 s10, s20  }
0x1ad: {  	[hbm4b:s20+s7] =	stream.linear.scatter [tilespmem:s25], [sflag:$0x1], $0x280, $0x38;
	[tilespmem:$0x1F060] =	vst v63  }
0x1ae: {  	s20 =	sshrl.u32 s1, $0x3  }
0x1af: {  	s21 =	simm.s32 $0x1E8E0;
	s22 =	sadd.s32 $0xF4240, s19;
	s20 =	sadd.s32 s10, s20  }
0x1b0: {  	[hbm4b:s20+s7] =	stream.linear.scatter [tilespmem:s21], [sflag:$0x1], $0x280, $0x38;
	[tilespmem:$0x1F060] =	vst v63  }
0x1b1: {  	s24 =	sadd.s32 $0x10C8E0, s19;
	s20 =	sshrl.u32 s22, $0x3  }
0x1b2: {  	s23 =	simm.s32 $0x1EB60;
	s19 =	sshrl.u32 s24, $0x3;
	s20 =	sadd.s32 s10, s20  }
0x1b3: {  	[hbm4b:s20+s7] =	stream.linear.scatter [tilespmem:s23], [sflag:$0x1], $0x280, $0x38;
	[tilespmem:$0x1F060] =	vst v63  }
0x1b4: {  	s19 =	sadd.s32 s10, s19  }
0x1b5: {  	[hbm4b:s19+s7] =	stream.linear.scatter [tilespmem:s14], [sflag:$0x1], $0x280, $0x38;
	[tilespmem:$0x1F060] =	vst v63  }
0x1b6: {  	_ =	swait.ge [sflag:s28], $0x280  }
0x1b7: {  	[sflag:s28] =	ssyncset.done $0x0  }
0x1b8: {  	[sflag:s28] =	ssyncadd.s32 $0xFFFFFD80  }
0x1b9: {  	_ =	swait.ge [sflag:s28], $0x280  }
0x1ba: {  	[sflag:s28] =	ssyncset.done $0x0  }
0x1bb: {  	[sflag:s28] =	ssyncadd.s32 $0xFFFFFD80  }
0x1bc: {  	_ =	swait.ge [sflag:s28], $0x280  }
0x1bd: {  	[sflag:s28] =	ssyncset.done $0x0  }
0x1be: {  	[sflag:s28] =	ssyncadd.s32 $0xFFFFFD80  }
0x1bf: {  	_ =	swait.ge [sflag:s28], $0x280  }
0x1c0: {  	[sflag:s28] =	ssyncset.done $0x0  }
0x1c1: {  	[sflag:s28] =	ssyncadd.s32 $0xFFFFFD80  }
0x1c2: {  	_ =	swait.ge [sflag:s28], $0x280  }
0x1c3: {  	[sflag:s28] =	ssyncset.done $0x0  }
0x1c4: {  	[sflag:s28] =	ssyncadd.s32 $0xFFFFFD80  }
0x1c5: {  	_ =	swait.ge [sflag:s28], $0x280  }
0x1c6: {  	[sflag:s28] =	ssyncset.done $0x0  }
0x1c7: {  	[sflag:s28] =	ssyncadd.s32 $0xFFFFFD80  }
0x1c8: {  	_ =	swait.ge [sflag:s28], $0x280  }
0x1c9: {  	[sflag:s28] =	ssyncset.done $0x0  }
0x1ca: {  	[sflag:s28] =	ssyncadd.s32 $0xFFFFFD80  }
0x1cb: {  	_ =	swait.ge [sflag:s28], $0x280  }
0x1cc: {  	[sflag:s28] =	ssyncset.done $0x0  }
0x1cd: {  	[sflag:s28] =	ssyncadd.s32 $0xFFFFFD80  }
0x1ce: {  	_ =	swait.ge [sflag:s28], $0x280  }
0x1cf: {  	[sflag:s28] =	ssyncset.done $0x0  }
0x1d0: {  	[sflag:s28] =	ssyncadd.s32 $0xFFFFFD80  }
0x1d1: {  	_ =	swait.ge [sflag:s28], $0x280  }
0x1d2: {  	[sflag:s28] =	ssyncset.done $0x0  }
0x1d3: {  	[sflag:s28] =	ssyncadd.s32 $0xFFFFFD80  }
0x1d4: {  	p0 =	sne.s32 s18, s13;
	_ =	swait.ge [sflag:s28], $0x280  }
.Ltmp3:
0x1d5: {  	[sflag:s28] =	ssyncset.done $0x0;
	(pc) =	sbr.rel @p0 .LBB2_6-.Ltmp3, $4  }
0x1d6: {  	[sflag:s28] =	ssyncadd.s32 $0xFFFFFD80  }
0x1d7: {  	_ =	swait.ge [sflag:s28], $0x280  }
0x1d8: {  	s25 =	sadd.s32 $0x1, s18;
	[sflag:s28] =	ssyncset.done $0x0  }
0x1d9: {  	s18 =	smov.u32 s25;
	[sflag:s28] =	ssyncadd.s32 $0xFFFFFD80  }
0x1da: {  	s1 =	rddreg [dreg:$0x1b]  }
0x1db: {  	s15 =	rddreg [dreg:$0x8];
	s1 =	sadd.s32 $0x1, s1  }
0x1dc: {  	p0 =	sne.s32 s1, s15  }
.Ltmp4:
0x1dd: {  	_ = 	snop;
	(pc) =	sbr.rel @p0 .LBB2_1-.Ltmp4, $2  }
0x1de: {  	_ =	sdelay $0x2  }
0x1df: {  	s23 =	rddreg [dreg:$0x0];
	s24 =	stileid.u32;
	s25 =	simm.s32 $0x10CA0  }
0x1e0: {  	_ =	sfence.sel $0x180000  }
0x1e1: {  	[bflag:$0x0] =	sbarrier.arrive $0xFFFF  }
0x1e2: {  	_ =	strace $0x90000047  }
0x1e3: {  	[bflag:$0x2] =	sbarrier.arrive $0xFFFF  }
0x1e4: {  	p0 =	sne.s32 s24, $0x0;
	s0 =	rddreg [dreg:$0x7]  }
0x1e5: {  	s0 =	sadd.s32 @!p0 $0x100000, s0  }
0x1e6: {  	[sflag:s0] =	ssyncadd.tile.s32 @!p0 $0x1;
	_ =	shalt  }
.Lfunc_end2:
_tile_overlayer_lowered:
.L_overlay_start_2:
0x1e7: {  	(tag) =	ssettag $0x2  }
0x1e8: {  	s0 =	rddreg [dreg:$0x0];
	s2 =	stileid.u32  }
0x1e9: {  	s1 =	rddreg [dreg:$0x1];
	p0 =	sne.s32 s2, $0x0  }
0x1ea: {  	s3 =	rddreg [dreg:$0x2];
	[bflag:$0x3] =	sbarrier.arrive $0xFFFF;
	s2 =	simm.s32 @!p0 $0x1C02  }
0x1eb: {  	[timem:s3], [sflag:s2] =	dma.local @!p0 [hbm:s0], s1  }
0x1ec: {  	s0 =	simm.s32 @!p0 $0x2  }
0x1ed: {  	_ =	swait.ge @!p0 [sflag:s0], s1  }
0x1ee: {  	s1 =	ssub.s32 @!p0 $0x0, s1;
	[sflag:s0] =	ssyncset.done @!p0 $0x0  }
0x1ef: {  	[sflag:s0] =	ssyncadd.s32 @!p0 s1  }
0x1f0: {  	[bflag:$0x3] =	sbarrier.arrive $0xFFFF  }
0x1f1: {  	_ =	shalt  }

</sc_bundles>
